<compile_context>
chip_gen: v7x
topology: tpu7x:2x2x1
jax: 0.10.2.dev20260603
libtpu: 0.0.44.dev20260713+nightly
codegen_flags: <defaults>
</compile_context>

<pallas_src>
import functools

import jax
import jax.numpy as jnp
from jax import lax
from jax.experimental import pallas as pl
from jax.experimental.pallas import tpu as pltpu
from jax.experimental.pallas import tpu_sc as plsc

N = 10000
E = 320000
D = 128
NCLS = 40

NC = 2
NS = 16
NW = NC * NS
CHUNK = 128
NCHUNK = 80
ACH = 64
ANCH = 160
QW = 40
E_PAD = NW * NCHUNK * CHUNK
N_PAD = 10240
TRASH = N_PAD - N
ROWS_PER_TILE = N_PAD // NS
ZCH = CHUNK

_mesh = plsc.VectorSubcoreMesh(core_axis_name="c", subcore_axis_name="s")


def _fill_rows(ref, nrows, ncols16, val):
    def body(r, _):
        for k in range(ncols16):
            ref[r, pl.ds(k * 16, 16)] = jnp.full((16,), val, jnp.float32)
        return 0
    lax.fori_loop(0, nrows, body, 0)


@functools.partial(
    pl.kernel,
    mesh=_mesh,
    out_type=jax.ShapeDtypeStruct((NC, N_PAD), jnp.float32),
    scratch_types=[
        pltpu.VMEM((NCHUNK, CHUNK), jnp.int32),
        pltpu.VMEM((CHUNK,), jnp.float32),
        pltpu.VMEM_SHARED((N_PAD,), jnp.float32),
    ],
)
def _deg_kernel(dst_hbm, out_hbm, dst_v, ones_v, deg_sh):
    c = lax.axis_index("c")
    s = lax.axis_index("s")
    w = s * NC + c
    base = s * ROWS_PER_TILE

    for k in range(CHUNK // 16):
        ones_v[pl.ds(k * 16, 16)] = jnp.zeros((16,), jnp.float32)
    for k in range(ROWS_PER_TILE // ZCH):
        pltpu.sync_copy(ones_v, deg_sh.at[pl.ds(base + k * ZCH, ZCH)])
    for k in range(CHUNK // 16):
        ones_v[pl.ds(k * 16, 16)] = jnp.ones((16,), jnp.float32)
    plsc.subcore_barrier()

    pltpu.sync_copy(dst_hbm.at[w], dst_v)

    def body(j, _):
        pltpu.sync_copy(ones_v, deg_sh.at[dst_v.at[j]], add=True)
        return 0
    lax.fori_loop(0, NCHUNK, body, 0)

    plsc.subcore_barrier()
    pltpu.sync_copy(deg_sh.at[pl.ds(base, ROWS_PER_TILE)],
                    out_hbm.at[c].at[pl.ds(base, ROWS_PER_TILE)])


@functools.partial(
    pl.kernel,
    mesh=_mesh,
    out_type=jax.ShapeDtypeStruct((NC, N_PAD, D), jnp.float32),
    scratch_types=[
        pltpu.VMEM((QW, ACH), jnp.int32),
        pltpu.VMEM((QW, ACH), jnp.int32),
        pltpu.VMEM((ACH, D), jnp.float32),
        pltpu.VMEM((ACH, D), jnp.float32),
        pltpu.VMEM((ACH, D), jnp.float32),
        pltpu.VMEM((ACH, D), jnp.float32),
        pltpu.VMEM_SHARED((N_PAD, D), jnp.float32),
        pltpu.SemaphoreType.DMA,
        pltpu.SemaphoreType.DMA,
        pltpu.SemaphoreType.DMA,
        pltpu.SemaphoreType.DMA,
    ],
)
def _agg_kernel(hs_hbm, src_hbm, dst_hbm, out_hbm,
                src_v, dst_v, r0, r1, r2, r3, acc_sh, s0, s1, s2, s3):
    c = lax.axis_index("c")
    s = lax.axis_index("s")
    w = s * NC + c
    base = s * ROWS_PER_TILE
    rows = (r0, r1, r2, r3)
    sems = (s0, s1, s2, s3)

    _fill_rows(r0, ACH, D // 16, 0.0)
    for k in range(ROWS_PER_TILE // ACH):
        pltpu.sync_copy(r0, acc_sh.at[pl.ds(base + k * ACH, ACH)])
    plsc.subcore_barrier()

    for h in range(4):
        pltpu.sync_copy(src_hbm.at[w].at[pl.ds(h * QW, QW)], src_v)
        pltpu.sync_copy(dst_hbm.at[w].at[pl.ds(h * QW, QW)], dst_v)
        for b in range(3):
            pltpu.async_copy(hs_hbm.at[src_v.at[b]], rows[b], sems[b])

        def quad(i, _):
            for b in range(4):
                j = 4 * i + b
                nxt = j + 3

                @pl.when(nxt < QW)
                def _():
                    pltpu.async_copy(hs_hbm.at[src_v.at[nxt]],
                                     rows[(b + 3) % 4], sems[(b + 3) % 4])
                pltpu.make_async_copy(hs_hbm.at[src_v.at[j]],
                                      rows[b], sems[b]).wait()
                pltpu.sync_copy(rows[b], acc_sh.at[dst_v.at[j]], add=True)
            return 0
        lax.fori_loop(0, QW // 4, quad, 0)

    plsc.subcore_barrier()
    pltpu.sync_copy(acc_sh.at[pl.ds(base, ROWS_PER_TILE)],
                    out_hbm.at[c].at[pl.ds(base, ROWS_PER_TILE)])


RB = 1000


def _inv_from_deg(deg_ref):
    return lax.rsqrt(jnp.maximum(deg_ref[...], 1.0))


def _proj_body(x_ref, w_ref, b_ref, deg_ref, o_ref):
    h = jnp.dot(x_ref[...], w_ref[...],
                preferred_element_type=jnp.float32) + b_ref[...]
    o_ref[...] = h * _inv_from_deg(deg_ref)


def _mid_body(agg_ref, deg_ref, w_ref, b_ref, o_ref):
    inv = _inv_from_deg(deg_ref)
    agg = (agg_ref[0] + agg_ref[1]) * inv
    h = jnp.maximum(
        jnp.dot(agg, w_ref[...], preferred_element_type=jnp.float32)
        + b_ref[...], 0.0)
    o_ref[...] = h * inv


def _final_body(agg_ref, deg_ref, w_ref, b_ref, w2_ref, b2_ref, o_ref):
    inv = _inv_from_deg(deg_ref)
    agg = (agg_ref[0] + agg_ref[1]) * inv
    h = jnp.maximum(
        jnp.dot(agg, w_ref[...], preferred_element_type=jnp.float32)
        + b_ref[...], 0.0)
    o_ref[...] = jnp.dot(h, w2_ref[...],
                         preferred_element_type=jnp.float32) + b2_ref[...]


_deg_spec = pl.BlockSpec((RB, 1), lambda i: (i, 0))
_row_spec = pl.BlockSpec((RB, D), lambda i: (i, 0))
_agg_spec = pl.BlockSpec((2, RB, D), lambda i: (0, i, 0))
_w_spec = pl.BlockSpec((D, D), lambda i: (0, 0))
_b_spec = pl.BlockSpec((1, D), lambda i: (0, 0))

_proj = pl.pallas_call(
    _proj_body, grid=(N // RB,),
    in_specs=[_row_spec, _w_spec, _b_spec, _deg_spec],
    out_specs=_row_spec,
    out_shape=jax.ShapeDtypeStruct((N, D), jnp.float32),
)

_mid = pl.pallas_call(
    _mid_body, grid=(N // RB,),
    in_specs=[_agg_spec, _deg_spec, _w_spec, _b_spec],
    out_specs=_row_spec,
    out_shape=jax.ShapeDtypeStruct((N, D), jnp.float32),
)

_final = pl.pallas_call(
    _final_body, grid=(N // RB,),
    in_specs=[_agg_spec, _deg_spec, _w_spec, _b_spec,
              pl.BlockSpec((D, NCLS), lambda i: (0, 0)),
              pl.BlockSpec((1, NCLS), lambda i: (0, 0))],
    out_specs=pl.BlockSpec((RB, NCLS), lambda i: (i, 0)),
    out_shape=jax.ShapeDtypeStruct((N, NCLS), jnp.float32),
)


def kernel(features, edge_index, W1, b1, W_l0, b_l0, W_l1, b_l1, W2, b2):
    src = edge_index[0]
    dst = edge_index[1]
    pad_i = jnp.arange(E_PAD - E, dtype=jnp.int32)
    src3 = jnp.concatenate([src, pad_i % TRASH]).reshape(NW, ANCH, ACH)
    dst3 = jnp.concatenate([dst, N + (pad_i % TRASH)]).reshape(
        NW, ANCH, ACH)

    degp = _deg_kernel(dst3.reshape(NW, NCHUNK, CHUNK))
    deg = (degp[0] + degp[1])[:N].reshape(N, 1)
    hs = _proj(features, W1, b1.reshape(1, D), deg)
    aggp = _agg_kernel(hs, src3, dst3)
    hs = _mid(aggp, deg, W_l0, b_l0.reshape(1, D))
    aggp = _agg_kernel(hs, src3, dst3)
    return _final(aggp, deg, W_l1, b_l1.reshape(1, D),
                  W2, b2.reshape(1, NCLS))

# --- scband reference (transcript-rebuilt; emitter-appended) ---
"""Pipeline reference for scband-ham-gnn-27745488732229 (READ-ONLY COPY).

The authoritative reference and input builder live on the scoring server;
editing this copy changes nothing except your own understanding.
"""

import jax, jax.numpy as jnp
import numpy as np

N = 10000
E = 320000
D_IN = 128
D_H = 128
N_CLS = 40


def setup_inputs(seed: int = 0) -> dict:
    key = jax.random.key(seed)
    ks = jax.random.split(key, 12)
    features = jax.random.normal(ks[0], (N, D_IN), dtype=jnp.float32)
    edge_index = jax.random.randint(ks[1], (2, E), 0, N, dtype=jnp.int32)
    s_in = 1.0 / np.sqrt(D_IN)
    s_h = 1.0 / np.sqrt(D_H)
    W1 = jax.random.normal(ks[2], (D_IN, D_H), dtype=jnp.float32) * s_in
    b1 = jnp.zeros((D_H,), dtype=jnp.float32)
    W_l0 = jax.random.normal(ks[3], (D_H, D_H), dtype=jnp.float32) * s_h
    b_l0 = jnp.zeros((D_H,), dtype=jnp.float32)
    W_l1 = jax.random.normal(ks[4], (D_H, D_H), dtype=jnp.float32) * s_h
    b_l1 = jnp.zeros((D_H,), dtype=jnp.float32)
    W2 = jax.random.normal(ks[5], (D_H, N_CLS), dtype=jnp.float32) * s_h
    b2 = jnp.zeros((N_CLS,), dtype=jnp.float32)
    return {"features": features, "edge_index": edge_index, "W1": W1, "b1": b1,
            "W_l0": W_l0, "b_l0": b_l0, "W_l1": W_l1, "b_l1": b_l1,
            "W2": W2, "b2": b2}


def reference(features, edge_index, W1, b1, W_l0, b_l0, W_l1, b_l1, W2, b2):
    # Eval mode: dropout is identity. BatchNorm bn_input is defined but unused in forward.
    src = edge_index[0]
    dst = edge_index[1]
    # Input projection
    h = features @ W1 + b1
    # Symmetric degree normalization (GCN-style message passing layer,
    # standing in for HamGraphConvolution which is not provided)
    deg = jax.ops.segment_sum(jnp.ones((E,), dtype=jnp.float32), dst, num_segments=N)
    deg = jnp.maximum(deg, 1.0)
    inv_sqrt = jax.lax.rsqrt(deg)
    norm = inv_sqrt[src] * inv_sqrt[dst]
    for W_l, b_l in ((W_l0, b_l0), (W_l1, b_l1)):
        msg = h[src] * norm[:, None]
        agg = jax.ops.segment_sum(msg, dst, num_segments=N)
        h = agg @ W_l + b_l
        h = jax.nn.relu(h)  # act = 'relu'
    out = h @ W2 + b2
    return out

if __name__ == "__main__":
    import jax
    _d = setup_inputs()
    print(jax.jit(kernel)(*tuple(_d.values())))

</pallas_src>

<mosaic_0001>
#map = affine_map<(d0, d1) -> (0, 0, 0)>
#map1 = affine_map<(d0, d1) -> (0, 0)>
module attributes {stable_mosaic.version = 14 : i64} {
  func.func @_deg_kernel(%arg0: i32, %arg1: i32, %arg2: memref<32x80x128xi32, #tpu.memory_space<hbm>>, %arg3: memref<2x10240xf32, #tpu.memory_space<hbm>>, %arg4: memref<80x128xi32, #tpu.memory_space<vmem>>, %arg5: memref<128xf32, #tpu.memory_space<vmem>>, %arg6: memref<10240xf32, #tpu.memory_space<vmem_shared>>) attributes {dimension_semantics = [#tpu.dimension_semantics<core_parallel>, #tpu.dimension_semantics<subcore_parallel>], iteration_bounds = array<i64: 2, 16>, scalar_prefetch = 0 : i64, scratch_operands = 3 : i64, tpu.core_type = #tpu.core_type<sc_vector_subcore>, window_params = [{transform_indices = #map}, {transform_indices = #map1}]} {
    %mul3A = arith.constant 2 : i32
    %mul3A_0 = arith.muli %arg1, %mul3A : i32
    %add3A = arith.addi %mul3A_0, %arg0 : i32
    %mul3A_1 = arith.constant 640 : i32
    %mul3A_2 = arith.muli %arg1, %mul3A_1 : i32
    %broadcast_in_dim3A = arith.constant 0.000000e+00 : f32
    %broadcast_in_dim3A_3 = vector.broadcast %broadcast_in_dim3A : f32 to vector<16xf32>
    %swap3A = arith.constant 0 : index
    %swap3A_4 = tpu.vector_load %arg5[%swap3A] {strides = array<i32>} : memref<128xf32, #tpu.memory_space<vmem>>, vector<16xf32>,
    %swap3A_5 = vector.shape_cast %swap3A_4 : vector<16xf32> to vector<16xf32>
    %swap3A_6 = vector.shape_cast %broadcast_in_dim3A_3 : vector<16xf32> to vector<16xf32>
    tpu.vector_store %arg5[%swap3A], %swap3A_6 {strides = array<i32>} : memref<128xf32, #tpu.memory_space<vmem>>, vector<16xf32>,
    %broadcast_in_dim3A_7 = arith.constant 0.000000e+00 : f32
    %broadcast_in_dim3A_8 = vector.broadcast %broadcast_in_dim3A_7 : f32 to vector<16xf32>
    %swap3A_9 = arith.constant 16 : index
    %swap3A_10 = tpu.vector_load %arg5[%swap3A_9] {strides = array<i32>} : memref<128xf32, #tpu.memory_space<vmem>>, vector<16xf32>,
    %swap3A_11 = vector.shape_cast %swap3A_10 : vector<16xf32> to vector<16xf32>
    %swap3A_12 = vector.shape_cast %broadcast_in_dim3A_8 : vector<16xf32> to vector<16xf32>
    tpu.vector_store %arg5[%swap3A_9], %swap3A_12 {strides = array<i32>} : memref<128xf32, #tpu.memory_space<vmem>>, vector<16xf32>,
    %broadcast_in_dim3A_13 = arith.constant 0.000000e+00 : f32
    %broadcast_in_dim3A_14 = vector.broadcast %broadcast_in_dim3A_13 : f32 to vector<16xf32>
    %swap3A_15 = arith.constant 32 : index
    %swap3A_16 = tpu.vector_load %arg5[%swap3A_15] {strides = array<i32>} : memref<128xf32, #tpu.memory_space<vmem>>, vector<16xf32>,
    %swap3A_17 = vector.shape_cast %swap3A_16 : vector<16xf32> to vector<16xf32>
    %swap3A_18 = vector.shape_cast %broadcast_in_dim3A_14 : vector<16xf32> to vector<16xf32>
    tpu.vector_store %arg5[%swap3A_15], %swap3A_18 {strides = array<i32>} : memref<128xf32, #tpu.memory_space<vmem>>, vector<16xf32>,
    %broadcast_in_dim3A_19 = arith.constant 0.000000e+00 : f32
    %broadcast_in_dim3A_20 = vector.broadcast %broadcast_in_dim3A_19 : f32 to vector<16xf32>
    %swap3A_21 = arith.constant 48 : index
    %swap3A_22 = tpu.vector_load %arg5[%swap3A_21] {strides = array<i32>} : memref<128xf32, #tpu.memory_space<vmem>>, vector<16xf32>,
    %swap3A_23 = vector.shape_cast %swap3A_22 : vector<16xf32> to vector<16xf32>
    %swap3A_24 = vector.shape_cast %broadcast_in_dim3A_20 : vector<16xf32> to vector<16xf32>
    tpu.vector_store %arg5[%swap3A_21], %swap3A_24 {strides = array<i32>} : memref<128xf32, #tpu.memory_space<vmem>>, vector<16xf32>,
    %broadcast_in_dim3A_25 = arith.constant 0.000000e+00 : f32
    %broadcast_in_dim3A_26 = vector.broadcast %broadcast_in_dim3A_25 : f32 to vector<16xf32>
    %swap3A_27 = arith.constant 64 : index
    %swap3A_28 = tpu.vector_load %arg5[%swap3A_27] {strides = array<i32>} : memref<128xf32, #tpu.memory_space<vmem>>, vector<16xf32>,
    %swap3A_29 = vector.shape_cast %swap3A_28 : vector<16xf32> to vector<16xf32>
    %swap3A_30 = vector.shape_cast %broadcast_in_dim3A_26 : vector<16xf32> to vector<16xf32>
    tpu.vector_store %arg5[%swap3A_27], %swap3A_30 {strides = array<i32>} : memref<128xf32, #tpu.memory_space<vmem>>, vector<16xf32>,
    %broadcast_in_dim3A_31 = arith.constant 0.000000e+00 : f32
    %broadcast_in_dim3A_32 = vector.broadcast %broadcast_in_dim3A_31 : f32 to vector<16xf32>
    %swap3A_33 = arith.constant 80 : index
    %swap3A_34 = tpu.vector_load %arg5[%swap3A_33] {strides = array<i32>} : memref<128xf32, #tpu.memory_space<vmem>>, vector<16xf32>,
    %swap3A_35 = vector.shape_cast %swap3A_34 : vector<16xf32> to vector<16xf32>
    %swap3A_36 = vector.shape_cast %broadcast_in_dim3A_32 : vector<16xf32> to vector<16xf32>
    tpu.vector_store %arg5[%swap3A_33], %swap3A_36 {strides = array<i32>} : memref<128xf32, #tpu.memory_space<vmem>>, vector<16xf32>,
    %broadcast_in_dim3A_37 = arith.constant 0.000000e+00 : f32
    %broadcast_in_dim3A_38 = vector.broadcast %broadcast_in_dim3A_37 : f32 to vector<16xf32>
    %swap3A_39 = arith.constant 96 : index
    %swap3A_40 = tpu.vector_load %arg5[%swap3A_39] {strides = array<i32>} : memref<128xf32, #tpu.memory_space<vmem>>, vector<16xf32>,
    %swap3A_41 = vector.shape_cast %swap3A_40 : vector<16xf32> to vector<16xf32>
    %swap3A_42 = vector.shape_cast %broadcast_in_dim3A_38 : vector<16xf32> to vector<16xf32>
    tpu.vector_store %arg5[%swap3A_39], %swap3A_42 {strides = array<i32>} : memref<128xf32, #tpu.memory_space<vmem>>, vector<16xf32>,
    %broadcast_in_dim3A_43 = arith.constant 0.000000e+00 : f32
    %broadcast_in_dim3A_44 = vector.broadcast %broadcast_in_dim3A_43 : f32 to vector<16xf32>
    %swap3A_45 = arith.constant 112 : index
    %swap3A_46 = tpu.vector_load %arg5[%swap3A_45] {strides = array<i32>} : memref<128xf32, #tpu.memory_space<vmem>>, vector<16xf32>,
    %swap3A_47 = vector.shape_cast %swap3A_46 : vector<16xf32> to vector<16xf32>
    %swap3A_48 = vector.shape_cast %broadcast_in_dim3A_44 : vector<16xf32> to vector<16xf32>
    tpu.vector_store %arg5[%swap3A_45], %swap3A_48 {strides = array<i32>} : memref<128xf32, #tpu.memory_space<vmem>>, vector<16xf32>,
    %add3A_49 = arith.constant 0 : i32
    %add3A_50 = arith.addi %mul3A_2, %add3A_49 : i32
    "tpu.region"() ({
      %run_scoped3A = tpu.sem_alloc : memref<!tpu.dma_semaphore, #tpu.memory_space<semaphore_mem>>
      %dma_start3A = tpu.memref_slice %arg6[%add3A_50] : memref<10240xf32, #tpu.memory_space<vmem_shared>> -> memref<128xf32, #tpu.memory_space<vmem_shared>>
      %dma_start3A_114 = tpu.memref_slice %arg6[%add3A_50] : memref<10240xf32, #tpu.memory_space<vmem_shared>> -> memref<128xf32, #tpu.memory_space<vmem_shared>>
      tpu.enqueue_dma source(%arg5 : memref<128xf32, #tpu.memory_space<vmem>>) target(%dma_start3A_114 : memref<128xf32, #tpu.memory_space<vmem_shared>>) target_semaphore(%run_scoped3A : memref<!tpu.dma_semaphore, #tpu.memory_space<semaphore_mem>>)
      %dma_wait3A = tpu.memref_slice %arg6[%add3A_50] : memref<10240xf32, #tpu.memory_space<vmem_shared>> -> memref<128xf32, #tpu.memory_space<vmem_shared>>
      %dma_wait3A_115 = tpu.memref_slice %arg6[%add3A_50] : memref<10240xf32, #tpu.memory_space<vmem_shared>> -> memref<128xf32, #tpu.memory_space<vmem_shared>>
      tpu.wait_dma2 semaphore(%run_scoped3A : memref<!tpu.dma_semaphore, #tpu.memory_space<semaphore_mem>>) src(%arg5 : memref<128xf32, #tpu.memory_space<vmem>>) dst(%dma_wait3A_115 : memref<128xf32, #tpu.memory_space<vmem_shared>>)
      tpu.yield
    }) : () -> ()
    %add3A_51 = arith.constant 128 : i32
    %add3A_52 = arith.addi %mul3A_2, %add3A_51 : i32
    "tpu.region"() ({
      %run_scoped3A = tpu.sem_alloc : memref<!tpu.dma_semaphore, #tpu.memory_space<semaphore_mem>>
      %dma_start3A = tpu.memref_slice %arg6[%add3A_52] : memref<10240xf32, #tpu.memory_space<vmem_shared>> -> memref<128xf32, #tpu.memory_space<vmem_shared>>
      %dma_start3A_114 = tpu.memref_slice %arg6[%add3A_52] : memref<10240xf32, #tpu.memory_space<vmem_shared>> -> memref<128xf32, #tpu.memory_space<vmem_shared>>
      tpu.enqueue_dma source(%arg5 : memref<128xf32, #tpu.memory_space<vmem>>) target(%dma_start3A_114 : memref<128xf32, #tpu.memory_space<vmem_shared>>) target_semaphore(%run_scoped3A : memref<!tpu.dma_semaphore, #tpu.memory_space<semaphore_mem>>)
      %dma_wait3A = tpu.memref_slice %arg6[%add3A_52] : memref<10240xf32, #tpu.memory_space<vmem_shared>> -> memref<128xf32, #tpu.memory_space<vmem_shared>>
      %dma_wait3A_115 = tpu.memref_slice %arg6[%add3A_52] : memref<10240xf32, #tpu.memory_space<vmem_shared>> -> memref<128xf32, #tpu.memory_space<vmem_shared>>
      tpu.wait_dma2 semaphore(%run_scoped3A : memref<!tpu.dma_semaphore, #tpu.memory_space<semaphore_mem>>) src(%arg5 : memref<128xf32, #tpu.memory_space<vmem>>) dst(%dma_wait3A_115 : memref<128xf32, #tpu.memory_space<vmem_shared>>)
      tpu.yield
    }) : () -> ()
    %add3A_53 = arith.constant 256 : i32
    %add3A_54 = arith.addi %mul3A_2, %add3A_53 : i32
    "tpu.region"() ({
      %run_scoped3A = tpu.sem_alloc : memref<!tpu.dma_semaphore, #tpu.memory_space<semaphore_mem>>
      %dma_start3A = tpu.memref_slice %arg6[%add3A_54] : memref<10240xf32, #tpu.memory_space<vmem_shared>> -> memref<128xf32, #tpu.memory_space<vmem_shared>>
      %dma_start3A_114 = tpu.memref_slice %arg6[%add3A_54] : memref<10240xf32, #tpu.memory_space<vmem_shared>> -> memref<128xf32, #tpu.memory_space<vmem_shared>>
      tpu.enqueue_dma source(%arg5 : memref<128xf32, #tpu.memory_space<vmem>>) target(%dma_start3A_114 : memref<128xf32, #tpu.memory_space<vmem_shared>>) target_semaphore(%run_scoped3A : memref<!tpu.dma_semaphore, #tpu.memory_space<semaphore_mem>>)
      %dma_wait3A = tpu.memref_slice %arg6[%add3A_54] : memref<10240xf32, #tpu.memory_space<vmem_shared>> -> memref<128xf32, #tpu.memory_space<vmem_shared>>
      %dma_wait3A_115 = tpu.memref_slice %arg6[%add3A_54] : memref<10240xf32, #tpu.memory_space<vmem_shared>> -> memref<128xf32, #tpu.memory_space<vmem_shared>>
      tpu.wait_dma2 semaphore(%run_scoped3A : memref<!tpu.dma_semaphore, #tpu.memory_space<semaphore_mem>>) src(%arg5 : memref<128xf32, #tpu.memory_space<vmem>>) dst(%dma_wait3A_115 : memref<128xf32, #tpu.memory_space<vmem_shared>>)
      tpu.yield
    }) : () -> ()
    %add3A_55 = arith.constant 384 : i32
    %add3A_56 = arith.addi %mul3A_2, %add3A_55 : i32
    "tpu.region"() ({
      %run_scoped3A = tpu.sem_alloc : memref<!tpu.dma_semaphore, #tpu.memory_space<semaphore_mem>>
      %dma_start3A = tpu.memref_slice %arg6[%add3A_56] : memref<10240xf32, #tpu.memory_space<vmem_shared>> -> memref<128xf32, #tpu.memory_space<vmem_shared>>
      %dma_start3A_114 = tpu.memref_slice %arg6[%add3A_56] : memref<10240xf32, #tpu.memory_space<vmem_shared>> -> memref<128xf32, #tpu.memory_space<vmem_shared>>
      tpu.enqueue_dma source(%arg5 : memref<128xf32, #tpu.memory_space<vmem>>) target(%dma_start3A_114 : memref<128xf32, #tpu.memory_space<vmem_shared>>) target_semaphore(%run_scoped3A : memref<!tpu.dma_semaphore, #tpu.memory_space<semaphore_mem>>)
      %dma_wait3A = tpu.memref_slice %arg6[%add3A_56] : memref<10240xf32, #tpu.memory_space<vmem_shared>> -> memref<128xf32, #tpu.memory_space<vmem_shared>>
      %dma_wait3A_115 = tpu.memref_slice %arg6[%add3A_56] : memref<10240xf32, #tpu.memory_space<vmem_shared>> -> memref<128xf32, #tpu.memory_space<vmem_shared>>
      tpu.wait_dma2 semaphore(%run_scoped3A : memref<!tpu.dma_semaphore, #tpu.memory_space<semaphore_mem>>) src(%arg5 : memref<128xf32, #tpu.memory_space<vmem>>) dst(%dma_wait3A_115 : memref<128xf32, #tpu.memory_space<vmem_shared>>)
      tpu.yield
    }) : () -> ()
    %add3A_57 = arith.constant 512 : i32
    %add3A_58 = arith.addi %mul3A_2, %add3A_57 : i32
    "tpu.region"() ({
      %run_scoped3A = tpu.sem_alloc : memref<!tpu.dma_semaphore, #tpu.memory_space<semaphore_mem>>
      %dma_start3A = tpu.memref_slice %arg6[%add3A_58] : memref<10240xf32, #tpu.memory_space<vmem_shared>> -> memref<128xf32, #tpu.memory_space<vmem_shared>>
      %dma_start3A_114 = tpu.memref_slice %arg6[%add3A_58] : memref<10240xf32, #tpu.memory_space<vmem_shared>> -> memref<128xf32, #tpu.memory_space<vmem_shared>>
      tpu.enqueue_dma source(%arg5 : memref<128xf32, #tpu.memory_space<vmem>>) target(%dma_start3A_114 : memref<128xf32, #tpu.memory_space<vmem_shared>>) target_semaphore(%run_scoped3A : memref<!tpu.dma_semaphore, #tpu.memory_space<semaphore_mem>>)
      %dma_wait3A = tpu.memref_slice %arg6[%add3A_58] : memref<10240xf32, #tpu.memory_space<vmem_shared>> -> memref<128xf32, #tpu.memory_space<vmem_shared>>
      %dma_wait3A_115 = tpu.memref_slice %arg6[%add3A_58] : memref<10240xf32, #tpu.memory_space<vmem_shared>> -> memref<128xf32, #tpu.memory_space<vmem_shared>>
      tpu.wait_dma2 semaphore(%run_scoped3A : memref<!tpu.dma_semaphore, #tpu.memory_space<semaphore_mem>>) src(%arg5 : memref<128xf32, #tpu.memory_space<vmem>>) dst(%dma_wait3A_115 : memref<128xf32, #tpu.memory_space<vmem_shared>>)
      tpu.yield
    }) : () -> ()
    %broadcast_in_dim3A_59 = arith.constant 1.000000e+00 : f32
    %broadcast_in_dim3A_60 = vector.broadcast %broadcast_in_dim3A_59 : f32 to vector<16xf32>
    %swap3A_61 = arith.constant 0 : index
    %swap3A_62 = tpu.vector_load %arg5[%swap3A_61] {strides = array<i32>} : memref<128xf32, #tpu.memory_space<vmem>>, vector<16xf32>,
    %swap3A_63 = vector.shape_cast %swap3A_62 : vector<16xf32> to vector<16xf32>
    %swap3A_64 = vector.shape_cast %broadcast_in_dim3A_60 : vector<16xf32> to vector<16xf32>
    tpu.vector_store %arg5[%swap3A_61], %swap3A_64 {strides = array<i32>} : memref<128xf32, #tpu.memory_space<vmem>>, vector<16xf32>,
    %broadcast_in_dim3A_65 = arith.constant 1.000000e+00 : f32
    %broadcast_in_dim3A_66 = vector.broadcast %broadcast_in_dim3A_65 : f32 to vector<16xf32>
    %swap3A_67 = arith.constant 16 : index
    %swap3A_68 = tpu.vector_load %arg5[%swap3A_67] {strides = array<i32>} : memref<128xf32, #tpu.memory_space<vmem>>, vector<16xf32>,
    %swap3A_69 = vector.shape_cast %swap3A_68 : vector<16xf32> to vector<16xf32>
    %swap3A_70 = vector.shape_cast %broadcast_in_dim3A_66 : vector<16xf32> to vector<16xf32>
    tpu.vector_store %arg5[%swap3A_67], %swap3A_70 {strides = array<i32>} : memref<128xf32, #tpu.memory_space<vmem>>, vector<16xf32>,
    %broadcast_in_dim3A_71 = arith.constant 1.000000e+00 : f32
    %broadcast_in_dim3A_72 = vector.broadcast %broadcast_in_dim3A_71 : f32 to vector<16xf32>
    %swap3A_73 = arith.constant 32 : index
    %swap3A_74 = tpu.vector_load %arg5[%swap3A_73] {strides = array<i32>} : memref<128xf32, #tpu.memory_space<vmem>>, vector<16xf32>,
    %swap3A_75 = vector.shape_cast %swap3A_74 : vector<16xf32> to vector<16xf32>
    %swap3A_76 = vector.shape_cast %broadcast_in_dim3A_72 : vector<16xf32> to vector<16xf32>
    tpu.vector_store %arg5[%swap3A_73], %swap3A_76 {strides = array<i32>} : memref<128xf32, #tpu.memory_space<vmem>>, vector<16xf32>,
    %broadcast_in_dim3A_77 = arith.constant 1.000000e+00 : f32
    %broadcast_in_dim3A_78 = vector.broadcast %broadcast_in_dim3A_77 : f32 to vector<16xf32>
    %swap3A_79 = arith.constant 48 : index
    %swap3A_80 = tpu.vector_load %arg5[%swap3A_79] {strides = array<i32>} : memref<128xf32, #tpu.memory_space<vmem>>, vector<16xf32>,
    %swap3A_81 = vector.shape_cast %swap3A_80 : vector<16xf32> to vector<16xf32>
    %swap3A_82 = vector.shape_cast %broadcast_in_dim3A_78 : vector<16xf32> to vector<16xf32>
    tpu.vector_store %arg5[%swap3A_79], %swap3A_82 {strides = array<i32>} : memref<128xf32, #tpu.memory_space<vmem>>, vector<16xf32>,
    %broadcast_in_dim3A_83 = arith.constant 1.000000e+00 : f32
    %broadcast_in_dim3A_84 = vector.broadcast %broadcast_in_dim3A_83 : f32 to vector<16xf32>
    %swap3A_85 = arith.constant 64 : index
    %swap3A_86 = tpu.vector_load %arg5[%swap3A_85] {strides = array<i32>} : memref<128xf32, #tpu.memory_space<vmem>>, vector<16xf32>,
    %swap3A_87 = vector.shape_cast %swap3A_86 : vector<16xf32> to vector<16xf32>
    %swap3A_88 = vector.shape_cast %broadcast_in_dim3A_84 : vector<16xf32> to vector<16xf32>
    tpu.vector_store %arg5[%swap3A_85], %swap3A_88 {strides = array<i32>} : memref<128xf32, #tpu.memory_space<vmem>>, vector<16xf32>,
    %broadcast_in_dim3A_89 = arith.constant 1.000000e+00 : f32
    %broadcast_in_dim3A_90 = vector.broadcast %broadcast_in_dim3A_89 : f32 to vector<16xf32>
    %swap3A_91 = arith.constant 80 : index
    %swap3A_92 = tpu.vector_load %arg5[%swap3A_91] {strides = array<i32>} : memref<128xf32, #tpu.memory_space<vmem>>, vector<16xf32>,
    %swap3A_93 = vector.shape_cast %swap3A_92 : vector<16xf32> to vector<16xf32>
    %swap3A_94 = vector.shape_cast %broadcast_in_dim3A_90 : vector<16xf32> to vector<16xf32>
    tpu.vector_store %arg5[%swap3A_91], %swap3A_94 {strides = array<i32>} : memref<128xf32, #tpu.memory_space<vmem>>, vector<16xf32>,
    %broadcast_in_dim3A_95 = arith.constant 1.000000e+00 : f32
    %broadcast_in_dim3A_96 = vector.broadcast %broadcast_in_dim3A_95 : f32 to vector<16xf32>
    %swap3A_97 = arith.constant 96 : index
    %swap3A_98 = tpu.vector_load %arg5[%swap3A_97] {strides = array<i32>} : memref<128xf32, #tpu.memory_space<vmem>>, vector<16xf32>,
    %swap3A_99 = vector.shape_cast %swap3A_98 : vector<16xf32> to vector<16xf32>
    %swap3A_100 = vector.shape_cast %broadcast_in_dim3A_96 : vector<16xf32> to vector<16xf32>
    tpu.vector_store %arg5[%swap3A_97], %swap3A_100 {strides = array<i32>} : memref<128xf32, #tpu.memory_space<vmem>>, vector<16xf32>,
    %broadcast_in_dim3A_101 = arith.constant 1.000000e+00 : f32
    %broadcast_in_dim3A_102 = vector.broadcast %broadcast_in_dim3A_101 : f32 to vector<16xf32>
    %swap3A_103 = arith.constant 112 : index
    %swap3A_104 = tpu.vector_load %arg5[%swap3A_103] {strides = array<i32>} : memref<128xf32, #tpu.memory_space<vmem>>, vector<16xf32>,
    %swap3A_105 = vector.shape_cast %swap3A_104 : vector<16xf32> to vector<16xf32>
    %swap3A_106 = vector.shape_cast %broadcast_in_dim3A_102 : vector<16xf32> to vector<16xf32>
    tpu.vector_store %arg5[%swap3A_103], %swap3A_106 {strides = array<i32>} : memref<128xf32, #tpu.memory_space<vmem>>, vector<16xf32>,
    %barrier3A = arith.constant 0 : index
    tpu.barrier barrier_id(%barrier3A)
    "tpu.region"() ({
      %run_scoped3A = tpu.sem_alloc : memref<!tpu.dma_semaphore, #tpu.memory_space<semaphore_mem>>
      %dma_start3A = arith.constant 0 : i32
      %dma_start3A_114 = arith.constant 0 : i32
      %dma_start3A_115 = tpu.memref_slice %arg2[%add3A, %dma_start3A, %dma_start3A_114] : memref<32x80x128xi32, #tpu.memory_space<hbm>> -> memref<1x80x128xi32, #tpu.memory_space<hbm>>
      %dma_start3A_116 = tpu.memref_squeeze %dma_start3A_115 : memref<1x80x128xi32, #tpu.memory_space<hbm>> -> memref<80x128xi32, #tpu.memory_space<hbm>>
      %dma_start3A_117 = arith.constant 0 : i32
      %dma_start3A_118 = arith.constant 0 : i32
      %dma_start3A_119 = tpu.memref_slice %arg2[%add3A, %dma_start3A_117, %dma_start3A_118] : memref<32x80x128xi32, #tpu.memory_space<hbm>> -> memref<1x80x128xi32, #tpu.memory_space<hbm>>
      %dma_start3A_120 = tpu.memref_squeeze %dma_start3A_119 : memref<1x80x128xi32, #tpu.memory_space<hbm>> -> memref<80x128xi32, #tpu.memory_space<hbm>>
      tpu.enqueue_dma source(%dma_start3A_120 : memref<80x128xi32, #tpu.memory_space<hbm>>) target(%arg4 : memref<80x128xi32, #tpu.memory_space<vmem>>) target_semaphore(%run_scoped3A : memref<!tpu.dma_semaphore, #tpu.memory_space<semaphore_mem>>)
      %dma_wait3A = arith.constant 0 : i32
      %dma_wait3A_121 = arith.constant 0 : i32
      %dma_wait3A_122 = tpu.memref_slice %arg2[%add3A, %dma_wait3A, %dma_wait3A_121] : memref<32x80x128xi32, #tpu.memory_space<hbm>> -> memref<1x80x128xi32, #tpu.memory_space<hbm>>
      %dma_wait3A_123 = tpu.memref_squeeze %dma_wait3A_122 : memref<1x80x128xi32, #tpu.memory_space<hbm>> -> memref<80x128xi32, #tpu.memory_space<hbm>>
      %dma_wait3A_124 = arith.constant 0 : i32
      %dma_wait3A_125 = arith.constant 0 : i32
      %dma_wait3A_126 = tpu.memref_slice %arg2[%add3A, %dma_wait3A_124, %dma_wait3A_125] : memref<32x80x128xi32, #tpu.memory_space<hbm>> -> memref<1x80x128xi32, #tpu.memory_space<hbm>>
      %dma_wait3A_127 = tpu.memref_squeeze %dma_wait3A_126 : memref<1x80x128xi32, #tpu.memory_space<hbm>> -> memref<80x128xi32, #tpu.memory_space<hbm>>
      tpu.wait_dma2 semaphore(%run_scoped3A : memref<!tpu.dma_semaphore, #tpu.memory_space<semaphore_mem>>) src(%dma_wait3A_127 : memref<80x128xi32, #tpu.memory_space<hbm>>) dst(%arg4 : memref<80x128xi32, #tpu.memory_space<vmem>>)
      tpu.yield
    }) : () -> ()
    %scan3A = arith.constant 0 : i32
    %scan3A_107 = arith.constant 0 : i32
    %scan3A_108 = arith.constant 80 : i32
    %scan3A_109 = arith.addi %scan3A_107, %scan3A_108 : i32
    %scan3A_110 = arith.constant 1 : i32
    %scan3A_111 = scf.for %scan3A_114 = %scan3A_107 to %scan3A_109 step %scan3A_110 iter_args(%scan3A_115 = %scan3A) -> (i32)  : i32 {
      "tpu.region"() ({
        %run_scoped3A = tpu.sem_alloc : memref<!tpu.dma_semaphore, #tpu.memory_space<semaphore_mem>>
        %dma_start3A = arith.constant 0 : i32
        %dma_start3A_117 = tpu.memref_slice %arg4[%scan3A_114, %dma_start3A] : memref<80x128xi32, #tpu.memory_space<vmem>> -> memref<1x128xi32, #tpu.memory_space<vmem>>
        %dma_start3A_118 = tpu.memref_squeeze %dma_start3A_117 : memref<1x128xi32, #tpu.memory_space<vmem>> -> memref<128xi32, #tpu.memory_space<vmem>>
        %dma_start3A_119 = arith.constant 0 : i32
        %dma_start3A_120 = tpu.memref_slice %arg6[%dma_start3A_119] : memref<10240xf32, #tpu.memory_space<vmem_shared>> -> memref<10240xf32, #tpu.memory_space<vmem_shared>>
        tpu.enqueue_indirect_dma source(%arg5 : memref<128xf32, #tpu.memory_space<vmem>>) target(%dma_start3A_120 : memref<10240xf32, #tpu.memory_space<vmem_shared>>) offsets(%dma_start3A_118 : memref<128xi32, #tpu.memory_space<vmem>>) semaphore(%run_scoped3A : memref<!tpu.dma_semaphore, #tpu.memory_space<semaphore_mem>>) {add = true}
        %dma_wait3A = arith.constant 0 : i32
        %dma_wait3A_121 = tpu.memref_slice %arg4[%scan3A_114, %dma_wait3A] : memref<80x128xi32, #tpu.memory_space<vmem>> -> memref<1x128xi32, #tpu.memory_space<vmem>>
        %dma_wait3A_122 = tpu.memref_squeeze %dma_wait3A_121 : memref<1x128xi32, #tpu.memory_space<vmem>> -> memref<128xi32, #tpu.memory_space<vmem>>
        %dma_wait3A_123 = arith.constant 0 : i32
        %dma_wait3A_124 = tpu.memref_slice %arg6[%dma_wait3A_123] : memref<10240xf32, #tpu.memory_space<vmem_shared>> -> memref<10240xf32, #tpu.memory_space<vmem_shared>>
        tpu.wait_indirect_dma semaphore(%run_scoped3A : memref<!tpu.dma_semaphore, #tpu.memory_space<semaphore_mem>>) src(%arg5 : memref<128xf32, #tpu.memory_space<vmem>>) dst(%dma_wait3A_124 : memref<10240xf32, #tpu.memory_space<vmem_shared>>)
        tpu.yield
      }) : () -> ()
      %scan3A_116 = arith.constant 0 : i32
      scf.yield %scan3A_116 : i32
    }
    %scan3A_112 = arith.constant 80 : i32
    %barrier3A_113 = arith.constant 0 : index
    tpu.barrier barrier_id(%barrier3A_113)
    "tpu.region"() ({
      %run_scoped3A = tpu.sem_alloc : memref<!tpu.dma_semaphore, #tpu.memory_space<semaphore_mem>>
      %dma_start3A = arith.constant 0 : i32
      %dma_start3A_114 = tpu.memref_slice %arg3[%arg0, %dma_start3A] : memref<2x10240xf32, #tpu.memory_space<hbm>> -> memref<1x10240xf32, #tpu.memory_space<hbm>>
      %dma_start3A_115 = tpu.memref_squeeze %dma_start3A_114 : memref<1x10240xf32, #tpu.memory_space<hbm>> -> memref<10240xf32, #tpu.memory_space<hbm>>
      %dma_start3A_116 = tpu.memref_slice %dma_start3A_115[%mul3A_2] : memref<10240xf32, #tpu.memory_space<hbm>> -> memref<640xf32, #tpu.memory_space<hbm>>
      %dma_start3A_117 = tpu.memref_slice %arg6[%mul3A_2] : memref<10240xf32, #tpu.memory_space<vmem_shared>> -> memref<640xf32, #tpu.memory_space<vmem_shared>>
      tpu.enqueue_dma source(%dma_start3A_117 : memref<640xf32, #tpu.memory_space<vmem_shared>>) target(%dma_start3A_116 : memref<640xf32, #tpu.memory_space<hbm>>) target_semaphore(%run_scoped3A : memref<!tpu.dma_semaphore, #tpu.memory_space<semaphore_mem>>)
      %dma_wait3A = arith.constant 0 : i32
      %dma_wait3A_118 = tpu.memref_slice %arg3[%arg0, %dma_wait3A] : memref<2x10240xf32, #tpu.memory_space<hbm>> -> memref<1x10240xf32, #tpu.memory_space<hbm>>
      %dma_wait3A_119 = tpu.memref_squeeze %dma_wait3A_118 : memref<1x10240xf32, #tpu.memory_space<hbm>> -> memref<10240xf32, #tpu.memory_space<hbm>>
      %dma_wait3A_120 = tpu.memref_slice %dma_wait3A_119[%mul3A_2] : memref<10240xf32, #tpu.memory_space<hbm>> -> memref<640xf32, #tpu.memory_space<hbm>>
      %dma_wait3A_121 = tpu.memref_slice %arg6[%mul3A_2] : memref<10240xf32, #tpu.memory_space<vmem_shared>> -> memref<640xf32, #tpu.memory_space<vmem_shared>>
      tpu.wait_dma2 semaphore(%run_scoped3A : memref<!tpu.dma_semaphore, #tpu.memory_space<semaphore_mem>>) src(%dma_wait3A_121 : memref<640xf32, #tpu.memory_space<vmem_shared>>) dst(%dma_wait3A_120 : memref<640xf32, #tpu.memory_space<hbm>>)
      tpu.yield
    }) : () -> ()
    return
  }
}

#map = affine_map<(d0, d1) -> (0, 0)>
#map1 = affine_map<(d0, d1) -> (0, 0, 0)>
module attributes {stable_mosaic.version = 14 : i64} {
  func.func @_agg_kernel(%arg0: i32, %arg1: i32, %arg2: memref<10000x128xf32, #tpu.memory_space<hbm>>, %arg3: memref<32x160x64xi32, #tpu.memory_space<hbm>>, %arg4: memref<32x160x64xi32, #tpu.memory_space<hbm>>, %arg5: memref<2x10240x128xf32, #tpu.memory_space<hbm>>, %arg6: memref<40x64xi32, #tpu.memory_space<vmem>>, %arg7: memref<40x64xi32, #tpu.memory_space<vmem>>, %arg8: memref<64x128xf32, #tpu.memory_space<vmem>>, %arg9: memref<64x128xf32, #tpu.memory_space<vmem>>, %arg10: memref<64x128xf32, #tpu.memory_space<vmem>>, %arg11: memref<64x128xf32, #tpu.memory_space<vmem>>, %arg12: memref<10240x128xf32, #tpu.memory_space<vmem_shared>>, %arg13: memref<!tpu.dma_semaphore, #tpu.memory_space<semaphore_mem>>, %arg14: memref<!tpu.dma_semaphore, #tpu.memory_space<semaphore_mem>>, %arg15: memref<!tpu.dma_semaphore, #tpu.memory_space<semaphore_mem>>, %arg16: memref<!tpu.dma_semaphore, #tpu.memory_space<semaphore_mem>>) attributes {dimension_semantics = [#tpu.dimension_semantics<core_parallel>, #tpu.dimension_semantics<subcore_parallel>], iteration_bounds = array<i64: 2, 16>, scalar_prefetch = 0 : i64, scratch_operands = 11 : i64, tpu.core_type = #tpu.core_type<sc_vector_subcore>, window_params = [{transform_indices = #map}, {transform_indices = #map1}, {transform_indices = #map1}, {transform_indices = #map1}]} {
    %mul3A = arith.constant 2 : i32
    %mul3A_0 = arith.muli %arg1, %mul3A : i32
    %add3A = arith.addi %mul3A_0, %arg0 : i32
    %mul3A_1 = arith.constant 640 : i32
    %mul3A_2 = arith.muli %arg1, %mul3A_1 : i32
    %scan3A = arith.constant 0 : i32
    %scan3A_3 = arith.constant 0 : i32
    %scan3A_4 = arith.constant 64 : i32
    %scan3A_5 = arith.addi %scan3A_3, %scan3A_4 : i32
    %scan3A_6 = arith.constant 1 : i32
    %scan3A_7 = scf.for %scan3A_141 = %scan3A_3 to %scan3A_5 step %scan3A_6 iter_args(%scan3A_142 = %scan3A) -> (i32)  : i32 {
      %broadcast_in_dim3A = arith.constant 0.000000e+00 : f32
      %broadcast_in_dim3A_143 = vector.broadcast %broadcast_in_dim3A : f32 to vector<16xf32>
      %swap3A = arith.index_cast %scan3A_141 : i32 to index
      %swap3A_144 = arith.constant 0 : index
      %swap3A_145 = tpu.vector_load %arg8[%swap3A, %swap3A_144] {strides = array<i32>} : memref<64x128xf32, #tpu.memory_space<vmem>>, vector<1x16xf32>,
      %swap3A_146 = vector.shape_cast %swap3A_145 : vector<1x16xf32> to vector<16xf32>
      %swap3A_147 = vector.shape_cast %broadcast_in_dim3A_143 : vector<16xf32> to vector<1x16xf32>
      tpu.vector_store %arg8[%swap3A, %swap3A_144], %swap3A_147 {strides = array<i32>} : memref<64x128xf32, #tpu.memory_space<vmem>>, vector<1x16xf32>,
      %broadcast_in_dim3A_148 = arith.constant 0.000000e+00 : f32
      %broadcast_in_dim3A_149 = vector.broadcast %broadcast_in_dim3A_148 : f32 to vector<16xf32>
      %swap3A_150 = arith.index_cast %scan3A_141 : i32 to index
      %swap3A_151 = arith.constant 16 : index
      %swap3A_152 = tpu.vector_load %arg8[%swap3A_150, %swap3A_151] {strides = array<i32>} : memref<64x128xf32, #tpu.memory_space<vmem>>, vector<1x16xf32>,
      %swap3A_153 = vector.shape_cast %swap3A_152 : vector<1x16xf32> to vector<16xf32>
      %swap3A_154 = vector.shape_cast %broadcast_in_dim3A_149 : vector<16xf32> to vector<1x16xf32>
      tpu.vector_store %arg8[%swap3A_150, %swap3A_151], %swap3A_154 {strides = array<i32>} : memref<64x128xf32, #tpu.memory_space<vmem>>, vector<1x16xf32>,
      %broadcast_in_dim3A_155 = arith.constant 0.000000e+00 : f32
      %broadcast_in_dim3A_156 = vector.broadcast %broadcast_in_dim3A_155 : f32 to vector<16xf32>
      %swap3A_157 = arith.index_cast %scan3A_141 : i32 to index
      %swap3A_158 = arith.constant 32 : index
      %swap3A_159 = tpu.vector_load %arg8[%swap3A_157, %swap3A_158] {strides = array<i32>} : memref<64x128xf32, #tpu.memory_space<vmem>>, vector<1x16xf32>,
      %swap3A_160 = vector.shape_cast %swap3A_159 : vector<1x16xf32> to vector<16xf32>
      %swap3A_161 = vector.shape_cast %broadcast_in_dim3A_156 : vector<16xf32> to vector<1x16xf32>
      tpu.vector_store %arg8[%swap3A_157, %swap3A_158], %swap3A_161 {strides = array<i32>} : memref<64x128xf32, #tpu.memory_space<vmem>>, vector<1x16xf32>,
      %broadcast_in_dim3A_162 = arith.constant 0.000000e+00 : f32
      %broadcast_in_dim3A_163 = vector.broadcast %broadcast_in_dim3A_162 : f32 to vector<16xf32>
      %swap3A_164 = arith.index_cast %scan3A_141 : i32 to index
      %swap3A_165 = arith.constant 48 : index
      %swap3A_166 = tpu.vector_load %arg8[%swap3A_164, %swap3A_165] {strides = array<i32>} : memref<64x128xf32, #tpu.memory_space<vmem>>, vector<1x16xf32>,
      %swap3A_167 = vector.shape_cast %swap3A_166 : vector<1x16xf32> to vector<16xf32>
      %swap3A_168 = vector.shape_cast %broadcast_in_dim3A_163 : vector<16xf32> to vector<1x16xf32>
      tpu.vector_store %arg8[%swap3A_164, %swap3A_165], %swap3A_168 {strides = array<i32>} : memref<64x128xf32, #tpu.memory_space<vmem>>, vector<1x16xf32>,
      %broadcast_in_dim3A_169 = arith.constant 0.000000e+00 : f32
      %broadcast_in_dim3A_170 = vector.broadcast %broadcast_in_dim3A_169 : f32 to vector<16xf32>
      %swap3A_171 = arith.index_cast %scan3A_141 : i32 to index
      %swap3A_172 = arith.constant 64 : index
      %swap3A_173 = tpu.vector_load %arg8[%swap3A_171, %swap3A_172] {strides = array<i32>} : memref<64x128xf32, #tpu.memory_space<vmem>>, vector<1x16xf32>,
      %swap3A_174 = vector.shape_cast %swap3A_173 : vector<1x16xf32> to vector<16xf32>
      %swap3A_175 = vector.shape_cast %broadcast_in_dim3A_170 : vector<16xf32> to vector<1x16xf32>
      tpu.vector_store %arg8[%swap3A_171, %swap3A_172], %swap3A_175 {strides = array<i32>} : memref<64x128xf32, #tpu.memory_space<vmem>>, vector<1x16xf32>,
      %broadcast_in_dim3A_176 = arith.constant 0.000000e+00 : f32
      %broadcast_in_dim3A_177 = vector.broadcast %broadcast_in_dim3A_176 : f32 to vector<16xf32>
      %swap3A_178 = arith.index_cast %scan3A_141 : i32 to index
      %swap3A_179 = arith.constant 80 : index
      %swap3A_180 = tpu.vector_load %arg8[%swap3A_178, %swap3A_179] {strides = array<i32>} : memref<64x128xf32, #tpu.memory_space<vmem>>, vector<1x16xf32>,
      %swap3A_181 = vector.shape_cast %swap3A_180 : vector<1x16xf32> to vector<16xf32>
      %swap3A_182 = vector.shape_cast %broadcast_in_dim3A_177 : vector<16xf32> to vector<1x16xf32>
      tpu.vector_store %arg8[%swap3A_178, %swap3A_179], %swap3A_182 {strides = array<i32>} : memref<64x128xf32, #tpu.memory_space<vmem>>, vector<1x16xf32>,
      %broadcast_in_dim3A_183 = arith.constant 0.000000e+00 : f32
      %broadcast_in_dim3A_184 = vector.broadcast %broadcast_in_dim3A_183 : f32 to vector<16xf32>
      %swap3A_185 = arith.index_cast %scan3A_141 : i32 to index
      %swap3A_186 = arith.constant 96 : index
      %swap3A_187 = tpu.vector_load %arg8[%swap3A_185, %swap3A_186] {strides = array<i32>} : memref<64x128xf32, #tpu.memory_space<vmem>>, vector<1x16xf32>,
      %swap3A_188 = vector.shape_cast %swap3A_187 : vector<1x16xf32> to vector<16xf32>
      %swap3A_189 = vector.shape_cast %broadcast_in_dim3A_184 : vector<16xf32> to vector<1x16xf32>
      tpu.vector_store %arg8[%swap3A_185, %swap3A_186], %swap3A_189 {strides = array<i32>} : memref<64x128xf32, #tpu.memory_space<vmem>>, vector<1x16xf32>,
      %broadcast_in_dim3A_190 = arith.constant 0.000000e+00 : f32
      %broadcast_in_dim3A_191 = vector.broadcast %broadcast_in_dim3A_190 : f32 to vector<16xf32>
      %swap3A_192 = arith.index_cast %scan3A_141 : i32 to index
      %swap3A_193 = arith.constant 112 : index
      %swap3A_194 = tpu.vector_load %arg8[%swap3A_192, %swap3A_193] {strides = array<i32>} : memref<64x128xf32, #tpu.memory_space<vmem>>, vector<1x16xf32>,
      %swap3A_195 = vector.shape_cast %swap3A_194 : vector<1x16xf32> to vector<16xf32>
      %swap3A_196 = vector.shape_cast %broadcast_in_dim3A_191 : vector<16xf32> to vector<1x16xf32>
      tpu.vector_store %arg8[%swap3A_192, %swap3A_193], %swap3A_196 {strides = array<i32>} : memref<64x128xf32, #tpu.memory_space<vmem>>, vector<1x16xf32>,
      %scan3A_197 = arith.constant 0 : i32
      scf.yield %scan3A_197 : i32
    }
    %scan3A_8 = arith.constant 64 : i32
    %add3A_9 = arith.constant 0 : i32
    %add3A_10 = arith.addi %mul3A_2, %add3A_9 : i32
    "tpu.region"() ({
      %run_scoped3A = tpu.sem_alloc : memref<!tpu.dma_semaphore, #tpu.memory_space<semaphore_mem>>
      %dma_start3A_141 = arith.constant 0 : i32
      %dma_start3A_142 = tpu.memref_slice %arg12[%add3A_10, %dma_start3A_141] : memref<10240x128xf32, #tpu.memory_space<vmem_shared>> -> memref<64x128xf32, #tpu.memory_space<vmem_shared>>
      %dma_start3A_143 = arith.constant 0 : i32
      %dma_start3A_144 = tpu.memref_slice %arg12[%add3A_10, %dma_start3A_143] : memref<10240x128xf32, #tpu.memory_space<vmem_shared>> -> memref<64x128xf32, #tpu.memory_space<vmem_shared>>
      tpu.enqueue_dma source(%arg8 : memref<64x128xf32, #tpu.memory_space<vmem>>) target(%dma_start3A_144 : memref<64x128xf32, #tpu.memory_space<vmem_shared>>) target_semaphore(%run_scoped3A : memref<!tpu.dma_semaphore, #tpu.memory_space<semaphore_mem>>)
      %dma_wait3A = arith.constant 0 : i32
      %dma_wait3A_145 = tpu.memref_slice %arg12[%add3A_10, %dma_wait3A] : memref<10240x128xf32, #tpu.memory_space<vmem_shared>> -> memref<64x128xf32, #tpu.memory_space<vmem_shared>>
      %dma_wait3A_146 = arith.constant 0 : i32
      %dma_wait3A_147 = tpu.memref_slice %arg12[%add3A_10, %dma_wait3A_146] : memref<10240x128xf32, #tpu.memory_space<vmem_shared>> -> memref<64x128xf32, #tpu.memory_space<vmem_shared>>
      tpu.wait_dma2 semaphore(%run_scoped3A : memref<!tpu.dma_semaphore, #tpu.memory_space<semaphore_mem>>) src(%arg8 : memref<64x128xf32, #tpu.memory_space<vmem>>) dst(%dma_wait3A_147 : memref<64x128xf32, #tpu.memory_space<vmem_shared>>)
      tpu.yield
    }) : () -> ()
    %add3A_11 = arith.constant 64 : i32
    %add3A_12 = arith.addi %mul3A_2, %add3A_11 : i32
    "tpu.region"() ({
      %run_scoped3A = tpu.sem_alloc : memref<!tpu.dma_semaphore, #tpu.memory_space<semaphore_mem>>
      %dma_start3A_141 = arith.constant 0 : i32
      %dma_start3A_142 = tpu.memref_slice %arg12[%add3A_12, %dma_start3A_141] : memref<10240x128xf32, #tpu.memory_space<vmem_shared>> -> memref<64x128xf32, #tpu.memory_space<vmem_shared>>
      %dma_start3A_143 = arith.constant 0 : i32
      %dma_start3A_144 = tpu.memref_slice %arg12[%add3A_12, %dma_start3A_143] : memref<10240x128xf32, #tpu.memory_space<vmem_shared>> -> memref<64x128xf32, #tpu.memory_space<vmem_shared>>
      tpu.enqueue_dma source(%arg8 : memref<64x128xf32, #tpu.memory_space<vmem>>) target(%dma_start3A_144 : memref<64x128xf32, #tpu.memory_space<vmem_shared>>) target_semaphore(%run_scoped3A : memref<!tpu.dma_semaphore, #tpu.memory_space<semaphore_mem>>)
      %dma_wait3A = arith.constant 0 : i32
      %dma_wait3A_145 = tpu.memref_slice %arg12[%add3A_12, %dma_wait3A] : memref<10240x128xf32, #tpu.memory_space<vmem_shared>> -> memref<64x128xf32, #tpu.memory_space<vmem_shared>>
      %dma_wait3A_146 = arith.constant 0 : i32
      %dma_wait3A_147 = tpu.memref_slice %arg12[%add3A_12, %dma_wait3A_146] : memref<10240x128xf32, #tpu.memory_space<vmem_shared>> -> memref<64x128xf32, #tpu.memory_space<vmem_shared>>
      tpu.wait_dma2 semaphore(%run_scoped3A : memref<!tpu.dma_semaphore, #tpu.memory_space<semaphore_mem>>) src(%arg8 : memref<64x128xf32, #tpu.memory_space<vmem>>) dst(%dma_wait3A_147 : memref<64x128xf32, #tpu.memory_space<vmem_shared>>)
      tpu.yield
    }) : () -> ()
    %add3A_13 = arith.constant 128 : i32
    %add3A_14 = arith.addi %mul3A_2, %add3A_13 : i32
    "tpu.region"() ({
      %run_scoped3A = tpu.sem_alloc : memref<!tpu.dma_semaphore, #tpu.memory_space<semaphore_mem>>
      %dma_start3A_141 = arith.constant 0 : i32
      %dma_start3A_142 = tpu.memref_slice %arg12[%add3A_14, %dma_start3A_141] : memref<10240x128xf32, #tpu.memory_space<vmem_shared>> -> memref<64x128xf32, #tpu.memory_space<vmem_shared>>
      %dma_start3A_143 = arith.constant 0 : i32
      %dma_start3A_144 = tpu.memref_slice %arg12[%add3A_14, %dma_start3A_143] : memref<10240x128xf32, #tpu.memory_space<vmem_shared>> -> memref<64x128xf32, #tpu.memory_space<vmem_shared>>
      tpu.enqueue_dma source(%arg8 : memref<64x128xf32, #tpu.memory_space<vmem>>) target(%dma_start3A_144 : memref<64x128xf32, #tpu.memory_space<vmem_shared>>) target_semaphore(%run_scoped3A : memref<!tpu.dma_semaphore, #tpu.memory_space<semaphore_mem>>)
      %dma_wait3A = arith.constant 0 : i32
      %dma_wait3A_145 = tpu.memref_slice %arg12[%add3A_14, %dma_wait3A] : memref<10240x128xf32, #tpu.memory_space<vmem_shared>> -> memref<64x128xf32, #tpu.memory_space<vmem_shared>>
      %dma_wait3A_146 = arith.constant 0 : i32
      %dma_wait3A_147 = tpu.memref_slice %arg12[%add3A_14, %dma_wait3A_146] : memref<10240x128xf32, #tpu.memory_space<vmem_shared>> -> memref<64x128xf32, #tpu.memory_space<vmem_shared>>
      tpu.wait_dma2 semaphore(%run_scoped3A : memref<!tpu.dma_semaphore, #tpu.memory_space<semaphore_mem>>) src(%arg8 : memref<64x128xf32, #tpu.memory_space<vmem>>) dst(%dma_wait3A_147 : memref<64x128xf32, #tpu.memory_space<vmem_shared>>)
      tpu.yield
    }) : () -> ()
    %add3A_15 = arith.constant 192 : i32
    %add3A_16 = arith.addi %mul3A_2, %add3A_15 : i32
    "tpu.region"() ({
      %run_scoped3A = tpu.sem_alloc : memref<!tpu.dma_semaphore, #tpu.memory_space<semaphore_mem>>
      %dma_start3A_141 = arith.constant 0 : i32
      %dma_start3A_142 = tpu.memref_slice %arg12[%add3A_16, %dma_start3A_141] : memref<10240x128xf32, #tpu.memory_space<vmem_shared>> -> memref<64x128xf32, #tpu.memory_space<vmem_shared>>
      %dma_start3A_143 = arith.constant 0 : i32
      %dma_start3A_144 = tpu.memref_slice %arg12[%add3A_16, %dma_start3A_143] : memref<10240x128xf32, #tpu.memory_space<vmem_shared>> -> memref<64x128xf32, #tpu.memory_space<vmem_shared>>
      tpu.enqueue_dma source(%arg8 : memref<64x128xf32, #tpu.memory_space<vmem>>) target(%dma_start3A_144 : memref<64x128xf32, #tpu.memory_space<vmem_shared>>) target_semaphore(%run_scoped3A : memref<!tpu.dma_semaphore, #tpu.memory_space<semaphore_mem>>)
      %dma_wait3A = arith.constant 0 : i32
      %dma_wait3A_145 = tpu.memref_slice %arg12[%add3A_16, %dma_wait3A] : memref<10240x128xf32, #tpu.memory_space<vmem_shared>> -> memref<64x128xf32, #tpu.memory_space<vmem_shared>>
      %dma_wait3A_146 = arith.constant 0 : i32
      %dma_wait3A_147 = tpu.memref_slice %arg12[%add3A_16, %dma_wait3A_146] : memref<10240x128xf32, #tpu.memory_space<vmem_shared>> -> memref<64x128xf32, #tpu.memory_space<vmem_shared>>
      tpu.wait_dma2 semaphore(%run_scoped3A : memref<!tpu.dma_semaphore, #tpu.memory_space<semaphore_mem>>) src(%arg8 : memref<64x128xf32, #tpu.memory_space<vmem>>) dst(%dma_wait3A_147 : memref<64x128xf32, #tpu.memory_space<vmem_shared>>)
      tpu.yield
    }) : () -> ()
    %add3A_17 = arith.constant 256 : i32
    %add3A_18 = arith.addi %mul3A_2, %add3A_17 : i32
    "tpu.region"() ({
      %run_scoped3A = tpu.sem_alloc : memref<!tpu.dma_semaphore, #tpu.memory_space<semaphore_mem>>
      %dma_start3A_141 = arith.constant 0 : i32
      %dma_start3A_142 = tpu.memref_slice %arg12[%add3A_18, %dma_start3A_141] : memref<10240x128xf32, #tpu.memory_space<vmem_shared>> -> memref<64x128xf32, #tpu.memory_space<vmem_shared>>
      %dma_start3A_143 = arith.constant 0 : i32
      %dma_start3A_144 = tpu.memref_slice %arg12[%add3A_18, %dma_start3A_143] : memref<10240x128xf32, #tpu.memory_space<vmem_shared>> -> memref<64x128xf32, #tpu.memory_space<vmem_shared>>
      tpu.enqueue_dma source(%arg8 : memref<64x128xf32, #tpu.memory_space<vmem>>) target(%dma_start3A_144 : memref<64x128xf32, #tpu.memory_space<vmem_shared>>) target_semaphore(%run_scoped3A : memref<!tpu.dma_semaphore, #tpu.memory_space<semaphore_mem>>)
      %dma_wait3A = arith.constant 0 : i32
      %dma_wait3A_145 = tpu.memref_slice %arg12[%add3A_18, %dma_wait3A] : memref<10240x128xf32, #tpu.memory_space<vmem_shared>> -> memref<64x128xf32, #tpu.memory_space<vmem_shared>>
      %dma_wait3A_146 = arith.constant 0 : i32
      %dma_wait3A_147 = tpu.memref_slice %arg12[%add3A_18, %dma_wait3A_146] : memref<10240x128xf32, #tpu.memory_space<vmem_shared>> -> memref<64x128xf32, #tpu.memory_space<vmem_shared>>
      tpu.wait_dma2 semaphore(%run_scoped3A : memref<!tpu.dma_semaphore, #tpu.memory_space<semaphore_mem>>) src(%arg8 : memref<64x128xf32, #tpu.memory_space<vmem>>) dst(%dma_wait3A_147 : memref<64x128xf32, #tpu.memory_space<vmem_shared>>)
      tpu.yield
    }) : () -> ()
    %add3A_19 = arith.constant 320 : i32
    %add3A_20 = arith.addi %mul3A_2, %add3A_19 : i32
    "tpu.region"() ({
      %run_scoped3A = tpu.sem_alloc : memref<!tpu.dma_semaphore, #tpu.memory_space<semaphore_mem>>
      %dma_start3A_141 = arith.constant 0 : i32
      %dma_start3A_142 = tpu.memref_slice %arg12[%add3A_20, %dma_start3A_141] : memref<10240x128xf32, #tpu.memory_space<vmem_shared>> -> memref<64x128xf32, #tpu.memory_space<vmem_shared>>
      %dma_start3A_143 = arith.constant 0 : i32
      %dma_start3A_144 = tpu.memref_slice %arg12[%add3A_20, %dma_start3A_143] : memref<10240x128xf32, #tpu.memory_space<vmem_shared>> -> memref<64x128xf32, #tpu.memory_space<vmem_shared>>
      tpu.enqueue_dma source(%arg8 : memref<64x128xf32, #tpu.memory_space<vmem>>) target(%dma_start3A_144 : memref<64x128xf32, #tpu.memory_space<vmem_shared>>) target_semaphore(%run_scoped3A : memref<!tpu.dma_semaphore, #tpu.memory_space<semaphore_mem>>)
      %dma_wait3A = arith.constant 0 : i32
      %dma_wait3A_145 = tpu.memref_slice %arg12[%add3A_20, %dma_wait3A] : memref<10240x128xf32, #tpu.memory_space<vmem_shared>> -> memref<64x128xf32, #tpu.memory_space<vmem_shared>>
      %dma_wait3A_146 = arith.constant 0 : i32
      %dma_wait3A_147 = tpu.memref_slice %arg12[%add3A_20, %dma_wait3A_146] : memref<10240x128xf32, #tpu.memory_space<vmem_shared>> -> memref<64x128xf32, #tpu.memory_space<vmem_shared>>
      tpu.wait_dma2 semaphore(%run_scoped3A : memref<!tpu.dma_semaphore, #tpu.memory_space<semaphore_mem>>) src(%arg8 : memref<64x128xf32, #tpu.memory_space<vmem>>) dst(%dma_wait3A_147 : memref<64x128xf32, #tpu.memory_space<vmem_shared>>)
      tpu.yield
    }) : () -> ()
    %add3A_21 = arith.constant 384 : i32
    %add3A_22 = arith.addi %mul3A_2, %add3A_21 : i32
    "tpu.region"() ({
      %run_scoped3A = tpu.sem_alloc : memref<!tpu.dma_semaphore, #tpu.memory_space<semaphore_mem>>
      %dma_start3A_141 = arith.constant 0 : i32
      %dma_start3A_142 = tpu.memref_slice %arg12[%add3A_22, %dma_start3A_141] : memref<10240x128xf32, #tpu.memory_space<vmem_shared>> -> memref<64x128xf32, #tpu.memory_space<vmem_shared>>
      %dma_start3A_143 = arith.constant 0 : i32
      %dma_start3A_144 = tpu.memref_slice %arg12[%add3A_22, %dma_start3A_143] : memref<10240x128xf32, #tpu.memory_space<vmem_shared>> -> memref<64x128xf32, #tpu.memory_space<vmem_shared>>
      tpu.enqueue_dma source(%arg8 : memref<64x128xf32, #tpu.memory_space<vmem>>) target(%dma_start3A_144 : memref<64x128xf32, #tpu.memory_space<vmem_shared>>) target_semaphore(%run_scoped3A : memref<!tpu.dma_semaphore, #tpu.memory_space<semaphore_mem>>)
      %dma_wait3A = arith.constant 0 : i32
      %dma_wait3A_145 = tpu.memref_slice %arg12[%add3A_22, %dma_wait3A] : memref<10240x128xf32, #tpu.memory_space<vmem_shared>> -> memref<64x128xf32, #tpu.memory_space<vmem_shared>>
      %dma_wait3A_146 = arith.constant 0 : i32
      %dma_wait3A_147 = tpu.memref_slice %arg12[%add3A_22, %dma_wait3A_146] : memref<10240x128xf32, #tpu.memory_space<vmem_shared>> -> memref<64x128xf32, #tpu.memory_space<vmem_shared>>
      tpu.wait_dma2 semaphore(%run_scoped3A : memref<!tpu.dma_semaphore, #tpu.memory_space<semaphore_mem>>) src(%arg8 : memref<64x128xf32, #tpu.memory_space<vmem>>) dst(%dma_wait3A_147 : memref<64x128xf32, #tpu.memory_space<vmem_shared>>)
      tpu.yield
    }) : () -> ()
    %add3A_23 = arith.constant 448 : i32
    %add3A_24 = arith.addi %mul3A_2, %add3A_23 : i32
    "tpu.region"() ({
      %run_scoped3A = tpu.sem_alloc : memref<!tpu.dma_semaphore, #tpu.memory_space<semaphore_mem>>
      %dma_start3A_141 = arith.constant 0 : i32
      %dma_start3A_142 = tpu.memref_slice %arg12[%add3A_24, %dma_start3A_141] : memref<10240x128xf32, #tpu.memory_space<vmem_shared>> -> memref<64x128xf32, #tpu.memory_space<vmem_shared>>
      %dma_start3A_143 = arith.constant 0 : i32
      %dma_start3A_144 = tpu.memref_slice %arg12[%add3A_24, %dma_start3A_143] : memref<10240x128xf32, #tpu.memory_space<vmem_shared>> -> memref<64x128xf32, #tpu.memory_space<vmem_shared>>
      tpu.enqueue_dma source(%arg8 : memref<64x128xf32, #tpu.memory_space<vmem>>) target(%dma_start3A_144 : memref<64x128xf32, #tpu.memory_space<vmem_shared>>) target_semaphore(%run_scoped3A : memref<!tpu.dma_semaphore, #tpu.memory_space<semaphore_mem>>)
      %dma_wait3A = arith.constant 0 : i32
      %dma_wait3A_145 = tpu.memref_slice %arg12[%add3A_24, %dma_wait3A] : memref<10240x128xf32, #tpu.memory_space<vmem_shared>> -> memref<64x128xf32, #tpu.memory_space<vmem_shared>>
      %dma_wait3A_146 = arith.constant 0 : i32
      %dma_wait3A_147 = tpu.memref_slice %arg12[%add3A_24, %dma_wait3A_146] : memref<10240x128xf32, #tpu.memory_space<vmem_shared>> -> memref<64x128xf32, #tpu.memory_space<vmem_shared>>
      tpu.wait_dma2 semaphore(%run_scoped3A : memref<!tpu.dma_semaphore, #tpu.memory_space<semaphore_mem>>) src(%arg8 : memref<64x128xf32, #tpu.memory_space<vmem>>) dst(%dma_wait3A_147 : memref<64x128xf32, #tpu.memory_space<vmem_shared>>)
      tpu.yield
    }) : () -> ()
    %add3A_25 = arith.constant 512 : i32
    %add3A_26 = arith.addi %mul3A_2, %add3A_25 : i32
    "tpu.region"() ({
      %run_scoped3A = tpu.sem_alloc : memref<!tpu.dma_semaphore, #tpu.memory_space<semaphore_mem>>
      %dma_start3A_141 = arith.constant 0 : i32
      %dma_start3A_142 = tpu.memref_slice %arg12[%add3A_26, %dma_start3A_141] : memref<10240x128xf32, #tpu.memory_space<vmem_shared>> -> memref<64x128xf32, #tpu.memory_space<vmem_shared>>
      %dma_start3A_143 = arith.constant 0 : i32
      %dma_start3A_144 = tpu.memref_slice %arg12[%add3A_26, %dma_start3A_143] : memref<10240x128xf32, #tpu.memory_space<vmem_shared>> -> memref<64x128xf32, #tpu.memory_space<vmem_shared>>
      tpu.enqueue_dma source(%arg8 : memref<64x128xf32, #tpu.memory_space<vmem>>) target(%dma_start3A_144 : memref<64x128xf32, #tpu.memory_space<vmem_shared>>) target_semaphore(%run_scoped3A : memref<!tpu.dma_semaphore, #tpu.memory_space<semaphore_mem>>)
      %dma_wait3A = arith.constant 0 : i32
      %dma_wait3A_145 = tpu.memref_slice %arg12[%add3A_26, %dma_wait3A] : memref<10240x128xf32, #tpu.memory_space<vmem_shared>> -> memref<64x128xf32, #tpu.memory_space<vmem_shared>>
      %dma_wait3A_146 = arith.constant 0 : i32
      %dma_wait3A_147 = tpu.memref_slice %arg12[%add3A_26, %dma_wait3A_146] : memref<10240x128xf32, #tpu.memory_space<vmem_shared>> -> memref<64x128xf32, #tpu.memory_space<vmem_shared>>
      tpu.wait_dma2 semaphore(%run_scoped3A : memref<!tpu.dma_semaphore, #tpu.memory_space<semaphore_mem>>) src(%arg8 : memref<64x128xf32, #tpu.memory_space<vmem>>) dst(%dma_wait3A_147 : memref<64x128xf32, #tpu.memory_space<vmem_shared>>)
      tpu.yield
    }) : () -> ()
    %add3A_27 = arith.constant 576 : i32
    %add3A_28 = arith.addi %mul3A_2, %add3A_27 : i32
    "tpu.region"() ({
      %run_scoped3A = tpu.sem_alloc : memref<!tpu.dma_semaphore, #tpu.memory_space<semaphore_mem>>
      %dma_start3A_141 = arith.constant 0 : i32
      %dma_start3A_142 = tpu.memref_slice %arg12[%add3A_28, %dma_start3A_141] : memref<10240x128xf32, #tpu.memory_space<vmem_shared>> -> memref<64x128xf32, #tpu.memory_space<vmem_shared>>
      %dma_start3A_143 = arith.constant 0 : i32
      %dma_start3A_144 = tpu.memref_slice %arg12[%add3A_28, %dma_start3A_143] : memref<10240x128xf32, #tpu.memory_space<vmem_shared>> -> memref<64x128xf32, #tpu.memory_space<vmem_shared>>
      tpu.enqueue_dma source(%arg8 : memref<64x128xf32, #tpu.memory_space<vmem>>) target(%dma_start3A_144 : memref<64x128xf32, #tpu.memory_space<vmem_shared>>) target_semaphore(%run_scoped3A : memref<!tpu.dma_semaphore, #tpu.memory_space<semaphore_mem>>)
      %dma_wait3A = arith.constant 0 : i32
      %dma_wait3A_145 = tpu.memref_slice %arg12[%add3A_28, %dma_wait3A] : memref<10240x128xf32, #tpu.memory_space<vmem_shared>> -> memref<64x128xf32, #tpu.memory_space<vmem_shared>>
      %dma_wait3A_146 = arith.constant 0 : i32
      %dma_wait3A_147 = tpu.memref_slice %arg12[%add3A_28, %dma_wait3A_146] : memref<10240x128xf32, #tpu.memory_space<vmem_shared>> -> memref<64x128xf32, #tpu.memory_space<vmem_shared>>
      tpu.wait_dma2 semaphore(%run_scoped3A : memref<!tpu.dma_semaphore, #tpu.memory_space<semaphore_mem>>) src(%arg8 : memref<64x128xf32, #tpu.memory_space<vmem>>) dst(%dma_wait3A_147 : memref<64x128xf32, #tpu.memory_space<vmem_shared>>)
      tpu.yield
    }) : () -> ()
    %barrier3A = arith.constant 0 : index
    tpu.barrier barrier_id(%barrier3A)
    "tpu.region"() ({
      %run_scoped3A = tpu.sem_alloc : memref<!tpu.dma_semaphore, #tpu.memory_space<semaphore_mem>>
      %dma_start3A_141 = arith.constant 0 : i32
      %dma_start3A_142 = arith.constant 0 : i32
      %dma_start3A_143 = tpu.memref_slice %arg3[%add3A, %dma_start3A_141, %dma_start3A_142] : memref<32x160x64xi32, #tpu.memory_space<hbm>> -> memref<1x160x64xi32, #tpu.memory_space<hbm>>
      %dma_start3A_144 = tpu.memref_squeeze %dma_start3A_143 : memref<1x160x64xi32, #tpu.memory_space<hbm>> -> memref<160x64xi32, #tpu.memory_space<hbm>>
      %dma_start3A_145 = arith.constant 0 : i32
      %dma_start3A_146 = arith.constant 0 : i32
      %dma_start3A_147 = tpu.memref_slice %dma_start3A_144[%dma_start3A_145, %dma_start3A_146] : memref<160x64xi32, #tpu.memory_space<hbm>> -> memref<40x64xi32, #tpu.memory_space<hbm>>
      %dma_start3A_148 = arith.constant 0 : i32
      %dma_start3A_149 = arith.constant 0 : i32
      %dma_start3A_150 = tpu.memref_slice %arg3[%add3A, %dma_start3A_148, %dma_start3A_149] : memref<32x160x64xi32, #tpu.memory_space<hbm>> -> memref<1x160x64xi32, #tpu.memory_space<hbm>>
      %dma_start3A_151 = tpu.memref_squeeze %dma_start3A_150 : memref<1x160x64xi32, #tpu.memory_space<hbm>> -> memref<160x64xi32, #tpu.memory_space<hbm>>
      %dma_start3A_152 = arith.constant 0 : i32
      %dma_start3A_153 = arith.constant 0 : i32
      %dma_start3A_154 = tpu.memref_slice %dma_start3A_151[%dma_start3A_152, %dma_start3A_153] : memref<160x64xi32, #tpu.memory_space<hbm>> -> memref<40x64xi32, #tpu.memory_space<hbm>>
      tpu.enqueue_dma source(%dma_start3A_154 : memref<40x64xi32, #tpu.memory_space<hbm>>) target(%arg6 : memref<40x64xi32, #tpu.memory_space<vmem>>) target_semaphore(%run_scoped3A : memref<!tpu.dma_semaphore, #tpu.memory_space<semaphore_mem>>)
      %dma_wait3A = arith.constant 0 : i32
      %dma_wait3A_155 = arith.constant 0 : i32
      %dma_wait3A_156 = tpu.memref_slice %arg3[%add3A, %dma_wait3A, %dma_wait3A_155] : memref<32x160x64xi32, #tpu.memory_space<hbm>> -> memref<1x160x64xi32, #tpu.memory_space<hbm>>
      %dma_wait3A_157 = tpu.memref_squeeze %dma_wait3A_156 : memref<1x160x64xi32, #tpu.memory_space<hbm>> -> memref<160x64xi32, #tpu.memory_space<hbm>>
      %dma_wait3A_158 = arith.constant 0 : i32
      %dma_wait3A_159 = arith.constant 0 : i32
      %dma_wait3A_160 = tpu.memref_slice %dma_wait3A_157[%dma_wait3A_158, %dma_wait3A_159] : memref<160x64xi32, #tpu.memory_space<hbm>> -> memref<40x64xi32, #tpu.memory_space<hbm>>
      %dma_wait3A_161 = arith.constant 0 : i32
      %dma_wait3A_162 = arith.constant 0 : i32
      %dma_wait3A_163 = tpu.memref_slice %arg3[%add3A, %dma_wait3A_161, %dma_wait3A_162] : memref<32x160x64xi32, #tpu.memory_space<hbm>> -> memref<1x160x64xi32, #tpu.memory_space<hbm>>
      %dma_wait3A_164 = tpu.memref_squeeze %dma_wait3A_163 : memref<1x160x64xi32, #tpu.memory_space<hbm>> -> memref<160x64xi32, #tpu.memory_space<hbm>>
      %dma_wait3A_165 = arith.constant 0 : i32
      %dma_wait3A_166 = arith.constant 0 : i32
      %dma_wait3A_167 = tpu.memref_slice %dma_wait3A_164[%dma_wait3A_165, %dma_wait3A_166] : memref<160x64xi32, #tpu.memory_space<hbm>> -> memref<40x64xi32, #tpu.memory_space<hbm>>
      tpu.wait_dma2 semaphore(%run_scoped3A : memref<!tpu.dma_semaphore, #tpu.memory_space<semaphore_mem>>) src(%dma_wait3A_167 : memref<40x64xi32, #tpu.memory_space<hbm>>) dst(%arg6 : memref<40x64xi32, #tpu.memory_space<vmem>>)
      tpu.yield
    }) : () -> ()
    "tpu.region"() ({
      %run_scoped3A = tpu.sem_alloc : memref<!tpu.dma_semaphore, #tpu.memory_space<semaphore_mem>>
      %dma_start3A_141 = arith.constant 0 : i32
      %dma_start3A_142 = arith.constant 0 : i32
      %dma_start3A_143 = tpu.memref_slice %arg4[%add3A, %dma_start3A_141, %dma_start3A_142] : memref<32x160x64xi32, #tpu.memory_space<hbm>> -> memref<1x160x64xi32, #tpu.memory_space<hbm>>
      %dma_start3A_144 = tpu.memref_squeeze %dma_start3A_143 : memref<1x160x64xi32, #tpu.memory_space<hbm>> -> memref<160x64xi32, #tpu.memory_space<hbm>>
      %dma_start3A_145 = arith.constant 0 : i32
      %dma_start3A_146 = arith.constant 0 : i32
      %dma_start3A_147 = tpu.memref_slice %dma_start3A_144[%dma_start3A_145, %dma_start3A_146] : memref<160x64xi32, #tpu.memory_space<hbm>> -> memref<40x64xi32, #tpu.memory_space<hbm>>
      %dma_start3A_148 = arith.constant 0 : i32
      %dma_start3A_149 = arith.constant 0 : i32
      %dma_start3A_150 = tpu.memref_slice %arg4[%add3A, %dma_start3A_148, %dma_start3A_149] : memref<32x160x64xi32, #tpu.memory_space<hbm>> -> memref<1x160x64xi32, #tpu.memory_space<hbm>>
      %dma_start3A_151 = tpu.memref_squeeze %dma_start3A_150 : memref<1x160x64xi32, #tpu.memory_space<hbm>> -> memref<160x64xi32, #tpu.memory_space<hbm>>
      %dma_start3A_152 = arith.constant 0 : i32
      %dma_start3A_153 = arith.constant 0 : i32
      %dma_start3A_154 = tpu.memref_slice %dma_start3A_151[%dma_start3A_152, %dma_start3A_153] : memref<160x64xi32, #tpu.memory_space<hbm>> -> memref<40x64xi32, #tpu.memory_space<hbm>>
      tpu.enqueue_dma source(%dma_start3A_154 : memref<40x64xi32, #tpu.memory_space<hbm>>) target(%arg7 : memref<40x64xi32, #tpu.memory_space<vmem>>) target_semaphore(%run_scoped3A : memref<!tpu.dma_semaphore, #tpu.memory_space<semaphore_mem>>)
      %dma_wait3A = arith.constant 0 : i32
      %dma_wait3A_155 = arith.constant 0 : i32
      %dma_wait3A_156 = tpu.memref_slice %arg4[%add3A, %dma_wait3A, %dma_wait3A_155] : memref<32x160x64xi32, #tpu.memory_space<hbm>> -> memref<1x160x64xi32, #tpu.memory_space<hbm>>
      %dma_wait3A_157 = tpu.memref_squeeze %dma_wait3A_156 : memref<1x160x64xi32, #tpu.memory_space<hbm>> -> memref<160x64xi32, #tpu.memory_space<hbm>>
      %dma_wait3A_158 = arith.constant 0 : i32
      %dma_wait3A_159 = arith.constant 0 : i32
      %dma_wait3A_160 = tpu.memref_slice %dma_wait3A_157[%dma_wait3A_158, %dma_wait3A_159] : memref<160x64xi32, #tpu.memory_space<hbm>> -> memref<40x64xi32, #tpu.memory_space<hbm>>
      %dma_wait3A_161 = arith.constant 0 : i32
      %dma_wait3A_162 = arith.constant 0 : i32
      %dma_wait3A_163 = tpu.memref_slice %arg4[%add3A, %dma_wait3A_161, %dma_wait3A_162] : memref<32x160x64xi32, #tpu.memory_space<hbm>> -> memref<1x160x64xi32, #tpu.memory_space<hbm>>
      %dma_wait3A_164 = tpu.memref_squeeze %dma_wait3A_163 : memref<1x160x64xi32, #tpu.memory_space<hbm>> -> memref<160x64xi32, #tpu.memory_space<hbm>>
      %dma_wait3A_165 = arith.constant 0 : i32
      %dma_wait3A_166 = arith.constant 0 : i32
      %dma_wait3A_167 = tpu.memref_slice %dma_wait3A_164[%dma_wait3A_165, %dma_wait3A_166] : memref<160x64xi32, #tpu.memory_space<hbm>> -> memref<40x64xi32, #tpu.memory_space<hbm>>
      tpu.wait_dma2 semaphore(%run_scoped3A : memref<!tpu.dma_semaphore, #tpu.memory_space<semaphore_mem>>) src(%dma_wait3A_167 : memref<40x64xi32, #tpu.memory_space<hbm>>) dst(%arg7 : memref<40x64xi32, #tpu.memory_space<vmem>>)
      tpu.yield
    }) : () -> ()
    %dma_start3A = arith.constant 0 : i32
    %dma_start3A_29 = arith.constant 0 : i32
    %dma_start3A_30 = tpu.memref_slice %arg6[%dma_start3A, %dma_start3A_29] : memref<40x64xi32, #tpu.memory_space<vmem>> -> memref<1x64xi32, #tpu.memory_space<vmem>>
    %dma_start3A_31 = tpu.memref_squeeze %dma_start3A_30 : memref<1x64xi32, #tpu.memory_space<vmem>> -> memref<64xi32, #tpu.memory_space<vmem>>
    %dma_start3A_32 = arith.constant 0 : i32
    %dma_start3A_33 = arith.constant 0 : i32
    %dma_start3A_34 = tpu.memref_slice %arg2[%dma_start3A_32, %dma_start3A_33] : memref<10000x128xf32, #tpu.memory_space<hbm>> -> memref<10000x128xf32, #tpu.memory_space<hbm>>
    tpu.enqueue_indirect_dma source(%dma_start3A_34 : memref<10000x128xf32, #tpu.memory_space<hbm>>) target(%arg8 : memref<64x128xf32, #tpu.memory_space<vmem>>) offsets(%dma_start3A_31 : memref<64xi32, #tpu.memory_space<vmem>>) semaphore(%arg13 : memref<!tpu.dma_semaphore, #tpu.memory_space<semaphore_mem>>)
    %dma_start3A_35 = arith.constant 1 : i32
    %dma_start3A_36 = arith.constant 0 : i32
    %dma_start3A_37 = tpu.memref_slice %arg6[%dma_start3A_35, %dma_start3A_36] : memref<40x64xi32, #tpu.memory_space<vmem>> -> memref<1x64xi32, #tpu.memory_space<vmem>>
    %dma_start3A_38 = tpu.memref_squeeze %dma_start3A_37 : memref<1x64xi32, #tpu.memory_space<vmem>> -> memref<64xi32, #tpu.memory_space<vmem>>
    %dma_start3A_39 = arith.constant 0 : i32
    %dma_start3A_40 = arith.constant 0 : i32
    %dma_start3A_41 = tpu.memref_slice %arg2[%dma_start3A_39, %dma_start3A_40] : memref<10000x128xf32, #tpu.memory_space<hbm>> -> memref<10000x128xf32, #tpu.memory_space<hbm>>
    tpu.enqueue_indirect_dma source(%dma_start3A_41 : memref<10000x128xf32, #tpu.memory_space<hbm>>) target(%arg9 : memref<64x128xf32, #tpu.memory_space<vmem>>) offsets(%dma_start3A_38 : memref<64xi32, #tpu.memory_space<vmem>>) semaphore(%arg14 : memref<!tpu.dma_semaphore, #tpu.memory_space<semaphore_mem>>)
    %dma_start3A_42 = arith.constant 2 : i32
    %dma_start3A_43 = arith.constant 0 : i32
    %dma_start3A_44 = tpu.memref_slice %arg6[%dma_start3A_42, %dma_start3A_43] : memref<40x64xi32, #tpu.memory_space<vmem>> -> memref<1x64xi32, #tpu.memory_space<vmem>>
    %dma_start3A_45 = tpu.memref_squeeze %dma_start3A_44 : memref<1x64xi32, #tpu.memory_space<vmem>> -> memref<64xi32, #tpu.memory_space<vmem>>
    %dma_start3A_46 = arith.constant 0 : i32
    %dma_start3A_47 = arith.constant 0 : i32
    %dma_start3A_48 = tpu.memref_slice %arg2[%dma_start3A_46, %dma_start3A_47] : memref<10000x128xf32, #tpu.memory_space<hbm>> -> memref<10000x128xf32, #tpu.memory_space<hbm>>
    tpu.enqueue_indirect_dma source(%dma_start3A_48 : memref<10000x128xf32, #tpu.memory_space<hbm>>) target(%arg10 : memref<64x128xf32, #tpu.memory_space<vmem>>) offsets(%dma_start3A_45 : memref<64xi32, #tpu.memory_space<vmem>>) semaphore(%arg15 : memref<!tpu.dma_semaphore, #tpu.memory_space<semaphore_mem>>)
    %scan3A_49 = arith.constant 0 : i32
    %scan3A_50 = arith.constant 0 : i32
    %scan3A_51 = arith.constant 10 : i32
    %scan3A_52 = arith.addi %scan3A_50, %scan3A_51 : i32
    %scan3A_53 = arith.constant 1 : i32
    %scan3A_54 = scf.for %scan3A_141 = %scan3A_50 to %scan3A_52 step %scan3A_53 iter_args(%scan3A_142 = %scan3A_49) -> (i32)  : i32 {
      %mul3A_143 = arith.constant 4 : i32
      %mul3A_144 = arith.muli %mul3A_143, %scan3A_141 : i32
      %add3A_145 = arith.constant 0 : i32
      %add3A_146 = arith.addi %mul3A_144, %add3A_145 : i32
      %add3A_147 = arith.constant 3 : i32
      %add3A_148 = arith.addi %add3A_146, %add3A_147 : i32
      %lt3A = arith.constant 40 : i32
      %lt3A_149 = arith.cmpi slt, %add3A_148, %lt3A : i32
      %convert_element_type3A = arith.extui %lt3A_149 : i1 to i32
      %cond3A = arith.constant 0 : i32
      %cond3A_150 = arith.cmpi ne, %convert_element_type3A, %cond3A : i32
      scf.if %cond3A_150 {
        %dma_start3A_208 = arith.constant 0 : i32
        %dma_start3A_209 = tpu.memref_slice %arg6[%add3A_148, %dma_start3A_208] : memref<40x64xi32, #tpu.memory_space<vmem>> -> memref<1x64xi32, #tpu.memory_space<vmem>>
        %dma_start3A_210 = tpu.memref_squeeze %dma_start3A_209 : memref<1x64xi32, #tpu.memory_space<vmem>> -> memref<64xi32, #tpu.memory_space<vmem>>
        %dma_start3A_211 = arith.constant 0 : i32
        %dma_start3A_212 = arith.constant 0 : i32
        %dma_start3A_213 = tpu.memref_slice %arg2[%dma_start3A_211, %dma_start3A_212] : memref<10000x128xf32, #tpu.memory_space<hbm>> -> memref<10000x128xf32, #tpu.memory_space<hbm>>
        tpu.enqueue_indirect_dma source(%dma_start3A_213 : memref<10000x128xf32, #tpu.memory_space<hbm>>) target(%arg11 : memref<64x128xf32, #tpu.memory_space<vmem>>) offsets(%dma_start3A_210 : memref<64xi32, #tpu.memory_space<vmem>>) semaphore(%arg16 : memref<!tpu.dma_semaphore, #tpu.memory_space<semaphore_mem>>)
      } else {
      }
      %dma_wait3A = arith.constant 0 : i32
      %dma_wait3A_151 = tpu.memref_slice %arg6[%add3A_146, %dma_wait3A] : memref<40x64xi32, #tpu.memory_space<vmem>> -> memref<1x64xi32, #tpu.memory_space<vmem>>
      %dma_wait3A_152 = tpu.memref_squeeze %dma_wait3A_151 : memref<1x64xi32, #tpu.memory_space<vmem>> -> memref<64xi32, #tpu.memory_space<vmem>>
      %dma_wait3A_153 = arith.constant 0 : i32
      %dma_wait3A_154 = arith.constant 0 : i32
      %dma_wait3A_155 = tpu.memref_slice %arg2[%dma_wait3A_153, %dma_wait3A_154] : memref<10000x128xf32, #tpu.memory_space<hbm>> -> memref<10000x128xf32, #tpu.memory_space<hbm>>
      tpu.wait_indirect_dma semaphore(%arg13 : memref<!tpu.dma_semaphore, #tpu.memory_space<semaphore_mem>>) src(%dma_wait3A_155 : memref<10000x128xf32, #tpu.memory_space<hbm>>) dst(%arg8 : memref<64x128xf32, #tpu.memory_space<vmem>>)
      "tpu.region"() ({
        %run_scoped3A = tpu.sem_alloc : memref<!tpu.dma_semaphore, #tpu.memory_space<semaphore_mem>>
        %dma_start3A_208 = arith.constant 0 : i32
        %dma_start3A_209 = tpu.memref_slice %arg7[%add3A_146, %dma_start3A_208] : memref<40x64xi32, #tpu.memory_space<vmem>> -> memref<1x64xi32, #tpu.memory_space<vmem>>
        %dma_start3A_210 = tpu.memref_squeeze %dma_start3A_209 : memref<1x64xi32, #tpu.memory_space<vmem>> -> memref<64xi32, #tpu.memory_space<vmem>>
        %dma_start3A_211 = arith.constant 0 : i32
        %dma_start3A_212 = arith.constant 0 : i32
        %dma_start3A_213 = tpu.memref_slice %arg12[%dma_start3A_211, %dma_start3A_212] : memref<10240x128xf32, #tpu.memory_space<vmem_shared>> -> memref<10240x128xf32, #tpu.memory_space<vmem_shared>>
        tpu.enqueue_indirect_dma source(%arg8 : memref<64x128xf32, #tpu.memory_space<vmem>>) target(%dma_start3A_213 : memref<10240x128xf32, #tpu.memory_space<vmem_shared>>) offsets(%dma_start3A_210 : memref<64xi32, #tpu.memory_space<vmem>>) semaphore(%run_scoped3A : memref<!tpu.dma_semaphore, #tpu.memory_space<semaphore_mem>>) {add = true}
        %dma_wait3A_214 = arith.constant 0 : i32
        %dma_wait3A_215 = tpu.memref_slice %arg7[%add3A_146, %dma_wait3A_214] : memref<40x64xi32, #tpu.memory_space<vmem>> -> memref<1x64xi32, #tpu.memory_space<vmem>>
        %dma_wait3A_216 = tpu.memref_squeeze %dma_wait3A_215 : memref<1x64xi32, #tpu.memory_space<vmem>> -> memref<64xi32, #tpu.memory_space<vmem>>
        %dma_wait3A_217 = arith.constant 0 : i32
        %dma_wait3A_218 = arith.constant 0 : i32
        %dma_wait3A_219 = tpu.memref_slice %arg12[%dma_wait3A_217, %dma_wait3A_218] : memref<10240x128xf32, #tpu.memory_space<vmem_shared>> -> memref<10240x128xf32, #tpu.memory_space<vmem_shared>>
        tpu.wait_indirect_dma semaphore(%run_scoped3A : memref<!tpu.dma_semaphore, #tpu.memory_space<semaphore_mem>>) src(%arg8 : memref<64x128xf32, #tpu.memory_space<vmem>>) dst(%dma_wait3A_219 : memref<10240x128xf32, #tpu.memory_space<vmem_shared>>)
        tpu.yield
      }) : () -> ()
      %mul3A_156 = arith.constant 4 : i32
      %mul3A_157 = arith.muli %mul3A_156, %scan3A_141 : i32
      %add3A_158 = arith.constant 1 : i32
      %add3A_159 = arith.addi %mul3A_157, %add3A_158 : i32
      %add3A_160 = arith.constant 3 : i32
      %add3A_161 = arith.addi %add3A_159, %add3A_160 : i32
      %lt3A_162 = arith.constant 40 : i32
      %lt3A_163 = arith.cmpi slt, %add3A_161, %lt3A_162 : i32
      %convert_element_type3A_164 = arith.extui %lt3A_163 : i1 to i32
      %cond3A_165 = arith.constant 0 : i32
      %cond3A_166 = arith.cmpi ne, %convert_element_type3A_164, %cond3A_165 : i32
      scf.if %cond3A_166 {
        %dma_start3A_208 = arith.constant 0 : i32
        %dma_start3A_209 = tpu.memref_slice %arg6[%add3A_161, %dma_start3A_208] : memref<40x64xi32, #tpu.memory_space<vmem>> -> memref<1x64xi32, #tpu.memory_space<vmem>>
        %dma_start3A_210 = tpu.memref_squeeze %dma_start3A_209 : memref<1x64xi32, #tpu.memory_space<vmem>> -> memref<64xi32, #tpu.memory_space<vmem>>
        %dma_start3A_211 = arith.constant 0 : i32
        %dma_start3A_212 = arith.constant 0 : i32
        %dma_start3A_213 = tpu.memref_slice %arg2[%dma_start3A_211, %dma_start3A_212] : memref<10000x128xf32, #tpu.memory_space<hbm>> -> memref<10000x128xf32, #tpu.memory_space<hbm>>
        tpu.enqueue_indirect_dma source(%dma_start3A_213 : memref<10000x128xf32, #tpu.memory_space<hbm>>) target(%arg8 : memref<64x128xf32, #tpu.memory_space<vmem>>) offsets(%dma_start3A_210 : memref<64xi32, #tpu.memory_space<vmem>>) semaphore(%arg13 : memref<!tpu.dma_semaphore, #tpu.memory_space<semaphore_mem>>)
      } else {
      }
      %dma_wait3A_167 = arith.constant 0 : i32
      %dma_wait3A_168 = tpu.memref_slice %arg6[%add3A_159, %dma_wait3A_167] : memref<40x64xi32, #tpu.memory_space<vmem>> -> memref<1x64xi32, #tpu.memory_space<vmem>>
      %dma_wait3A_169 = tpu.memref_squeeze %dma_wait3A_168 : memref<1x64xi32, #tpu.memory_space<vmem>> -> memref<64xi32, #tpu.memory_space<vmem>>
      %dma_wait3A_170 = arith.constant 0 : i32
      %dma_wait3A_171 = arith.constant 0 : i32
      %dma_wait3A_172 = tpu.memref_slice %arg2[%dma_wait3A_170, %dma_wait3A_171] : memref<10000x128xf32, #tpu.memory_space<hbm>> -> memref<10000x128xf32, #tpu.memory_space<hbm>>
      tpu.wait_indirect_dma semaphore(%arg14 : memref<!tpu.dma_semaphore, #tpu.memory_space<semaphore_mem>>) src(%dma_wait3A_172 : memref<10000x128xf32, #tpu.memory_space<hbm>>) dst(%arg9 : memref<64x128xf32, #tpu.memory_space<vmem>>)
      "tpu.region"() ({
        %run_scoped3A = tpu.sem_alloc : memref<!tpu.dma_semaphore, #tpu.memory_space<semaphore_mem>>
        %dma_start3A_208 = arith.constant 0 : i32
        %dma_start3A_209 = tpu.memref_slice %arg7[%add3A_159, %dma_start3A_208] : memref<40x64xi32, #tpu.memory_space<vmem>> -> memref<1x64xi32, #tpu.memory_space<vmem>>
        %dma_start3A_210 = tpu.memref_squeeze %dma_start3A_209 : memref<1x64xi32, #tpu.memory_space<vmem>> -> memref<64xi32, #tpu.memory_space<vmem>>
        %dma_start3A_211 = arith.constant 0 : i32
        %dma_start3A_212 = arith.constant 0 : i32
        %dma_start3A_213 = tpu.memref_slice %arg12[%dma_start3A_211, %dma_start3A_212] : memref<10240x128xf32, #tpu.memory_space<vmem_shared>> -> memref<10240x128xf32, #tpu.memory_space<vmem_shared>>
        tpu.enqueue_indirect_dma source(%arg9 : memref<64x128xf32, #tpu.memory_space<vmem>>) target(%dma_start3A_213 : memref<10240x128xf32, #tpu.memory_space<vmem_shared>>) offsets(%dma_start3A_210 : memref<64xi32, #tpu.memory_space<vmem>>) semaphore(%run_scoped3A : memref<!tpu.dma_semaphore, #tpu.memory_space<semaphore_mem>>) {add = true}
        %dma_wait3A_214 = arith.constant 0 : i32
        %dma_wait3A_215 = tpu.memref_slice %arg7[%add3A_159, %dma_wait3A_214] : memref<40x64xi32, #tpu.memory_space<vmem>> -> memref<1x64xi32, #tpu.memory_space<vmem>>
        %dma_wait3A_216 = tpu.memref_squeeze %dma_wait3A_215 : memref<1x64xi32, #tpu.memory_space<vmem>> -> memref<64xi32, #tpu.memory_space<vmem>>
        %dma_wait3A_217 = arith.constant 0 : i32
        %dma_wait3A_218 = arith.constant 0 : i32
        %dma_wait3A_219 = tpu.memref_slice %arg12[%dma_wait3A_217, %dma_wait3A_218] : memref<10240x128xf32, #tpu.memory_space<vmem_shared>> -> memref<10240x128xf32, #tpu.memory_space<vmem_shared>>
        tpu.wait_indirect_dma semaphore(%run_scoped3A : memref<!tpu.dma_semaphore, #tpu.memory_space<semaphore_mem>>) src(%arg9 : memref<64x128xf32, #tpu.memory_space<vmem>>) dst(%dma_wait3A_219 : memref<10240x128xf32, #tpu.memory_space<vmem_shared>>)
        tpu.yield
      }) : () -> ()
      %mul3A_173 = arith.constant 4 : i32
      %mul3A_174 = arith.muli %mul3A_173, %scan3A_141 : i32
      %add3A_175 = arith.constant 2 : i32
      %add3A_176 = arith.addi %mul3A_174, %add3A_175 : i32
      %add3A_177 = arith.constant 3 : i32
      %add3A_178 = arith.addi %add3A_176, %add3A_177 : i32
      %lt3A_179 = arith.constant 40 : i32
      %lt3A_180 = arith.cmpi slt, %add3A_178, %lt3A_179 : i32
      %convert_element_type3A_181 = arith.extui %lt3A_180 : i1 to i32
      %cond3A_182 = arith.constant 0 : i32
      %cond3A_183 = arith.cmpi ne, %convert_element_type3A_181, %cond3A_182 : i32
      scf.if %cond3A_183 {
        %dma_start3A_208 = arith.constant 0 : i32
        %dma_start3A_209 = tpu.memref_slice %arg6[%add3A_178, %dma_start3A_208] : memref<40x64xi32, #tpu.memory_space<vmem>> -> memref<1x64xi32, #tpu.memory_space<vmem>>
        %dma_start3A_210 = tpu.memref_squeeze %dma_start3A_209 : memref<1x64xi32, #tpu.memory_space<vmem>> -> memref<64xi32, #tpu.memory_space<vmem>>
        %dma_start3A_211 = arith.constant 0 : i32
        %dma_start3A_212 = arith.constant 0 : i32
        %dma_start3A_213 = tpu.memref_slice %arg2[%dma_start3A_211, %dma_start3A_212] : memref<10000x128xf32, #tpu.memory_space<hbm>> -> memref<10000x128xf32, #tpu.memory_space<hbm>>
        tpu.enqueue_indirect_dma source(%dma_start3A_213 : memref<10000x128xf32, #tpu.memory_space<hbm>>) target(%arg9 : memref<64x128xf32, #tpu.memory_space<vmem>>) offsets(%dma_start3A_210 : memref<64xi32, #tpu.memory_space<vmem>>) semaphore(%arg14 : memref<!tpu.dma_semaphore, #tpu.memory_space<semaphore_mem>>)
      } else {
      }
      %dma_wait3A_184 = arith.constant 0 : i32
      %dma_wait3A_185 = tpu.memref_slice %arg6[%add3A_176, %dma_wait3A_184] : memref<40x64xi32, #tpu.memory_space<vmem>> -> memref<1x64xi32, #tpu.memory_space<vmem>>
      %dma_wait3A_186 = tpu.memref_squeeze %dma_wait3A_185 : memref<1x64xi32, #tpu.memory_space<vmem>> -> memref<64xi32, #tpu.memory_space<vmem>>
      %dma_wait3A_187 = arith.constant 0 : i32
      %dma_wait3A_188 = arith.constant 0 : i32
      %dma_wait3A_189 = tpu.memref_slice %arg2[%dma_wait3A_187, %dma_wait3A_188] : memref<10000x128xf32, #tpu.memory_space<hbm>> -> memref<10000x128xf32, #tpu.memory_space<hbm>>
      tpu.wait_indirect_dma semaphore(%arg15 : memref<!tpu.dma_semaphore, #tpu.memory_space<semaphore_mem>>) src(%dma_wait3A_189 : memref<10000x128xf32, #tpu.memory_space<hbm>>) dst(%arg10 : memref<64x128xf32, #tpu.memory_space<vmem>>)
      "tpu.region"() ({
        %run_scoped3A = tpu.sem_alloc : memref<!tpu.dma_semaphore, #tpu.memory_space<semaphore_mem>>
        %dma_start3A_208 = arith.constant 0 : i32
        %dma_start3A_209 = tpu.memref_slice %arg7[%add3A_176, %dma_start3A_208] : memref<40x64xi32, #tpu.memory_space<vmem>> -> memref<1x64xi32, #tpu.memory_space<vmem>>
        %dma_start3A_210 = tpu.memref_squeeze %dma_start3A_209 : memref<1x64xi32, #tpu.memory_space<vmem>> -> memref<64xi32, #tpu.memory_space<vmem>>
        %dma_start3A_211 = arith.constant 0 : i32
        %dma_start3A_212 = arith.constant 0 : i32
        %dma_start3A_213 = tpu.memref_slice %arg12[%dma_start3A_211, %dma_start3A_212] : memref<10240x128xf32, #tpu.memory_space<vmem_shared>> -> memref<10240x128xf32, #tpu.memory_space<vmem_shared>>
        tpu.enqueue_indirect_dma source(%arg10 : memref<64x128xf32, #tpu.memory_space<vmem>>) target(%dma_start3A_213 : memref<10240x128xf32, #tpu.memory_space<vmem_shared>>) offsets(%dma_start3A_210 : memref<64xi32, #tpu.memory_space<vmem>>) semaphore(%run_scoped3A : memref<!tpu.dma_semaphore, #tpu.memory_space<semaphore_mem>>) {add = true}
        %dma_wait3A_214 = arith.constant 0 : i32
        %dma_wait3A_215 = tpu.memref_slice %arg7[%add3A_176, %dma_wait3A_214] : memref<40x64xi32, #tpu.memory_space<vmem>> -> memref<1x64xi32, #tpu.memory_space<vmem>>
        %dma_wait3A_216 = tpu.memref_squeeze %dma_wait3A_215 : memref<1x64xi32, #tpu.memory_space<vmem>> -> memref<64xi32, #tpu.memory_space<vmem>>
        %dma_wait3A_217 = arith.constant 0 : i32
        %dma_wait3A_218 = arith.constant 0 : i32
        %dma_wait3A_219 = tpu.memref_slice %arg12[%dma_wait3A_217, %dma_wait3A_218] : memref<10240x128xf32, #tpu.memory_space<vmem_shared>> -> memref<10240x128xf32, #tpu.memory_space<vmem_shared>>
        tpu.wait_indirect_dma semaphore(%run_scoped3A : memref<!tpu.dma_semaphore, #tpu.memory_space<semaphore_mem>>) src(%arg10 : memref<64x128xf32, #tpu.memory_space<vmem>>) dst(%dma_wait3A_219 : memref<10240x128xf32, #tpu.memory_space<vmem_shared>>)
        tpu.yield
      }) : () -> ()
      %mul3A_190 = arith.constant 4 : i32
      %mul3A_191 = arith.muli %mul3A_190, %scan3A_141 : i32
      %add3A_192 = arith.constant 3 : i32
      %add3A_193 = arith.addi %mul3A_191, %add3A_192 : i32
      %add3A_194 = arith.constant 3 : i32
      %add3A_195 = arith.addi %add3A_193, %add3A_194 : i32
      %lt3A_196 = arith.constant 40 : i32
      %lt3A_197 = arith.cmpi slt, %add3A_195, %lt3A_196 : i32
      %convert_element_type3A_198 = arith.extui %lt3A_197 : i1 to i32
      %cond3A_199 = arith.constant 0 : i32
      %cond3A_200 = arith.cmpi ne, %convert_element_type3A_198, %cond3A_199 : i32
      scf.if %cond3A_200 {
        %dma_start3A_208 = arith.constant 0 : i32
        %dma_start3A_209 = tpu.memref_slice %arg6[%add3A_195, %dma_start3A_208] : memref<40x64xi32, #tpu.memory_space<vmem>> -> memref<1x64xi32, #tpu.memory_space<vmem>>
        %dma_start3A_210 = tpu.memref_squeeze %dma_start3A_209 : memref<1x64xi32, #tpu.memory_space<vmem>> -> memref<64xi32, #tpu.memory_space<vmem>>
        %dma_start3A_211 = arith.constant 0 : i32
        %dma_start3A_212 = arith.constant 0 : i32
        %dma_start3A_213 = tpu.memref_slice %arg2[%dma_start3A_211, %dma_start3A_212] : memref<10000x128xf32, #tpu.memory_space<hbm>> -> memref<10000x128xf32, #tpu.memory_space<hbm>>
        tpu.enqueue_indirect_dma source(%dma_start3A_213 : memref<10000x128xf32, #tpu.memory_space<hbm>>) target(%arg10 : memref<64x128xf32, #tpu.memory_space<vmem>>) offsets(%dma_start3A_210 : memref<64xi32, #tpu.memory_space<vmem>>) semaphore(%arg15 : memref<!tpu.dma_semaphore, #tpu.memory_space<semaphore_mem>>)
      } else {
      }
      %dma_wait3A_201 = arith.constant 0 : i32
      %dma_wait3A_202 = tpu.memref_slice %arg6[%add3A_193, %dma_wait3A_201] : memref<40x64xi32, #tpu.memory_space<vmem>> -> memref<1x64xi32, #tpu.memory_space<vmem>>
      %dma_wait3A_203 = tpu.memref_squeeze %dma_wait3A_202 : memref<1x64xi32, #tpu.memory_space<vmem>> -> memref<64xi32, #tpu.memory_space<vmem>>
      %dma_wait3A_204 = arith.constant 0 : i32
      %dma_wait3A_205 = arith.constant 0 : i32
      %dma_wait3A_206 = tpu.memref_slice %arg2[%dma_wait3A_204, %dma_wait3A_205] : memref<10000x128xf32, #tpu.memory_space<hbm>> -> memref<10000x128xf32, #tpu.memory_space<hbm>>
      tpu.wait_indirect_dma semaphore(%arg16 : memref<!tpu.dma_semaphore, #tpu.memory_space<semaphore_mem>>) src(%dma_wait3A_206 : memref<10000x128xf32, #tpu.memory_space<hbm>>) dst(%arg11 : memref<64x128xf32, #tpu.memory_space<vmem>>)
      "tpu.region"() ({
        %run_scoped3A = tpu.sem_alloc : memref<!tpu.dma_semaphore, #tpu.memory_space<semaphore_mem>>
        %dma_start3A_208 = arith.constant 0 : i32
        %dma_start3A_209 = tpu.memref_slice %arg7[%add3A_193, %dma_start3A_208] : memref<40x64xi32, #tpu.memory_space<vmem>> -> memref<1x64xi32, #tpu.memory_space<vmem>>
        %dma_start3A_210 = tpu.memref_squeeze %dma_start3A_209 : memref<1x64xi32, #tpu.memory_space<vmem>> -> memref<64xi32, #tpu.memory_space<vmem>>
        %dma_start3A_211 = arith.constant 0 : i32
        %dma_start3A_212 = arith.constant 0 : i32
        %dma_start3A_213 = tpu.memref_slice %arg12[%dma_start3A_211, %dma_start3A_212] : memref<10240x128xf32, #tpu.memory_space<vmem_shared>> -> memref<10240x128xf32, #tpu.memory_space<vmem_shared>>
        tpu.enqueue_indirect_dma source(%arg11 : memref<64x128xf32, #tpu.memory_space<vmem>>) target(%dma_start3A_213 : memref<10240x128xf32, #tpu.memory_space<vmem_shared>>) offsets(%dma_start3A_210 : memref<64xi32, #tpu.memory_space<vmem>>) semaphore(%run_scoped3A : memref<!tpu.dma_semaphore, #tpu.memory_space<semaphore_mem>>) {add = true}
        %dma_wait3A_214 = arith.constant 0 : i32
        %dma_wait3A_215 = tpu.memref_slice %arg7[%add3A_193, %dma_wait3A_214] : memref<40x64xi32, #tpu.memory_space<vmem>> -> memref<1x64xi32, #tpu.memory_space<vmem>>
        %dma_wait3A_216 = tpu.memref_squeeze %dma_wait3A_215 : memref<1x64xi32, #tpu.memory_space<vmem>> -> memref<64xi32, #tpu.memory_space<vmem>>
        %dma_wait3A_217 = arith.constant 0 : i32
        %dma_wait3A_218 = arith.constant 0 : i32
        %dma_wait3A_219 = tpu.memref_slice %arg12[%dma_wait3A_217, %dma_wait3A_218] : memref<10240x128xf32, #tpu.memory_space<vmem_shared>> -> memref<10240x128xf32, #tpu.memory_space<vmem_shared>>
        tpu.wait_indirect_dma semaphore(%run_scoped3A : memref<!tpu.dma_semaphore, #tpu.memory_space<semaphore_mem>>) src(%arg11 : memref<64x128xf32, #tpu.memory_space<vmem>>) dst(%dma_wait3A_219 : memref<10240x128xf32, #tpu.memory_space<vmem_shared>>)
        tpu.yield
      }) : () -> ()
      %scan3A_207 = arith.constant 0 : i32
      scf.yield %scan3A_207 : i32
    }
    %scan3A_55 = arith.constant 10 : i32
    "tpu.region"() ({
      %run_scoped3A = tpu.sem_alloc : memref<!tpu.dma_semaphore, #tpu.memory_space<semaphore_mem>>
      %dma_start3A_141 = arith.constant 0 : i32
      %dma_start3A_142 = arith.constant 0 : i32
      %dma_start3A_143 = tpu.memref_slice %arg3[%add3A, %dma_start3A_141, %dma_start3A_142] : memref<32x160x64xi32, #tpu.memory_space<hbm>> -> memref<1x160x64xi32, #tpu.memory_space<hbm>>
      %dma_start3A_144 = tpu.memref_squeeze %dma_start3A_143 : memref<1x160x64xi32, #tpu.memory_space<hbm>> -> memref<160x64xi32, #tpu.memory_space<hbm>>
      %dma_start3A_145 = arith.constant 40 : i32
      %dma_start3A_146 = arith.constant 0 : i32
      %dma_start3A_147 = tpu.memref_slice %dma_start3A_144[%dma_start3A_145, %dma_start3A_146] : memref<160x64xi32, #tpu.memory_space<hbm>> -> memref<40x64xi32, #tpu.memory_space<hbm>>
      %dma_start3A_148 = arith.constant 0 : i32
      %dma_start3A_149 = arith.constant 0 : i32
      %dma_start3A_150 = tpu.memref_slice %arg3[%add3A, %dma_start3A_148, %dma_start3A_149] : memref<32x160x64xi32, #tpu.memory_space<hbm>> -> memref<1x160x64xi32, #tpu.memory_space<hbm>>
      %dma_start3A_151 = tpu.memref_squeeze %dma_start3A_150 : memref<1x160x64xi32, #tpu.memory_space<hbm>> -> memref<160x64xi32, #tpu.memory_space<hbm>>
      %dma_start3A_152 = arith.constant 40 : i32
      %dma_start3A_153 = arith.constant 0 : i32
      %dma_start3A_154 = tpu.memref_slice %dma_start3A_151[%dma_start3A_152, %dma_start3A_153] : memref<160x64xi32, #tpu.memory_space<hbm>> -> memref<40x64xi32, #tpu.memory_space<hbm>>
      tpu.enqueue_dma source(%dma_start3A_154 : memref<40x64xi32, #tpu.memory_space<hbm>>) target(%arg6 : memref<40x64xi32, #tpu.memory_space<vmem>>) target_semaphore(%run_scoped3A : memref<!tpu.dma_semaphore, #tpu.memory_space<semaphore_mem>>)
      %dma_wait3A = arith.constant 0 : i32
      %dma_wait3A_155 = arith.constant 0 : i32
      %dma_wait3A_156 = tpu.memref_slice %arg3[%add3A, %dma_wait3A, %dma_wait3A_155] : memref<32x160x64xi32, #tpu.memory_space<hbm>> -> memref<1x160x64xi32, #tpu.memory_space<hbm>>
      %dma_wait3A_157 = tpu.memref_squeeze %dma_wait3A_156 : memref<1x160x64xi32, #tpu.memory_space<hbm>> -> memref<160x64xi32, #tpu.memory_space<hbm>>
      %dma_wait3A_158 = arith.constant 40 : i32
      %dma_wait3A_159 = arith.constant 0 : i32
      %dma_wait3A_160 = tpu.memref_slice %dma_wait3A_157[%dma_wait3A_158, %dma_wait3A_159] : memref<160x64xi32, #tpu.memory_space<hbm>> -> memref<40x64xi32, #tpu.memory_space<hbm>>
      %dma_wait3A_161 = arith.constant 0 : i32
      %dma_wait3A_162 = arith.constant 0 : i32
      %dma_wait3A_163 = tpu.memref_slice %arg3[%add3A, %dma_wait3A_161, %dma_wait3A_162] : memref<32x160x64xi32, #tpu.memory_space<hbm>> -> memref<1x160x64xi32, #tpu.memory_space<hbm>>
      %dma_wait3A_164 = tpu.memref_squeeze %dma_wait3A_163 : memref<1x160x64xi32, #tpu.memory_space<hbm>> -> memref<160x64xi32, #tpu.memory_space<hbm>>
      %dma_wait3A_165 = arith.constant 40 : i32
      %dma_wait3A_166 = arith.constant 0 : i32
      %dma_wait3A_167 = tpu.memref_slice %dma_wait3A_164[%dma_wait3A_165, %dma_wait3A_166] : memref<160x64xi32, #tpu.memory_space<hbm>> -> memref<40x64xi32, #tpu.memory_space<hbm>>
      tpu.wait_dma2 semaphore(%run_scoped3A : memref<!tpu.dma_semaphore, #tpu.memory_space<semaphore_mem>>) src(%dma_wait3A_167 : memref<40x64xi32, #tpu.memory_space<hbm>>) dst(%arg6 : memref<40x64xi32, #tpu.memory_space<vmem>>)
      tpu.yield
    }) : () -> ()
    "tpu.region"() ({
      %run_scoped3A = tpu.sem_alloc : memref<!tpu.dma_semaphore, #tpu.memory_space<semaphore_mem>>
      %dma_start3A_141 = arith.constant 0 : i32
      %dma_start3A_142 = arith.constant 0 : i32
      %dma_start3A_143 = tpu.memref_slice %arg4[%add3A, %dma_start3A_141, %dma_start3A_142] : memref<32x160x64xi32, #tpu.memory_space<hbm>> -> memref<1x160x64xi32, #tpu.memory_space<hbm>>
      %dma_start3A_144 = tpu.memref_squeeze %dma_start3A_143 : memref<1x160x64xi32, #tpu.memory_space<hbm>> -> memref<160x64xi32, #tpu.memory_space<hbm>>
      %dma_start3A_145 = arith.constant 40 : i32
      %dma_start3A_146 = arith.constant 0 : i32
      %dma_start3A_147 = tpu.memref_slice %dma_start3A_144[%dma_start3A_145, %dma_start3A_146] : memref<160x64xi32, #tpu.memory_space<hbm>> -> memref<40x64xi32, #tpu.memory_space<hbm>>
      %dma_start3A_148 = arith.constant 0 : i32
      %dma_start3A_149 = arith.constant 0 : i32
      %dma_start3A_150 = tpu.memref_slice %arg4[%add3A, %dma_start3A_148, %dma_start3A_149] : memref<32x160x64xi32, #tpu.memory_space<hbm>> -> memref<1x160x64xi32, #tpu.memory_space<hbm>>
      %dma_start3A_151 = tpu.memref_squeeze %dma_start3A_150 : memref<1x160x64xi32, #tpu.memory_space<hbm>> -> memref<160x64xi32, #tpu.memory_space<hbm>>
      %dma_start3A_152 = arith.constant 40 : i32
      %dma_start3A_153 = arith.constant 0 : i32
      %dma_start3A_154 = tpu.memref_slice %dma_start3A_151[%dma_start3A_152, %dma_start3A_153] : memref<160x64xi32, #tpu.memory_space<hbm>> -> memref<40x64xi32, #tpu.memory_space<hbm>>
      tpu.enqueue_dma source(%dma_start3A_154 : memref<40x64xi32, #tpu.memory_space<hbm>>) target(%arg7 : memref<40x64xi32, #tpu.memory_space<vmem>>) target_semaphore(%run_scoped3A : memref<!tpu.dma_semaphore, #tpu.memory_space<semaphore_mem>>)
      %dma_wait3A = arith.constant 0 : i32
      %dma_wait3A_155 = arith.constant 0 : i32
      %dma_wait3A_156 = tpu.memref_slice %arg4[%add3A, %dma_wait3A, %dma_wait3A_155] : memref<32x160x64xi32, #tpu.memory_space<hbm>> -> memref<1x160x64xi32, #tpu.memory_space<hbm>>
      %dma_wait3A_157 = tpu.memref_squeeze %dma_wait3A_156 : memref<1x160x64xi32, #tpu.memory_space<hbm>> -> memref<160x64xi32, #tpu.memory_space<hbm>>
      %dma_wait3A_158 = arith.constant 40 : i32
      %dma_wait3A_159 = arith.constant 0 : i32
      %dma_wait3A_160 = tpu.memref_slice %dma_wait3A_157[%dma_wait3A_158, %dma_wait3A_159] : memref<160x64xi32, #tpu.memory_space<hbm>> -> memref<40x64xi32, #tpu.memory_space<hbm>>
      %dma_wait3A_161 = arith.constant 0 : i32
      %dma_wait3A_162 = arith.constant 0 : i32
      %dma_wait3A_163 = tpu.memref_slice %arg4[%add3A, %dma_wait3A_161, %dma_wait3A_162] : memref<32x160x64xi32, #tpu.memory_space<hbm>> -> memref<1x160x64xi32, #tpu.memory_space<hbm>>
      %dma_wait3A_164 = tpu.memref_squeeze %dma_wait3A_163 : memref<1x160x64xi32, #tpu.memory_space<hbm>> -> memref<160x64xi32, #tpu.memory_space<hbm>>
      %dma_wait3A_165 = arith.constant 40 : i32
      %dma_wait3A_166 = arith.constant 0 : i32
      %dma_wait3A_167 = tpu.memref_slice %dma_wait3A_164[%dma_wait3A_165, %dma_wait3A_166] : memref<160x64xi32, #tpu.memory_space<hbm>> -> memref<40x64xi32, #tpu.memory_space<hbm>>
      tpu.wait_dma2 semaphore(%run_scoped3A : memref<!tpu.dma_semaphore, #tpu.memory_space<semaphore_mem>>) src(%dma_wait3A_167 : memref<40x64xi32, #tpu.memory_space<hbm>>) dst(%arg7 : memref<40x64xi32, #tpu.memory_space<vmem>>)
      tpu.yield
    }) : () -> ()
    %dma_start3A_56 = arith.constant 0 : i32
    %dma_start3A_57 = arith.constant 0 : i32
    %dma_start3A_58 = tpu.memref_slice %arg6[%dma_start3A_56, %dma_start3A_57] : memref<40x64xi32, #tpu.memory_space<vmem>> -> memref<1x64xi32, #tpu.memory_space<vmem>>
    %dma_start3A_59 = tpu.memref_squeeze %dma_start3A_58 : memref<1x64xi32, #tpu.memory_space<vmem>> -> memref<64xi32, #tpu.memory_space<vmem>>
    %dma_start3A_60 = arith.constant 0 : i32
    %dma_start3A_61 = arith.constant 0 : i32
    %dma_start3A_62 = tpu.memref_slice %arg2[%dma_start3A_60, %dma_start3A_61] : memref<10000x128xf32, #tpu.memory_space<hbm>> -> memref<10000x128xf32, #tpu.memory_space<hbm>>
    tpu.enqueue_indirect_dma source(%dma_start3A_62 : memref<10000x128xf32, #tpu.memory_space<hbm>>) target(%arg8 : memref<64x128xf32, #tpu.memory_space<vmem>>) offsets(%dma_start3A_59 : memref<64xi32, #tpu.memory_space<vmem>>) semaphore(%arg13 : memref<!tpu.dma_semaphore, #tpu.memory_space<semaphore_mem>>)
    %dma_start3A_63 = arith.constant 1 : i32
    %dma_start3A_64 = arith.constant 0 : i32
    %dma_start3A_65 = tpu.memref_slice %arg6[%dma_start3A_63, %dma_start3A_64] : memref<40x64xi32, #tpu.memory_space<vmem>> -> memref<1x64xi32, #tpu.memory_space<vmem>>
    %dma_start3A_66 = tpu.memref_squeeze %dma_start3A_65 : memref<1x64xi32, #tpu.memory_space<vmem>> -> memref<64xi32, #tpu.memory_space<vmem>>
    %dma_start3A_67 = arith.constant 0 : i32
    %dma_start3A_68 = arith.constant 0 : i32
    %dma_start3A_69 = tpu.memref_slice %arg2[%dma_start3A_67, %dma_start3A_68] : memref<10000x128xf32, #tpu.memory_space<hbm>> -> memref<10000x128xf32, #tpu.memory_space<hbm>>
    tpu.enqueue_indirect_dma source(%dma_start3A_69 : memref<10000x128xf32, #tpu.memory_space<hbm>>) target(%arg9 : memref<64x128xf32, #tpu.memory_space<vmem>>) offsets(%dma_start3A_66 : memref<64xi32, #tpu.memory_space<vmem>>) semaphore(%arg14 : memref<!tpu.dma_semaphore, #tpu.memory_space<semaphore_mem>>)
    %dma_start3A_70 = arith.constant 2 : i32
    %dma_start3A_71 = arith.constant 0 : i32
    %dma_start3A_72 = tpu.memref_slice %arg6[%dma_start3A_70, %dma_start3A_71] : memref<40x64xi32, #tpu.memory_space<vmem>> -> memref<1x64xi32, #tpu.memory_space<vmem>>
    %dma_start3A_73 = tpu.memref_squeeze %dma_start3A_72 : memref<1x64xi32, #tpu.memory_space<vmem>> -> memref<64xi32, #tpu.memory_space<vmem>>
    %dma_start3A_74 = arith.constant 0 : i32
    %dma_start3A_75 = arith.constant 0 : i32
    %dma_start3A_76 = tpu.memref_slice %arg2[%dma_start3A_74, %dma_start3A_75] : memref<10000x128xf32, #tpu.memory_space<hbm>> -> memref<10000x128xf32, #tpu.memory_space<hbm>>
    tpu.enqueue_indirect_dma source(%dma_start3A_76 : memref<10000x128xf32, #tpu.memory_space<hbm>>) target(%arg10 : memref<64x128xf32, #tpu.memory_space<vmem>>) offsets(%dma_start3A_73 : memref<64xi32, #tpu.memory_space<vmem>>) semaphore(%arg15 : memref<!tpu.dma_semaphore, #tpu.memory_space<semaphore_mem>>)
    %scan3A_77 = arith.constant 0 : i32
    %scan3A_78 = arith.constant 0 : i32
    %scan3A_79 = arith.constant 10 : i32
    %scan3A_80 = arith.addi %scan3A_78, %scan3A_79 : i32
    %scan3A_81 = arith.constant 1 : i32
    %scan3A_82 = scf.for %scan3A_141 = %scan3A_78 to %scan3A_80 step %scan3A_81 iter_args(%scan3A_142 = %scan3A_77) -> (i32)  : i32 {
      %mul3A_143 = arith.constant 4 : i32
      %mul3A_144 = arith.muli %mul3A_143, %scan3A_141 : i32
      %add3A_145 = arith.constant 0 : i32
      %add3A_146 = arith.addi %mul3A_144, %add3A_145 : i32
      %add3A_147 = arith.constant 3 : i32
      %add3A_148 = arith.addi %add3A_146, %add3A_147 : i32
      %lt3A = arith.constant 40 : i32
      %lt3A_149 = arith.cmpi slt, %add3A_148, %lt3A : i32
      %convert_element_type3A = arith.extui %lt3A_149 : i1 to i32
      %cond3A = arith.constant 0 : i32
      %cond3A_150 = arith.cmpi ne, %convert_element_type3A, %cond3A : i32
      scf.if %cond3A_150 {
        %dma_start3A_208 = arith.constant 0 : i32
        %dma_start3A_209 = tpu.memref_slice %arg6[%add3A_148, %dma_start3A_208] : memref<40x64xi32, #tpu.memory_space<vmem>> -> memref<1x64xi32, #tpu.memory_space<vmem>>
        %dma_start3A_210 = tpu.memref_squeeze %dma_start3A_209 : memref<1x64xi32, #tpu.memory_space<vmem>> -> memref<64xi32, #tpu.memory_space<vmem>>
        %dma_start3A_211 = arith.constant 0 : i32
        %dma_start3A_212 = arith.constant 0 : i32
        %dma_start3A_213 = tpu.memref_slice %arg2[%dma_start3A_211, %dma_start3A_212] : memref<10000x128xf32, #tpu.memory_space<hbm>> -> memref<10000x128xf32, #tpu.memory_space<hbm>>
        tpu.enqueue_indirect_dma source(%dma_start3A_213 : memref<10000x128xf32, #tpu.memory_space<hbm>>) target(%arg11 : memref<64x128xf32, #tpu.memory_space<vmem>>) offsets(%dma_start3A_210 : memref<64xi32, #tpu.memory_space<vmem>>) semaphore(%arg16 : memref<!tpu.dma_semaphore, #tpu.memory_space<semaphore_mem>>)
      } else {
      }
      %dma_wait3A = arith.constant 0 : i32
      %dma_wait3A_151 = tpu.memref_slice %arg6[%add3A_146, %dma_wait3A] : memref<40x64xi32, #tpu.memory_space<vmem>> -> memref<1x64xi32, #tpu.memory_space<vmem>>
      %dma_wait3A_152 = tpu.memref_squeeze %dma_wait3A_151 : memref<1x64xi32, #tpu.memory_space<vmem>> -> memref<64xi32, #tpu.memory_space<vmem>>
      %dma_wait3A_153 = arith.constant 0 : i32
      %dma_wait3A_154 = arith.constant 0 : i32
      %dma_wait3A_155 = tpu.memref_slice %arg2[%dma_wait3A_153, %dma_wait3A_154] : memref<10000x128xf32, #tpu.memory_space<hbm>> -> memref<10000x128xf32, #tpu.memory_space<hbm>>
      tpu.wait_indirect_dma semaphore(%arg13 : memref<!tpu.dma_semaphore, #tpu.memory_space<semaphore_mem>>) src(%dma_wait3A_155 : memref<10000x128xf32, #tpu.memory_space<hbm>>) dst(%arg8 : memref<64x128xf32, #tpu.memory_space<vmem>>)
      "tpu.region"() ({
        %run_scoped3A = tpu.sem_alloc : memref<!tpu.dma_semaphore, #tpu.memory_space<semaphore_mem>>
        %dma_start3A_208 = arith.constant 0 : i32
        %dma_start3A_209 = tpu.memref_slice %arg7[%add3A_146, %dma_start3A_208] : memref<40x64xi32, #tpu.memory_space<vmem>> -> memref<1x64xi32, #tpu.memory_space<vmem>>
        %dma_start3A_210 = tpu.memref_squeeze %dma_start3A_209 : memref<1x64xi32, #tpu.memory_space<vmem>> -> memref<64xi32, #tpu.memory_space<vmem>>
        %dma_start3A_211 = arith.constant 0 : i32
        %dma_start3A_212 = arith.constant 0 : i32
        %dma_start3A_213 = tpu.memref_slice %arg12[%dma_start3A_211, %dma_start3A_212] : memref<10240x128xf32, #tpu.memory_space<vmem_shared>> -> memref<10240x128xf32, #tpu.memory_space<vmem_shared>>
        tpu.enqueue_indirect_dma source(%arg8 : memref<64x128xf32, #tpu.memory_space<vmem>>) target(%dma_start3A_213 : memref<10240x128xf32, #tpu.memory_space<vmem_shared>>) offsets(%dma_start3A_210 : memref<64xi32, #tpu.memory_space<vmem>>) semaphore(%run_scoped3A : memref<!tpu.dma_semaphore, #tpu.memory_space<semaphore_mem>>) {add = true}
        %dma_wait3A_214 = arith.constant 0 : i32
        %dma_wait3A_215 = tpu.memref_slice %arg7[%add3A_146, %dma_wait3A_214] : memref<40x64xi32, #tpu.memory_space<vmem>> -> memref<1x64xi32, #tpu.memory_space<vmem>>
        %dma_wait3A_216 = tpu.memref_squeeze %dma_wait3A_215 : memref<1x64xi32, #tpu.memory_space<vmem>> -> memref<64xi32, #tpu.memory_space<vmem>>
        %dma_wait3A_217 = arith.constant 0 : i32
        %dma_wait3A_218 = arith.constant 0 : i32
        %dma_wait3A_219 = tpu.memref_slice %arg12[%dma_wait3A_217, %dma_wait3A_218] : memref<10240x128xf32, #tpu.memory_space<vmem_shared>> -> memref<10240x128xf32, #tpu.memory_space<vmem_shared>>
        tpu.wait_indirect_dma semaphore(%run_scoped3A : memref<!tpu.dma_semaphore, #tpu.memory_space<semaphore_mem>>) src(%arg8 : memref<64x128xf32, #tpu.memory_space<vmem>>) dst(%dma_wait3A_219 : memref<10240x128xf32, #tpu.memory_space<vmem_shared>>)
        tpu.yield
      }) : () -> ()
      %mul3A_156 = arith.constant 4 : i32
      %mul3A_157 = arith.muli %mul3A_156, %scan3A_141 : i32
      %add3A_158 = arith.constant 1 : i32
      %add3A_159 = arith.addi %mul3A_157, %add3A_158 : i32
      %add3A_160 = arith.constant 3 : i32
      %add3A_161 = arith.addi %add3A_159, %add3A_160 : i32
      %lt3A_162 = arith.constant 40 : i32
      %lt3A_163 = arith.cmpi slt, %add3A_161, %lt3A_162 : i32
      %convert_element_type3A_164 = arith.extui %lt3A_163 : i1 to i32
      %cond3A_165 = arith.constant 0 : i32
      %cond3A_166 = arith.cmpi ne, %convert_element_type3A_164, %cond3A_165 : i32
      scf.if %cond3A_166 {
        %dma_start3A_208 = arith.constant 0 : i32
        %dma_start3A_209 = tpu.memref_slice %arg6[%add3A_161, %dma_start3A_208] : memref<40x64xi32, #tpu.memory_space<vmem>> -> memref<1x64xi32, #tpu.memory_space<vmem>>
        %dma_start3A_210 = tpu.memref_squeeze %dma_start3A_209 : memref<1x64xi32, #tpu.memory_space<vmem>> -> memref<64xi32, #tpu.memory_space<vmem>>
        %dma_start3A_211 = arith.constant 0 : i32
        %dma_start3A_212 = arith.constant 0 : i32
        %dma_start3A_213 = tpu.memref_slice %arg2[%dma_start3A_211, %dma_start3A_212] : memref<10000x128xf32, #tpu.memory_space<hbm>> -> memref<10000x128xf32, #tpu.memory_space<hbm>>
        tpu.enqueue_indirect_dma source(%dma_start3A_213 : memref<10000x128xf32, #tpu.memory_space<hbm>>) target(%arg8 : memref<64x128xf32, #tpu.memory_space<vmem>>) offsets(%dma_start3A_210 : memref<64xi32, #tpu.memory_space<vmem>>) semaphore(%arg13 : memref<!tpu.dma_semaphore, #tpu.memory_space<semaphore_mem>>)
      } else {
      }
      %dma_wait3A_167 = arith.constant 0 : i32
      %dma_wait3A_168 = tpu.memref_slice %arg6[%add3A_159, %dma_wait3A_167] : memref<40x64xi32, #tpu.memory_space<vmem>> -> memref<1x64xi32, #tpu.memory_space<vmem>>
      %dma_wait3A_169 = tpu.memref_squeeze %dma_wait3A_168 : memref<1x64xi32, #tpu.memory_space<vmem>> -> memref<64xi32, #tpu.memory_space<vmem>>
      %dma_wait3A_170 = arith.constant 0 : i32
      %dma_wait3A_171 = arith.constant 0 : i32
      %dma_wait3A_172 = tpu.memref_slice %arg2[%dma_wait3A_170, %dma_wait3A_171] : memref<10000x128xf32, #tpu.memory_space<hbm>> -> memref<10000x128xf32, #tpu.memory_space<hbm>>
      tpu.wait_indirect_dma semaphore(%arg14 : memref<!tpu.dma_semaphore, #tpu.memory_space<semaphore_mem>>) src(%dma_wait3A_172 : memref<10000x128xf32, #tpu.memory_space<hbm>>) dst(%arg9 : memref<64x128xf32, #tpu.memory_space<vmem>>)
      "tpu.region"() ({
        %run_scoped3A = tpu.sem_alloc : memref<!tpu.dma_semaphore, #tpu.memory_space<semaphore_mem>>
        %dma_start3A_208 = arith.constant 0 : i32
        %dma_start3A_209 = tpu.memref_slice %arg7[%add3A_159, %dma_start3A_208] : memref<40x64xi32, #tpu.memory_space<vmem>> -> memref<1x64xi32, #tpu.memory_space<vmem>>
        %dma_start3A_210 = tpu.memref_squeeze %dma_start3A_209 : memref<1x64xi32, #tpu.memory_space<vmem>> -> memref<64xi32, #tpu.memory_space<vmem>>
        %dma_start3A_211 = arith.constant 0 : i32
        %dma_start3A_212 = arith.constant 0 : i32
        %dma_start3A_213 = tpu.memref_slice %arg12[%dma_start3A_211, %dma_start3A_212] : memref<10240x128xf32, #tpu.memory_space<vmem_shared>> -> memref<10240x128xf32, #tpu.memory_space<vmem_shared>>
        tpu.enqueue_indirect_dma source(%arg9 : memref<64x128xf32, #tpu.memory_space<vmem>>) target(%dma_start3A_213 : memref<10240x128xf32, #tpu.memory_space<vmem_shared>>) offsets(%dma_start3A_210 : memref<64xi32, #tpu.memory_space<vmem>>) semaphore(%run_scoped3A : memref<!tpu.dma_semaphore, #tpu.memory_space<semaphore_mem>>) {add = true}
        %dma_wait3A_214 = arith.constant 0 : i32
        %dma_wait3A_215 = tpu.memref_slice %arg7[%add3A_159, %dma_wait3A_214] : memref<40x64xi32, #tpu.memory_space<vmem>> -> memref<1x64xi32, #tpu.memory_space<vmem>>
        %dma_wait3A_216 = tpu.memref_squeeze %dma_wait3A_215 : memref<1x64xi32, #tpu.memory_space<vmem>> -> memref<64xi32, #tpu.memory_space<vmem>>
        %dma_wait3A_217 = arith.constant 0 : i32
        %dma_wait3A_218 = arith.constant 0 : i32
        %dma_wait3A_219 = tpu.memref_slice %arg12[%dma_wait3A_217, %dma_wait3A_218] : memref<10240x128xf32, #tpu.memory_space<vmem_shared>> -> memref<10240x128xf32, #tpu.memory_space<vmem_shared>>
        tpu.wait_indirect_dma semaphore(%run_scoped3A : memref<!tpu.dma_semaphore, #tpu.memory_space<semaphore_mem>>) src(%arg9 : memref<64x128xf32, #tpu.memory_space<vmem>>) dst(%dma_wait3A_219 : memref<10240x128xf32, #tpu.memory_space<vmem_shared>>)
        tpu.yield
      }) : () -> ()
      %mul3A_173 = arith.constant 4 : i32
      %mul3A_174 = arith.muli %mul3A_173, %scan3A_141 : i32
      %add3A_175 = arith.constant 2 : i32
      %add3A_176 = arith.addi %mul3A_174, %add3A_175 : i32
      %add3A_177 = arith.constant 3 : i32
      %add3A_178 = arith.addi %add3A_176, %add3A_177 : i32
      %lt3A_179 = arith.constant 40 : i32
      %lt3A_180 = arith.cmpi slt, %add3A_178, %lt3A_179 : i32
      %convert_element_type3A_181 = arith.extui %lt3A_180 : i1 to i32
      %cond3A_182 = arith.constant 0 : i32
      %cond3A_183 = arith.cmpi ne, %convert_element_type3A_181, %cond3A_182 : i32
      scf.if %cond3A_183 {
        %dma_start3A_208 = arith.constant 0 : i32
        %dma_start3A_209 = tpu.memref_slice %arg6[%add3A_178, %dma_start3A_208] : memref<40x64xi32, #tpu.memory_space<vmem>> -> memref<1x64xi32, #tpu.memory_space<vmem>>
        %dma_start3A_210 = tpu.memref_squeeze %dma_start3A_209 : memref<1x64xi32, #tpu.memory_space<vmem>> -> memref<64xi32, #tpu.memory_space<vmem>>
        %dma_start3A_211 = arith.constant 0 : i32
        %dma_start3A_212 = arith.constant 0 : i32
        %dma_start3A_213 = tpu.memref_slice %arg2[%dma_start3A_211, %dma_start3A_212] : memref<10000x128xf32, #tpu.memory_space<hbm>> -> memref<10000x128xf32, #tpu.memory_space<hbm>>
        tpu.enqueue_indirect_dma source(%dma_start3A_213 : memref<10000x128xf32, #tpu.memory_space<hbm>>) target(%arg9 : memref<64x128xf32, #tpu.memory_space<vmem>>) offsets(%dma_start3A_210 : memref<64xi32, #tpu.memory_space<vmem>>) semaphore(%arg14 : memref<!tpu.dma_semaphore, #tpu.memory_space<semaphore_mem>>)
      } else {
      }
      %dma_wait3A_184 = arith.constant 0 : i32
      %dma_wait3A_185 = tpu.memref_slice %arg6[%add3A_176, %dma_wait3A_184] : memref<40x64xi32, #tpu.memory_space<vmem>> -> memref<1x64xi32, #tpu.memory_space<vmem>>
      %dma_wait3A_186 = tpu.memref_squeeze %dma_wait3A_185 : memref<1x64xi32, #tpu.memory_space<vmem>> -> memref<64xi32, #tpu.memory_space<vmem>>
      %dma_wait3A_187 = arith.constant 0 : i32
      %dma_wait3A_188 = arith.constant 0 : i32
      %dma_wait3A_189 = tpu.memref_slice %arg2[%dma_wait3A_187, %dma_wait3A_188] : memref<10000x128xf32, #tpu.memory_space<hbm>> -> memref<10000x128xf32, #tpu.memory_space<hbm>>
      tpu.wait_indirect_dma semaphore(%arg15 : memref<!tpu.dma_semaphore, #tpu.memory_space<semaphore_mem>>) src(%dma_wait3A_189 : memref<10000x128xf32, #tpu.memory_space<hbm>>) dst(%arg10 : memref<64x128xf32, #tpu.memory_space<vmem>>)
      "tpu.region"() ({
        %run_scoped3A = tpu.sem_alloc : memref<!tpu.dma_semaphore, #tpu.memory_space<semaphore_mem>>
        %dma_start3A_208 = arith.constant 0 : i32
        %dma_start3A_209 = tpu.memref_slice %arg7[%add3A_176, %dma_start3A_208] : memref<40x64xi32, #tpu.memory_space<vmem>> -> memref<1x64xi32, #tpu.memory_space<vmem>>
        %dma_start3A_210 = tpu.memref_squeeze %dma_start3A_209 : memref<1x64xi32, #tpu.memory_space<vmem>> -> memref<64xi32, #tpu.memory_space<vmem>>
        %dma_start3A_211 = arith.constant 0 : i32
        %dma_start3A_212 = arith.constant 0 : i32
        %dma_start3A_213 = tpu.memref_slice %arg12[%dma_start3A_211, %dma_start3A_212] : memref<10240x128xf32, #tpu.memory_space<vmem_shared>> -> memref<10240x128xf32, #tpu.memory_space<vmem_shared>>
        tpu.enqueue_indirect_dma source(%arg10 : memref<64x128xf32, #tpu.memory_space<vmem>>) target(%dma_start3A_213 : memref<10240x128xf32, #tpu.memory_space<vmem_shared>>) offsets(%dma_start3A_210 : memref<64xi32, #tpu.memory_space<vmem>>) semaphore(%run_scoped3A : memref<!tpu.dma_semaphore, #tpu.memory_space<semaphore_mem>>) {add = true}
        %dma_wait3A_214 = arith.constant 0 : i32
        %dma_wait3A_215 = tpu.memref_slice %arg7[%add3A_176, %dma_wait3A_214] : memref<40x64xi32, #tpu.memory_space<vmem>> -> memref<1x64xi32, #tpu.memory_space<vmem>>
        %dma_wait3A_216 = tpu.memref_squeeze %dma_wait3A_215 : memref<1x64xi32, #tpu.memory_space<vmem>> -> memref<64xi32, #tpu.memory_space<vmem>>
        %dma_wait3A_217 = arith.constant 0 : i32
        %dma_wait3A_218 = arith.constant 0 : i32
        %dma_wait3A_219 = tpu.memref_slice %arg12[%dma_wait3A_217, %dma_wait3A_218] : memref<10240x128xf32, #tpu.memory_space<vmem_shared>> -> memref<10240x128xf32, #tpu.memory_space<vmem_shared>>
        tpu.wait_indirect_dma semaphore(%run_scoped3A : memref<!tpu.dma_semaphore, #tpu.memory_space<semaphore_mem>>) src(%arg10 : memref<64x128xf32, #tpu.memory_space<vmem>>) dst(%dma_wait3A_219 : memref<10240x128xf32, #tpu.memory_space<vmem_shared>>)
        tpu.yield
      }) : () -> ()
      %mul3A_190 = arith.constant 4 : i32
      %mul3A_191 = arith.muli %mul3A_190, %scan3A_141 : i32
      %add3A_192 = arith.constant 3 : i32
      %add3A_193 = arith.addi %mul3A_191, %add3A_192 : i32
      %add3A_194 = arith.constant 3 : i32
      %add3A_195 = arith.addi %add3A_193, %add3A_194 : i32
      %lt3A_196 = arith.constant 40 : i32
      %lt3A_197 = arith.cmpi slt, %add3A_195, %lt3A_196 : i32
      %convert_element_type3A_198 = arith.extui %lt3A_197 : i1 to i32
      %cond3A_199 = arith.constant 0 : i32
      %cond3A_200 = arith.cmpi ne, %convert_element_type3A_198, %cond3A_199 : i32
      scf.if %cond3A_200 {
        %dma_start3A_208 = arith.constant 0 : i32
        %dma_start3A_209 = tpu.memref_slice %arg6[%add3A_195, %dma_start3A_208] : memref<40x64xi32, #tpu.memory_space<vmem>> -> memref<1x64xi32, #tpu.memory_space<vmem>>
        %dma_start3A_210 = tpu.memref_squeeze %dma_start3A_209 : memref<1x64xi32, #tpu.memory_space<vmem>> -> memref<64xi32, #tpu.memory_space<vmem>>
        %dma_start3A_211 = arith.constant 0 : i32
        %dma_start3A_212 = arith.constant 0 : i32
        %dma_start3A_213 = tpu.memref_slice %arg2[%dma_start3A_211, %dma_start3A_212] : memref<10000x128xf32, #tpu.memory_space<hbm>> -> memref<10000x128xf32, #tpu.memory_space<hbm>>
        tpu.enqueue_indirect_dma source(%dma_start3A_213 : memref<10000x128xf32, #tpu.memory_space<hbm>>) target(%arg10 : memref<64x128xf32, #tpu.memory_space<vmem>>) offsets(%dma_start3A_210 : memref<64xi32, #tpu.memory_space<vmem>>) semaphore(%arg15 : memref<!tpu.dma_semaphore, #tpu.memory_space<semaphore_mem>>)
      } else {
      }
      %dma_wait3A_201 = arith.constant 0 : i32
      %dma_wait3A_202 = tpu.memref_slice %arg6[%add3A_193, %dma_wait3A_201] : memref<40x64xi32, #tpu.memory_space<vmem>> -> memref<1x64xi32, #tpu.memory_space<vmem>>
      %dma_wait3A_203 = tpu.memref_squeeze %dma_wait3A_202 : memref<1x64xi32, #tpu.memory_space<vmem>> -> memref<64xi32, #tpu.memory_space<vmem>>
      %dma_wait3A_204 = arith.constant 0 : i32
      %dma_wait3A_205 = arith.constant 0 : i32
      %dma_wait3A_206 = tpu.memref_slice %arg2[%dma_wait3A_204, %dma_wait3A_205] : memref<10000x128xf32, #tpu.memory_space<hbm>> -> memref<10000x128xf32, #tpu.memory_space<hbm>>
      tpu.wait_indirect_dma semaphore(%arg16 : memref<!tpu.dma_semaphore, #tpu.memory_space<semaphore_mem>>) src(%dma_wait3A_206 : memref<10000x128xf32, #tpu.memory_space<hbm>>) dst(%arg11 : memref<64x128xf32, #tpu.memory_space<vmem>>)
      "tpu.region"() ({
        %run_scoped3A = tpu.sem_alloc : memref<!tpu.dma_semaphore, #tpu.memory_space<semaphore_mem>>
        %dma_start3A_208 = arith.constant 0 : i32
        %dma_start3A_209 = tpu.memref_slice %arg7[%add3A_193, %dma_start3A_208] : memref<40x64xi32, #tpu.memory_space<vmem>> -> memref<1x64xi32, #tpu.memory_space<vmem>>
        %dma_start3A_210 = tpu.memref_squeeze %dma_start3A_209 : memref<1x64xi32, #tpu.memory_space<vmem>> -> memref<64xi32, #tpu.memory_space<vmem>>
        %dma_start3A_211 = arith.constant 0 : i32
        %dma_start3A_212 = arith.constant 0 : i32
        %dma_start3A_213 = tpu.memref_slice %arg12[%dma_start3A_211, %dma_start3A_212] : memref<10240x128xf32, #tpu.memory_space<vmem_shared>> -> memref<10240x128xf32, #tpu.memory_space<vmem_shared>>
        tpu.enqueue_indirect_dma source(%arg11 : memref<64x128xf32, #tpu.memory_space<vmem>>) target(%dma_start3A_213 : memref<10240x128xf32, #tpu.memory_space<vmem_shared>>) offsets(%dma_start3A_210 : memref<64xi32, #tpu.memory_space<vmem>>) semaphore(%run_scoped3A : memref<!tpu.dma_semaphore, #tpu.memory_space<semaphore_mem>>) {add = true}
        %dma_wait3A_214 = arith.constant 0 : i32
        %dma_wait3A_215 = tpu.memref_slice %arg7[%add3A_193, %dma_wait3A_214] : memref<40x64xi32, #tpu.memory_space<vmem>> -> memref<1x64xi32, #tpu.memory_space<vmem>>
        %dma_wait3A_216 = tpu.memref_squeeze %dma_wait3A_215 : memref<1x64xi32, #tpu.memory_space<vmem>> -> memref<64xi32, #tpu.memory_space<vmem>>
        %dma_wait3A_217 = arith.constant 0 : i32
        %dma_wait3A_218 = arith.constant 0 : i32
        %dma_wait3A_219 = tpu.memref_slice %arg12[%dma_wait3A_217, %dma_wait3A_218] : memref<10240x128xf32, #tpu.memory_space<vmem_shared>> -> memref<10240x128xf32, #tpu.memory_space<vmem_shared>>
        tpu.wait_indirect_dma semaphore(%run_scoped3A : memref<!tpu.dma_semaphore, #tpu.memory_space<semaphore_mem>>) src(%arg11 : memref<64x128xf32, #tpu.memory_space<vmem>>) dst(%dma_wait3A_219 : memref<10240x128xf32, #tpu.memory_space<vmem_shared>>)
        tpu.yield
      }) : () -> ()
      %scan3A_207 = arith.constant 0 : i32
      scf.yield %scan3A_207 : i32
    }
    %scan3A_83 = arith.constant 10 : i32
    "tpu.region"() ({
      %run_scoped3A = tpu.sem_alloc : memref<!tpu.dma_semaphore, #tpu.memory_space<semaphore_mem>>
      %dma_start3A_141 = arith.constant 0 : i32
      %dma_start3A_142 = arith.constant 0 : i32
      %dma_start3A_143 = tpu.memref_slice %arg3[%add3A, %dma_start3A_141, %dma_start3A_142] : memref<32x160x64xi32, #tpu.memory_space<hbm>> -> memref<1x160x64xi32, #tpu.memory_space<hbm>>
      %dma_start3A_144 = tpu.memref_squeeze %dma_start3A_143 : memref<1x160x64xi32, #tpu.memory_space<hbm>> -> memref<160x64xi32, #tpu.memory_space<hbm>>
      %dma_start3A_145 = arith.constant 80 : i32
      %dma_start3A_146 = arith.constant 0 : i32
      %dma_start3A_147 = tpu.memref_slice %dma_start3A_144[%dma_start3A_145, %dma_start3A_146] : memref<160x64xi32, #tpu.memory_space<hbm>> -> memref<40x64xi32, #tpu.memory_space<hbm>>
      %dma_start3A_148 = arith.constant 0 : i32
      %dma_start3A_149 = arith.constant 0 : i32
      %dma_start3A_150 = tpu.memref_slice %arg3[%add3A, %dma_start3A_148, %dma_start3A_149] : memref<32x160x64xi32, #tpu.memory_space<hbm>> -> memref<1x160x64xi32, #tpu.memory_space<hbm>>
      %dma_start3A_151 = tpu.memref_squeeze %dma_start3A_150 : memref<1x160x64xi32, #tpu.memory_space<hbm>> -> memref<160x64xi32, #tpu.memory_space<hbm>>
      %dma_start3A_152 = arith.constant 80 : i32
      %dma_start3A_153 = arith.constant 0 : i32
      %dma_start3A_154 = tpu.memref_slice %dma_start3A_151[%dma_start3A_152, %dma_start3A_153] : memref<160x64xi32, #tpu.memory_space<hbm>> -> memref<40x64xi32, #tpu.memory_space<hbm>>
      tpu.enqueue_dma source(%dma_start3A_154 : memref<40x64xi32, #tpu.memory_space<hbm>>) target(%arg6 : memref<40x64xi32, #tpu.memory_space<vmem>>) target_semaphore(%run_scoped3A : memref<!tpu.dma_semaphore, #tpu.memory_space<semaphore_mem>>)
      %dma_wait3A = arith.constant 0 : i32
      %dma_wait3A_155 = arith.constant 0 : i32
      %dma_wait3A_156 = tpu.memref_slice %arg3[%add3A, %dma_wait3A, %dma_wait3A_155] : memref<32x160x64xi32, #tpu.memory_space<hbm>> -> memref<1x160x64xi32, #tpu.memory_space<hbm>>
      %dma_wait3A_157 = tpu.memref_squeeze %dma_wait3A_156 : memref<1x160x64xi32, #tpu.memory_space<hbm>> -> memref<160x64xi32, #tpu.memory_space<hbm>>
      %dma_wait3A_158 = arith.constant 80 : i32
      %dma_wait3A_159 = arith.constant 0 : i32
      %dma_wait3A_160 = tpu.memref_slice %dma_wait3A_157[%dma_wait3A_158, %dma_wait3A_159] : memref<160x64xi32, #tpu.memory_space<hbm>> -> memref<40x64xi32, #tpu.memory_space<hbm>>
      %dma_wait3A_161 = arith.constant 0 : i32
      %dma_wait3A_162 = arith.constant 0 : i32
      %dma_wait3A_163 = tpu.memref_slice %arg3[%add3A, %dma_wait3A_161, %dma_wait3A_162] : memref<32x160x64xi32, #tpu.memory_space<hbm>> -> memref<1x160x64xi32, #tpu.memory_space<hbm>>
      %dma_wait3A_164 = tpu.memref_squeeze %dma_wait3A_163 : memref<1x160x64xi32, #tpu.memory_space<hbm>> -> memref<160x64xi32, #tpu.memory_space<hbm>>
      %dma_wait3A_165 = arith.constant 80 : i32
      %dma_wait3A_166 = arith.constant 0 : i32
      %dma_wait3A_167 = tpu.memref_slice %dma_wait3A_164[%dma_wait3A_165, %dma_wait3A_166] : memref<160x64xi32, #tpu.memory_space<hbm>> -> memref<40x64xi32, #tpu.memory_space<hbm>>
      tpu.wait_dma2 semaphore(%run_scoped3A : memref<!tpu.dma_semaphore, #tpu.memory_space<semaphore_mem>>) src(%dma_wait3A_167 : memref<40x64xi32, #tpu.memory_space<hbm>>) dst(%arg6 : memref<40x64xi32, #tpu.memory_space<vmem>>)
      tpu.yield
    }) : () -> ()
    "tpu.region"() ({
      %run_scoped3A = tpu.sem_alloc : memref<!tpu.dma_semaphore, #tpu.memory_space<semaphore_mem>>
      %dma_start3A_141 = arith.constant 0 : i32
      %dma_start3A_142 = arith.constant 0 : i32
      %dma_start3A_143 = tpu.memref_slice %arg4[%add3A, %dma_start3A_141, %dma_start3A_142] : memref<32x160x64xi32, #tpu.memory_space<hbm>> -> memref<1x160x64xi32, #tpu.memory_space<hbm>>
      %dma_start3A_144 = tpu.memref_squeeze %dma_start3A_143 : memref<1x160x64xi32, #tpu.memory_space<hbm>> -> memref<160x64xi32, #tpu.memory_space<hbm>>
      %dma_start3A_145 = arith.constant 80 : i32
      %dma_start3A_146 = arith.constant 0 : i32
      %dma_start3A_147 = tpu.memref_slice %dma_start3A_144[%dma_start3A_145, %dma_start3A_146] : memref<160x64xi32, #tpu.memory_space<hbm>> -> memref<40x64xi32, #tpu.memory_space<hbm>>
      %dma_start3A_148 = arith.constant 0 : i32
      %dma_start3A_149 = arith.constant 0 : i32
      %dma_start3A_150 = tpu.memref_slice %arg4[%add3A, %dma_start3A_148, %dma_start3A_149] : memref<32x160x64xi32, #tpu.memory_space<hbm>> -> memref<1x160x64xi32, #tpu.memory_space<hbm>>
      %dma_start3A_151 = tpu.memref_squeeze %dma_start3A_150 : memref<1x160x64xi32, #tpu.memory_space<hbm>> -> memref<160x64xi32, #tpu.memory_space<hbm>>
      %dma_start3A_152 = arith.constant 80 : i32
      %dma_start3A_153 = arith.constant 0 : i32
      %dma_start3A_154 = tpu.memref_slice %dma_start3A_151[%dma_start3A_152, %dma_start3A_153] : memref<160x64xi32, #tpu.memory_space<hbm>> -> memref<40x64xi32, #tpu.memory_space<hbm>>
      tpu.enqueue_dma source(%dma_start3A_154 : memref<40x64xi32, #tpu.memory_space<hbm>>) target(%arg7 : memref<40x64xi32, #tpu.memory_space<vmem>>) target_semaphore(%run_scoped3A : memref<!tpu.dma_semaphore, #tpu.memory_space<semaphore_mem>>)
      %dma_wait3A = arith.constant 0 : i32
      %dma_wait3A_155 = arith.constant 0 : i32
      %dma_wait3A_156 = tpu.memref_slice %arg4[%add3A, %dma_wait3A, %dma_wait3A_155] : memref<32x160x64xi32, #tpu.memory_space<hbm>> -> memref<1x160x64xi32, #tpu.memory_space<hbm>>
      %dma_wait3A_157 = tpu.memref_squeeze %dma_wait3A_156 : memref<1x160x64xi32, #tpu.memory_space<hbm>> -> memref<160x64xi32, #tpu.memory_space<hbm>>
      %dma_wait3A_158 = arith.constant 80 : i32
      %dma_wait3A_159 = arith.constant 0 : i32
      %dma_wait3A_160 = tpu.memref_slice %dma_wait3A_157[%dma_wait3A_158, %dma_wait3A_159] : memref<160x64xi32, #tpu.memory_space<hbm>> -> memref<40x64xi32, #tpu.memory_space<hbm>>
      %dma_wait3A_161 = arith.constant 0 : i32
      %dma_wait3A_162 = arith.constant 0 : i32
      %dma_wait3A_163 = tpu.memref_slice %arg4[%add3A, %dma_wait3A_161, %dma_wait3A_162] : memref<32x160x64xi32, #tpu.memory_space<hbm>> -> memref<1x160x64xi32, #tpu.memory_space<hbm>>
      %dma_wait3A_164 = tpu.memref_squeeze %dma_wait3A_163 : memref<1x160x64xi32, #tpu.memory_space<hbm>> -> memref<160x64xi32, #tpu.memory_space<hbm>>
      %dma_wait3A_165 = arith.constant 80 : i32
      %dma_wait3A_166 = arith.constant 0 : i32
      %dma_wait3A_167 = tpu.memref_slice %dma_wait3A_164[%dma_wait3A_165, %dma_wait3A_166] : memref<160x64xi32, #tpu.memory_space<hbm>> -> memref<40x64xi32, #tpu.memory_space<hbm>>
      tpu.wait_dma2 semaphore(%run_scoped3A : memref<!tpu.dma_semaphore, #tpu.memory_space<semaphore_mem>>) src(%dma_wait3A_167 : memref<40x64xi32, #tpu.memory_space<hbm>>) dst(%arg7 : memref<40x64xi32, #tpu.memory_space<vmem>>)
      tpu.yield
    }) : () -> ()
    %dma_start3A_84 = arith.constant 0 : i32
    %dma_start3A_85 = arith.constant 0 : i32
    %dma_start3A_86 = tpu.memref_slice %arg6[%dma_start3A_84, %dma_start3A_85] : memref<40x64xi32, #tpu.memory_space<vmem>> -> memref<1x64xi32, #tpu.memory_space<vmem>>
    %dma_start3A_87 = tpu.memref_squeeze %dma_start3A_86 : memref<1x64xi32, #tpu.memory_space<vmem>> -> memref<64xi32, #tpu.memory_space<vmem>>
    %dma_start3A_88 = arith.constant 0 : i32
    %dma_start3A_89 = arith.constant 0 : i32
    %dma_start3A_90 = tpu.memref_slice %arg2[%dma_start3A_88, %dma_start3A_89] : memref<10000x128xf32, #tpu.memory_space<hbm>> -> memref<10000x128xf32, #tpu.memory_space<hbm>>
    tpu.enqueue_indirect_dma source(%dma_start3A_90 : memref<10000x128xf32, #tpu.memory_space<hbm>>) target(%arg8 : memref<64x128xf32, #tpu.memory_space<vmem>>) offsets(%dma_start3A_87 : memref<64xi32, #tpu.memory_space<vmem>>) semaphore(%arg13 : memref<!tpu.dma_semaphore, #tpu.memory_space<semaphore_mem>>)
    %dma_start3A_91 = arith.constant 1 : i32
    %dma_start3A_92 = arith.constant 0 : i32
    %dma_start3A_93 = tpu.memref_slice %arg6[%dma_start3A_91, %dma_start3A_92] : memref<40x64xi32, #tpu.memory_space<vmem>> -> memref<1x64xi32, #tpu.memory_space<vmem>>
    %dma_start3A_94 = tpu.memref_squeeze %dma_start3A_93 : memref<1x64xi32, #tpu.memory_space<vmem>> -> memref<64xi32, #tpu.memory_space<vmem>>
    %dma_start3A_95 = arith.constant 0 : i32
    %dma_start3A_96 = arith.constant 0 : i32
    %dma_start3A_97 = tpu.memref_slice %arg2[%dma_start3A_95, %dma_start3A_96] : memref<10000x128xf32, #tpu.memory_space<hbm>> -> memref<10000x128xf32, #tpu.memory_space<hbm>>
    tpu.enqueue_indirect_dma source(%dma_start3A_97 : memref<10000x128xf32, #tpu.memory_space<hbm>>) target(%arg9 : memref<64x128xf32, #tpu.memory_space<vmem>>) offsets(%dma_start3A_94 : memref<64xi32, #tpu.memory_space<vmem>>) semaphore(%arg14 : memref<!tpu.dma_semaphore, #tpu.memory_space<semaphore_mem>>)
    %dma_start3A_98 = arith.constant 2 : i32
    %dma_start3A_99 = arith.constant 0 : i32
    %dma_start3A_100 = tpu.memref_slice %arg6[%dma_start3A_98, %dma_start3A_99] : memref<40x64xi32, #tpu.memory_space<vmem>> -> memref<1x64xi32, #tpu.memory_space<vmem>>
    %dma_start3A_101 = tpu.memref_squeeze %dma_start3A_100 : memref<1x64xi32, #tpu.memory_space<vmem>> -> memref<64xi32, #tpu.memory_space<vmem>>
    %dma_start3A_102 = arith.constant 0 : i32
    %dma_start3A_103 = arith.constant 0 : i32
    %dma_start3A_104 = tpu.memref_slice %arg2[%dma_start3A_102, %dma_start3A_103] : memref<10000x128xf32, #tpu.memory_space<hbm>> -> memref<10000x128xf32, #tpu.memory_space<hbm>>
    tpu.enqueue_indirect_dma source(%dma_start3A_104 : memref<10000x128xf32, #tpu.memory_space<hbm>>) target(%arg10 : memref<64x128xf32, #tpu.memory_space<vmem>>) offsets(%dma_start3A_101 : memref<64xi32, #tpu.memory_space<vmem>>) semaphore(%arg15 : memref<!tpu.dma_semaphore, #tpu.memory_space<semaphore_mem>>)
    %scan3A_105 = arith.constant 0 : i32
    %scan3A_106 = arith.constant 0 : i32
    %scan3A_107 = arith.constant 10 : i32
    %scan3A_108 = arith.addi %scan3A_106, %scan3A_107 : i32
    %scan3A_109 = arith.constant 1 : i32
    %scan3A_110 = scf.for %scan3A_141 = %scan3A_106 to %scan3A_108 step %scan3A_109 iter_args(%scan3A_142 = %scan3A_105) -> (i32)  : i32 {
      %mul3A_143 = arith.constant 4 : i32
      %mul3A_144 = arith.muli %mul3A_143, %scan3A_141 : i32
      %add3A_145 = arith.constant 0 : i32
      %add3A_146 = arith.addi %mul3A_144, %add3A_145 : i32
      %add3A_147 = arith.constant 3 : i32
      %add3A_148 = arith.addi %add3A_146, %add3A_147 : i32
      %lt3A = arith.constant 40 : i32
      %lt3A_149 = arith.cmpi slt, %add3A_148, %lt3A : i32
      %convert_element_type3A = arith.extui %lt3A_149 : i1 to i32
      %cond3A = arith.constant 0 : i32
      %cond3A_150 = arith.cmpi ne, %convert_element_type3A, %cond3A : i32
      scf.if %cond3A_150 {
        %dma_start3A_208 = arith.constant 0 : i32
        %dma_start3A_209 = tpu.memref_slice %arg6[%add3A_148, %dma_start3A_208] : memref<40x64xi32, #tpu.memory_space<vmem>> -> memref<1x64xi32, #tpu.memory_space<vmem>>
        %dma_start3A_210 = tpu.memref_squeeze %dma_start3A_209 : memref<1x64xi32, #tpu.memory_space<vmem>> -> memref<64xi32, #tpu.memory_space<vmem>>
        %dma_start3A_211 = arith.constant 0 : i32
        %dma_start3A_212 = arith.constant 0 : i32
        %dma_start3A_213 = tpu.memref_slice %arg2[%dma_start3A_211, %dma_start3A_212] : memref<10000x128xf32, #tpu.memory_space<hbm>> -> memref<10000x128xf32, #tpu.memory_space<hbm>>
        tpu.enqueue_indirect_dma source(%dma_start3A_213 : memref<10000x128xf32, #tpu.memory_space<hbm>>) target(%arg11 : memref<64x128xf32, #tpu.memory_space<vmem>>) offsets(%dma_start3A_210 : memref<64xi32, #tpu.memory_space<vmem>>) semaphore(%arg16 : memref<!tpu.dma_semaphore, #tpu.memory_space<semaphore_mem>>)
      } else {
      }
      %dma_wait3A = arith.constant 0 : i32
      %dma_wait3A_151 = tpu.memref_slice %arg6[%add3A_146, %dma_wait3A] : memref<40x64xi32, #tpu.memory_space<vmem>> -> memref<1x64xi32, #tpu.memory_space<vmem>>
      %dma_wait3A_152 = tpu.memref_squeeze %dma_wait3A_151 : memref<1x64xi32, #tpu.memory_space<vmem>> -> memref<64xi32, #tpu.memory_space<vmem>>
      %dma_wait3A_153 = arith.constant 0 : i32
      %dma_wait3A_154 = arith.constant 0 : i32
      %dma_wait3A_155 = tpu.memref_slice %arg2[%dma_wait3A_153, %dma_wait3A_154] : memref<10000x128xf32, #tpu.memory_space<hbm>> -> memref<10000x128xf32, #tpu.memory_space<hbm>>
      tpu.wait_indirect_dma semaphore(%arg13 : memref<!tpu.dma_semaphore, #tpu.memory_space<semaphore_mem>>) src(%dma_wait3A_155 : memref<10000x128xf32, #tpu.memory_space<hbm>>) dst(%arg8 : memref<64x128xf32, #tpu.memory_space<vmem>>)
      "tpu.region"() ({
        %run_scoped3A = tpu.sem_alloc : memref<!tpu.dma_semaphore, #tpu.memory_space<semaphore_mem>>
        %dma_start3A_208 = arith.constant 0 : i32
        %dma_start3A_209 = tpu.memref_slice %arg7[%add3A_146, %dma_start3A_208] : memref<40x64xi32, #tpu.memory_space<vmem>> -> memref<1x64xi32, #tpu.memory_space<vmem>>
        %dma_start3A_210 = tpu.memref_squeeze %dma_start3A_209 : memref<1x64xi32, #tpu.memory_space<vmem>> -> memref<64xi32, #tpu.memory_space<vmem>>
        %dma_start3A_211 = arith.constant 0 : i32
        %dma_start3A_212 = arith.constant 0 : i32
        %dma_start3A_213 = tpu.memref_slice %arg12[%dma_start3A_211, %dma_start3A_212] : memref<10240x128xf32, #tpu.memory_space<vmem_shared>> -> memref<10240x128xf32, #tpu.memory_space<vmem_shared>>
        tpu.enqueue_indirect_dma source(%arg8 : memref<64x128xf32, #tpu.memory_space<vmem>>) target(%dma_start3A_213 : memref<10240x128xf32, #tpu.memory_space<vmem_shared>>) offsets(%dma_start3A_210 : memref<64xi32, #tpu.memory_space<vmem>>) semaphore(%run_scoped3A : memref<!tpu.dma_semaphore, #tpu.memory_space<semaphore_mem>>) {add = true}
        %dma_wait3A_214 = arith.constant 0 : i32
        %dma_wait3A_215 = tpu.memref_slice %arg7[%add3A_146, %dma_wait3A_214] : memref<40x64xi32, #tpu.memory_space<vmem>> -> memref<1x64xi32, #tpu.memory_space<vmem>>
        %dma_wait3A_216 = tpu.memref_squeeze %dma_wait3A_215 : memref<1x64xi32, #tpu.memory_space<vmem>> -> memref<64xi32, #tpu.memory_space<vmem>>
        %dma_wait3A_217 = arith.constant 0 : i32
        %dma_wait3A_218 = arith.constant 0 : i32
        %dma_wait3A_219 = tpu.memref_slice %arg12[%dma_wait3A_217, %dma_wait3A_218] : memref<10240x128xf32, #tpu.memory_space<vmem_shared>> -> memref<10240x128xf32, #tpu.memory_space<vmem_shared>>
        tpu.wait_indirect_dma semaphore(%run_scoped3A : memref<!tpu.dma_semaphore, #tpu.memory_space<semaphore_mem>>) src(%arg8 : memref<64x128xf32, #tpu.memory_space<vmem>>) dst(%dma_wait3A_219 : memref<10240x128xf32, #tpu.memory_space<vmem_shared>>)
        tpu.yield
      }) : () -> ()
      %mul3A_156 = arith.constant 4 : i32
      %mul3A_157 = arith.muli %mul3A_156, %scan3A_141 : i32
      %add3A_158 = arith.constant 1 : i32
      %add3A_159 = arith.addi %mul3A_157, %add3A_158 : i32
      %add3A_160 = arith.constant 3 : i32
      %add3A_161 = arith.addi %add3A_159, %add3A_160 : i32
      %lt3A_162 = arith.constant 40 : i32
      %lt3A_163 = arith.cmpi slt, %add3A_161, %lt3A_162 : i32
      %convert_element_type3A_164 = arith.extui %lt3A_163 : i1 to i32
      %cond3A_165 = arith.constant 0 : i32
      %cond3A_166 = arith.cmpi ne, %convert_element_type3A_164, %cond3A_165 : i32
      scf.if %cond3A_166 {
        %dma_start3A_208 = arith.constant 0 : i32
        %dma_start3A_209 = tpu.memref_slice %arg6[%add3A_161, %dma_start3A_208] : memref<40x64xi32, #tpu.memory_space<vmem>> -> memref<1x64xi32, #tpu.memory_space<vmem>>
        %dma_start3A_210 = tpu.memref_squeeze %dma_start3A_209 : memref<1x64xi32, #tpu.memory_space<vmem>> -> memref<64xi32, #tpu.memory_space<vmem>>
        %dma_start3A_211 = arith.constant 0 : i32
        %dma_start3A_212 = arith.constant 0 : i32
        %dma_start3A_213 = tpu.memref_slice %arg2[%dma_start3A_211, %dma_start3A_212] : memref<10000x128xf32, #tpu.memory_space<hbm>> -> memref<10000x128xf32, #tpu.memory_space<hbm>>
        tpu.enqueue_indirect_dma source(%dma_start3A_213 : memref<10000x128xf32, #tpu.memory_space<hbm>>) target(%arg8 : memref<64x128xf32, #tpu.memory_space<vmem>>) offsets(%dma_start3A_210 : memref<64xi32, #tpu.memory_space<vmem>>) semaphore(%arg13 : memref<!tpu.dma_semaphore, #tpu.memory_space<semaphore_mem>>)
      } else {
      }
      %dma_wait3A_167 = arith.constant 0 : i32
      %dma_wait3A_168 = tpu.memref_slice %arg6[%add3A_159, %dma_wait3A_167] : memref<40x64xi32, #tpu.memory_space<vmem>> -> memref<1x64xi32, #tpu.memory_space<vmem>>
      %dma_wait3A_169 = tpu.memref_squeeze %dma_wait3A_168 : memref<1x64xi32, #tpu.memory_space<vmem>> -> memref<64xi32, #tpu.memory_space<vmem>>
      %dma_wait3A_170 = arith.constant 0 : i32
      %dma_wait3A_171 = arith.constant 0 : i32
      %dma_wait3A_172 = tpu.memref_slice %arg2[%dma_wait3A_170, %dma_wait3A_171] : memref<10000x128xf32, #tpu.memory_space<hbm>> -> memref<10000x128xf32, #tpu.memory_space<hbm>>
      tpu.wait_indirect_dma semaphore(%arg14 : memref<!tpu.dma_semaphore, #tpu.memory_space<semaphore_mem>>) src(%dma_wait3A_172 : memref<10000x128xf32, #tpu.memory_space<hbm>>) dst(%arg9 : memref<64x128xf32, #tpu.memory_space<vmem>>)
      "tpu.region"() ({
        %run_scoped3A = tpu.sem_alloc : memref<!tpu.dma_semaphore, #tpu.memory_space<semaphore_mem>>
        %dma_start3A_208 = arith.constant 0 : i32
        %dma_start3A_209 = tpu.memref_slice %arg7[%add3A_159, %dma_start3A_208] : memref<40x64xi32, #tpu.memory_space<vmem>> -> memref<1x64xi32, #tpu.memory_space<vmem>>
        %dma_start3A_210 = tpu.memref_squeeze %dma_start3A_209 : memref<1x64xi32, #tpu.memory_space<vmem>> -> memref<64xi32, #tpu.memory_space<vmem>>
        %dma_start3A_211 = arith.constant 0 : i32
        %dma_start3A_212 = arith.constant 0 : i32
        %dma_start3A_213 = tpu.memref_slice %arg12[%dma_start3A_211, %dma_start3A_212] : memref<10240x128xf32, #tpu.memory_space<vmem_shared>> -> memref<10240x128xf32, #tpu.memory_space<vmem_shared>>
        tpu.enqueue_indirect_dma source(%arg9 : memref<64x128xf32, #tpu.memory_space<vmem>>) target(%dma_start3A_213 : memref<10240x128xf32, #tpu.memory_space<vmem_shared>>) offsets(%dma_start3A_210 : memref<64xi32, #tpu.memory_space<vmem>>) semaphore(%run_scoped3A : memref<!tpu.dma_semaphore, #tpu.memory_space<semaphore_mem>>) {add = true}
        %dma_wait3A_214 = arith.constant 0 : i32
        %dma_wait3A_215 = tpu.memref_slice %arg7[%add3A_159, %dma_wait3A_214] : memref<40x64xi32, #tpu.memory_space<vmem>> -> memref<1x64xi32, #tpu.memory_space<vmem>>
        %dma_wait3A_216 = tpu.memref_squeeze %dma_wait3A_215 : memref<1x64xi32, #tpu.memory_space<vmem>> -> memref<64xi32, #tpu.memory_space<vmem>>
        %dma_wait3A_217 = arith.constant 0 : i32
        %dma_wait3A_218 = arith.constant 0 : i32
        %dma_wait3A_219 = tpu.memref_slice %arg12[%dma_wait3A_217, %dma_wait3A_218] : memref<10240x128xf32, #tpu.memory_space<vmem_shared>> -> memref<10240x128xf32, #tpu.memory_space<vmem_shared>>
        tpu.wait_indirect_dma semaphore(%run_scoped3A : memref<!tpu.dma_semaphore, #tpu.memory_space<semaphore_mem>>) src(%arg9 : memref<64x128xf32, #tpu.memory_space<vmem>>) dst(%dma_wait3A_219 : memref<10240x128xf32, #tpu.memory_space<vmem_shared>>)
        tpu.yield
      }) : () -> ()
      %mul3A_173 = arith.constant 4 : i32
      %mul3A_174 = arith.muli %mul3A_173, %scan3A_141 : i32
      %add3A_175 = arith.constant 2 : i32
      %add3A_176 = arith.addi %mul3A_174, %add3A_175 : i32
      %add3A_177 = arith.constant 3 : i32
      %add3A_178 = arith.addi %add3A_176, %add3A_177 : i32
      %lt3A_179 = arith.constant 40 : i32
      %lt3A_180 = arith.cmpi slt, %add3A_178, %lt3A_179 : i32
      %convert_element_type3A_181 = arith.extui %lt3A_180 : i1 to i32
      %cond3A_182 = arith.constant 0 : i32
      %cond3A_183 = arith.cmpi ne, %convert_element_type3A_181, %cond3A_182 : i32
      scf.if %cond3A_183 {
        %dma_start3A_208 = arith.constant 0 : i32
        %dma_start3A_209 = tpu.memref_slice %arg6[%add3A_178, %dma_start3A_208] : memref<40x64xi32, #tpu.memory_space<vmem>> -> memref<1x64xi32, #tpu.memory_space<vmem>>
        %dma_start3A_210 = tpu.memref_squeeze %dma_start3A_209 : memref<1x64xi32, #tpu.memory_space<vmem>> -> memref<64xi32, #tpu.memory_space<vmem>>
        %dma_start3A_211 = arith.constant 0 : i32
        %dma_start3A_212 = arith.constant 0 : i32
        %dma_start3A_213 = tpu.memref_slice %arg2[%dma_start3A_211, %dma_start3A_212] : memref<10000x128xf32, #tpu.memory_space<hbm>> -> memref<10000x128xf32, #tpu.memory_space<hbm>>
        tpu.enqueue_indirect_dma source(%dma_start3A_213 : memref<10000x128xf32, #tpu.memory_space<hbm>>) target(%arg9 : memref<64x128xf32, #tpu.memory_space<vmem>>) offsets(%dma_start3A_210 : memref<64xi32, #tpu.memory_space<vmem>>) semaphore(%arg14 : memref<!tpu.dma_semaphore, #tpu.memory_space<semaphore_mem>>)
      } else {
      }
      %dma_wait3A_184 = arith.constant 0 : i32
      %dma_wait3A_185 = tpu.memref_slice %arg6[%add3A_176, %dma_wait3A_184] : memref<40x64xi32, #tpu.memory_space<vmem>> -> memref<1x64xi32, #tpu.memory_space<vmem>>
      %dma_wait3A_186 = tpu.memref_squeeze %dma_wait3A_185 : memref<1x64xi32, #tpu.memory_space<vmem>> -> memref<64xi32, #tpu.memory_space<vmem>>
      %dma_wait3A_187 = arith.constant 0 : i32
      %dma_wait3A_188 = arith.constant 0 : i32
      %dma_wait3A_189 = tpu.memref_slice %arg2[%dma_wait3A_187, %dma_wait3A_188] : memref<10000x128xf32, #tpu.memory_space<hbm>> -> memref<10000x128xf32, #tpu.memory_space<hbm>>
      tpu.wait_indirect_dma semaphore(%arg15 : memref<!tpu.dma_semaphore, #tpu.memory_space<semaphore_mem>>) src(%dma_wait3A_189 : memref<10000x128xf32, #tpu.memory_space<hbm>>) dst(%arg10 : memref<64x128xf32, #tpu.memory_space<vmem>>)
      "tpu.region"() ({
        %run_scoped3A = tpu.sem_alloc : memref<!tpu.dma_semaphore, #tpu.memory_space<semaphore_mem>>
        %dma_start3A_208 = arith.constant 0 : i32
        %dma_start3A_209 = tpu.memref_slice %arg7[%add3A_176, %dma_start3A_208] : memref<40x64xi32, #tpu.memory_space<vmem>> -> memref<1x64xi32, #tpu.memory_space<vmem>>
        %dma_start3A_210 = tpu.memref_squeeze %dma_start3A_209 : memref<1x64xi32, #tpu.memory_space<vmem>> -> memref<64xi32, #tpu.memory_space<vmem>>
        %dma_start3A_211 = arith.constant 0 : i32
        %dma_start3A_212 = arith.constant 0 : i32
        %dma_start3A_213 = tpu.memref_slice %arg12[%dma_start3A_211, %dma_start3A_212] : memref<10240x128xf32, #tpu.memory_space<vmem_shared>> -> memref<10240x128xf32, #tpu.memory_space<vmem_shared>>
        tpu.enqueue_indirect_dma source(%arg10 : memref<64x128xf32, #tpu.memory_space<vmem>>) target(%dma_start3A_213 : memref<10240x128xf32, #tpu.memory_space<vmem_shared>>) offsets(%dma_start3A_210 : memref<64xi32, #tpu.memory_space<vmem>>) semaphore(%run_scoped3A : memref<!tpu.dma_semaphore, #tpu.memory_space<semaphore_mem>>) {add = true}
        %dma_wait3A_214 = arith.constant 0 : i32
        %dma_wait3A_215 = tpu.memref_slice %arg7[%add3A_176, %dma_wait3A_214] : memref<40x64xi32, #tpu.memory_space<vmem>> -> memref<1x64xi32, #tpu.memory_space<vmem>>
        %dma_wait3A_216 = tpu.memref_squeeze %dma_wait3A_215 : memref<1x64xi32, #tpu.memory_space<vmem>> -> memref<64xi32, #tpu.memory_space<vmem>>
        %dma_wait3A_217 = arith.constant 0 : i32
        %dma_wait3A_218 = arith.constant 0 : i32
        %dma_wait3A_219 = tpu.memref_slice %arg12[%dma_wait3A_217, %dma_wait3A_218] : memref<10240x128xf32, #tpu.memory_space<vmem_shared>> -> memref<10240x128xf32, #tpu.memory_space<vmem_shared>>
        tpu.wait_indirect_dma semaphore(%run_scoped3A : memref<!tpu.dma_semaphore, #tpu.memory_space<semaphore_mem>>) src(%arg10 : memref<64x128xf32, #tpu.memory_space<vmem>>) dst(%dma_wait3A_219 : memref<10240x128xf32, #tpu.memory_space<vmem_shared>>)
        tpu.yield
      }) : () -> ()
      %mul3A_190 = arith.constant 4 : i32
      %mul3A_191 = arith.muli %mul3A_190, %scan3A_141 : i32
      %add3A_192 = arith.constant 3 : i32
      %add3A_193 = arith.addi %mul3A_191, %add3A_192 : i32
      %add3A_194 = arith.constant 3 : i32
      %add3A_195 = arith.addi %add3A_193, %add3A_194 : i32
      %lt3A_196 = arith.constant 40 : i32
      %lt3A_197 = arith.cmpi slt, %add3A_195, %lt3A_196 : i32
      %convert_element_type3A_198 = arith.extui %lt3A_197 : i1 to i32
      %cond3A_199 = arith.constant 0 : i32
      %cond3A_200 = arith.cmpi ne, %convert_element_type3A_198, %cond3A_199 : i32
      scf.if %cond3A_200 {
        %dma_start3A_208 = arith.constant 0 : i32
        %dma_start3A_209 = tpu.memref_slice %arg6[%add3A_195, %dma_start3A_208] : memref<40x64xi32, #tpu.memory_space<vmem>> -> memref<1x64xi32, #tpu.memory_space<vmem>>
        %dma_start3A_210 = tpu.memref_squeeze %dma_start3A_209 : memref<1x64xi32, #tpu.memory_space<vmem>> -> memref<64xi32, #tpu.memory_space<vmem>>
        %dma_start3A_211 = arith.constant 0 : i32
        %dma_start3A_212 = arith.constant 0 : i32
        %dma_start3A_213 = tpu.memref_slice %arg2[%dma_start3A_211, %dma_start3A_212] : memref<10000x128xf32, #tpu.memory_space<hbm>> -> memref<10000x128xf32, #tpu.memory_space<hbm>>
        tpu.enqueue_indirect_dma source(%dma_start3A_213 : memref<10000x128xf32, #tpu.memory_space<hbm>>) target(%arg10 : memref<64x128xf32, #tpu.memory_space<vmem>>) offsets(%dma_start3A_210 : memref<64xi32, #tpu.memory_space<vmem>>) semaphore(%arg15 : memref<!tpu.dma_semaphore, #tpu.memory_space<semaphore_mem>>)
      } else {
      }
      %dma_wait3A_201 = arith.constant 0 : i32
      %dma_wait3A_202 = tpu.memref_slice %arg6[%add3A_193, %dma_wait3A_201] : memref<40x64xi32, #tpu.memory_space<vmem>> -> memref<1x64xi32, #tpu.memory_space<vmem>>
      %dma_wait3A_203 = tpu.memref_squeeze %dma_wait3A_202 : memref<1x64xi32, #tpu.memory_space<vmem>> -> memref<64xi32, #tpu.memory_space<vmem>>
      %dma_wait3A_204 = arith.constant 0 : i32
      %dma_wait3A_205 = arith.constant 0 : i32
      %dma_wait3A_206 = tpu.memref_slice %arg2[%dma_wait3A_204, %dma_wait3A_205] : memref<10000x128xf32, #tpu.memory_space<hbm>> -> memref<10000x128xf32, #tpu.memory_space<hbm>>
      tpu.wait_indirect_dma semaphore(%arg16 : memref<!tpu.dma_semaphore, #tpu.memory_space<semaphore_mem>>) src(%dma_wait3A_206 : memref<10000x128xf32, #tpu.memory_space<hbm>>) dst(%arg11 : memref<64x128xf32, #tpu.memory_space<vmem>>)
      "tpu.region"() ({
        %run_scoped3A = tpu.sem_alloc : memref<!tpu.dma_semaphore, #tpu.memory_space<semaphore_mem>>
        %dma_start3A_208 = arith.constant 0 : i32
        %dma_start3A_209 = tpu.memref_slice %arg7[%add3A_193, %dma_start3A_208] : memref<40x64xi32, #tpu.memory_space<vmem>> -> memref<1x64xi32, #tpu.memory_space<vmem>>
        %dma_start3A_210 = tpu.memref_squeeze %dma_start3A_209 : memref<1x64xi32, #tpu.memory_space<vmem>> -> memref<64xi32, #tpu.memory_space<vmem>>
        %dma_start3A_211 = arith.constant 0 : i32
        %dma_start3A_212 = arith.constant 0 : i32
        %dma_start3A_213 = tpu.memref_slice %arg12[%dma_start3A_211, %dma_start3A_212] : memref<10240x128xf32, #tpu.memory_space<vmem_shared>> -> memref<10240x128xf32, #tpu.memory_space<vmem_shared>>
        tpu.enqueue_indirect_dma source(%arg11 : memref<64x128xf32, #tpu.memory_space<vmem>>) target(%dma_start3A_213 : memref<10240x128xf32, #tpu.memory_space<vmem_shared>>) offsets(%dma_start3A_210 : memref<64xi32, #tpu.memory_space<vmem>>) semaphore(%run_scoped3A : memref<!tpu.dma_semaphore, #tpu.memory_space<semaphore_mem>>) {add = true}
        %dma_wait3A_214 = arith.constant 0 : i32
        %dma_wait3A_215 = tpu.memref_slice %arg7[%add3A_193, %dma_wait3A_214] : memref<40x64xi32, #tpu.memory_space<vmem>> -> memref<1x64xi32, #tpu.memory_space<vmem>>
        %dma_wait3A_216 = tpu.memref_squeeze %dma_wait3A_215 : memref<1x64xi32, #tpu.memory_space<vmem>> -> memref<64xi32, #tpu.memory_space<vmem>>
        %dma_wait3A_217 = arith.constant 0 : i32
        %dma_wait3A_218 = arith.constant 0 : i32
        %dma_wait3A_219 = tpu.memref_slice %arg12[%dma_wait3A_217, %dma_wait3A_218] : memref<10240x128xf32, #tpu.memory_space<vmem_shared>> -> memref<10240x128xf32, #tpu.memory_space<vmem_shared>>
        tpu.wait_indirect_dma semaphore(%run_scoped3A : memref<!tpu.dma_semaphore, #tpu.memory_space<semaphore_mem>>) src(%arg11 : memref<64x128xf32, #tpu.memory_space<vmem>>) dst(%dma_wait3A_219 : memref<10240x128xf32, #tpu.memory_space<vmem_shared>>)
        tpu.yield
      }) : () -> ()
      %scan3A_207 = arith.constant 0 : i32
      scf.yield %scan3A_207 : i32
    }
    %scan3A_111 = arith.constant 10 : i32
    "tpu.region"() ({
      %run_scoped3A = tpu.sem_alloc : memref<!tpu.dma_semaphore, #tpu.memory_space<semaphore_mem>>
      %dma_start3A_141 = arith.constant 0 : i32
      %dma_start3A_142 = arith.constant 0 : i32
      %dma_start3A_143 = tpu.memref_slice %arg3[%add3A, %dma_start3A_141, %dma_start3A_142] : memref<32x160x64xi32, #tpu.memory_space<hbm>> -> memref<1x160x64xi32, #tpu.memory_space<hbm>>
      %dma_start3A_144 = tpu.memref_squeeze %dma_start3A_143 : memref<1x160x64xi32, #tpu.memory_space<hbm>> -> memref<160x64xi32, #tpu.memory_space<hbm>>
      %dma_start3A_145 = arith.constant 120 : i32
      %dma_start3A_146 = arith.constant 0 : i32
      %dma_start3A_147 = tpu.memref_slice %dma_start3A_144[%dma_start3A_145, %dma_start3A_146] : memref<160x64xi32, #tpu.memory_space<hbm>> -> memref<40x64xi32, #tpu.memory_space<hbm>>
      %dma_start3A_148 = arith.constant 0 : i32
      %dma_start3A_149 = arith.constant 0 : i32
      %dma_start3A_150 = tpu.memref_slice %arg3[%add3A, %dma_start3A_148, %dma_start3A_149] : memref<32x160x64xi32, #tpu.memory_space<hbm>> -> memref<1x160x64xi32, #tpu.memory_space<hbm>>
      %dma_start3A_151 = tpu.memref_squeeze %dma_start3A_150 : memref<1x160x64xi32, #tpu.memory_space<hbm>> -> memref<160x64xi32, #tpu.memory_space<hbm>>
      %dma_start3A_152 = arith.constant 120 : i32
      %dma_start3A_153 = arith.constant 0 : i32
      %dma_start3A_154 = tpu.memref_slice %dma_start3A_151[%dma_start3A_152, %dma_start3A_153] : memref<160x64xi32, #tpu.memory_space<hbm>> -> memref<40x64xi32, #tpu.memory_space<hbm>>
      tpu.enqueue_dma source(%dma_start3A_154 : memref<40x64xi32, #tpu.memory_space<hbm>>) target(%arg6 : memref<40x64xi32, #tpu.memory_space<vmem>>) target_semaphore(%run_scoped3A : memref<!tpu.dma_semaphore, #tpu.memory_space<semaphore_mem>>)
      %dma_wait3A = arith.constant 0 : i32
      %dma_wait3A_155 = arith.constant 0 : i32
      %dma_wait3A_156 = tpu.memref_slice %arg3[%add3A, %dma_wait3A, %dma_wait3A_155] : memref<32x160x64xi32, #tpu.memory_space<hbm>> -> memref<1x160x64xi32, #tpu.memory_space<hbm>>
      %dma_wait3A_157 = tpu.memref_squeeze %dma_wait3A_156 : memref<1x160x64xi32, #tpu.memory_space<hbm>> -> memref<160x64xi32, #tpu.memory_space<hbm>>
      %dma_wait3A_158 = arith.constant 120 : i32
      %dma_wait3A_159 = arith.constant 0 : i32
      %dma_wait3A_160 = tpu.memref_slice %dma_wait3A_157[%dma_wait3A_158, %dma_wait3A_159] : memref<160x64xi32, #tpu.memory_space<hbm>> -> memref<40x64xi32, #tpu.memory_space<hbm>>
      %dma_wait3A_161 = arith.constant 0 : i32
      %dma_wait3A_162 = arith.constant 0 : i32
      %dma_wait3A_163 = tpu.memref_slice %arg3[%add3A, %dma_wait3A_161, %dma_wait3A_162] : memref<32x160x64xi32, #tpu.memory_space<hbm>> -> memref<1x160x64xi32, #tpu.memory_space<hbm>>
      %dma_wait3A_164 = tpu.memref_squeeze %dma_wait3A_163 : memref<1x160x64xi32, #tpu.memory_space<hbm>> -> memref<160x64xi32, #tpu.memory_space<hbm>>
      %dma_wait3A_165 = arith.constant 120 : i32
      %dma_wait3A_166 = arith.constant 0 : i32
      %dma_wait3A_167 = tpu.memref_slice %dma_wait3A_164[%dma_wait3A_165, %dma_wait3A_166] : memref<160x64xi32, #tpu.memory_space<hbm>> -> memref<40x64xi32, #tpu.memory_space<hbm>>
      tpu.wait_dma2 semaphore(%run_scoped3A : memref<!tpu.dma_semaphore, #tpu.memory_space<semaphore_mem>>) src(%dma_wait3A_167 : memref<40x64xi32, #tpu.memory_space<hbm>>) dst(%arg6 : memref<40x64xi32, #tpu.memory_space<vmem>>)
      tpu.yield
    }) : () -> ()
    "tpu.region"() ({
      %run_scoped3A = tpu.sem_alloc : memref<!tpu.dma_semaphore, #tpu.memory_space<semaphore_mem>>
      %dma_start3A_141 = arith.constant 0 : i32
      %dma_start3A_142 = arith.constant 0 : i32
      %dma_start3A_143 = tpu.memref_slice %arg4[%add3A, %dma_start3A_141, %dma_start3A_142] : memref<32x160x64xi32, #tpu.memory_space<hbm>> -> memref<1x160x64xi32, #tpu.memory_space<hbm>>
      %dma_start3A_144 = tpu.memref_squeeze %dma_start3A_143 : memref<1x160x64xi32, #tpu.memory_space<hbm>> -> memref<160x64xi32, #tpu.memory_space<hbm>>
      %dma_start3A_145 = arith.constant 120 : i32
      %dma_start3A_146 = arith.constant 0 : i32
      %dma_start3A_147 = tpu.memref_slice %dma_start3A_144[%dma_start3A_145, %dma_start3A_146] : memref<160x64xi32, #tpu.memory_space<hbm>> -> memref<40x64xi32, #tpu.memory_space<hbm>>
      %dma_start3A_148 = arith.constant 0 : i32
      %dma_start3A_149 = arith.constant 0 : i32
      %dma_start3A_150 = tpu.memref_slice %arg4[%add3A, %dma_start3A_148, %dma_start3A_149] : memref<32x160x64xi32, #tpu.memory_space<hbm>> -> memref<1x160x64xi32, #tpu.memory_space<hbm>>
      %dma_start3A_151 = tpu.memref_squeeze %dma_start3A_150 : memref<1x160x64xi32, #tpu.memory_space<hbm>> -> memref<160x64xi32, #tpu.memory_space<hbm>>
      %dma_start3A_152 = arith.constant 120 : i32
      %dma_start3A_153 = arith.constant 0 : i32
      %dma_start3A_154 = tpu.memref_slice %dma_start3A_151[%dma_start3A_152, %dma_start3A_153] : memref<160x64xi32, #tpu.memory_space<hbm>> -> memref<40x64xi32, #tpu.memory_space<hbm>>
      tpu.enqueue_dma source(%dma_start3A_154 : memref<40x64xi32, #tpu.memory_space<hbm>>) target(%arg7 : memref<40x64xi32, #tpu.memory_space<vmem>>) target_semaphore(%run_scoped3A : memref<!tpu.dma_semaphore, #tpu.memory_space<semaphore_mem>>)
      %dma_wait3A = arith.constant 0 : i32
      %dma_wait3A_155 = arith.constant 0 : i32
      %dma_wait3A_156 = tpu.memref_slice %arg4[%add3A, %dma_wait3A, %dma_wait3A_155] : memref<32x160x64xi32, #tpu.memory_space<hbm>> -> memref<1x160x64xi32, #tpu.memory_space<hbm>>
      %dma_wait3A_157 = tpu.memref_squeeze %dma_wait3A_156 : memref<1x160x64xi32, #tpu.memory_space<hbm>> -> memref<160x64xi32, #tpu.memory_space<hbm>>
      %dma_wait3A_158 = arith.constant 120 : i32
      %dma_wait3A_159 = arith.constant 0 : i32
      %dma_wait3A_160 = tpu.memref_slice %dma_wait3A_157[%dma_wait3A_158, %dma_wait3A_159] : memref<160x64xi32, #tpu.memory_space<hbm>> -> memref<40x64xi32, #tpu.memory_space<hbm>>
      %dma_wait3A_161 = arith.constant 0 : i32
      %dma_wait3A_162 = arith.constant 0 : i32
      %dma_wait3A_163 = tpu.memref_slice %arg4[%add3A, %dma_wait3A_161, %dma_wait3A_162] : memref<32x160x64xi32, #tpu.memory_space<hbm>> -> memref<1x160x64xi32, #tpu.memory_space<hbm>>
      %dma_wait3A_164 = tpu.memref_squeeze %dma_wait3A_163 : memref<1x160x64xi32, #tpu.memory_space<hbm>> -> memref<160x64xi32, #tpu.memory_space<hbm>>
      %dma_wait3A_165 = arith.constant 120 : i32
      %dma_wait3A_166 = arith.constant 0 : i32
      %dma_wait3A_167 = tpu.memref_slice %dma_wait3A_164[%dma_wait3A_165, %dma_wait3A_166] : memref<160x64xi32, #tpu.memory_space<hbm>> -> memref<40x64xi32, #tpu.memory_space<hbm>>
      tpu.wait_dma2 semaphore(%run_scoped3A : memref<!tpu.dma_semaphore, #tpu.memory_space<semaphore_mem>>) src(%dma_wait3A_167 : memref<40x64xi32, #tpu.memory_space<hbm>>) dst(%arg7 : memref<40x64xi32, #tpu.memory_space<vmem>>)
      tpu.yield
    }) : () -> ()
    %dma_start3A_112 = arith.constant 0 : i32
    %dma_start3A_113 = arith.constant 0 : i32
    %dma_start3A_114 = tpu.memref_slice %arg6[%dma_start3A_112, %dma_start3A_113] : memref<40x64xi32, #tpu.memory_space<vmem>> -> memref<1x64xi32, #tpu.memory_space<vmem>>
    %dma_start3A_115 = tpu.memref_squeeze %dma_start3A_114 : memref<1x64xi32, #tpu.memory_space<vmem>> -> memref<64xi32, #tpu.memory_space<vmem>>
    %dma_start3A_116 = arith.constant 0 : i32
    %dma_start3A_117 = arith.constant 0 : i32
    %dma_start3A_118 = tpu.memref_slice %arg2[%dma_start3A_116, %dma_start3A_117] : memref<10000x128xf32, #tpu.memory_space<hbm>> -> memref<10000x128xf32, #tpu.memory_space<hbm>>
    tpu.enqueue_indirect_dma source(%dma_start3A_118 : memref<10000x128xf32, #tpu.memory_space<hbm>>) target(%arg8 : memref<64x128xf32, #tpu.memory_space<vmem>>) offsets(%dma_start3A_115 : memref<64xi32, #tpu.memory_space<vmem>>) semaphore(%arg13 : memref<!tpu.dma_semaphore, #tpu.memory_space<semaphore_mem>>)
    %dma_start3A_119 = arith.constant 1 : i32
    %dma_start3A_120 = arith.constant 0 : i32
    %dma_start3A_121 = tpu.memref_slice %arg6[%dma_start3A_119, %dma_start3A_120] : memref<40x64xi32, #tpu.memory_space<vmem>> -> memref<1x64xi32, #tpu.memory_space<vmem>>
    %dma_start3A_122 = tpu.memref_squeeze %dma_start3A_121 : memref<1x64xi32, #tpu.memory_space<vmem>> -> memref<64xi32, #tpu.memory_space<vmem>>
    %dma_start3A_123 = arith.constant 0 : i32
    %dma_start3A_124 = arith.constant 0 : i32
    %dma_start3A_125 = tpu.memref_slice %arg2[%dma_start3A_123, %dma_start3A_124] : memref<10000x128xf32, #tpu.memory_space<hbm>> -> memref<10000x128xf32, #tpu.memory_space<hbm>>
    tpu.enqueue_indirect_dma source(%dma_start3A_125 : memref<10000x128xf32, #tpu.memory_space<hbm>>) target(%arg9 : memref<64x128xf32, #tpu.memory_space<vmem>>) offsets(%dma_start3A_122 : memref<64xi32, #tpu.memory_space<vmem>>) semaphore(%arg14 : memref<!tpu.dma_semaphore, #tpu.memory_space<semaphore_mem>>)
    %dma_start3A_126 = arith.constant 2 : i32
    %dma_start3A_127 = arith.constant 0 : i32
    %dma_start3A_128 = tpu.memref_slice %arg6[%dma_start3A_126, %dma_start3A_127] : memref<40x64xi32, #tpu.memory_space<vmem>> -> memref<1x64xi32, #tpu.memory_space<vmem>>
    %dma_start3A_129 = tpu.memref_squeeze %dma_start3A_128 : memref<1x64xi32, #tpu.memory_space<vmem>> -> memref<64xi32, #tpu.memory_space<vmem>>
    %dma_start3A_130 = arith.constant 0 : i32
    %dma_start3A_131 = arith.constant 0 : i32
    %dma_start3A_132 = tpu.memref_slice %arg2[%dma_start3A_130, %dma_start3A_131] : memref<10000x128xf32, #tpu.memory_space<hbm>> -> memref<10000x128xf32, #tpu.memory_space<hbm>>
    tpu.enqueue_indirect_dma source(%dma_start3A_132 : memref<10000x128xf32, #tpu.memory_space<hbm>>) target(%arg10 : memref<64x128xf32, #tpu.memory_space<vmem>>) offsets(%dma_start3A_129 : memref<64xi32, #tpu.memory_space<vmem>>) semaphore(%arg15 : memref<!tpu.dma_semaphore, #tpu.memory_space<semaphore_mem>>)
    %scan3A_133 = arith.constant 0 : i32
    %scan3A_134 = arith.constant 0 : i32
    %scan3A_135 = arith.constant 10 : i32
    %scan3A_136 = arith.addi %scan3A_134, %scan3A_135 : i32
    %scan3A_137 = arith.constant 1 : i32
    %scan3A_138 = scf.for %scan3A_141 = %scan3A_134 to %scan3A_136 step %scan3A_137 iter_args(%scan3A_142 = %scan3A_133) -> (i32)  : i32 {
      %mul3A_143 = arith.constant 4 : i32
      %mul3A_144 = arith.muli %mul3A_143, %scan3A_141 : i32
      %add3A_145 = arith.constant 0 : i32
      %add3A_146 = arith.addi %mul3A_144, %add3A_145 : i32
      %add3A_147 = arith.constant 3 : i32
      %add3A_148 = arith.addi %add3A_146, %add3A_147 : i32
      %lt3A = arith.constant 40 : i32
      %lt3A_149 = arith.cmpi slt, %add3A_148, %lt3A : i32
      %convert_element_type3A = arith.extui %lt3A_149 : i1 to i32
      %cond3A = arith.constant 0 : i32
      %cond3A_150 = arith.cmpi ne, %convert_element_type3A, %cond3A : i32
      scf.if %cond3A_150 {
        %dma_start3A_208 = arith.constant 0 : i32
        %dma_start3A_209 = tpu.memref_slice %arg6[%add3A_148, %dma_start3A_208] : memref<40x64xi32, #tpu.memory_space<vmem>> -> memref<1x64xi32, #tpu.memory_space<vmem>>
        %dma_start3A_210 = tpu.memref_squeeze %dma_start3A_209 : memref<1x64xi32, #tpu.memory_space<vmem>> -> memref<64xi32, #tpu.memory_space<vmem>>
        %dma_start3A_211 = arith.constant 0 : i32
        %dma_start3A_212 = arith.constant 0 : i32
        %dma_start3A_213 = tpu.memref_slice %arg2[%dma_start3A_211, %dma_start3A_212] : memref<10000x128xf32, #tpu.memory_space<hbm>> -> memref<10000x128xf32, #tpu.memory_space<hbm>>
        tpu.enqueue_indirect_dma source(%dma_start3A_213 : memref<10000x128xf32, #tpu.memory_space<hbm>>) target(%arg11 : memref<64x128xf32, #tpu.memory_space<vmem>>) offsets(%dma_start3A_210 : memref<64xi32, #tpu.memory_space<vmem>>) semaphore(%arg16 : memref<!tpu.dma_semaphore, #tpu.memory_space<semaphore_mem>>)
      } else {
      }
      %dma_wait3A = arith.constant 0 : i32
      %dma_wait3A_151 = tpu.memref_slice %arg6[%add3A_146, %dma_wait3A] : memref<40x64xi32, #tpu.memory_space<vmem>> -> memref<1x64xi32, #tpu.memory_space<vmem>>
      %dma_wait3A_152 = tpu.memref_squeeze %dma_wait3A_151 : memref<1x64xi32, #tpu.memory_space<vmem>> -> memref<64xi32, #tpu.memory_space<vmem>>
      %dma_wait3A_153 = arith.constant 0 : i32
      %dma_wait3A_154 = arith.constant 0 : i32
      %dma_wait3A_155 = tpu.memref_slice %arg2[%dma_wait3A_153, %dma_wait3A_154] : memref<10000x128xf32, #tpu.memory_space<hbm>> -> memref<10000x128xf32, #tpu.memory_space<hbm>>
      tpu.wait_indirect_dma semaphore(%arg13 : memref<!tpu.dma_semaphore, #tpu.memory_space<semaphore_mem>>) src(%dma_wait3A_155 : memref<10000x128xf32, #tpu.memory_space<hbm>>) dst(%arg8 : memref<64x128xf32, #tpu.memory_space<vmem>>)
      "tpu.region"() ({
        %run_scoped3A = tpu.sem_alloc : memref<!tpu.dma_semaphore, #tpu.memory_space<semaphore_mem>>
        %dma_start3A_208 = arith.constant 0 : i32
        %dma_start3A_209 = tpu.memref_slice %arg7[%add3A_146, %dma_start3A_208] : memref<40x64xi32, #tpu.memory_space<vmem>> -> memref<1x64xi32, #tpu.memory_space<vmem>>
        %dma_start3A_210 = tpu.memref_squeeze %dma_start3A_209 : memref<1x64xi32, #tpu.memory_space<vmem>> -> memref<64xi32, #tpu.memory_space<vmem>>
        %dma_start3A_211 = arith.constant 0 : i32
        %dma_start3A_212 = arith.constant 0 : i32
        %dma_start3A_213 = tpu.memref_slice %arg12[%dma_start3A_211, %dma_start3A_212] : memref<10240x128xf32, #tpu.memory_space<vmem_shared>> -> memref<10240x128xf32, #tpu.memory_space<vmem_shared>>
        tpu.enqueue_indirect_dma source(%arg8 : memref<64x128xf32, #tpu.memory_space<vmem>>) target(%dma_start3A_213 : memref<10240x128xf32, #tpu.memory_space<vmem_shared>>) offsets(%dma_start3A_210 : memref<64xi32, #tpu.memory_space<vmem>>) semaphore(%run_scoped3A : memref<!tpu.dma_semaphore, #tpu.memory_space<semaphore_mem>>) {add = true}
        %dma_wait3A_214 = arith.constant 0 : i32
        %dma_wait3A_215 = tpu.memref_slice %arg7[%add3A_146, %dma_wait3A_214] : memref<40x64xi32, #tpu.memory_space<vmem>> -> memref<1x64xi32, #tpu.memory_space<vmem>>
        %dma_wait3A_216 = tpu.memref_squeeze %dma_wait3A_215 : memref<1x64xi32, #tpu.memory_space<vmem>> -> memref<64xi32, #tpu.memory_space<vmem>>
        %dma_wait3A_217 = arith.constant 0 : i32
        %dma_wait3A_218 = arith.constant 0 : i32
        %dma_wait3A_219 = tpu.memref_slice %arg12[%dma_wait3A_217, %dma_wait3A_218] : memref<10240x128xf32, #tpu.memory_space<vmem_shared>> -> memref<10240x128xf32, #tpu.memory_space<vmem_shared>>
        tpu.wait_indirect_dma semaphore(%run_scoped3A : memref<!tpu.dma_semaphore, #tpu.memory_space<semaphore_mem>>) src(%arg8 : memref<64x128xf32, #tpu.memory_space<vmem>>) dst(%dma_wait3A_219 : memref<10240x128xf32, #tpu.memory_space<vmem_shared>>)
        tpu.yield
      }) : () -> ()
      %mul3A_156 = arith.constant 4 : i32
      %mul3A_157 = arith.muli %mul3A_156, %scan3A_141 : i32
      %add3A_158 = arith.constant 1 : i32
      %add3A_159 = arith.addi %mul3A_157, %add3A_158 : i32
      %add3A_160 = arith.constant 3 : i32
      %add3A_161 = arith.addi %add3A_159, %add3A_160 : i32
      %lt3A_162 = arith.constant 40 : i32
      %lt3A_163 = arith.cmpi slt, %add3A_161, %lt3A_162 : i32
      %convert_element_type3A_164 = arith.extui %lt3A_163 : i1 to i32
      %cond3A_165 = arith.constant 0 : i32
      %cond3A_166 = arith.cmpi ne, %convert_element_type3A_164, %cond3A_165 : i32
      scf.if %cond3A_166 {
        %dma_start3A_208 = arith.constant 0 : i32
        %dma_start3A_209 = tpu.memref_slice %arg6[%add3A_161, %dma_start3A_208] : memref<40x64xi32, #tpu.memory_space<vmem>> -> memref<1x64xi32, #tpu.memory_space<vmem>>
        %dma_start3A_210 = tpu.memref_squeeze %dma_start3A_209 : memref<1x64xi32, #tpu.memory_space<vmem>> -> memref<64xi32, #tpu.memory_space<vmem>>
        %dma_start3A_211 = arith.constant 0 : i32
        %dma_start3A_212 = arith.constant 0 : i32
        %dma_start3A_213 = tpu.memref_slice %arg2[%dma_start3A_211, %dma_start3A_212] : memref<10000x128xf32, #tpu.memory_space<hbm>> -> memref<10000x128xf32, #tpu.memory_space<hbm>>
        tpu.enqueue_indirect_dma source(%dma_start3A_213 : memref<10000x128xf32, #tpu.memory_space<hbm>>) target(%arg8 : memref<64x128xf32, #tpu.memory_space<vmem>>) offsets(%dma_start3A_210 : memref<64xi32, #tpu.memory_space<vmem>>) semaphore(%arg13 : memref<!tpu.dma_semaphore, #tpu.memory_space<semaphore_mem>>)
      } else {
      }
      %dma_wait3A_167 = arith.constant 0 : i32
      %dma_wait3A_168 = tpu.memref_slice %arg6[%add3A_159, %dma_wait3A_167] : memref<40x64xi32, #tpu.memory_space<vmem>> -> memref<1x64xi32, #tpu.memory_space<vmem>>
      %dma_wait3A_169 = tpu.memref_squeeze %dma_wait3A_168 : memref<1x64xi32, #tpu.memory_space<vmem>> -> memref<64xi32, #tpu.memory_space<vmem>>
      %dma_wait3A_170 = arith.constant 0 : i32
      %dma_wait3A_171 = arith.constant 0 : i32
      %dma_wait3A_172 = tpu.memref_slice %arg2[%dma_wait3A_170, %dma_wait3A_171] : memref<10000x128xf32, #tpu.memory_space<hbm>> -> memref<10000x128xf32, #tpu.memory_space<hbm>>
      tpu.wait_indirect_dma semaphore(%arg14 : memref<!tpu.dma_semaphore, #tpu.memory_space<semaphore_mem>>) src(%dma_wait3A_172 : memref<10000x128xf32, #tpu.memory_space<hbm>>) dst(%arg9 : memref<64x128xf32, #tpu.memory_space<vmem>>)
      "tpu.region"() ({
        %run_scoped3A = tpu.sem_alloc : memref<!tpu.dma_semaphore, #tpu.memory_space<semaphore_mem>>
        %dma_start3A_208 = arith.constant 0 : i32
        %dma_start3A_209 = tpu.memref_slice %arg7[%add3A_159, %dma_start3A_208] : memref<40x64xi32, #tpu.memory_space<vmem>> -> memref<1x64xi32, #tpu.memory_space<vmem>>
        %dma_start3A_210 = tpu.memref_squeeze %dma_start3A_209 : memref<1x64xi32, #tpu.memory_space<vmem>> -> memref<64xi32, #tpu.memory_space<vmem>>
        %dma_start3A_211 = arith.constant 0 : i32
        %dma_start3A_212 = arith.constant 0 : i32
        %dma_start3A_213 = tpu.memref_slice %arg12[%dma_start3A_211, %dma_start3A_212] : memref<10240x128xf32, #tpu.memory_space<vmem_shared>> -> memref<10240x128xf32, #tpu.memory_space<vmem_shared>>
        tpu.enqueue_indirect_dma source(%arg9 : memref<64x128xf32, #tpu.memory_space<vmem>>) target(%dma_start3A_213 : memref<10240x128xf32, #tpu.memory_space<vmem_shared>>) offsets(%dma_start3A_210 : memref<64xi32, #tpu.memory_space<vmem>>) semaphore(%run_scoped3A : memref<!tpu.dma_semaphore, #tpu.memory_space<semaphore_mem>>) {add = true}
        %dma_wait3A_214 = arith.constant 0 : i32
        %dma_wait3A_215 = tpu.memref_slice %arg7[%add3A_159, %dma_wait3A_214] : memref<40x64xi32, #tpu.memory_space<vmem>> -> memref<1x64xi32, #tpu.memory_space<vmem>>
        %dma_wait3A_216 = tpu.memref_squeeze %dma_wait3A_215 : memref<1x64xi32, #tpu.memory_space<vmem>> -> memref<64xi32, #tpu.memory_space<vmem>>
        %dma_wait3A_217 = arith.constant 0 : i32
        %dma_wait3A_218 = arith.constant 0 : i32
        %dma_wait3A_219 = tpu.memref_slice %arg12[%dma_wait3A_217, %dma_wait3A_218] : memref<10240x128xf32, #tpu.memory_space<vmem_shared>> -> memref<10240x128xf32, #tpu.memory_space<vmem_shared>>
        tpu.wait_indirect_dma semaphore(%run_scoped3A : memref<!tpu.dma_semaphore, #tpu.memory_space<semaphore_mem>>) src(%arg9 : memref<64x128xf32, #tpu.memory_space<vmem>>) dst(%dma_wait3A_219 : memref<10240x128xf32, #tpu.memory_space<vmem_shared>>)
        tpu.yield
      }) : () -> ()
      %mul3A_173 = arith.constant 4 : i32
      %mul3A_174 = arith.muli %mul3A_173, %scan3A_141 : i32
      %add3A_175 = arith.constant 2 : i32
      %add3A_176 = arith.addi %mul3A_174, %add3A_175 : i32
      %add3A_177 = arith.constant 3 : i32
      %add3A_178 = arith.addi %add3A_176, %add3A_177 : i32
      %lt3A_179 = arith.constant 40 : i32
      %lt3A_180 = arith.cmpi slt, %add3A_178, %lt3A_179 : i32
      %convert_element_type3A_181 = arith.extui %lt3A_180 : i1 to i32
      %cond3A_182 = arith.constant 0 : i32
      %cond3A_183 = arith.cmpi ne, %convert_element_type3A_181, %cond3A_182 : i32
      scf.if %cond3A_183 {
        %dma_start3A_208 = arith.constant 0 : i32
        %dma_start3A_209 = tpu.memref_slice %arg6[%add3A_178, %dma_start3A_208] : memref<40x64xi32, #tpu.memory_space<vmem>> -> memref<1x64xi32, #tpu.memory_space<vmem>>
        %dma_start3A_210 = tpu.memref_squeeze %dma_start3A_209 : memref<1x64xi32, #tpu.memory_space<vmem>> -> memref<64xi32, #tpu.memory_space<vmem>>
        %dma_start3A_211 = arith.constant 0 : i32
        %dma_start3A_212 = arith.constant 0 : i32
        %dma_start3A_213 = tpu.memref_slice %arg2[%dma_start3A_211, %dma_start3A_212] : memref<10000x128xf32, #tpu.memory_space<hbm>> -> memref<10000x128xf32, #tpu.memory_space<hbm>>
        tpu.enqueue_indirect_dma source(%dma_start3A_213 : memref<10000x128xf32, #tpu.memory_space<hbm>>) target(%arg9 : memref<64x128xf32, #tpu.memory_space<vmem>>) offsets(%dma_start3A_210 : memref<64xi32, #tpu.memory_space<vmem>>) semaphore(%arg14 : memref<!tpu.dma_semaphore, #tpu.memory_space<semaphore_mem>>)
      } else {
      }
      %dma_wait3A_184 = arith.constant 0 : i32
      %dma_wait3A_185 = tpu.memref_slice %arg6[%add3A_176, %dma_wait3A_184] : memref<40x64xi32, #tpu.memory_space<vmem>> -> memref<1x64xi32, #tpu.memory_space<vmem>>
      %dma_wait3A_186 = tpu.memref_squeeze %dma_wait3A_185 : memref<1x64xi32, #tpu.memory_space<vmem>> -> memref<64xi32, #tpu.memory_space<vmem>>
      %dma_wait3A_187 = arith.constant 0 : i32
      %dma_wait3A_188 = arith.constant 0 : i32
      %dma_wait3A_189 = tpu.memref_slice %arg2[%dma_wait3A_187, %dma_wait3A_188] : memref<10000x128xf32, #tpu.memory_space<hbm>> -> memref<10000x128xf32, #tpu.memory_space<hbm>>
      tpu.wait_indirect_dma semaphore(%arg15 : memref<!tpu.dma_semaphore, #tpu.memory_space<semaphore_mem>>) src(%dma_wait3A_189 : memref<10000x128xf32, #tpu.memory_space<hbm>>) dst(%arg10 : memref<64x128xf32, #tpu.memory_space<vmem>>)
      "tpu.region"() ({
        %run_scoped3A = tpu.sem_alloc : memref<!tpu.dma_semaphore, #tpu.memory_space<semaphore_mem>>
        %dma_start3A_208 = arith.constant 0 : i32
        %dma_start3A_209 = tpu.memref_slice %arg7[%add3A_176, %dma_start3A_208] : memref<40x64xi32, #tpu.memory_space<vmem>> -> memref<1x64xi32, #tpu.memory_space<vmem>>
        %dma_start3A_210 = tpu.memref_squeeze %dma_start3A_209 : memref<1x64xi32, #tpu.memory_space<vmem>> -> memref<64xi32, #tpu.memory_space<vmem>>
        %dma_start3A_211 = arith.constant 0 : i32
        %dma_start3A_212 = arith.constant 0 : i32
        %dma_start3A_213 = tpu.memref_slice %arg12[%dma_start3A_211, %dma_start3A_212] : memref<10240x128xf32, #tpu.memory_space<vmem_shared>> -> memref<10240x128xf32, #tpu.memory_space<vmem_shared>>
        tpu.enqueue_indirect_dma source(%arg10 : memref<64x128xf32, #tpu.memory_space<vmem>>) target(%dma_start3A_213 : memref<10240x128xf32, #tpu.memory_space<vmem_shared>>) offsets(%dma_start3A_210 : memref<64xi32, #tpu.memory_space<vmem>>) semaphore(%run_scoped3A : memref<!tpu.dma_semaphore, #tpu.memory_space<semaphore_mem>>) {add = true}
        %dma_wait3A_214 = arith.constant 0 : i32
        %dma_wait3A_215 = tpu.memref_slice %arg7[%add3A_176, %dma_wait3A_214] : memref<40x64xi32, #tpu.memory_space<vmem>> -> memref<1x64xi32, #tpu.memory_space<vmem>>
        %dma_wait3A_216 = tpu.memref_squeeze %dma_wait3A_215 : memref<1x64xi32, #tpu.memory_space<vmem>> -> memref<64xi32, #tpu.memory_space<vmem>>
        %dma_wait3A_217 = arith.constant 0 : i32
        %dma_wait3A_218 = arith.constant 0 : i32
        %dma_wait3A_219 = tpu.memref_slice %arg12[%dma_wait3A_217, %dma_wait3A_218] : memref<10240x128xf32, #tpu.memory_space<vmem_shared>> -> memref<10240x128xf32, #tpu.memory_space<vmem_shared>>
        tpu.wait_indirect_dma semaphore(%run_scoped3A : memref<!tpu.dma_semaphore, #tpu.memory_space<semaphore_mem>>) src(%arg10 : memref<64x128xf32, #tpu.memory_space<vmem>>) dst(%dma_wait3A_219 : memref<10240x128xf32, #tpu.memory_space<vmem_shared>>)
        tpu.yield
      }) : () -> ()
      %mul3A_190 = arith.constant 4 : i32
      %mul3A_191 = arith.muli %mul3A_190, %scan3A_141 : i32
      %add3A_192 = arith.constant 3 : i32
      %add3A_193 = arith.addi %mul3A_191, %add3A_192 : i32
      %add3A_194 = arith.constant 3 : i32
      %add3A_195 = arith.addi %add3A_193, %add3A_194 : i32
      %lt3A_196 = arith.constant 40 : i32
      %lt3A_197 = arith.cmpi slt, %add3A_195, %lt3A_196 : i32
      %convert_element_type3A_198 = arith.extui %lt3A_197 : i1 to i32
      %cond3A_199 = arith.constant 0 : i32
      %cond3A_200 = arith.cmpi ne, %convert_element_type3A_198, %cond3A_199 : i32
      scf.if %cond3A_200 {
        %dma_start3A_208 = arith.constant 0 : i32
        %dma_start3A_209 = tpu.memref_slice %arg6[%add3A_195, %dma_start3A_208] : memref<40x64xi32, #tpu.memory_space<vmem>> -> memref<1x64xi32, #tpu.memory_space<vmem>>
        %dma_start3A_210 = tpu.memref_squeeze %dma_start3A_209 : memref<1x64xi32, #tpu.memory_space<vmem>> -> memref<64xi32, #tpu.memory_space<vmem>>
        %dma_start3A_211 = arith.constant 0 : i32
        %dma_start3A_212 = arith.constant 0 : i32
        %dma_start3A_213 = tpu.memref_slice %arg2[%dma_start3A_211, %dma_start3A_212] : memref<10000x128xf32, #tpu.memory_space<hbm>> -> memref<10000x128xf32, #tpu.memory_space<hbm>>
        tpu.enqueue_indirect_dma source(%dma_start3A_213 : memref<10000x128xf32, #tpu.memory_space<hbm>>) target(%arg10 : memref<64x128xf32, #tpu.memory_space<vmem>>) offsets(%dma_start3A_210 : memref<64xi32, #tpu.memory_space<vmem>>) semaphore(%arg15 : memref<!tpu.dma_semaphore, #tpu.memory_space<semaphore_mem>>)
      } else {
      }
      %dma_wait3A_201 = arith.constant 0 : i32
      %dma_wait3A_202 = tpu.memref_slice %arg6[%add3A_193, %dma_wait3A_201] : memref<40x64xi32, #tpu.memory_space<vmem>> -> memref<1x64xi32, #tpu.memory_space<vmem>>
      %dma_wait3A_203 = tpu.memref_squeeze %dma_wait3A_202 : memref<1x64xi32, #tpu.memory_space<vmem>> -> memref<64xi32, #tpu.memory_space<vmem>>
      %dma_wait3A_204 = arith.constant 0 : i32
      %dma_wait3A_205 = arith.constant 0 : i32
      %dma_wait3A_206 = tpu.memref_slice %arg2[%dma_wait3A_204, %dma_wait3A_205] : memref<10000x128xf32, #tpu.memory_space<hbm>> -> memref<10000x128xf32, #tpu.memory_space<hbm>>
      tpu.wait_indirect_dma semaphore(%arg16 : memref<!tpu.dma_semaphore, #tpu.memory_space<semaphore_mem>>) src(%dma_wait3A_206 : memref<10000x128xf32, #tpu.memory_space<hbm>>) dst(%arg11 : memref<64x128xf32, #tpu.memory_space<vmem>>)
      "tpu.region"() ({
        %run_scoped3A = tpu.sem_alloc : memref<!tpu.dma_semaphore, #tpu.memory_space<semaphore_mem>>
        %dma_start3A_208 = arith.constant 0 : i32
        %dma_start3A_209 = tpu.memref_slice %arg7[%add3A_193, %dma_start3A_208] : memref<40x64xi32, #tpu.memory_space<vmem>> -> memref<1x64xi32, #tpu.memory_space<vmem>>
        %dma_start3A_210 = tpu.memref_squeeze %dma_start3A_209 : memref<1x64xi32, #tpu.memory_space<vmem>> -> memref<64xi32, #tpu.memory_space<vmem>>
        %dma_start3A_211 = arith.constant 0 : i32
        %dma_start3A_212 = arith.constant 0 : i32
        %dma_start3A_213 = tpu.memref_slice %arg12[%dma_start3A_211, %dma_start3A_212] : memref<10240x128xf32, #tpu.memory_space<vmem_shared>> -> memref<10240x128xf32, #tpu.memory_space<vmem_shared>>
        tpu.enqueue_indirect_dma source(%arg11 : memref<64x128xf32, #tpu.memory_space<vmem>>) target(%dma_start3A_213 : memref<10240x128xf32, #tpu.memory_space<vmem_shared>>) offsets(%dma_start3A_210 : memref<64xi32, #tpu.memory_space<vmem>>) semaphore(%run_scoped3A : memref<!tpu.dma_semaphore, #tpu.memory_space<semaphore_mem>>) {add = true}
        %dma_wait3A_214 = arith.constant 0 : i32
        %dma_wait3A_215 = tpu.memref_slice %arg7[%add3A_193, %dma_wait3A_214] : memref<40x64xi32, #tpu.memory_space<vmem>> -> memref<1x64xi32, #tpu.memory_space<vmem>>
        %dma_wait3A_216 = tpu.memref_squeeze %dma_wait3A_215 : memref<1x64xi32, #tpu.memory_space<vmem>> -> memref<64xi32, #tpu.memory_space<vmem>>
        %dma_wait3A_217 = arith.constant 0 : i32
        %dma_wait3A_218 = arith.constant 0 : i32
        %dma_wait3A_219 = tpu.memref_slice %arg12[%dma_wait3A_217, %dma_wait3A_218] : memref<10240x128xf32, #tpu.memory_space<vmem_shared>> -> memref<10240x128xf32, #tpu.memory_space<vmem_shared>>
        tpu.wait_indirect_dma semaphore(%run_scoped3A : memref<!tpu.dma_semaphore, #tpu.memory_space<semaphore_mem>>) src(%arg11 : memref<64x128xf32, #tpu.memory_space<vmem>>) dst(%dma_wait3A_219 : memref<10240x128xf32, #tpu.memory_space<vmem_shared>>)
        tpu.yield
      }) : () -> ()
      %scan3A_207 = arith.constant 0 : i32
      scf.yield %scan3A_207 : i32
    }
    %scan3A_139 = arith.constant 10 : i32
    %barrier3A_140 = arith.constant 0 : index
    tpu.barrier barrier_id(%barrier3A_140)
    "tpu.region"() ({
      %run_scoped3A = tpu.sem_alloc : memref<!tpu.dma_semaphore, #tpu.memory_space<semaphore_mem>>
      %dma_start3A_141 = arith.constant 0 : i32
      %dma_start3A_142 = arith.constant 0 : i32
      %dma_start3A_143 = tpu.memref_slice %arg5[%arg0, %dma_start3A_141, %dma_start3A_142] : memref<2x10240x128xf32, #tpu.memory_space<hbm>> -> memref<1x10240x128xf32, #tpu.memory_space<hbm>>
      %dma_start3A_144 = tpu.memref_squeeze %dma_start3A_143 : memref<1x10240x128xf32, #tpu.memory_space<hbm>> -> memref<10240x128xf32, #tpu.memory_space<hbm>>
      %dma_start3A_145 = arith.constant 0 : i32
      %dma_start3A_146 = tpu.memref_slice %dma_start3A_144[%mul3A_2, %dma_start3A_145] : memref<10240x128xf32, #tpu.memory_space<hbm>> -> memref<640x128xf32, #tpu.memory_space<hbm>>
      %dma_start3A_147 = arith.constant 0 : i32
      %dma_start3A_148 = tpu.memref_slice %arg12[%mul3A_2, %dma_start3A_147] : memref<10240x128xf32, #tpu.memory_space<vmem_shared>> -> memref<640x128xf32, #tpu.memory_space<vmem_shared>>
      tpu.enqueue_dma source(%dma_start3A_148 : memref<640x128xf32, #tpu.memory_space<vmem_shared>>) target(%dma_start3A_146 : memref<640x128xf32, #tpu.memory_space<hbm>>) target_semaphore(%run_scoped3A : memref<!tpu.dma_semaphore, #tpu.memory_space<semaphore_mem>>)
      %dma_wait3A = arith.constant 0 : i32
      %dma_wait3A_149 = arith.constant 0 : i32
      %dma_wait3A_150 = tpu.memref_slice %arg5[%arg0, %dma_wait3A, %dma_wait3A_149] : memref<2x10240x128xf32, #tpu.memory_space<hbm>> -> memref<1x10240x128xf32, #tpu.memory_space<hbm>>
      %dma_wait3A_151 = tpu.memref_squeeze %dma_wait3A_150 : memref<1x10240x128xf32, #tpu.memory_space<hbm>> -> memref<10240x128xf32, #tpu.memory_space<hbm>>
      %dma_wait3A_152 = arith.constant 0 : i32
      %dma_wait3A_153 = tpu.memref_slice %dma_wait3A_151[%mul3A_2, %dma_wait3A_152] : memref<10240x128xf32, #tpu.memory_space<hbm>> -> memref<640x128xf32, #tpu.memory_space<hbm>>
      %dma_wait3A_154 = arith.constant 0 : i32
      %dma_wait3A_155 = tpu.memref_slice %arg12[%mul3A_2, %dma_wait3A_154] : memref<10240x128xf32, #tpu.memory_space<vmem_shared>> -> memref<640x128xf32, #tpu.memory_space<vmem_shared>>
      tpu.wait_dma2 semaphore(%run_scoped3A : memref<!tpu.dma_semaphore, #tpu.memory_space<semaphore_mem>>) src(%dma_wait3A_155 : memref<640x128xf32, #tpu.memory_space<vmem_shared>>) dst(%dma_wait3A_153 : memref<640x128xf32, #tpu.memory_space<hbm>>)
      tpu.yield
    }) : () -> ()
    return
  }
}

#map = affine_map<(d0, d1) -> (0, 0)>
#map1 = affine_map<(d0, d1) -> (0, 0, 0)>
module attributes {stable_mosaic.version = 14 : i64} {
  func.func @_agg_kernel(%arg0: i32, %arg1: i32, %arg2: memref<10000x128xf32, #tpu.memory_space<hbm>>, %arg3: memref<32x160x64xi32, #tpu.memory_space<hbm>>, %arg4: memref<32x160x64xi32, #tpu.memory_space<hbm>>, %arg5: memref<2x10240x128xf32, #tpu.memory_space<hbm>>, %arg6: memref<40x64xi32, #tpu.memory_space<vmem>>, %arg7: memref<40x64xi32, #tpu.memory_space<vmem>>, %arg8: memref<64x128xf32, #tpu.memory_space<vmem>>, %arg9: memref<64x128xf32, #tpu.memory_space<vmem>>, %arg10: memref<64x128xf32, #tpu.memory_space<vmem>>, %arg11: memref<64x128xf32, #tpu.memory_space<vmem>>, %arg12: memref<10240x128xf32, #tpu.memory_space<vmem_shared>>, %arg13: memref<!tpu.dma_semaphore, #tpu.memory_space<semaphore_mem>>, %arg14: memref<!tpu.dma_semaphore, #tpu.memory_space<semaphore_mem>>, %arg15: memref<!tpu.dma_semaphore, #tpu.memory_space<semaphore_mem>>, %arg16: memref<!tpu.dma_semaphore, #tpu.memory_space<semaphore_mem>>) attributes {dimension_semantics = [#tpu.dimension_semantics<core_parallel>, #tpu.dimension_semantics<subcore_parallel>], iteration_bounds = array<i64: 2, 16>, scalar_prefetch = 0 : i64, scratch_operands = 11 : i64, tpu.core_type = #tpu.core_type<sc_vector_subcore>, window_params = [{transform_indices = #map}, {transform_indices = #map1}, {transform_indices = #map1}, {transform_indices = #map1}]} {
    %mul3A = arith.constant 2 : i32
    %mul3A_0 = arith.muli %arg1, %mul3A : i32
    %add3A = arith.addi %mul3A_0, %arg0 : i32
    %mul3A_1 = arith.constant 640 : i32
    %mul3A_2 = arith.muli %arg1, %mul3A_1 : i32
    %scan3A = arith.constant 0 : i32
    %scan3A_3 = arith.constant 0 : i32
    %scan3A_4 = arith.constant 64 : i32
    %scan3A_5 = arith.addi %scan3A_3, %scan3A_4 : i32
    %scan3A_6 = arith.constant 1 : i32
    %scan3A_7 = scf.for %scan3A_141 = %scan3A_3 to %scan3A_5 step %scan3A_6 iter_args(%scan3A_142 = %scan3A) -> (i32)  : i32 {
      %broadcast_in_dim3A = arith.constant 0.000000e+00 : f32
      %broadcast_in_dim3A_143 = vector.broadcast %broadcast_in_dim3A : f32 to vector<16xf32>
      %swap3A = arith.index_cast %scan3A_141 : i32 to index
      %swap3A_144 = arith.constant 0 : index
      %swap3A_145 = tpu.vector_load %arg8[%swap3A, %swap3A_144] {strides = array<i32>} : memref<64x128xf32, #tpu.memory_space<vmem>>, vector<1x16xf32>,
      %swap3A_146 = vector.shape_cast %swap3A_145 : vector<1x16xf32> to vector<16xf32>
      %swap3A_147 = vector.shape_cast %broadcast_in_dim3A_143 : vector<16xf32> to vector<1x16xf32>
      tpu.vector_store %arg8[%swap3A, %swap3A_144], %swap3A_147 {strides = array<i32>} : memref<64x128xf32, #tpu.memory_space<vmem>>, vector<1x16xf32>,
      %broadcast_in_dim3A_148 = arith.constant 0.000000e+00 : f32
      %broadcast_in_dim3A_149 = vector.broadcast %broadcast_in_dim3A_148 : f32 to vector<16xf32>
      %swap3A_150 = arith.index_cast %scan3A_141 : i32 to index
      %swap3A_151 = arith.constant 16 : index
      %swap3A_152 = tpu.vector_load %arg8[%swap3A_150, %swap3A_151] {strides = array<i32>} : memref<64x128xf32, #tpu.memory_space<vmem>>, vector<1x16xf32>,
      %swap3A_153 = vector.shape_cast %swap3A_152 : vector<1x16xf32> to vector<16xf32>
      %swap3A_154 = vector.shape_cast %broadcast_in_dim3A_149 : vector<16xf32> to vector<1x16xf32>
      tpu.vector_store %arg8[%swap3A_150, %swap3A_151], %swap3A_154 {strides = array<i32>} : memref<64x128xf32, #tpu.memory_space<vmem>>, vector<1x16xf32>,
      %broadcast_in_dim3A_155 = arith.constant 0.000000e+00 : f32
      %broadcast_in_dim3A_156 = vector.broadcast %broadcast_in_dim3A_155 : f32 to vector<16xf32>
      %swap3A_157 = arith.index_cast %scan3A_141 : i32 to index
      %swap3A_158 = arith.constant 32 : index
      %swap3A_159 = tpu.vector_load %arg8[%swap3A_157, %swap3A_158] {strides = array<i32>} : memref<64x128xf32, #tpu.memory_space<vmem>>, vector<1x16xf32>,
      %swap3A_160 = vector.shape_cast %swap3A_159 : vector<1x16xf32> to vector<16xf32>
      %swap3A_161 = vector.shape_cast %broadcast_in_dim3A_156 : vector<16xf32> to vector<1x16xf32>
      tpu.vector_store %arg8[%swap3A_157, %swap3A_158], %swap3A_161 {strides = array<i32>} : memref<64x128xf32, #tpu.memory_space<vmem>>, vector<1x16xf32>,
      %broadcast_in_dim3A_162 = arith.constant 0.000000e+00 : f32
      %broadcast_in_dim3A_163 = vector.broadcast %broadcast_in_dim3A_162 : f32 to vector<16xf32>
      %swap3A_164 = arith.index_cast %scan3A_141 : i32 to index
      %swap3A_165 = arith.constant 48 : index
      %swap3A_166 = tpu.vector_load %arg8[%swap3A_164, %swap3A_165] {strides = array<i32>} : memref<64x128xf32, #tpu.memory_space<vmem>>, vector<1x16xf32>,
      %swap3A_167 = vector.shape_cast %swap3A_166 : vector<1x16xf32> to vector<16xf32>
      %swap3A_168 = vector.shape_cast %broadcast_in_dim3A_163 : vector<16xf32> to vector<1x16xf32>
      tpu.vector_store %arg8[%swap3A_164, %swap3A_165], %swap3A_168 {strides = array<i32>} : memref<64x128xf32, #tpu.memory_space<vmem>>, vector<1x16xf32>,
      %broadcast_in_dim3A_169 = arith.constant 0.000000e+00 : f32
      %broadcast_in_dim3A_170 = vector.broadcast %broadcast_in_dim3A_169 : f32 to vector<16xf32>
      %swap3A_171 = arith.index_cast %scan3A_141 : i32 to index
      %swap3A_172 = arith.constant 64 : index
      %swap3A_173 = tpu.vector_load %arg8[%swap3A_171, %swap3A_172] {strides = array<i32>} : memref<64x128xf32, #tpu.memory_space<vmem>>, vector<1x16xf32>,
      %swap3A_174 = vector.shape_cast %swap3A_173 : vector<1x16xf32> to vector<16xf32>
      %swap3A_175 = vector.shape_cast %broadcast_in_dim3A_170 : vector<16xf32> to vector<1x16xf32>
      tpu.vector_store %arg8[%swap3A_171, %swap3A_172], %swap3A_175 {strides = array<i32>} : memref<64x128xf32, #tpu.memory_space<vmem>>, vector<1x16xf32>,
      %broadcast_in_dim3A_176 = arith.constant 0.000000e+00 : f32
      %broadcast_in_dim3A_177 = vector.broadcast %broadcast_in_dim3A_176 : f32 to vector<16xf32>
      %swap3A_178 = arith.index_cast %scan3A_141 : i32 to index
      %swap3A_179 = arith.constant 80 : index
      %swap3A_180 = tpu.vector_load %arg8[%swap3A_178, %swap3A_179] {strides = array<i32>} : memref<64x128xf32, #tpu.memory_space<vmem>>, vector<1x16xf32>,
      %swap3A_181 = vector.shape_cast %swap3A_180 : vector<1x16xf32> to vector<16xf32>
      %swap3A_182 = vector.shape_cast %broadcast_in_dim3A_177 : vector<16xf32> to vector<1x16xf32>
      tpu.vector_store %arg8[%swap3A_178, %swap3A_179], %swap3A_182 {strides = array<i32>} : memref<64x128xf32, #tpu.memory_space<vmem>>, vector<1x16xf32>,
      %broadcast_in_dim3A_183 = arith.constant 0.000000e+00 : f32
      %broadcast_in_dim3A_184 = vector.broadcast %broadcast_in_dim3A_183 : f32 to vector<16xf32>
      %swap3A_185 = arith.index_cast %scan3A_141 : i32 to index
      %swap3A_186 = arith.constant 96 : index
      %swap3A_187 = tpu.vector_load %arg8[%swap3A_185, %swap3A_186] {strides = array<i32>} : memref<64x128xf32, #tpu.memory_space<vmem>>, vector<1x16xf32>,
      %swap3A_188 = vector.shape_cast %swap3A_187 : vector<1x16xf32> to vector<16xf32>
      %swap3A_189 = vector.shape_cast %broadcast_in_dim3A_184 : vector<16xf32> to vector<1x16xf32>
      tpu.vector_store %arg8[%swap3A_185, %swap3A_186], %swap3A_189 {strides = array<i32>} : memref<64x128xf32, #tpu.memory_space<vmem>>, vector<1x16xf32>,
      %broadcast_in_dim3A_190 = arith.constant 0.000000e+00 : f32
      %broadcast_in_dim3A_191 = vector.broadcast %broadcast_in_dim3A_190 : f32 to vector<16xf32>
      %swap3A_192 = arith.index_cast %scan3A_141 : i32 to index
      %swap3A_193 = arith.constant 112 : index
      %swap3A_194 = tpu.vector_load %arg8[%swap3A_192, %swap3A_193] {strides = array<i32>} : memref<64x128xf32, #tpu.memory_space<vmem>>, vector<1x16xf32>,
      %swap3A_195 = vector.shape_cast %swap3A_194 : vector<1x16xf32> to vector<16xf32>
      %swap3A_196 = vector.shape_cast %broadcast_in_dim3A_191 : vector<16xf32> to vector<1x16xf32>
      tpu.vector_store %arg8[%swap3A_192, %swap3A_193], %swap3A_196 {strides = array<i32>} : memref<64x128xf32, #tpu.memory_space<vmem>>, vector<1x16xf32>,
      %scan3A_197 = arith.constant 0 : i32
      scf.yield %scan3A_197 : i32
    }
    %scan3A_8 = arith.constant 64 : i32
    %add3A_9 = arith.constant 0 : i32
    %add3A_10 = arith.addi %mul3A_2, %add3A_9 : i32
    "tpu.region"() ({
      %run_scoped3A = tpu.sem_alloc : memref<!tpu.dma_semaphore, #tpu.memory_space<semaphore_mem>>
      %dma_start3A_141 = arith.constant 0 : i32
      %dma_start3A_142 = tpu.memref_slice %arg12[%add3A_10, %dma_start3A_141] : memref<10240x128xf32, #tpu.memory_space<vmem_shared>> -> memref<64x128xf32, #tpu.memory_space<vmem_shared>>
      %dma_start3A_143 = arith.constant 0 : i32
      %dma_start3A_144 = tpu.memref_slice %arg12[%add3A_10, %dma_start3A_143] : memref<10240x128xf32, #tpu.memory_space<vmem_shared>> -> memref<64x128xf32, #tpu.memory_space<vmem_shared>>
      tpu.enqueue_dma source(%arg8 : memref<64x128xf32, #tpu.memory_space<vmem>>) target(%dma_start3A_144 : memref<64x128xf32, #tpu.memory_space<vmem_shared>>) target_semaphore(%run_scoped3A : memref<!tpu.dma_semaphore, #tpu.memory_space<semaphore_mem>>)
      %dma_wait3A = arith.constant 0 : i32
      %dma_wait3A_145 = tpu.memref_slice %arg12[%add3A_10, %dma_wait3A] : memref<10240x128xf32, #tpu.memory_space<vmem_shared>> -> memref<64x128xf32, #tpu.memory_space<vmem_shared>>
      %dma_wait3A_146 = arith.constant 0 : i32
      %dma_wait3A_147 = tpu.memref_slice %arg12[%add3A_10, %dma_wait3A_146] : memref<10240x128xf32, #tpu.memory_space<vmem_shared>> -> memref<64x128xf32, #tpu.memory_space<vmem_shared>>
      tpu.wait_dma2 semaphore(%run_scoped3A : memref<!tpu.dma_semaphore, #tpu.memory_space<semaphore_mem>>) src(%arg8 : memref<64x128xf32, #tpu.memory_space<vmem>>) dst(%dma_wait3A_147 : memref<64x128xf32, #tpu.memory_space<vmem_shared>>)
      tpu.yield
    }) : () -> ()
    %add3A_11 = arith.constant 64 : i32
    %add3A_12 = arith.addi %mul3A_2, %add3A_11 : i32
    "tpu.region"() ({
      %run_scoped3A = tpu.sem_alloc : memref<!tpu.dma_semaphore, #tpu.memory_space<semaphore_mem>>
      %dma_start3A_141 = arith.constant 0 : i32
      %dma_start3A_142 = tpu.memref_slice %arg12[%add3A_12, %dma_start3A_141] : memref<10240x128xf32, #tpu.memory_space<vmem_shared>> -> memref<64x128xf32, #tpu.memory_space<vmem_shared>>
      %dma_start3A_143 = arith.constant 0 : i32
      %dma_start3A_144 = tpu.memref_slice %arg12[%add3A_12, %dma_start3A_143] : memref<10240x128xf32, #tpu.memory_space<vmem_shared>> -> memref<64x128xf32, #tpu.memory_space<vmem_shared>>
      tpu.enqueue_dma source(%arg8 : memref<64x128xf32, #tpu.memory_space<vmem>>) target(%dma_start3A_144 : memref<64x128xf32, #tpu.memory_space<vmem_shared>>) target_semaphore(%run_scoped3A : memref<!tpu.dma_semaphore, #tpu.memory_space<semaphore_mem>>)
      %dma_wait3A = arith.constant 0 : i32
      %dma_wait3A_145 = tpu.memref_slice %arg12[%add3A_12, %dma_wait3A] : memref<10240x128xf32, #tpu.memory_space<vmem_shared>> -> memref<64x128xf32, #tpu.memory_space<vmem_shared>>
      %dma_wait3A_146 = arith.constant 0 : i32
      %dma_wait3A_147 = tpu.memref_slice %arg12[%add3A_12, %dma_wait3A_146] : memref<10240x128xf32, #tpu.memory_space<vmem_shared>> -> memref<64x128xf32, #tpu.memory_space<vmem_shared>>
      tpu.wait_dma2 semaphore(%run_scoped3A : memref<!tpu.dma_semaphore, #tpu.memory_space<semaphore_mem>>) src(%arg8 : memref<64x128xf32, #tpu.memory_space<vmem>>) dst(%dma_wait3A_147 : memref<64x128xf32, #tpu.memory_space<vmem_shared>>)
      tpu.yield
    }) : () -> ()
    %add3A_13 = arith.constant 128 : i32
    %add3A_14 = arith.addi %mul3A_2, %add3A_13 : i32
    "tpu.region"() ({
      %run_scoped3A = tpu.sem_alloc : memref<!tpu.dma_semaphore, #tpu.memory_space<semaphore_mem>>
      %dma_start3A_141 = arith.constant 0 : i32
      %dma_start3A_142 = tpu.memref_slice %arg12[%add3A_14, %dma_start3A_141] : memref<10240x128xf32, #tpu.memory_space<vmem_shared>> -> memref<64x128xf32, #tpu.memory_space<vmem_shared>>
      %dma_start3A_143 = arith.constant 0 : i32
      %dma_start3A_144 = tpu.memref_slice %arg12[%add3A_14, %dma_start3A_143] : memref<10240x128xf32, #tpu.memory_space<vmem_shared>> -> memref<64x128xf32, #tpu.memory_space<vmem_shared>>
      tpu.enqueue_dma source(%arg8 : memref<64x128xf32, #tpu.memory_space<vmem>>) target(%dma_start3A_144 : memref<64x128xf32, #tpu.memory_space<vmem_shared>>) target_semaphore(%run_scoped3A : memref<!tpu.dma_semaphore, #tpu.memory_space<semaphore_mem>>)
      %dma_wait3A = arith.constant 0 : i32
      %dma_wait3A_145 = tpu.memref_slice %arg12[%add3A_14, %dma_wait3A] : memref<10240x128xf32, #tpu.memory_space<vmem_shared>> -> memref<64x128xf32, #tpu.memory_space<vmem_shared>>
      %dma_wait3A_146 = arith.constant 0 : i32
      %dma_wait3A_147 = tpu.memref_slice %arg12[%add3A_14, %dma_wait3A_146] : memref<10240x128xf32, #tpu.memory_space<vmem_shared>> -> memref<64x128xf32, #tpu.memory_space<vmem_shared>>
      tpu.wait_dma2 semaphore(%run_scoped3A : memref<!tpu.dma_semaphore, #tpu.memory_space<semaphore_mem>>) src(%arg8 : memref<64x128xf32, #tpu.memory_space<vmem>>) dst(%dma_wait3A_147 : memref<64x128xf32, #tpu.memory_space<vmem_shared>>)
      tpu.yield
    }) : () -> ()
    %add3A_15 = arith.constant 192 : i32
    %add3A_16 = arith.addi %mul3A_2, %add3A_15 : i32
    "tpu.region"() ({
      %run_scoped3A = tpu.sem_alloc : memref<!tpu.dma_semaphore, #tpu.memory_space<semaphore_mem>>
      %dma_start3A_141 = arith.constant 0 : i32
      %dma_start3A_142 = tpu.memref_slice %arg12[%add3A_16, %dma_start3A_141] : memref<10240x128xf32, #tpu.memory_space<vmem_shared>> -> memref<64x128xf32, #tpu.memory_space<vmem_shared>>
      %dma_start3A_143 = arith.constant 0 : i32
      %dma_start3A_144 = tpu.memref_slice %arg12[%add3A_16, %dma_start3A_143] : memref<10240x128xf32, #tpu.memory_space<vmem_shared>> -> memref<64x128xf32, #tpu.memory_space<vmem_shared>>
      tpu.enqueue_dma source(%arg8 : memref<64x128xf32, #tpu.memory_space<vmem>>) target(%dma_start3A_144 : memref<64x128xf32, #tpu.memory_space<vmem_shared>>) target_semaphore(%run_scoped3A : memref<!tpu.dma_semaphore, #tpu.memory_space<semaphore_mem>>)
      %dma_wait3A = arith.constant 0 : i32
      %dma_wait3A_145 = tpu.memref_slice %arg12[%add3A_16, %dma_wait3A] : memref<10240x128xf32, #tpu.memory_space<vmem_shared>> -> memref<64x128xf32, #tpu.memory_space<vmem_shared>>
      %dma_wait3A_146 = arith.constant 0 : i32
      %dma_wait3A_147 = tpu.memref_slice %arg12[%add3A_16, %dma_wait3A_146] : memref<10240x128xf32, #tpu.memory_space<vmem_shared>> -> memref<64x128xf32, #tpu.memory_space<vmem_shared>>
      tpu.wait_dma2 semaphore(%run_scoped3A : memref<!tpu.dma_semaphore, #tpu.memory_space<semaphore_mem>>) src(%arg8 : memref<64x128xf32, #tpu.memory_space<vmem>>) dst(%dma_wait3A_147 : memref<64x128xf32, #tpu.memory_space<vmem_shared>>)
      tpu.yield
    }) : () -> ()
    %add3A_17 = arith.constant 256 : i32
    %add3A_18 = arith.addi %mul3A_2, %add3A_17 : i32
    "tpu.region"() ({
      %run_scoped3A = tpu.sem_alloc : memref<!tpu.dma_semaphore, #tpu.memory_space<semaphore_mem>>
      %dma_start3A_141 = arith.constant 0 : i32
      %dma_start3A_142 = tpu.memref_slice %arg12[%add3A_18, %dma_start3A_141] : memref<10240x128xf32, #tpu.memory_space<vmem_shared>> -> memref<64x128xf32, #tpu.memory_space<vmem_shared>>
      %dma_start3A_143 = arith.constant 0 : i32
      %dma_start3A_144 = tpu.memref_slice %arg12[%add3A_18, %dma_start3A_143] : memref<10240x128xf32, #tpu.memory_space<vmem_shared>> -> memref<64x128xf32, #tpu.memory_space<vmem_shared>>
      tpu.enqueue_dma source(%arg8 : memref<64x128xf32, #tpu.memory_space<vmem>>) target(%dma_start3A_144 : memref<64x128xf32, #tpu.memory_space<vmem_shared>>) target_semaphore(%run_scoped3A : memref<!tpu.dma_semaphore, #tpu.memory_space<semaphore_mem>>)
      %dma_wait3A = arith.constant 0 : i32
      %dma_wait3A_145 = tpu.memref_slice %arg12[%add3A_18, %dma_wait3A] : memref<10240x128xf32, #tpu.memory_space<vmem_shared>> -> memref<64x128xf32, #tpu.memory_space<vmem_shared>>
      %dma_wait3A_146 = arith.constant 0 : i32
      %dma_wait3A_147 = tpu.memref_slice %arg12[%add3A_18, %dma_wait3A_146] : memref<10240x128xf32, #tpu.memory_space<vmem_shared>> -> memref<64x128xf32, #tpu.memory_space<vmem_shared>>
      tpu.wait_dma2 semaphore(%run_scoped3A : memref<!tpu.dma_semaphore, #tpu.memory_space<semaphore_mem>>) src(%arg8 : memref<64x128xf32, #tpu.memory_space<vmem>>) dst(%dma_wait3A_147 : memref<64x128xf32, #tpu.memory_space<vmem_shared>>)
      tpu.yield
    }) : () -> ()
    %add3A_19 = arith.constant 320 : i32
    %add3A_20 = arith.addi %mul3A_2, %add3A_19 : i32
    "tpu.region"() ({
      %run_scoped3A = tpu.sem_alloc : memref<!tpu.dma_semaphore, #tpu.memory_space<semaphore_mem>>
      %dma_start3A_141 = arith.constant 0 : i32
      %dma_start3A_142 = tpu.memref_slice %arg12[%add3A_20, %dma_start3A_141] : memref<10240x128xf32, #tpu.memory_space<vmem_shared>> -> memref<64x128xf32, #tpu.memory_space<vmem_shared>>
      %dma_start3A_143 = arith.constant 0 : i32
      %dma_start3A_144 = tpu.memref_slice %arg12[%add3A_20, %dma_start3A_143] : memref<10240x128xf32, #tpu.memory_space<vmem_shared>> -> memref<64x128xf32, #tpu.memory_space<vmem_shared>>
      tpu.enqueue_dma source(%arg8 : memref<64x128xf32, #tpu.memory_space<vmem>>) target(%dma_start3A_144 : memref<64x128xf32, #tpu.memory_space<vmem_shared>>) target_semaphore(%run_scoped3A : memref<!tpu.dma_semaphore, #tpu.memory_space<semaphore_mem>>)
      %dma_wait3A = arith.constant 0 : i32
      %dma_wait3A_145 = tpu.memref_slice %arg12[%add3A_20, %dma_wait3A] : memref<10240x128xf32, #tpu.memory_space<vmem_shared>> -> memref<64x128xf32, #tpu.memory_space<vmem_shared>>
      %dma_wait3A_146 = arith.constant 0 : i32
      %dma_wait3A_147 = tpu.memref_slice %arg12[%add3A_20, %dma_wait3A_146] : memref<10240x128xf32, #tpu.memory_space<vmem_shared>> -> memref<64x128xf32, #tpu.memory_space<vmem_shared>>
      tpu.wait_dma2 semaphore(%run_scoped3A : memref<!tpu.dma_semaphore, #tpu.memory_space<semaphore_mem>>) src(%arg8 : memref<64x128xf32, #tpu.memory_space<vmem>>) dst(%dma_wait3A_147 : memref<64x128xf32, #tpu.memory_space<vmem_shared>>)
      tpu.yield
    }) : () -> ()
    %add3A_21 = arith.constant 384 : i32
    %add3A_22 = arith.addi %mul3A_2, %add3A_21 : i32
    "tpu.region"() ({
      %run_scoped3A = tpu.sem_alloc : memref<!tpu.dma_semaphore, #tpu.memory_space<semaphore_mem>>
      %dma_start3A_141 = arith.constant 0 : i32
      %dma_start3A_142 = tpu.memref_slice %arg12[%add3A_22, %dma_start3A_141] : memref<10240x128xf32, #tpu.memory_space<vmem_shared>> -> memref<64x128xf32, #tpu.memory_space<vmem_shared>>
      %dma_start3A_143 = arith.constant 0 : i32
      %dma_start3A_144 = tpu.memref_slice %arg12[%add3A_22, %dma_start3A_143] : memref<10240x128xf32, #tpu.memory_space<vmem_shared>> -> memref<64x128xf32, #tpu.memory_space<vmem_shared>>
      tpu.enqueue_dma source(%arg8 : memref<64x128xf32, #tpu.memory_space<vmem>>) target(%dma_start3A_144 : memref<64x128xf32, #tpu.memory_space<vmem_shared>>) target_semaphore(%run_scoped3A : memref<!tpu.dma_semaphore, #tpu.memory_space<semaphore_mem>>)
      %dma_wait3A = arith.constant 0 : i32
      %dma_wait3A_145 = tpu.memref_slice %arg12[%add3A_22, %dma_wait3A] : memref<10240x128xf32, #tpu.memory_space<vmem_shared>> -> memref<64x128xf32, #tpu.memory_space<vmem_shared>>
      %dma_wait3A_146 = arith.constant 0 : i32
      %dma_wait3A_147 = tpu.memref_slice %arg12[%add3A_22, %dma_wait3A_146] : memref<10240x128xf32, #tpu.memory_space<vmem_shared>> -> memref<64x128xf32, #tpu.memory_space<vmem_shared>>
      tpu.wait_dma2 semaphore(%run_scoped3A : memref<!tpu.dma_semaphore, #tpu.memory_space<semaphore_mem>>) src(%arg8 : memref<64x128xf32, #tpu.memory_space<vmem>>) dst(%dma_wait3A_147 : memref<64x128xf32, #tpu.memory_space<vmem_shared>>)
      tpu.yield
    }) : () -> ()
    %add3A_23 = arith.constant 448 : i32
    %add3A_24 = arith.addi %mul3A_2, %add3A_23 : i32
    "tpu.region"() ({
      %run_scoped3A = tpu.sem_alloc : memref<!tpu.dma_semaphore, #tpu.memory_space<semaphore_mem>>
      %dma_start3A_141 = arith.constant 0 : i32
      %dma_start3A_142 = tpu.memref_slice %arg12[%add3A_24, %dma_start3A_141] : memref<10240x128xf32, #tpu.memory_space<vmem_shared>> -> memref<64x128xf32, #tpu.memory_space<vmem_shared>>
      %dma_start3A_143 = arith.constant 0 : i32
      %dma_start3A_144 = tpu.memref_slice %arg12[%add3A_24, %dma_start3A_143] : memref<10240x128xf32, #tpu.memory_space<vmem_shared>> -> memref<64x128xf32, #tpu.memory_space<vmem_shared>>
      tpu.enqueue_dma source(%arg8 : memref<64x128xf32, #tpu.memory_space<vmem>>) target(%dma_start3A_144 : memref<64x128xf32, #tpu.memory_space<vmem_shared>>) target_semaphore(%run_scoped3A : memref<!tpu.dma_semaphore, #tpu.memory_space<semaphore_mem>>)
      %dma_wait3A = arith.constant 0 : i32
      %dma_wait3A_145 = tpu.memref_slice %arg12[%add3A_24, %dma_wait3A] : memref<10240x128xf32, #tpu.memory_space<vmem_shared>> -> memref<64x128xf32, #tpu.memory_space<vmem_shared>>
      %dma_wait3A_146 = arith.constant 0 : i32
      %dma_wait3A_147 = tpu.memref_slice %arg12[%add3A_24, %dma_wait3A_146] : memref<10240x128xf32, #tpu.memory_space<vmem_shared>> -> memref<64x128xf32, #tpu.memory_space<vmem_shared>>
      tpu.wait_dma2 semaphore(%run_scoped3A : memref<!tpu.dma_semaphore, #tpu.memory_space<semaphore_mem>>) src(%arg8 : memref<64x128xf32, #tpu.memory_space<vmem>>) dst(%dma_wait3A_147 : memref<64x128xf32, #tpu.memory_space<vmem_shared>>)
      tpu.yield
    }) : () -> ()
    %add3A_25 = arith.constant 512 : i32
    %add3A_26 = arith.addi %mul3A_2, %add3A_25 : i32
    "tpu.region"() ({
      %run_scoped3A = tpu.sem_alloc : memref<!tpu.dma_semaphore, #tpu.memory_space<semaphore_mem>>
      %dma_start3A_141 = arith.constant 0 : i32
      %dma_start3A_142 = tpu.memref_slice %arg12[%add3A_26, %dma_start3A_141] : memref<10240x128xf32, #tpu.memory_space<vmem_shared>> -> memref<64x128xf32, #tpu.memory_space<vmem_shared>>
      %dma_start3A_143 = arith.constant 0 : i32
      %dma_start3A_144 = tpu.memref_slice %arg12[%add3A_26, %dma_start3A_143] : memref<10240x128xf32, #tpu.memory_space<vmem_shared>> -> memref<64x128xf32, #tpu.memory_space<vmem_shared>>
      tpu.enqueue_dma source(%arg8 : memref<64x128xf32, #tpu.memory_space<vmem>>) target(%dma_start3A_144 : memref<64x128xf32, #tpu.memory_space<vmem_shared>>) target_semaphore(%run_scoped3A : memref<!tpu.dma_semaphore, #tpu.memory_space<semaphore_mem>>)
      %dma_wait3A = arith.constant 0 : i32
      %dma_wait3A_145 = tpu.memref_slice %arg12[%add3A_26, %dma_wait3A] : memref<10240x128xf32, #tpu.memory_space<vmem_shared>> -> memref<64x128xf32, #tpu.memory_space<vmem_shared>>
      %dma_wait3A_146 = arith.constant 0 : i32
      %dma_wait3A_147 = tpu.memref_slice %arg12[%add3A_26, %dma_wait3A_146] : memref<10240x128xf32, #tpu.memory_space<vmem_shared>> -> memref<64x128xf32, #tpu.memory_space<vmem_shared>>
      tpu.wait_dma2 semaphore(%run_scoped3A : memref<!tpu.dma_semaphore, #tpu.memory_space<semaphore_mem>>) src(%arg8 : memref<64x128xf32, #tpu.memory_space<vmem>>) dst(%dma_wait3A_147 : memref<64x128xf32, #tpu.memory_space<vmem_shared>>)
      tpu.yield
    }) : () -> ()
    %add3A_27 = arith.constant 576 : i32
    %add3A_28 = arith.addi %mul3A_2, %add3A_27 : i32
    "tpu.region"() ({
      %run_scoped3A = tpu.sem_alloc : memref<!tpu.dma_semaphore, #tpu.memory_space<semaphore_mem>>
      %dma_start3A_141 = arith.constant 0 : i32
      %dma_start3A_142 = tpu.memref_slice %arg12[%add3A_28, %dma_start3A_141] : memref<10240x128xf32, #tpu.memory_space<vmem_shared>> -> memref<64x128xf32, #tpu.memory_space<vmem_shared>>
      %dma_start3A_143 = arith.constant 0 : i32
      %dma_start3A_144 = tpu.memref_slice %arg12[%add3A_28, %dma_start3A_143] : memref<10240x128xf32, #tpu.memory_space<vmem_shared>> -> memref<64x128xf32, #tpu.memory_space<vmem_shared>>
      tpu.enqueue_dma source(%arg8 : memref<64x128xf32, #tpu.memory_space<vmem>>) target(%dma_start3A_144 : memref<64x128xf32, #tpu.memory_space<vmem_shared>>) target_semaphore(%run_scoped3A : memref<!tpu.dma_semaphore, #tpu.memory_space<semaphore_mem>>)
      %dma_wait3A = arith.constant 0 : i32
      %dma_wait3A_145 = tpu.memref_slice %arg12[%add3A_28, %dma_wait3A] : memref<10240x128xf32, #tpu.memory_space<vmem_shared>> -> memref<64x128xf32, #tpu.memory_space<vmem_shared>>
      %dma_wait3A_146 = arith.constant 0 : i32
      %dma_wait3A_147 = tpu.memref_slice %arg12[%add3A_28, %dma_wait3A_146] : memref<10240x128xf32, #tpu.memory_space<vmem_shared>> -> memref<64x128xf32, #tpu.memory_space<vmem_shared>>
      tpu.wait_dma2 semaphore(%run_scoped3A : memref<!tpu.dma_semaphore, #tpu.memory_space<semaphore_mem>>) src(%arg8 : memref<64x128xf32, #tpu.memory_space<vmem>>) dst(%dma_wait3A_147 : memref<64x128xf32, #tpu.memory_space<vmem_shared>>)
      tpu.yield
    }) : () -> ()
    %barrier3A = arith.constant 0 : index
    tpu.barrier barrier_id(%barrier3A)
    "tpu.region"() ({
      %run_scoped3A = tpu.sem_alloc : memref<!tpu.dma_semaphore, #tpu.memory_space<semaphore_mem>>
      %dma_start3A_141 = arith.constant 0 : i32
      %dma_start3A_142 = arith.constant 0 : i32
      %dma_start3A_143 = tpu.memref_slice %arg3[%add3A, %dma_start3A_141, %dma_start3A_142] : memref<32x160x64xi32, #tpu.memory_space<hbm>> -> memref<1x160x64xi32, #tpu.memory_space<hbm>>
      %dma_start3A_144 = tpu.memref_squeeze %dma_start3A_143 : memref<1x160x64xi32, #tpu.memory_space<hbm>> -> memref<160x64xi32, #tpu.memory_space<hbm>>
      %dma_start3A_145 = arith.constant 0 : i32
      %dma_start3A_146 = arith.constant 0 : i32
      %dma_start3A_147 = tpu.memref_slice %dma_start3A_144[%dma_start3A_145, %dma_start3A_146] : memref<160x64xi32, #tpu.memory_space<hbm>> -> memref<40x64xi32, #tpu.memory_space<hbm>>
      %dma_start3A_148 = arith.constant 0 : i32
      %dma_start3A_149 = arith.constant 0 : i32
      %dma_start3A_150 = tpu.memref_slice %arg3[%add3A, %dma_start3A_148, %dma_start3A_149] : memref<32x160x64xi32, #tpu.memory_space<hbm>> -> memref<1x160x64xi32, #tpu.memory_space<hbm>>
      %dma_start3A_151 = tpu.memref_squeeze %dma_start3A_150 : memref<1x160x64xi32, #tpu.memory_space<hbm>> -> memref<160x64xi32, #tpu.memory_space<hbm>>
      %dma_start3A_152 = arith.constant 0 : i32
      %dma_start3A_153 = arith.constant 0 : i32
      %dma_start3A_154 = tpu.memref_slice %dma_start3A_151[%dma_start3A_152, %dma_start3A_153] : memref<160x64xi32, #tpu.memory_space<hbm>> -> memref<40x64xi32, #tpu.memory_space<hbm>>
      tpu.enqueue_dma source(%dma_start3A_154 : memref<40x64xi32, #tpu.memory_space<hbm>>) target(%arg6 : memref<40x64xi32, #tpu.memory_space<vmem>>) target_semaphore(%run_scoped3A : memref<!tpu.dma_semaphore, #tpu.memory_space<semaphore_mem>>)
      %dma_wait3A = arith.constant 0 : i32
      %dma_wait3A_155 = arith.constant 0 : i32
      %dma_wait3A_156 = tpu.memref_slice %arg3[%add3A, %dma_wait3A, %dma_wait3A_155] : memref<32x160x64xi32, #tpu.memory_space<hbm>> -> memref<1x160x64xi32, #tpu.memory_space<hbm>>
      %dma_wait3A_157 = tpu.memref_squeeze %dma_wait3A_156 : memref<1x160x64xi32, #tpu.memory_space<hbm>> -> memref<160x64xi32, #tpu.memory_space<hbm>>
      %dma_wait3A_158 = arith.constant 0 : i32
      %dma_wait3A_159 = arith.constant 0 : i32
      %dma_wait3A_160 = tpu.memref_slice %dma_wait3A_157[%dma_wait3A_158, %dma_wait3A_159] : memref<160x64xi32, #tpu.memory_space<hbm>> -> memref<40x64xi32, #tpu.memory_space<hbm>>
      %dma_wait3A_161 = arith.constant 0 : i32
      %dma_wait3A_162 = arith.constant 0 : i32
      %dma_wait3A_163 = tpu.memref_slice %arg3[%add3A, %dma_wait3A_161, %dma_wait3A_162] : memref<32x160x64xi32, #tpu.memory_space<hbm>> -> memref<1x160x64xi32, #tpu.memory_space<hbm>>
      %dma_wait3A_164 = tpu.memref_squeeze %dma_wait3A_163 : memref<1x160x64xi32, #tpu.memory_space<hbm>> -> memref<160x64xi32, #tpu.memory_space<hbm>>
      %dma_wait3A_165 = arith.constant 0 : i32
      %dma_wait3A_166 = arith.constant 0 : i32
      %dma_wait3A_167 = tpu.memref_slice %dma_wait3A_164[%dma_wait3A_165, %dma_wait3A_166] : memref<160x64xi32, #tpu.memory_space<hbm>> -> memref<40x64xi32, #tpu.memory_space<hbm>>
      tpu.wait_dma2 semaphore(%run_scoped3A : memref<!tpu.dma_semaphore, #tpu.memory_space<semaphore_mem>>) src(%dma_wait3A_167 : memref<40x64xi32, #tpu.memory_space<hbm>>) dst(%arg6 : memref<40x64xi32, #tpu.memory_space<vmem>>)
      tpu.yield
    }) : () -> ()
    "tpu.region"() ({
      %run_scoped3A = tpu.sem_alloc : memref<!tpu.dma_semaphore, #tpu.memory_space<semaphore_mem>>
      %dma_start3A_141 = arith.constant 0 : i32
      %dma_start3A_142 = arith.constant 0 : i32
      %dma_start3A_143 = tpu.memref_slice %arg4[%add3A, %dma_start3A_141, %dma_start3A_142] : memref<32x160x64xi32, #tpu.memory_space<hbm>> -> memref<1x160x64xi32, #tpu.memory_space<hbm>>
      %dma_start3A_144 = tpu.memref_squeeze %dma_start3A_143 : memref<1x160x64xi32, #tpu.memory_space<hbm>> -> memref<160x64xi32, #tpu.memory_space<hbm>>
      %dma_start3A_145 = arith.constant 0 : i32
      %dma_start3A_146 = arith.constant 0 : i32
      %dma_start3A_147 = tpu.memref_slice %dma_start3A_144[%dma_start3A_145, %dma_start3A_146] : memref<160x64xi32, #tpu.memory_space<hbm>> -> memref<40x64xi32, #tpu.memory_space<hbm>>
      %dma_start3A_148 = arith.constant 0 : i32
      %dma_start3A_149 = arith.constant 0 : i32
      %dma_start3A_150 = tpu.memref_slice %arg4[%add3A, %dma_start3A_148, %dma_start3A_149] : memref<32x160x64xi32, #tpu.memory_space<hbm>> -> memref<1x160x64xi32, #tpu.memory_space<hbm>>
      %dma_start3A_151 = tpu.memref_squeeze %dma_start3A_150 : memref<1x160x64xi32, #tpu.memory_space<hbm>> -> memref<160x64xi32, #tpu.memory_space<hbm>>
      %dma_start3A_152 = arith.constant 0 : i32
      %dma_start3A_153 = arith.constant 0 : i32
      %dma_start3A_154 = tpu.memref_slice %dma_start3A_151[%dma_start3A_152, %dma_start3A_153] : memref<160x64xi32, #tpu.memory_space<hbm>> -> memref<40x64xi32, #tpu.memory_space<hbm>>
      tpu.enqueue_dma source(%dma_start3A_154 : memref<40x64xi32, #tpu.memory_space<hbm>>) target(%arg7 : memref<40x64xi32, #tpu.memory_space<vmem>>) target_semaphore(%run_scoped3A : memref<!tpu.dma_semaphore, #tpu.memory_space<semaphore_mem>>)
      %dma_wait3A = arith.constant 0 : i32
      %dma_wait3A_155 = arith.constant 0 : i32
      %dma_wait3A_156 = tpu.memref_slice %arg4[%add3A, %dma_wait3A, %dma_wait3A_155] : memref<32x160x64xi32, #tpu.memory_space<hbm>> -> memref<1x160x64xi32, #tpu.memory_space<hbm>>
      %dma_wait3A_157 = tpu.memref_squeeze %dma_wait3A_156 : memref<1x160x64xi32, #tpu.memory_space<hbm>> -> memref<160x64xi32, #tpu.memory_space<hbm>>
      %dma_wait3A_158 = arith.constant 0 : i32
      %dma_wait3A_159 = arith.constant 0 : i32
      %dma_wait3A_160 = tpu.memref_slice %dma_wait3A_157[%dma_wait3A_158, %dma_wait3A_159] : memref<160x64xi32, #tpu.memory_space<hbm>> -> memref<40x64xi32, #tpu.memory_space<hbm>>
      %dma_wait3A_161 = arith.constant 0 : i32
      %dma_wait3A_162 = arith.constant 0 : i32
      %dma_wait3A_163 = tpu.memref_slice %arg4[%add3A, %dma_wait3A_161, %dma_wait3A_162] : memref<32x160x64xi32, #tpu.memory_space<hbm>> -> memref<1x160x64xi32, #tpu.memory_space<hbm>>
      %dma_wait3A_164 = tpu.memref_squeeze %dma_wait3A_163 : memref<1x160x64xi32, #tpu.memory_space<hbm>> -> memref<160x64xi32, #tpu.memory_space<hbm>>
      %dma_wait3A_165 = arith.constant 0 : i32
      %dma_wait3A_166 = arith.constant 0 : i32
      %dma_wait3A_167 = tpu.memref_slice %dma_wait3A_164[%dma_wait3A_165, %dma_wait3A_166] : memref<160x64xi32, #tpu.memory_space<hbm>> -> memref<40x64xi32, #tpu.memory_space<hbm>>
      tpu.wait_dma2 semaphore(%run_scoped3A : memref<!tpu.dma_semaphore, #tpu.memory_space<semaphore_mem>>) src(%dma_wait3A_167 : memref<40x64xi32, #tpu.memory_space<hbm>>) dst(%arg7 : memref<40x64xi32, #tpu.memory_space<vmem>>)
      tpu.yield
    }) : () -> ()
    %dma_start3A = arith.constant 0 : i32
    %dma_start3A_29 = arith.constant 0 : i32
    %dma_start3A_30 = tpu.memref_slice %arg6[%dma_start3A, %dma_start3A_29] : memref<40x64xi32, #tpu.memory_space<vmem>> -> memref<1x64xi32, #tpu.memory_space<vmem>>
    %dma_start3A_31 = tpu.memref_squeeze %dma_start3A_30 : memref<1x64xi32, #tpu.memory_space<vmem>> -> memref<64xi32, #tpu.memory_space<vmem>>
    %dma_start3A_32 = arith.constant 0 : i32
    %dma_start3A_33 = arith.constant 0 : i32
    %dma_start3A_34 = tpu.memref_slice %arg2[%dma_start3A_32, %dma_start3A_33] : memref<10000x128xf32, #tpu.memory_space<hbm>> -> memref<10000x128xf32, #tpu.memory_space<hbm>>
    tpu.enqueue_indirect_dma source(%dma_start3A_34 : memref<10000x128xf32, #tpu.memory_space<hbm>>) target(%arg8 : memref<64x128xf32, #tpu.memory_space<vmem>>) offsets(%dma_start3A_31 : memref<64xi32, #tpu.memory_space<vmem>>) semaphore(%arg13 : memref<!tpu.dma_semaphore, #tpu.memory_space<semaphore_mem>>)
    %dma_start3A_35 = arith.constant 1 : i32
    %dma_start3A_36 = arith.constant 0 : i32
    %dma_start3A_37 = tpu.memref_slice %arg6[%dma_start3A_35, %dma_start3A_36] : memref<40x64xi32, #tpu.memory_space<vmem>> -> memref<1x64xi32, #tpu.memory_space<vmem>>
    %dma_start3A_38 = tpu.memref_squeeze %dma_start3A_37 : memref<1x64xi32, #tpu.memory_space<vmem>> -> memref<64xi32, #tpu.memory_space<vmem>>
    %dma_start3A_39 = arith.constant 0 : i32
    %dma_start3A_40 = arith.constant 0 : i32
    %dma_start3A_41 = tpu.memref_slice %arg2[%dma_start3A_39, %dma_start3A_40] : memref<10000x128xf32, #tpu.memory_space<hbm>> -> memref<10000x128xf32, #tpu.memory_space<hbm>>
    tpu.enqueue_indirect_dma source(%dma_start3A_41 : memref<10000x128xf32, #tpu.memory_space<hbm>>) target(%arg9 : memref<64x128xf32, #tpu.memory_space<vmem>>) offsets(%dma_start3A_38 : memref<64xi32, #tpu.memory_space<vmem>>) semaphore(%arg14 : memref<!tpu.dma_semaphore, #tpu.memory_space<semaphore_mem>>)
    %dma_start3A_42 = arith.constant 2 : i32
    %dma_start3A_43 = arith.constant 0 : i32
    %dma_start3A_44 = tpu.memref_slice %arg6[%dma_start3A_42, %dma_start3A_43] : memref<40x64xi32, #tpu.memory_space<vmem>> -> memref<1x64xi32, #tpu.memory_space<vmem>>
    %dma_start3A_45 = tpu.memref_squeeze %dma_start3A_44 : memref<1x64xi32, #tpu.memory_space<vmem>> -> memref<64xi32, #tpu.memory_space<vmem>>
    %dma_start3A_46 = arith.constant 0 : i32
    %dma_start3A_47 = arith.constant 0 : i32
    %dma_start3A_48 = tpu.memref_slice %arg2[%dma_start3A_46, %dma_start3A_47] : memref<10000x128xf32, #tpu.memory_space<hbm>> -> memref<10000x128xf32, #tpu.memory_space<hbm>>
    tpu.enqueue_indirect_dma source(%dma_start3A_48 : memref<10000x128xf32, #tpu.memory_space<hbm>>) target(%arg10 : memref<64x128xf32, #tpu.memory_space<vmem>>) offsets(%dma_start3A_45 : memref<64xi32, #tpu.memory_space<vmem>>) semaphore(%arg15 : memref<!tpu.dma_semaphore, #tpu.memory_space<semaphore_mem>>)
    %scan3A_49 = arith.constant 0 : i32
    %scan3A_50 = arith.constant 0 : i32
    %scan3A_51 = arith.constant 10 : i32
    %scan3A_52 = arith.addi %scan3A_50, %scan3A_51 : i32
    %scan3A_53 = arith.constant 1 : i32
    %scan3A_54 = scf.for %scan3A_141 = %scan3A_50 to %scan3A_52 step %scan3A_53 iter_args(%scan3A_142 = %scan3A_49) -> (i32)  : i32 {
      %mul3A_143 = arith.constant 4 : i32
      %mul3A_144 = arith.muli %mul3A_143, %scan3A_141 : i32
      %add3A_145 = arith.constant 0 : i32
      %add3A_146 = arith.addi %mul3A_144, %add3A_145 : i32
      %add3A_147 = arith.constant 3 : i32
      %add3A_148 = arith.addi %add3A_146, %add3A_147 : i32
      %lt3A = arith.constant 40 : i32
      %lt3A_149 = arith.cmpi slt, %add3A_148, %lt3A : i32
      %convert_element_type3A = arith.extui %lt3A_149 : i1 to i32
      %cond3A = arith.constant 0 : i32
      %cond3A_150 = arith.cmpi ne, %convert_element_type3A, %cond3A : i32
      scf.if %cond3A_150 {
        %dma_start3A_208 = arith.constant 0 : i32
        %dma_start3A_209 = tpu.memref_slice %arg6[%add3A_148, %dma_start3A_208] : memref<40x64xi32, #tpu.memory_space<vmem>> -> memref<1x64xi32, #tpu.memory_space<vmem>>
        %dma_start3A_210 = tpu.memref_squeeze %dma_start3A_209 : memref<1x64xi32, #tpu.memory_space<vmem>> -> memref<64xi32, #tpu.memory_space<vmem>>
        %dma_start3A_211 = arith.constant 0 : i32
        %dma_start3A_212 = arith.constant 0 : i32
        %dma_start3A_213 = tpu.memref_slice %arg2[%dma_start3A_211, %dma_start3A_212] : memref<10000x128xf32, #tpu.memory_space<hbm>> -> memref<10000x128xf32, #tpu.memory_space<hbm>>
        tpu.enqueue_indirect_dma source(%dma_start3A_213 : memref<10000x128xf32, #tpu.memory_space<hbm>>) target(%arg11 : memref<64x128xf32, #tpu.memory_space<vmem>>) offsets(%dma_start3A_210 : memref<64xi32, #tpu.memory_space<vmem>>) semaphore(%arg16 : memref<!tpu.dma_semaphore, #tpu.memory_space<semaphore_mem>>)
      } else {
      }
      %dma_wait3A = arith.constant 0 : i32
      %dma_wait3A_151 = tpu.memref_slice %arg6[%add3A_146, %dma_wait3A] : memref<40x64xi32, #tpu.memory_space<vmem>> -> memref<1x64xi32, #tpu.memory_space<vmem>>
      %dma_wait3A_152 = tpu.memref_squeeze %dma_wait3A_151 : memref<1x64xi32, #tpu.memory_space<vmem>> -> memref<64xi32, #tpu.memory_space<vmem>>
      %dma_wait3A_153 = arith.constant 0 : i32
      %dma_wait3A_154 = arith.constant 0 : i32
      %dma_wait3A_155 = tpu.memref_slice %arg2[%dma_wait3A_153, %dma_wait3A_154] : memref<10000x128xf32, #tpu.memory_space<hbm>> -> memref<10000x128xf32, #tpu.memory_space<hbm>>
      tpu.wait_indirect_dma semaphore(%arg13 : memref<!tpu.dma_semaphore, #tpu.memory_space<semaphore_mem>>) src(%dma_wait3A_155 : memref<10000x128xf32, #tpu.memory_space<hbm>>) dst(%arg8 : memref<64x128xf32, #tpu.memory_space<vmem>>)
      "tpu.region"() ({
        %run_scoped3A = tpu.sem_alloc : memref<!tpu.dma_semaphore, #tpu.memory_space<semaphore_mem>>
        %dma_start3A_208 = arith.constant 0 : i32
        %dma_start3A_209 = tpu.memref_slice %arg7[%add3A_146, %dma_start3A_208] : memref<40x64xi32, #tpu.memory_space<vmem>> -> memref<1x64xi32, #tpu.memory_space<vmem>>
        %dma_start3A_210 = tpu.memref_squeeze %dma_start3A_209 : memref<1x64xi32, #tpu.memory_space<vmem>> -> memref<64xi32, #tpu.memory_space<vmem>>
        %dma_start3A_211 = arith.constant 0 : i32
        %dma_start3A_212 = arith.constant 0 : i32
        %dma_start3A_213 = tpu.memref_slice %arg12[%dma_start3A_211, %dma_start3A_212] : memref<10240x128xf32, #tpu.memory_space<vmem_shared>> -> memref<10240x128xf32, #tpu.memory_space<vmem_shared>>
        tpu.enqueue_indirect_dma source(%arg8 : memref<64x128xf32, #tpu.memory_space<vmem>>) target(%dma_start3A_213 : memref<10240x128xf32, #tpu.memory_space<vmem_shared>>) offsets(%dma_start3A_210 : memref<64xi32, #tpu.memory_space<vmem>>) semaphore(%run_scoped3A : memref<!tpu.dma_semaphore, #tpu.memory_space<semaphore_mem>>) {add = true}
        %dma_wait3A_214 = arith.constant 0 : i32
        %dma_wait3A_215 = tpu.memref_slice %arg7[%add3A_146, %dma_wait3A_214] : memref<40x64xi32, #tpu.memory_space<vmem>> -> memref<1x64xi32, #tpu.memory_space<vmem>>
        %dma_wait3A_216 = tpu.memref_squeeze %dma_wait3A_215 : memref<1x64xi32, #tpu.memory_space<vmem>> -> memref<64xi32, #tpu.memory_space<vmem>>
        %dma_wait3A_217 = arith.constant 0 : i32
        %dma_wait3A_218 = arith.constant 0 : i32
        %dma_wait3A_219 = tpu.memref_slice %arg12[%dma_wait3A_217, %dma_wait3A_218] : memref<10240x128xf32, #tpu.memory_space<vmem_shared>> -> memref<10240x128xf32, #tpu.memory_space<vmem_shared>>
        tpu.wait_indirect_dma semaphore(%run_scoped3A : memref<!tpu.dma_semaphore, #tpu.memory_space<semaphore_mem>>) src(%arg8 : memref<64x128xf32, #tpu.memory_space<vmem>>) dst(%dma_wait3A_219 : memref<10240x128xf32, #tpu.memory_space<vmem_shared>>)
        tpu.yield
      }) : () -> ()
      %mul3A_156 = arith.constant 4 : i32
      %mul3A_157 = arith.muli %mul3A_156, %scan3A_141 : i32
      %add3A_158 = arith.constant 1 : i32
      %add3A_159 = arith.addi %mul3A_157, %add3A_158 : i32
      %add3A_160 = arith.constant 3 : i32
      %add3A_161 = arith.addi %add3A_159, %add3A_160 : i32
      %lt3A_162 = arith.constant 40 : i32
      %lt3A_163 = arith.cmpi slt, %add3A_161, %lt3A_162 : i32
      %convert_element_type3A_164 = arith.extui %lt3A_163 : i1 to i32
      %cond3A_165 = arith.constant 0 : i32
      %cond3A_166 = arith.cmpi ne, %convert_element_type3A_164, %cond3A_165 : i32
      scf.if %cond3A_166 {
        %dma_start3A_208 = arith.constant 0 : i32
        %dma_start3A_209 = tpu.memref_slice %arg6[%add3A_161, %dma_start3A_208] : memref<40x64xi32, #tpu.memory_space<vmem>> -> memref<1x64xi32, #tpu.memory_space<vmem>>
        %dma_start3A_210 = tpu.memref_squeeze %dma_start3A_209 : memref<1x64xi32, #tpu.memory_space<vmem>> -> memref<64xi32, #tpu.memory_space<vmem>>
        %dma_start3A_211 = arith.constant 0 : i32
        %dma_start3A_212 = arith.constant 0 : i32
        %dma_start3A_213 = tpu.memref_slice %arg2[%dma_start3A_211, %dma_start3A_212] : memref<10000x128xf32, #tpu.memory_space<hbm>> -> memref<10000x128xf32, #tpu.memory_space<hbm>>
        tpu.enqueue_indirect_dma source(%dma_start3A_213 : memref<10000x128xf32, #tpu.memory_space<hbm>>) target(%arg8 : memref<64x128xf32, #tpu.memory_space<vmem>>) offsets(%dma_start3A_210 : memref<64xi32, #tpu.memory_space<vmem>>) semaphore(%arg13 : memref<!tpu.dma_semaphore, #tpu.memory_space<semaphore_mem>>)
      } else {
      }
      %dma_wait3A_167 = arith.constant 0 : i32
      %dma_wait3A_168 = tpu.memref_slice %arg6[%add3A_159, %dma_wait3A_167] : memref<40x64xi32, #tpu.memory_space<vmem>> -> memref<1x64xi32, #tpu.memory_space<vmem>>
      %dma_wait3A_169 = tpu.memref_squeeze %dma_wait3A_168 : memref<1x64xi32, #tpu.memory_space<vmem>> -> memref<64xi32, #tpu.memory_space<vmem>>
      %dma_wait3A_170 = arith.constant 0 : i32
      %dma_wait3A_171 = arith.constant 0 : i32
      %dma_wait3A_172 = tpu.memref_slice %arg2[%dma_wait3A_170, %dma_wait3A_171] : memref<10000x128xf32, #tpu.memory_space<hbm>> -> memref<10000x128xf32, #tpu.memory_space<hbm>>
      tpu.wait_indirect_dma semaphore(%arg14 : memref<!tpu.dma_semaphore, #tpu.memory_space<semaphore_mem>>) src(%dma_wait3A_172 : memref<10000x128xf32, #tpu.memory_space<hbm>>) dst(%arg9 : memref<64x128xf32, #tpu.memory_space<vmem>>)
      "tpu.region"() ({
        %run_scoped3A = tpu.sem_alloc : memref<!tpu.dma_semaphore, #tpu.memory_space<semaphore_mem>>
        %dma_start3A_208 = arith.constant 0 : i32
        %dma_start3A_209 = tpu.memref_slice %arg7[%add3A_159, %dma_start3A_208] : memref<40x64xi32, #tpu.memory_space<vmem>> -> memref<1x64xi32, #tpu.memory_space<vmem>>
        %dma_start3A_210 = tpu.memref_squeeze %dma_start3A_209 : memref<1x64xi32, #tpu.memory_space<vmem>> -> memref<64xi32, #tpu.memory_space<vmem>>
        %dma_start3A_211 = arith.constant 0 : i32
        %dma_start3A_212 = arith.constant 0 : i32
        %dma_start3A_213 = tpu.memref_slice %arg12[%dma_start3A_211, %dma_start3A_212] : memref<10240x128xf32, #tpu.memory_space<vmem_shared>> -> memref<10240x128xf32, #tpu.memory_space<vmem_shared>>
        tpu.enqueue_indirect_dma source(%arg9 : memref<64x128xf32, #tpu.memory_space<vmem>>) target(%dma_start3A_213 : memref<10240x128xf32, #tpu.memory_space<vmem_shared>>) offsets(%dma_start3A_210 : memref<64xi32, #tpu.memory_space<vmem>>) semaphore(%run_scoped3A : memref<!tpu.dma_semaphore, #tpu.memory_space<semaphore_mem>>) {add = true}
        %dma_wait3A_214 = arith.constant 0 : i32
        %dma_wait3A_215 = tpu.memref_slice %arg7[%add3A_159, %dma_wait3A_214] : memref<40x64xi32, #tpu.memory_space<vmem>> -> memref<1x64xi32, #tpu.memory_space<vmem>>
        %dma_wait3A_216 = tpu.memref_squeeze %dma_wait3A_215 : memref<1x64xi32, #tpu.memory_space<vmem>> -> memref<64xi32, #tpu.memory_space<vmem>>
        %dma_wait3A_217 = arith.constant 0 : i32
        %dma_wait3A_218 = arith.constant 0 : i32
        %dma_wait3A_219 = tpu.memref_slice %arg12[%dma_wait3A_217, %dma_wait3A_218] : memref<10240x128xf32, #tpu.memory_space<vmem_shared>> -> memref<10240x128xf32, #tpu.memory_space<vmem_shared>>
        tpu.wait_indirect_dma semaphore(%run_scoped3A : memref<!tpu.dma_semaphore, #tpu.memory_space<semaphore_mem>>) src(%arg9 : memref<64x128xf32, #tpu.memory_space<vmem>>) dst(%dma_wait3A_219 : memref<10240x128xf32, #tpu.memory_space<vmem_shared>>)
        tpu.yield
      }) : () -> ()
      %mul3A_173 = arith.constant 4 : i32
      %mul3A_174 = arith.muli %mul3A_173, %scan3A_141 : i32
      %add3A_175 = arith.constant 2 : i32
      %add3A_176 = arith.addi %mul3A_174, %add3A_175 : i32
      %add3A_177 = arith.constant 3 : i32
      %add3A_178 = arith.addi %add3A_176, %add3A_177 : i32
      %lt3A_179 = arith.constant 40 : i32
      %lt3A_180 = arith.cmpi slt, %add3A_178, %lt3A_179 : i32
      %convert_element_type3A_181 = arith.extui %lt3A_180 : i1 to i32
      %cond3A_182 = arith.constant 0 : i32
      %cond3A_183 = arith.cmpi ne, %convert_element_type3A_181, %cond3A_182 : i32
      scf.if %cond3A_183 {
        %dma_start3A_208 = arith.constant 0 : i32
        %dma_start3A_209 = tpu.memref_slice %arg6[%add3A_178, %dma_start3A_208] : memref<40x64xi32, #tpu.memory_space<vmem>> -> memref<1x64xi32, #tpu.memory_space<vmem>>
        %dma_start3A_210 = tpu.memref_squeeze %dma_start3A_209 : memref<1x64xi32, #tpu.memory_space<vmem>> -> memref<64xi32, #tpu.memory_space<vmem>>
        %dma_start3A_211 = arith.constant 0 : i32
        %dma_start3A_212 = arith.constant 0 : i32
        %dma_start3A_213 = tpu.memref_slice %arg2[%dma_start3A_211, %dma_start3A_212] : memref<10000x128xf32, #tpu.memory_space<hbm>> -> memref<10000x128xf32, #tpu.memory_space<hbm>>
        tpu.enqueue_indirect_dma source(%dma_start3A_213 : memref<10000x128xf32, #tpu.memory_space<hbm>>) target(%arg9 : memref<64x128xf32, #tpu.memory_space<vmem>>) offsets(%dma_start3A_210 : memref<64xi32, #tpu.memory_space<vmem>>) semaphore(%arg14 : memref<!tpu.dma_semaphore, #tpu.memory_space<semaphore_mem>>)
      } else {
      }
      %dma_wait3A_184 = arith.constant 0 : i32
      %dma_wait3A_185 = tpu.memref_slice %arg6[%add3A_176, %dma_wait3A_184] : memref<40x64xi32, #tpu.memory_space<vmem>> -> memref<1x64xi32, #tpu.memory_space<vmem>>
      %dma_wait3A_186 = tpu.memref_squeeze %dma_wait3A_185 : memref<1x64xi32, #tpu.memory_space<vmem>> -> memref<64xi32, #tpu.memory_space<vmem>>
      %dma_wait3A_187 = arith.constant 0 : i32
      %dma_wait3A_188 = arith.constant 0 : i32
      %dma_wait3A_189 = tpu.memref_slice %arg2[%dma_wait3A_187, %dma_wait3A_188] : memref<10000x128xf32, #tpu.memory_space<hbm>> -> memref<10000x128xf32, #tpu.memory_space<hbm>>
      tpu.wait_indirect_dma semaphore(%arg15 : memref<!tpu.dma_semaphore, #tpu.memory_space<semaphore_mem>>) src(%dma_wait3A_189 : memref<10000x128xf32, #tpu.memory_space<hbm>>) dst(%arg10 : memref<64x128xf32, #tpu.memory_space<vmem>>)
      "tpu.region"() ({
        %run_scoped3A = tpu.sem_alloc : memref<!tpu.dma_semaphore, #tpu.memory_space<semaphore_mem>>
        %dma_start3A_208 = arith.constant 0 : i32
        %dma_start3A_209 = tpu.memref_slice %arg7[%add3A_176, %dma_start3A_208] : memref<40x64xi32, #tpu.memory_space<vmem>> -> memref<1x64xi32, #tpu.memory_space<vmem>>
        %dma_start3A_210 = tpu.memref_squeeze %dma_start3A_209 : memref<1x64xi32, #tpu.memory_space<vmem>> -> memref<64xi32, #tpu.memory_space<vmem>>
        %dma_start3A_211 = arith.constant 0 : i32
        %dma_start3A_212 = arith.constant 0 : i32
        %dma_start3A_213 = tpu.memref_slice %arg12[%dma_start3A_211, %dma_start3A_212] : memref<10240x128xf32, #tpu.memory_space<vmem_shared>> -> memref<10240x128xf32, #tpu.memory_space<vmem_shared>>
        tpu.enqueue_indirect_dma source(%arg10 : memref<64x128xf32, #tpu.memory_space<vmem>>) target(%dma_start3A_213 : memref<10240x128xf32, #tpu.memory_space<vmem_shared>>) offsets(%dma_start3A_210 : memref<64xi32, #tpu.memory_space<vmem>>) semaphore(%run_scoped3A : memref<!tpu.dma_semaphore, #tpu.memory_space<semaphore_mem>>) {add = true}
        %dma_wait3A_214 = arith.constant 0 : i32
        %dma_wait3A_215 = tpu.memref_slice %arg7[%add3A_176, %dma_wait3A_214] : memref<40x64xi32, #tpu.memory_space<vmem>> -> memref<1x64xi32, #tpu.memory_space<vmem>>
        %dma_wait3A_216 = tpu.memref_squeeze %dma_wait3A_215 : memref<1x64xi32, #tpu.memory_space<vmem>> -> memref<64xi32, #tpu.memory_space<vmem>>
        %dma_wait3A_217 = arith.constant 0 : i32
        %dma_wait3A_218 = arith.constant 0 : i32
        %dma_wait3A_219 = tpu.memref_slice %arg12[%dma_wait3A_217, %dma_wait3A_218] : memref<10240x128xf32, #tpu.memory_space<vmem_shared>> -> memref<10240x128xf32, #tpu.memory_space<vmem_shared>>
        tpu.wait_indirect_dma semaphore(%run_scoped3A : memref<!tpu.dma_semaphore, #tpu.memory_space<semaphore_mem>>) src(%arg10 : memref<64x128xf32, #tpu.memory_space<vmem>>) dst(%dma_wait3A_219 : memref<10240x128xf32, #tpu.memory_space<vmem_shared>>)
        tpu.yield
      }) : () -> ()
      %mul3A_190 = arith.constant 4 : i32
      %mul3A_191 = arith.muli %mul3A_190, %scan3A_141 : i32
      %add3A_192 = arith.constant 3 : i32
      %add3A_193 = arith.addi %mul3A_191, %add3A_192 : i32
      %add3A_194 = arith.constant 3 : i32
      %add3A_195 = arith.addi %add3A_193, %add3A_194 : i32
      %lt3A_196 = arith.constant 40 : i32
      %lt3A_197 = arith.cmpi slt, %add3A_195, %lt3A_196 : i32
      %convert_element_type3A_198 = arith.extui %lt3A_197 : i1 to i32
      %cond3A_199 = arith.constant 0 : i32
      %cond3A_200 = arith.cmpi ne, %convert_element_type3A_198, %cond3A_199 : i32
      scf.if %cond3A_200 {
        %dma_start3A_208 = arith.constant 0 : i32
        %dma_start3A_209 = tpu.memref_slice %arg6[%add3A_195, %dma_start3A_208] : memref<40x64xi32, #tpu.memory_space<vmem>> -> memref<1x64xi32, #tpu.memory_space<vmem>>
        %dma_start3A_210 = tpu.memref_squeeze %dma_start3A_209 : memref<1x64xi32, #tpu.memory_space<vmem>> -> memref<64xi32, #tpu.memory_space<vmem>>
        %dma_start3A_211 = arith.constant 0 : i32
        %dma_start3A_212 = arith.constant 0 : i32
        %dma_start3A_213 = tpu.memref_slice %arg2[%dma_start3A_211, %dma_start3A_212] : memref<10000x128xf32, #tpu.memory_space<hbm>> -> memref<10000x128xf32, #tpu.memory_space<hbm>>
        tpu.enqueue_indirect_dma source(%dma_start3A_213 : memref<10000x128xf32, #tpu.memory_space<hbm>>) target(%arg10 : memref<64x128xf32, #tpu.memory_space<vmem>>) offsets(%dma_start3A_210 : memref<64xi32, #tpu.memory_space<vmem>>) semaphore(%arg15 : memref<!tpu.dma_semaphore, #tpu.memory_space<semaphore_mem>>)
      } else {
      }
      %dma_wait3A_201 = arith.constant 0 : i32
      %dma_wait3A_202 = tpu.memref_slice %arg6[%add3A_193, %dma_wait3A_201] : memref<40x64xi32, #tpu.memory_space<vmem>> -> memref<1x64xi32, #tpu.memory_space<vmem>>
      %dma_wait3A_203 = tpu.memref_squeeze %dma_wait3A_202 : memref<1x64xi32, #tpu.memory_space<vmem>> -> memref<64xi32, #tpu.memory_space<vmem>>
      %dma_wait3A_204 = arith.constant 0 : i32
      %dma_wait3A_205 = arith.constant 0 : i32
      %dma_wait3A_206 = tpu.memref_slice %arg2[%dma_wait3A_204, %dma_wait3A_205] : memref<10000x128xf32, #tpu.memory_space<hbm>> -> memref<10000x128xf32, #tpu.memory_space<hbm>>
      tpu.wait_indirect_dma semaphore(%arg16 : memref<!tpu.dma_semaphore, #tpu.memory_space<semaphore_mem>>) src(%dma_wait3A_206 : memref<10000x128xf32, #tpu.memory_space<hbm>>) dst(%arg11 : memref<64x128xf32, #tpu.memory_space<vmem>>)
      "tpu.region"() ({
        %run_scoped3A = tpu.sem_alloc : memref<!tpu.dma_semaphore, #tpu.memory_space<semaphore_mem>>
        %dma_start3A_208 = arith.constant 0 : i32
        %dma_start3A_209 = tpu.memref_slice %arg7[%add3A_193, %dma_start3A_208] : memref<40x64xi32, #tpu.memory_space<vmem>> -> memref<1x64xi32, #tpu.memory_space<vmem>>
        %dma_start3A_210 = tpu.memref_squeeze %dma_start3A_209 : memref<1x64xi32, #tpu.memory_space<vmem>> -> memref<64xi32, #tpu.memory_space<vmem>>
        %dma_start3A_211 = arith.constant 0 : i32
        %dma_start3A_212 = arith.constant 0 : i32
        %dma_start3A_213 = tpu.memref_slice %arg12[%dma_start3A_211, %dma_start3A_212] : memref<10240x128xf32, #tpu.memory_space<vmem_shared>> -> memref<10240x128xf32, #tpu.memory_space<vmem_shared>>
        tpu.enqueue_indirect_dma source(%arg11 : memref<64x128xf32, #tpu.memory_space<vmem>>) target(%dma_start3A_213 : memref<10240x128xf32, #tpu.memory_space<vmem_shared>>) offsets(%dma_start3A_210 : memref<64xi32, #tpu.memory_space<vmem>>) semaphore(%run_scoped3A : memref<!tpu.dma_semaphore, #tpu.memory_space<semaphore_mem>>) {add = true}
        %dma_wait3A_214 = arith.constant 0 : i32
        %dma_wait3A_215 = tpu.memref_slice %arg7[%add3A_193, %dma_wait3A_214] : memref<40x64xi32, #tpu.memory_space<vmem>> -> memref<1x64xi32, #tpu.memory_space<vmem>>
        %dma_wait3A_216 = tpu.memref_squeeze %dma_wait3A_215 : memref<1x64xi32, #tpu.memory_space<vmem>> -> memref<64xi32, #tpu.memory_space<vmem>>
        %dma_wait3A_217 = arith.constant 0 : i32
        %dma_wait3A_218 = arith.constant 0 : i32
        %dma_wait3A_219 = tpu.memref_slice %arg12[%dma_wait3A_217, %dma_wait3A_218] : memref<10240x128xf32, #tpu.memory_space<vmem_shared>> -> memref<10240x128xf32, #tpu.memory_space<vmem_shared>>
        tpu.wait_indirect_dma semaphore(%run_scoped3A : memref<!tpu.dma_semaphore, #tpu.memory_space<semaphore_mem>>) src(%arg11 : memref<64x128xf32, #tpu.memory_space<vmem>>) dst(%dma_wait3A_219 : memref<10240x128xf32, #tpu.memory_space<vmem_shared>>)
        tpu.yield
      }) : () -> ()
      %scan3A_207 = arith.constant 0 : i32
      scf.yield %scan3A_207 : i32
    }
    %scan3A_55 = arith.constant 10 : i32
    "tpu.region"() ({
      %run_scoped3A = tpu.sem_alloc : memref<!tpu.dma_semaphore, #tpu.memory_space<semaphore_mem>>
      %dma_start3A_141 = arith.constant 0 : i32
      %dma_start3A_142 = arith.constant 0 : i32
      %dma_start3A_143 = tpu.memref_slice %arg3[%add3A, %dma_start3A_141, %dma_start3A_142] : memref<32x160x64xi32, #tpu.memory_space<hbm>> -> memref<1x160x64xi32, #tpu.memory_space<hbm>>
      %dma_start3A_144 = tpu.memref_squeeze %dma_start3A_143 : memref<1x160x64xi32, #tpu.memory_space<hbm>> -> memref<160x64xi32, #tpu.memory_space<hbm>>
      %dma_start3A_145 = arith.constant 40 : i32
      %dma_start3A_146 = arith.constant 0 : i32
      %dma_start3A_147 = tpu.memref_slice %dma_start3A_144[%dma_start3A_145, %dma_start3A_146] : memref<160x64xi32, #tpu.memory_space<hbm>> -> memref<40x64xi32, #tpu.memory_space<hbm>>
      %dma_start3A_148 = arith.constant 0 : i32
      %dma_start3A_149 = arith.constant 0 : i32
      %dma_start3A_150 = tpu.memref_slice %arg3[%add3A, %dma_start3A_148, %dma_start3A_149] : memref<32x160x64xi32, #tpu.memory_space<hbm>> -> memref<1x160x64xi32, #tpu.memory_space<hbm>>
      %dma_start3A_151 = tpu.memref_squeeze %dma_start3A_150 : memref<1x160x64xi32, #tpu.memory_space<hbm>> -> memref<160x64xi32, #tpu.memory_space<hbm>>
      %dma_start3A_152 = arith.constant 40 : i32
      %dma_start3A_153 = arith.constant 0 : i32
      %dma_start3A_154 = tpu.memref_slice %dma_start3A_151[%dma_start3A_152, %dma_start3A_153] : memref<160x64xi32, #tpu.memory_space<hbm>> -> memref<40x64xi32, #tpu.memory_space<hbm>>
      tpu.enqueue_dma source(%dma_start3A_154 : memref<40x64xi32, #tpu.memory_space<hbm>>) target(%arg6 : memref<40x64xi32, #tpu.memory_space<vmem>>) target_semaphore(%run_scoped3A : memref<!tpu.dma_semaphore, #tpu.memory_space<semaphore_mem>>)
      %dma_wait3A = arith.constant 0 : i32
      %dma_wait3A_155 = arith.constant 0 : i32
      %dma_wait3A_156 = tpu.memref_slice %arg3[%add3A, %dma_wait3A, %dma_wait3A_155] : memref<32x160x64xi32, #tpu.memory_space<hbm>> -> memref<1x160x64xi32, #tpu.memory_space<hbm>>
      %dma_wait3A_157 = tpu.memref_squeeze %dma_wait3A_156 : memref<1x160x64xi32, #tpu.memory_space<hbm>> -> memref<160x64xi32, #tpu.memory_space<hbm>>
      %dma_wait3A_158 = arith.constant 40 : i32
      %dma_wait3A_159 = arith.constant 0 : i32
      %dma_wait3A_160 = tpu.memref_slice %dma_wait3A_157[%dma_wait3A_158, %dma_wait3A_159] : memref<160x64xi32, #tpu.memory_space<hbm>> -> memref<40x64xi32, #tpu.memory_space<hbm>>
      %dma_wait3A_161 = arith.constant 0 : i32
      %dma_wait3A_162 = arith.constant 0 : i32
      %dma_wait3A_163 = tpu.memref_slice %arg3[%add3A, %dma_wait3A_161, %dma_wait3A_162] : memref<32x160x64xi32, #tpu.memory_space<hbm>> -> memref<1x160x64xi32, #tpu.memory_space<hbm>>
      %dma_wait3A_164 = tpu.memref_squeeze %dma_wait3A_163 : memref<1x160x64xi32, #tpu.memory_space<hbm>> -> memref<160x64xi32, #tpu.memory_space<hbm>>
      %dma_wait3A_165 = arith.constant 40 : i32
      %dma_wait3A_166 = arith.constant 0 : i32
      %dma_wait3A_167 = tpu.memref_slice %dma_wait3A_164[%dma_wait3A_165, %dma_wait3A_166] : memref<160x64xi32, #tpu.memory_space<hbm>> -> memref<40x64xi32, #tpu.memory_space<hbm>>
      tpu.wait_dma2 semaphore(%run_scoped3A : memref<!tpu.dma_semaphore, #tpu.memory_space<semaphore_mem>>) src(%dma_wait3A_167 : memref<40x64xi32, #tpu.memory_space<hbm>>) dst(%arg6 : memref<40x64xi32, #tpu.memory_space<vmem>>)
      tpu.yield
    }) : () -> ()
    "tpu.region"() ({
      %run_scoped3A = tpu.sem_alloc : memref<!tpu.dma_semaphore, #tpu.memory_space<semaphore_mem>>
      %dma_start3A_141 = arith.constant 0 : i32
      %dma_start3A_142 = arith.constant 0 : i32
      %dma_start3A_143 = tpu.memref_slice %arg4[%add3A, %dma_start3A_141, %dma_start3A_142] : memref<32x160x64xi32, #tpu.memory_space<hbm>> -> memref<1x160x64xi32, #tpu.memory_space<hbm>>
      %dma_start3A_144 = tpu.memref_squeeze %dma_start3A_143 : memref<1x160x64xi32, #tpu.memory_space<hbm>> -> memref<160x64xi32, #tpu.memory_space<hbm>>
      %dma_start3A_145 = arith.constant 40 : i32
      %dma_start3A_146 = arith.constant 0 : i32
      %dma_start3A_147 = tpu.memref_slice %dma_start3A_144[%dma_start3A_145, %dma_start3A_146] : memref<160x64xi32, #tpu.memory_space<hbm>> -> memref<40x64xi32, #tpu.memory_space<hbm>>
      %dma_start3A_148 = arith.constant 0 : i32
      %dma_start3A_149 = arith.constant 0 : i32
      %dma_start3A_150 = tpu.memref_slice %arg4[%add3A, %dma_start3A_148, %dma_start3A_149] : memref<32x160x64xi32, #tpu.memory_space<hbm>> -> memref<1x160x64xi32, #tpu.memory_space<hbm>>
      %dma_start3A_151 = tpu.memref_squeeze %dma_start3A_150 : memref<1x160x64xi32, #tpu.memory_space<hbm>> -> memref<160x64xi32, #tpu.memory_space<hbm>>
      %dma_start3A_152 = arith.constant 40 : i32
      %dma_start3A_153 = arith.constant 0 : i32
      %dma_start3A_154 = tpu.memref_slice %dma_start3A_151[%dma_start3A_152, %dma_start3A_153] : memref<160x64xi32, #tpu.memory_space<hbm>> -> memref<40x64xi32, #tpu.memory_space<hbm>>
      tpu.enqueue_dma source(%dma_start3A_154 : memref<40x64xi32, #tpu.memory_space<hbm>>) target(%arg7 : memref<40x64xi32, #tpu.memory_space<vmem>>) target_semaphore(%run_scoped3A : memref<!tpu.dma_semaphore, #tpu.memory_space<semaphore_mem>>)
      %dma_wait3A = arith.constant 0 : i32
      %dma_wait3A_155 = arith.constant 0 : i32
      %dma_wait3A_156 = tpu.memref_slice %arg4[%add3A, %dma_wait3A, %dma_wait3A_155] : memref<32x160x64xi32, #tpu.memory_space<hbm>> -> memref<1x160x64xi32, #tpu.memory_space<hbm>>
      %dma_wait3A_157 = tpu.memref_squeeze %dma_wait3A_156 : memref<1x160x64xi32, #tpu.memory_space<hbm>> -> memref<160x64xi32, #tpu.memory_space<hbm>>
      %dma_wait3A_158 = arith.constant 40 : i32
      %dma_wait3A_159 = arith.constant 0 : i32
      %dma_wait3A_160 = tpu.memref_slice %dma_wait3A_157[%dma_wait3A_158, %dma_wait3A_159] : memref<160x64xi32, #tpu.memory_space<hbm>> -> memref<40x64xi32, #tpu.memory_space<hbm>>
      %dma_wait3A_161 = arith.constant 0 : i32
      %dma_wait3A_162 = arith.constant 0 : i32
      %dma_wait3A_163 = tpu.memref_slice %arg4[%add3A, %dma_wait3A_161, %dma_wait3A_162] : memref<32x160x64xi32, #tpu.memory_space<hbm>> -> memref<1x160x64xi32, #tpu.memory_space<hbm>>
      %dma_wait3A_164 = tpu.memref_squeeze %dma_wait3A_163 : memref<1x160x64xi32, #tpu.memory_space<hbm>> -> memref<160x64xi32, #tpu.memory_space<hbm>>
      %dma_wait3A_165 = arith.constant 40 : i32
      %dma_wait3A_166 = arith.constant 0 : i32
      %dma_wait3A_167 = tpu.memref_slice %dma_wait3A_164[%dma_wait3A_165, %dma_wait3A_166] : memref<160x64xi32, #tpu.memory_space<hbm>> -> memref<40x64xi32, #tpu.memory_space<hbm>>
      tpu.wait_dma2 semaphore(%run_scoped3A : memref<!tpu.dma_semaphore, #tpu.memory_space<semaphore_mem>>) src(%dma_wait3A_167 : memref<40x64xi32, #tpu.memory_space<hbm>>) dst(%arg7 : memref<40x64xi32, #tpu.memory_space<vmem>>)
      tpu.yield
    }) : () -> ()
    %dma_start3A_56 = arith.constant 0 : i32
    %dma_start3A_57 = arith.constant 0 : i32
    %dma_start3A_58 = tpu.memref_slice %arg6[%dma_start3A_56, %dma_start3A_57] : memref<40x64xi32, #tpu.memory_space<vmem>> -> memref<1x64xi32, #tpu.memory_space<vmem>>
    %dma_start3A_59 = tpu.memref_squeeze %dma_start3A_58 : memref<1x64xi32, #tpu.memory_space<vmem>> -> memref<64xi32, #tpu.memory_space<vmem>>
    %dma_start3A_60 = arith.constant 0 : i32
    %dma_start3A_61 = arith.constant 0 : i32
    %dma_start3A_62 = tpu.memref_slice %arg2[%dma_start3A_60, %dma_start3A_61] : memref<10000x128xf32, #tpu.memory_space<hbm>> -> memref<10000x128xf32, #tpu.memory_space<hbm>>
    tpu.enqueue_indirect_dma source(%dma_start3A_62 : memref<10000x128xf32, #tpu.memory_space<hbm>>) target(%arg8 : memref<64x128xf32, #tpu.memory_space<vmem>>) offsets(%dma_start3A_59 : memref<64xi32, #tpu.memory_space<vmem>>) semaphore(%arg13 : memref<!tpu.dma_semaphore, #tpu.memory_space<semaphore_mem>>)
    %dma_start3A_63 = arith.constant 1 : i32
    %dma_start3A_64 = arith.constant 0 : i32
    %dma_start3A_65 = tpu.memref_slice %arg6[%dma_start3A_63, %dma_start3A_64] : memref<40x64xi32, #tpu.memory_space<vmem>> -> memref<1x64xi32, #tpu.memory_space<vmem>>
    %dma_start3A_66 = tpu.memref_squeeze %dma_start3A_65 : memref<1x64xi32, #tpu.memory_space<vmem>> -> memref<64xi32, #tpu.memory_space<vmem>>
    %dma_start3A_67 = arith.constant 0 : i32
    %dma_start3A_68 = arith.constant 0 : i32
    %dma_start3A_69 = tpu.memref_slice %arg2[%dma_start3A_67, %dma_start3A_68] : memref<10000x128xf32, #tpu.memory_space<hbm>> -> memref<10000x128xf32, #tpu.memory_space<hbm>>
    tpu.enqueue_indirect_dma source(%dma_start3A_69 : memref<10000x128xf32, #tpu.memory_space<hbm>>) target(%arg9 : memref<64x128xf32, #tpu.memory_space<vmem>>) offsets(%dma_start3A_66 : memref<64xi32, #tpu.memory_space<vmem>>) semaphore(%arg14 : memref<!tpu.dma_semaphore, #tpu.memory_space<semaphore_mem>>)
    %dma_start3A_70 = arith.constant 2 : i32
    %dma_start3A_71 = arith.constant 0 : i32
    %dma_start3A_72 = tpu.memref_slice %arg6[%dma_start3A_70, %dma_start3A_71] : memref<40x64xi32, #tpu.memory_space<vmem>> -> memref<1x64xi32, #tpu.memory_space<vmem>>
    %dma_start3A_73 = tpu.memref_squeeze %dma_start3A_72 : memref<1x64xi32, #tpu.memory_space<vmem>> -> memref<64xi32, #tpu.memory_space<vmem>>
    %dma_start3A_74 = arith.constant 0 : i32
    %dma_start3A_75 = arith.constant 0 : i32
    %dma_start3A_76 = tpu.memref_slice %arg2[%dma_start3A_74, %dma_start3A_75] : memref<10000x128xf32, #tpu.memory_space<hbm>> -> memref<10000x128xf32, #tpu.memory_space<hbm>>
    tpu.enqueue_indirect_dma source(%dma_start3A_76 : memref<10000x128xf32, #tpu.memory_space<hbm>>) target(%arg10 : memref<64x128xf32, #tpu.memory_space<vmem>>) offsets(%dma_start3A_73 : memref<64xi32, #tpu.memory_space<vmem>>) semaphore(%arg15 : memref<!tpu.dma_semaphore, #tpu.memory_space<semaphore_mem>>)
    %scan3A_77 = arith.constant 0 : i32
    %scan3A_78 = arith.constant 0 : i32
    %scan3A_79 = arith.constant 10 : i32
    %scan3A_80 = arith.addi %scan3A_78, %scan3A_79 : i32
    %scan3A_81 = arith.constant 1 : i32
    %scan3A_82 = scf.for %scan3A_141 = %scan3A_78 to %scan3A_80 step %scan3A_81 iter_args(%scan3A_142 = %scan3A_77) -> (i32)  : i32 {
      %mul3A_143 = arith.constant 4 : i32
      %mul3A_144 = arith.muli %mul3A_143, %scan3A_141 : i32
      %add3A_145 = arith.constant 0 : i32
      %add3A_146 = arith.addi %mul3A_144, %add3A_145 : i32
      %add3A_147 = arith.constant 3 : i32
      %add3A_148 = arith.addi %add3A_146, %add3A_147 : i32
      %lt3A = arith.constant 40 : i32
      %lt3A_149 = arith.cmpi slt, %add3A_148, %lt3A : i32
      %convert_element_type3A = arith.extui %lt3A_149 : i1 to i32
      %cond3A = arith.constant 0 : i32
      %cond3A_150 = arith.cmpi ne, %convert_element_type3A, %cond3A : i32
      scf.if %cond3A_150 {
        %dma_start3A_208 = arith.constant 0 : i32
        %dma_start3A_209 = tpu.memref_slice %arg6[%add3A_148, %dma_start3A_208] : memref<40x64xi32, #tpu.memory_space<vmem>> -> memref<1x64xi32, #tpu.memory_space<vmem>>
        %dma_start3A_210 = tpu.memref_squeeze %dma_start3A_209 : memref<1x64xi32, #tpu.memory_space<vmem>> -> memref<64xi32, #tpu.memory_space<vmem>>
        %dma_start3A_211 = arith.constant 0 : i32
        %dma_start3A_212 = arith.constant 0 : i32
        %dma_start3A_213 = tpu.memref_slice %arg2[%dma_start3A_211, %dma_start3A_212] : memref<10000x128xf32, #tpu.memory_space<hbm>> -> memref<10000x128xf32, #tpu.memory_space<hbm>>
        tpu.enqueue_indirect_dma source(%dma_start3A_213 : memref<10000x128xf32, #tpu.memory_space<hbm>>) target(%arg11 : memref<64x128xf32, #tpu.memory_space<vmem>>) offsets(%dma_start3A_210 : memref<64xi32, #tpu.memory_space<vmem>>) semaphore(%arg16 : memref<!tpu.dma_semaphore, #tpu.memory_space<semaphore_mem>>)
      } else {
      }
      %dma_wait3A = arith.constant 0 : i32
      %dma_wait3A_151 = tpu.memref_slice %arg6[%add3A_146, %dma_wait3A] : memref<40x64xi32, #tpu.memory_space<vmem>> -> memref<1x64xi32, #tpu.memory_space<vmem>>
      %dma_wait3A_152 = tpu.memref_squeeze %dma_wait3A_151 : memref<1x64xi32, #tpu.memory_space<vmem>> -> memref<64xi32, #tpu.memory_space<vmem>>
      %dma_wait3A_153 = arith.constant 0 : i32
      %dma_wait3A_154 = arith.constant 0 : i32
      %dma_wait3A_155 = tpu.memref_slice %arg2[%dma_wait3A_153, %dma_wait3A_154] : memref<10000x128xf32, #tpu.memory_space<hbm>> -> memref<10000x128xf32, #tpu.memory_space<hbm>>
      tpu.wait_indirect_dma semaphore(%arg13 : memref<!tpu.dma_semaphore, #tpu.memory_space<semaphore_mem>>) src(%dma_wait3A_155 : memref<10000x128xf32, #tpu.memory_space<hbm>>) dst(%arg8 : memref<64x128xf32, #tpu.memory_space<vmem>>)
      "tpu.region"() ({
        %run_scoped3A = tpu.sem_alloc : memref<!tpu.dma_semaphore, #tpu.memory_space<semaphore_mem>>
        %dma_start3A_208 = arith.constant 0 : i32
        %dma_start3A_209 = tpu.memref_slice %arg7[%add3A_146, %dma_start3A_208] : memref<40x64xi32, #tpu.memory_space<vmem>> -> memref<1x64xi32, #tpu.memory_space<vmem>>
        %dma_start3A_210 = tpu.memref_squeeze %dma_start3A_209 : memref<1x64xi32, #tpu.memory_space<vmem>> -> memref<64xi32, #tpu.memory_space<vmem>>
        %dma_start3A_211 = arith.constant 0 : i32
        %dma_start3A_212 = arith.constant 0 : i32
        %dma_start3A_213 = tpu.memref_slice %arg12[%dma_start3A_211, %dma_start3A_212] : memref<10240x128xf32, #tpu.memory_space<vmem_shared>> -> memref<10240x128xf32, #tpu.memory_space<vmem_shared>>
        tpu.enqueue_indirect_dma source(%arg8 : memref<64x128xf32, #tpu.memory_space<vmem>>) target(%dma_start3A_213 : memref<10240x128xf32, #tpu.memory_space<vmem_shared>>) offsets(%dma_start3A_210 : memref<64xi32, #tpu.memory_space<vmem>>) semaphore(%run_scoped3A : memref<!tpu.dma_semaphore, #tpu.memory_space<semaphore_mem>>) {add = true}
        %dma_wait3A_214 = arith.constant 0 : i32
        %dma_wait3A_215 = tpu.memref_slice %arg7[%add3A_146, %dma_wait3A_214] : memref<40x64xi32, #tpu.memory_space<vmem>> -> memref<1x64xi32, #tpu.memory_space<vmem>>
        %dma_wait3A_216 = tpu.memref_squeeze %dma_wait3A_215 : memref<1x64xi32, #tpu.memory_space<vmem>> -> memref<64xi32, #tpu.memory_space<vmem>>
        %dma_wait3A_217 = arith.constant 0 : i32
        %dma_wait3A_218 = arith.constant 0 : i32
        %dma_wait3A_219 = tpu.memref_slice %arg12[%dma_wait3A_217, %dma_wait3A_218] : memref<10240x128xf32, #tpu.memory_space<vmem_shared>> -> memref<10240x128xf32, #tpu.memory_space<vmem_shared>>
        tpu.wait_indirect_dma semaphore(%run_scoped3A : memref<!tpu.dma_semaphore, #tpu.memory_space<semaphore_mem>>) src(%arg8 : memref<64x128xf32, #tpu.memory_space<vmem>>) dst(%dma_wait3A_219 : memref<10240x128xf32, #tpu.memory_space<vmem_shared>>)
        tpu.yield
      }) : () -> ()
      %mul3A_156 = arith.constant 4 : i32
      %mul3A_157 = arith.muli %mul3A_156, %scan3A_141 : i32
      %add3A_158 = arith.constant 1 : i32
      %add3A_159 = arith.addi %mul3A_157, %add3A_158 : i32
      %add3A_160 = arith.constant 3 : i32
      %add3A_161 = arith.addi %add3A_159, %add3A_160 : i32
      %lt3A_162 = arith.constant 40 : i32
      %lt3A_163 = arith.cmpi slt, %add3A_161, %lt3A_162 : i32
      %convert_element_type3A_164 = arith.extui %lt3A_163 : i1 to i32
      %cond3A_165 = arith.constant 0 : i32
      %cond3A_166 = arith.cmpi ne, %convert_element_type3A_164, %cond3A_165 : i32
      scf.if %cond3A_166 {
        %dma_start3A_208 = arith.constant 0 : i32
        %dma_start3A_209 = tpu.memref_slice %arg6[%add3A_161, %dma_start3A_208] : memref<40x64xi32, #tpu.memory_space<vmem>> -> memref<1x64xi32, #tpu.memory_space<vmem>>
        %dma_start3A_210 = tpu.memref_squeeze %dma_start3A_209 : memref<1x64xi32, #tpu.memory_space<vmem>> -> memref<64xi32, #tpu.memory_space<vmem>>
        %dma_start3A_211 = arith.constant 0 : i32
        %dma_start3A_212 = arith.constant 0 : i32
        %dma_start3A_213 = tpu.memref_slice %arg2[%dma_start3A_211, %dma_start3A_212] : memref<10000x128xf32, #tpu.memory_space<hbm>> -> memref<10000x128xf32, #tpu.memory_space<hbm>>
        tpu.enqueue_indirect_dma source(%dma_start3A_213 : memref<10000x128xf32, #tpu.memory_space<hbm>>) target(%arg8 : memref<64x128xf32, #tpu.memory_space<vmem>>) offsets(%dma_start3A_210 : memref<64xi32, #tpu.memory_space<vmem>>) semaphore(%arg13 : memref<!tpu.dma_semaphore, #tpu.memory_space<semaphore_mem>>)
      } else {
      }
      %dma_wait3A_167 = arith.constant 0 : i32
      %dma_wait3A_168 = tpu.memref_slice %arg6[%add3A_159, %dma_wait3A_167] : memref<40x64xi32, #tpu.memory_space<vmem>> -> memref<1x64xi32, #tpu.memory_space<vmem>>
      %dma_wait3A_169 = tpu.memref_squeeze %dma_wait3A_168 : memref<1x64xi32, #tpu.memory_space<vmem>> -> memref<64xi32, #tpu.memory_space<vmem>>
      %dma_wait3A_170 = arith.constant 0 : i32
      %dma_wait3A_171 = arith.constant 0 : i32
      %dma_wait3A_172 = tpu.memref_slice %arg2[%dma_wait3A_170, %dma_wait3A_171] : memref<10000x128xf32, #tpu.memory_space<hbm>> -> memref<10000x128xf32, #tpu.memory_space<hbm>>
      tpu.wait_indirect_dma semaphore(%arg14 : memref<!tpu.dma_semaphore, #tpu.memory_space<semaphore_mem>>) src(%dma_wait3A_172 : memref<10000x128xf32, #tpu.memory_space<hbm>>) dst(%arg9 : memref<64x128xf32, #tpu.memory_space<vmem>>)
      "tpu.region"() ({
        %run_scoped3A = tpu.sem_alloc : memref<!tpu.dma_semaphore, #tpu.memory_space<semaphore_mem>>
        %dma_start3A_208 = arith.constant 0 : i32
        %dma_start3A_209 = tpu.memref_slice %arg7[%add3A_159, %dma_start3A_208] : memref<40x64xi32, #tpu.memory_space<vmem>> -> memref<1x64xi32, #tpu.memory_space<vmem>>
        %dma_start3A_210 = tpu.memref_squeeze %dma_start3A_209 : memref<1x64xi32, #tpu.memory_space<vmem>> -> memref<64xi32, #tpu.memory_space<vmem>>
        %dma_start3A_211 = arith.constant 0 : i32
        %dma_start3A_212 = arith.constant 0 : i32
        %dma_start3A_213 = tpu.memref_slice %arg12[%dma_start3A_211, %dma_start3A_212] : memref<10240x128xf32, #tpu.memory_space<vmem_shared>> -> memref<10240x128xf32, #tpu.memory_space<vmem_shared>>
        tpu.enqueue_indirect_dma source(%arg9 : memref<64x128xf32, #tpu.memory_space<vmem>>) target(%dma_start3A_213 : memref<10240x128xf32, #tpu.memory_space<vmem_shared>>) offsets(%dma_start3A_210 : memref<64xi32, #tpu.memory_space<vmem>>) semaphore(%run_scoped3A : memref<!tpu.dma_semaphore, #tpu.memory_space<semaphore_mem>>) {add = true}
        %dma_wait3A_214 = arith.constant 0 : i32
        %dma_wait3A_215 = tpu.memref_slice %arg7[%add3A_159, %dma_wait3A_214] : memref<40x64xi32, #tpu.memory_space<vmem>> -> memref<1x64xi32, #tpu.memory_space<vmem>>
        %dma_wait3A_216 = tpu.memref_squeeze %dma_wait3A_215 : memref<1x64xi32, #tpu.memory_space<vmem>> -> memref<64xi32, #tpu.memory_space<vmem>>
        %dma_wait3A_217 = arith.constant 0 : i32
        %dma_wait3A_218 = arith.constant 0 : i32
        %dma_wait3A_219 = tpu.memref_slice %arg12[%dma_wait3A_217, %dma_wait3A_218] : memref<10240x128xf32, #tpu.memory_space<vmem_shared>> -> memref<10240x128xf32, #tpu.memory_space<vmem_shared>>
        tpu.wait_indirect_dma semaphore(%run_scoped3A : memref<!tpu.dma_semaphore, #tpu.memory_space<semaphore_mem>>) src(%arg9 : memref<64x128xf32, #tpu.memory_space<vmem>>) dst(%dma_wait3A_219 : memref<10240x128xf32, #tpu.memory_space<vmem_shared>>)
        tpu.yield
      }) : () -> ()
      %mul3A_173 = arith.constant 4 : i32
      %mul3A_174 = arith.muli %mul3A_173, %scan3A_141 : i32
      %add3A_175 = arith.constant 2 : i32
      %add3A_176 = arith.addi %mul3A_174, %add3A_175 : i32
      %add3A_177 = arith.constant 3 : i32
      %add3A_178 = arith.addi %add3A_176, %add3A_177 : i32
      %lt3A_179 = arith.constant 40 : i32
      %lt3A_180 = arith.cmpi slt, %add3A_178, %lt3A_179 : i32
      %convert_element_type3A_181 = arith.extui %lt3A_180 : i1 to i32
      %cond3A_182 = arith.constant 0 : i32
      %cond3A_183 = arith.cmpi ne, %convert_element_type3A_181, %cond3A_182 : i32
      scf.if %cond3A_183 {
        %dma_start3A_208 = arith.constant 0 : i32
        %dma_start3A_209 = tpu.memref_slice %arg6[%add3A_178, %dma_start3A_208] : memref<40x64xi32, #tpu.memory_space<vmem>> -> memref<1x64xi32, #tpu.memory_space<vmem>>
        %dma_start3A_210 = tpu.memref_squeeze %dma_start3A_209 : memref<1x64xi32, #tpu.memory_space<vmem>> -> memref<64xi32, #tpu.memory_space<vmem>>
        %dma_start3A_211 = arith.constant 0 : i32
        %dma_start3A_212 = arith.constant 0 : i32
        %dma_start3A_213 = tpu.memref_slice %arg2[%dma_start3A_211, %dma_start3A_212] : memref<10000x128xf32, #tpu.memory_space<hbm>> -> memref<10000x128xf32, #tpu.memory_space<hbm>>
        tpu.enqueue_indirect_dma source(%dma_start3A_213 : memref<10000x128xf32, #tpu.memory_space<hbm>>) target(%arg9 : memref<64x128xf32, #tpu.memory_space<vmem>>) offsets(%dma_start3A_210 : memref<64xi32, #tpu.memory_space<vmem>>) semaphore(%arg14 : memref<!tpu.dma_semaphore, #tpu.memory_space<semaphore_mem>>)
      } else {
      }
      %dma_wait3A_184 = arith.constant 0 : i32
      %dma_wait3A_185 = tpu.memref_slice %arg6[%add3A_176, %dma_wait3A_184] : memref<40x64xi32, #tpu.memory_space<vmem>> -> memref<1x64xi32, #tpu.memory_space<vmem>>
      %dma_wait3A_186 = tpu.memref_squeeze %dma_wait3A_185 : memref<1x64xi32, #tpu.memory_space<vmem>> -> memref<64xi32, #tpu.memory_space<vmem>>
      %dma_wait3A_187 = arith.constant 0 : i32
      %dma_wait3A_188 = arith.constant 0 : i32
      %dma_wait3A_189 = tpu.memref_slice %arg2[%dma_wait3A_187, %dma_wait3A_188] : memref<10000x128xf32, #tpu.memory_space<hbm>> -> memref<10000x128xf32, #tpu.memory_space<hbm>>
      tpu.wait_indirect_dma semaphore(%arg15 : memref<!tpu.dma_semaphore, #tpu.memory_space<semaphore_mem>>) src(%dma_wait3A_189 : memref<10000x128xf32, #tpu.memory_space<hbm>>) dst(%arg10 : memref<64x128xf32, #tpu.memory_space<vmem>>)
      "tpu.region"() ({
        %run_scoped3A = tpu.sem_alloc : memref<!tpu.dma_semaphore, #tpu.memory_space<semaphore_mem>>
        %dma_start3A_208 = arith.constant 0 : i32
        %dma_start3A_209 = tpu.memref_slice %arg7[%add3A_176, %dma_start3A_208] : memref<40x64xi32, #tpu.memory_space<vmem>> -> memref<1x64xi32, #tpu.memory_space<vmem>>
        %dma_start3A_210 = tpu.memref_squeeze %dma_start3A_209 : memref<1x64xi32, #tpu.memory_space<vmem>> -> memref<64xi32, #tpu.memory_space<vmem>>
        %dma_start3A_211 = arith.constant 0 : i32
        %dma_start3A_212 = arith.constant 0 : i32
        %dma_start3A_213 = tpu.memref_slice %arg12[%dma_start3A_211, %dma_start3A_212] : memref<10240x128xf32, #tpu.memory_space<vmem_shared>> -> memref<10240x128xf32, #tpu.memory_space<vmem_shared>>
        tpu.enqueue_indirect_dma source(%arg10 : memref<64x128xf32, #tpu.memory_space<vmem>>) target(%dma_start3A_213 : memref<10240x128xf32, #tpu.memory_space<vmem_shared>>) offsets(%dma_start3A_210 : memref<64xi32, #tpu.memory_space<vmem>>) semaphore(%run_scoped3A : memref<!tpu.dma_semaphore, #tpu.memory_space<semaphore_mem>>) {add = true}
        %dma_wait3A_214 = arith.constant 0 : i32
        %dma_wait3A_215 = tpu.memref_slice %arg7[%add3A_176, %dma_wait3A_214] : memref<40x64xi32, #tpu.memory_space<vmem>> -> memref<1x64xi32, #tpu.memory_space<vmem>>
        %dma_wait3A_216 = tpu.memref_squeeze %dma_wait3A_215 : memref<1x64xi32, #tpu.memory_space<vmem>> -> memref<64xi32, #tpu.memory_space<vmem>>
        %dma_wait3A_217 = arith.constant 0 : i32
        %dma_wait3A_218 = arith.constant 0 : i32
        %dma_wait3A_219 = tpu.memref_slice %arg12[%dma_wait3A_217, %dma_wait3A_218] : memref<10240x128xf32, #tpu.memory_space<vmem_shared>> -> memref<10240x128xf32, #tpu.memory_space<vmem_shared>>
        tpu.wait_indirect_dma semaphore(%run_scoped3A : memref<!tpu.dma_semaphore, #tpu.memory_space<semaphore_mem>>) src(%arg10 : memref<64x128xf32, #tpu.memory_space<vmem>>) dst(%dma_wait3A_219 : memref<10240x128xf32, #tpu.memory_space<vmem_shared>>)
        tpu.yield
      }) : () -> ()
      %mul3A_190 = arith.constant 4 : i32
      %mul3A_191 = arith.muli %mul3A_190, %scan3A_141 : i32
      %add3A_192 = arith.constant 3 : i32
      %add3A_193 = arith.addi %mul3A_191, %add3A_192 : i32
      %add3A_194 = arith.constant 3 : i32
      %add3A_195 = arith.addi %add3A_193, %add3A_194 : i32
      %lt3A_196 = arith.constant 40 : i32
      %lt3A_197 = arith.cmpi slt, %add3A_195, %lt3A_196 : i32
      %convert_element_type3A_198 = arith.extui %lt3A_197 : i1 to i32
      %cond3A_199 = arith.constant 0 : i32
      %cond3A_200 = arith.cmpi ne, %convert_element_type3A_198, %cond3A_199 : i32
      scf.if %cond3A_200 {
        %dma_start3A_208 = arith.constant 0 : i32
        %dma_start3A_209 = tpu.memref_slice %arg6[%add3A_195, %dma_start3A_208] : memref<40x64xi32, #tpu.memory_space<vmem>> -> memref<1x64xi32, #tpu.memory_space<vmem>>
        %dma_start3A_210 = tpu.memref_squeeze %dma_start3A_209 : memref<1x64xi32, #tpu.memory_space<vmem>> -> memref<64xi32, #tpu.memory_space<vmem>>
        %dma_start3A_211 = arith.constant 0 : i32
        %dma_start3A_212 = arith.constant 0 : i32
        %dma_start3A_213 = tpu.memref_slice %arg2[%dma_start3A_211, %dma_start3A_212] : memref<10000x128xf32, #tpu.memory_space<hbm>> -> memref<10000x128xf32, #tpu.memory_space<hbm>>
        tpu.enqueue_indirect_dma source(%dma_start3A_213 : memref<10000x128xf32, #tpu.memory_space<hbm>>) target(%arg10 : memref<64x128xf32, #tpu.memory_space<vmem>>) offsets(%dma_start3A_210 : memref<64xi32, #tpu.memory_space<vmem>>) semaphore(%arg15 : memref<!tpu.dma_semaphore, #tpu.memory_space<semaphore_mem>>)
      } else {
      }
      %dma_wait3A_201 = arith.constant 0 : i32
      %dma_wait3A_202 = tpu.memref_slice %arg6[%add3A_193, %dma_wait3A_201] : memref<40x64xi32, #tpu.memory_space<vmem>> -> memref<1x64xi32, #tpu.memory_space<vmem>>
      %dma_wait3A_203 = tpu.memref_squeeze %dma_wait3A_202 : memref<1x64xi32, #tpu.memory_space<vmem>> -> memref<64xi32, #tpu.memory_space<vmem>>
      %dma_wait3A_204 = arith.constant 0 : i32
      %dma_wait3A_205 = arith.constant 0 : i32
      %dma_wait3A_206 = tpu.memref_slice %arg2[%dma_wait3A_204, %dma_wait3A_205] : memref<10000x128xf32, #tpu.memory_space<hbm>> -> memref<10000x128xf32, #tpu.memory_space<hbm>>
      tpu.wait_indirect_dma semaphore(%arg16 : memref<!tpu.dma_semaphore, #tpu.memory_space<semaphore_mem>>) src(%dma_wait3A_206 : memref<10000x128xf32, #tpu.memory_space<hbm>>) dst(%arg11 : memref<64x128xf32, #tpu.memory_space<vmem>>)
      "tpu.region"() ({
        %run_scoped3A = tpu.sem_alloc : memref<!tpu.dma_semaphore, #tpu.memory_space<semaphore_mem>>
        %dma_start3A_208 = arith.constant 0 : i32
        %dma_start3A_209 = tpu.memref_slice %arg7[%add3A_193, %dma_start3A_208] : memref<40x64xi32, #tpu.memory_space<vmem>> -> memref<1x64xi32, #tpu.memory_space<vmem>>
        %dma_start3A_210 = tpu.memref_squeeze %dma_start3A_209 : memref<1x64xi32, #tpu.memory_space<vmem>> -> memref<64xi32, #tpu.memory_space<vmem>>
        %dma_start3A_211 = arith.constant 0 : i32
        %dma_start3A_212 = arith.constant 0 : i32
        %dma_start3A_213 = tpu.memref_slice %arg12[%dma_start3A_211, %dma_start3A_212] : memref<10240x128xf32, #tpu.memory_space<vmem_shared>> -> memref<10240x128xf32, #tpu.memory_space<vmem_shared>>
        tpu.enqueue_indirect_dma source(%arg11 : memref<64x128xf32, #tpu.memory_space<vmem>>) target(%dma_start3A_213 : memref<10240x128xf32, #tpu.memory_space<vmem_shared>>) offsets(%dma_start3A_210 : memref<64xi32, #tpu.memory_space<vmem>>) semaphore(%run_scoped3A : memref<!tpu.dma_semaphore, #tpu.memory_space<semaphore_mem>>) {add = true}
        %dma_wait3A_214 = arith.constant 0 : i32
        %dma_wait3A_215 = tpu.memref_slice %arg7[%add3A_193, %dma_wait3A_214] : memref<40x64xi32, #tpu.memory_space<vmem>> -> memref<1x64xi32, #tpu.memory_space<vmem>>
        %dma_wait3A_216 = tpu.memref_squeeze %dma_wait3A_215 : memref<1x64xi32, #tpu.memory_space<vmem>> -> memref<64xi32, #tpu.memory_space<vmem>>
        %dma_wait3A_217 = arith.constant 0 : i32
        %dma_wait3A_218 = arith.constant 0 : i32
        %dma_wait3A_219 = tpu.memref_slice %arg12[%dma_wait3A_217, %dma_wait3A_218] : memref<10240x128xf32, #tpu.memory_space<vmem_shared>> -> memref<10240x128xf32, #tpu.memory_space<vmem_shared>>
        tpu.wait_indirect_dma semaphore(%run_scoped3A : memref<!tpu.dma_semaphore, #tpu.memory_space<semaphore_mem>>) src(%arg11 : memref<64x128xf32, #tpu.memory_space<vmem>>) dst(%dma_wait3A_219 : memref<10240x128xf32, #tpu.memory_space<vmem_shared>>)
        tpu.yield
      }) : () -> ()
      %scan3A_207 = arith.constant 0 : i32
      scf.yield %scan3A_207 : i32
    }
    %scan3A_83 = arith.constant 10 : i32
    "tpu.region"() ({
      %run_scoped3A = tpu.sem_alloc : memref<!tpu.dma_semaphore, #tpu.memory_space<semaphore_mem>>
      %dma_start3A_141 = arith.constant 0 : i32
      %dma_start3A_142 = arith.constant 0 : i32
      %dma_start3A_143 = tpu.memref_slice %arg3[%add3A, %dma_start3A_141, %dma_start3A_142] : memref<32x160x64xi32, #tpu.memory_space<hbm>> -> memref<1x160x64xi32, #tpu.memory_space<hbm>>
      %dma_start3A_144 = tpu.memref_squeeze %dma_start3A_143 : memref<1x160x64xi32, #tpu.memory_space<hbm>> -> memref<160x64xi32, #tpu.memory_space<hbm>>
      %dma_start3A_145 = arith.constant 80 : i32
      %dma_start3A_146 = arith.constant 0 : i32
      %dma_start3A_147 = tpu.memref_slice %dma_start3A_144[%dma_start3A_145, %dma_start3A_146] : memref<160x64xi32, #tpu.memory_space<hbm>> -> memref<40x64xi32, #tpu.memory_space<hbm>>
      %dma_start3A_148 = arith.constant 0 : i32
      %dma_start3A_149 = arith.constant 0 : i32
      %dma_start3A_150 = tpu.memref_slice %arg3[%add3A, %dma_start3A_148, %dma_start3A_149] : memref<32x160x64xi32, #tpu.memory_space<hbm>> -> memref<1x160x64xi32, #tpu.memory_space<hbm>>
      %dma_start3A_151 = tpu.memref_squeeze %dma_start3A_150 : memref<1x160x64xi32, #tpu.memory_space<hbm>> -> memref<160x64xi32, #tpu.memory_space<hbm>>
      %dma_start3A_152 = arith.constant 80 : i32
      %dma_start3A_153 = arith.constant 0 : i32
      %dma_start3A_154 = tpu.memref_slice %dma_start3A_151[%dma_start3A_152, %dma_start3A_153] : memref<160x64xi32, #tpu.memory_space<hbm>> -> memref<40x64xi32, #tpu.memory_space<hbm>>
      tpu.enqueue_dma source(%dma_start3A_154 : memref<40x64xi32, #tpu.memory_space<hbm>>) target(%arg6 : memref<40x64xi32, #tpu.memory_space<vmem>>) target_semaphore(%run_scoped3A : memref<!tpu.dma_semaphore, #tpu.memory_space<semaphore_mem>>)
      %dma_wait3A = arith.constant 0 : i32
      %dma_wait3A_155 = arith.constant 0 : i32
      %dma_wait3A_156 = tpu.memref_slice %arg3[%add3A, %dma_wait3A, %dma_wait3A_155] : memref<32x160x64xi32, #tpu.memory_space<hbm>> -> memref<1x160x64xi32, #tpu.memory_space<hbm>>
      %dma_wait3A_157 = tpu.memref_squeeze %dma_wait3A_156 : memref<1x160x64xi32, #tpu.memory_space<hbm>> -> memref<160x64xi32, #tpu.memory_space<hbm>>
      %dma_wait3A_158 = arith.constant 80 : i32
      %dma_wait3A_159 = arith.constant 0 : i32
      %dma_wait3A_160 = tpu.memref_slice %dma_wait3A_157[%dma_wait3A_158, %dma_wait3A_159] : memref<160x64xi32, #tpu.memory_space<hbm>> -> memref<40x64xi32, #tpu.memory_space<hbm>>
      %dma_wait3A_161 = arith.constant 0 : i32
      %dma_wait3A_162 = arith.constant 0 : i32
      %dma_wait3A_163 = tpu.memref_slice %arg3[%add3A, %dma_wait3A_161, %dma_wait3A_162] : memref<32x160x64xi32, #tpu.memory_space<hbm>> -> memref<1x160x64xi32, #tpu.memory_space<hbm>>
      %dma_wait3A_164 = tpu.memref_squeeze %dma_wait3A_163 : memref<1x160x64xi32, #tpu.memory_space<hbm>> -> memref<160x64xi32, #tpu.memory_space<hbm>>
      %dma_wait3A_165 = arith.constant 80 : i32
      %dma_wait3A_166 = arith.constant 0 : i32
      %dma_wait3A_167 = tpu.memref_slice %dma_wait3A_164[%dma_wait3A_165, %dma_wait3A_166] : memref<160x64xi32, #tpu.memory_space<hbm>> -> memref<40x64xi32, #tpu.memory_space<hbm>>
      tpu.wait_dma2 semaphore(%run_scoped3A : memref<!tpu.dma_semaphore, #tpu.memory_space<semaphore_mem>>) src(%dma_wait3A_167 : memref<40x64xi32, #tpu.memory_space<hbm>>) dst(%arg6 : memref<40x64xi32, #tpu.memory_space<vmem>>)
      tpu.yield
    }) : () -> ()
    "tpu.region"() ({
      %run_scoped3A = tpu.sem_alloc : memref<!tpu.dma_semaphore, #tpu.memory_space<semaphore_mem>>
      %dma_start3A_141 = arith.constant 0 : i32
      %dma_start3A_142 = arith.constant 0 : i32
      %dma_start3A_143 = tpu.memref_slice %arg4[%add3A, %dma_start3A_141, %dma_start3A_142] : memref<32x160x64xi32, #tpu.memory_space<hbm>> -> memref<1x160x64xi32, #tpu.memory_space<hbm>>
      %dma_start3A_144 = tpu.memref_squeeze %dma_start3A_143 : memref<1x160x64xi32, #tpu.memory_space<hbm>> -> memref<160x64xi32, #tpu.memory_space<hbm>>
      %dma_start3A_145 = arith.constant 80 : i32
      %dma_start3A_146 = arith.constant 0 : i32
      %dma_start3A_147 = tpu.memref_slice %dma_start3A_144[%dma_start3A_145, %dma_start3A_146] : memref<160x64xi32, #tpu.memory_space<hbm>> -> memref<40x64xi32, #tpu.memory_space<hbm>>
      %dma_start3A_148 = arith.constant 0 : i32
      %dma_start3A_149 = arith.constant 0 : i32
      %dma_start3A_150 = tpu.memref_slice %arg4[%add3A, %dma_start3A_148, %dma_start3A_149] : memref<32x160x64xi32, #tpu.memory_space<hbm>> -> memref<1x160x64xi32, #tpu.memory_space<hbm>>
      %dma_start3A_151 = tpu.memref_squeeze %dma_start3A_150 : memref<1x160x64xi32, #tpu.memory_space<hbm>> -> memref<160x64xi32, #tpu.memory_space<hbm>>
      %dma_start3A_152 = arith.constant 80 : i32
      %dma_start3A_153 = arith.constant 0 : i32
      %dma_start3A_154 = tpu.memref_slice %dma_start3A_151[%dma_start3A_152, %dma_start3A_153] : memref<160x64xi32, #tpu.memory_space<hbm>> -> memref<40x64xi32, #tpu.memory_space<hbm>>
      tpu.enqueue_dma source(%dma_start3A_154 : memref<40x64xi32, #tpu.memory_space<hbm>>) target(%arg7 : memref<40x64xi32, #tpu.memory_space<vmem>>) target_semaphore(%run_scoped3A : memref<!tpu.dma_semaphore, #tpu.memory_space<semaphore_mem>>)
      %dma_wait3A = arith.constant 0 : i32
      %dma_wait3A_155 = arith.constant 0 : i32
      %dma_wait3A_156 = tpu.memref_slice %arg4[%add3A, %dma_wait3A, %dma_wait3A_155] : memref<32x160x64xi32, #tpu.memory_space<hbm>> -> memref<1x160x64xi32, #tpu.memory_space<hbm>>
      %dma_wait3A_157 = tpu.memref_squeeze %dma_wait3A_156 : memref<1x160x64xi32, #tpu.memory_space<hbm>> -> memref<160x64xi32, #tpu.memory_space<hbm>>
      %dma_wait3A_158 = arith.constant 80 : i32
      %dma_wait3A_159 = arith.constant 0 : i32
      %dma_wait3A_160 = tpu.memref_slice %dma_wait3A_157[%dma_wait3A_158, %dma_wait3A_159] : memref<160x64xi32, #tpu.memory_space<hbm>> -> memref<40x64xi32, #tpu.memory_space<hbm>>
      %dma_wait3A_161 = arith.constant 0 : i32
      %dma_wait3A_162 = arith.constant 0 : i32
      %dma_wait3A_163 = tpu.memref_slice %arg4[%add3A, %dma_wait3A_161, %dma_wait3A_162] : memref<32x160x64xi32, #tpu.memory_space<hbm>> -> memref<1x160x64xi32, #tpu.memory_space<hbm>>
      %dma_wait3A_164 = tpu.memref_squeeze %dma_wait3A_163 : memref<1x160x64xi32, #tpu.memory_space<hbm>> -> memref<160x64xi32, #tpu.memory_space<hbm>>
      %dma_wait3A_165 = arith.constant 80 : i32
      %dma_wait3A_166 = arith.constant 0 : i32
      %dma_wait3A_167 = tpu.memref_slice %dma_wait3A_164[%dma_wait3A_165, %dma_wait3A_166] : memref<160x64xi32, #tpu.memory_space<hbm>> -> memref<40x64xi32, #tpu.memory_space<hbm>>
      tpu.wait_dma2 semaphore(%run_scoped3A : memref<!tpu.dma_semaphore, #tpu.memory_space<semaphore_mem>>) src(%dma_wait3A_167 : memref<40x64xi32, #tpu.memory_space<hbm>>) dst(%arg7 : memref<40x64xi32, #tpu.memory_space<vmem>>)
      tpu.yield
    }) : () -> ()
    %dma_start3A_84 = arith.constant 0 : i32
    %dma_start3A_85 = arith.constant 0 : i32
    %dma_start3A_86 = tpu.memref_slice %arg6[%dma_start3A_84, %dma_start3A_85] : memref<40x64xi32, #tpu.memory_space<vmem>> -> memref<1x64xi32, #tpu.memory_space<vmem>>
    %dma_start3A_87 = tpu.memref_squeeze %dma_start3A_86 : memref<1x64xi32, #tpu.memory_space<vmem>> -> memref<64xi32, #tpu.memory_space<vmem>>
    %dma_start3A_88 = arith.constant 0 : i32
    %dma_start3A_89 = arith.constant 0 : i32
    %dma_start3A_90 = tpu.memref_slice %arg2[%dma_start3A_88, %dma_start3A_89] : memref<10000x128xf32, #tpu.memory_space<hbm>> -> memref<10000x128xf32, #tpu.memory_space<hbm>>
    tpu.enqueue_indirect_dma source(%dma_start3A_90 : memref<10000x128xf32, #tpu.memory_space<hbm>>) target(%arg8 : memref<64x128xf32, #tpu.memory_space<vmem>>) offsets(%dma_start3A_87 : memref<64xi32, #tpu.memory_space<vmem>>) semaphore(%arg13 : memref<!tpu.dma_semaphore, #tpu.memory_space<semaphore_mem>>)
    %dma_start3A_91 = arith.constant 1 : i32
    %dma_start3A_92 = arith.constant 0 : i32
    %dma_start3A_93 = tpu.memref_slice %arg6[%dma_start3A_91, %dma_start3A_92] : memref<40x64xi32, #tpu.memory_space<vmem>> -> memref<1x64xi32, #tpu.memory_space<vmem>>
    %dma_start3A_94 = tpu.memref_squeeze %dma_start3A_93 : memref<1x64xi32, #tpu.memory_space<vmem>> -> memref<64xi32, #tpu.memory_space<vmem>>
    %dma_start3A_95 = arith.constant 0 : i32
    %dma_start3A_96 = arith.constant 0 : i32
    %dma_start3A_97 = tpu.memref_slice %arg2[%dma_start3A_95, %dma_start3A_96] : memref<10000x128xf32, #tpu.memory_space<hbm>> -> memref<10000x128xf32, #tpu.memory_space<hbm>>
    tpu.enqueue_indirect_dma source(%dma_start3A_97 : memref<10000x128xf32, #tpu.memory_space<hbm>>) target(%arg9 : memref<64x128xf32, #tpu.memory_space<vmem>>) offsets(%dma_start3A_94 : memref<64xi32, #tpu.memory_space<vmem>>) semaphore(%arg14 : memref<!tpu.dma_semaphore, #tpu.memory_space<semaphore_mem>>)
    %dma_start3A_98 = arith.constant 2 : i32
    %dma_start3A_99 = arith.constant 0 : i32
    %dma_start3A_100 = tpu.memref_slice %arg6[%dma_start3A_98, %dma_start3A_99] : memref<40x64xi32, #tpu.memory_space<vmem>> -> memref<1x64xi32, #tpu.memory_space<vmem>>
    %dma_start3A_101 = tpu.memref_squeeze %dma_start3A_100 : memref<1x64xi32, #tpu.memory_space<vmem>> -> memref<64xi32, #tpu.memory_space<vmem>>
    %dma_start3A_102 = arith.constant 0 : i32
    %dma_start3A_103 = arith.constant 0 : i32
    %dma_start3A_104 = tpu.memref_slice %arg2[%dma_start3A_102, %dma_start3A_103] : memref<10000x128xf32, #tpu.memory_space<hbm>> -> memref<10000x128xf32, #tpu.memory_space<hbm>>
    tpu.enqueue_indirect_dma source(%dma_start3A_104 : memref<10000x128xf32, #tpu.memory_space<hbm>>) target(%arg10 : memref<64x128xf32, #tpu.memory_space<vmem>>) offsets(%dma_start3A_101 : memref<64xi32, #tpu.memory_space<vmem>>) semaphore(%arg15 : memref<!tpu.dma_semaphore, #tpu.memory_space<semaphore_mem>>)
    %scan3A_105 = arith.constant 0 : i32
    %scan3A_106 = arith.constant 0 : i32
    %scan3A_107 = arith.constant 10 : i32
    %scan3A_108 = arith.addi %scan3A_106, %scan3A_107 : i32
    %scan3A_109 = arith.constant 1 : i32
    %scan3A_110 = scf.for %scan3A_141 = %scan3A_106 to %scan3A_108 step %scan3A_109 iter_args(%scan3A_142 = %scan3A_105) -> (i32)  : i32 {
      %mul3A_143 = arith.constant 4 : i32
      %mul3A_144 = arith.muli %mul3A_143, %scan3A_141 : i32
      %add3A_145 = arith.constant 0 : i32
      %add3A_146 = arith.addi %mul3A_144, %add3A_145 : i32
      %add3A_147 = arith.constant 3 : i32
      %add3A_148 = arith.addi %add3A_146, %add3A_147 : i32
      %lt3A = arith.constant 40 : i32
      %lt3A_149 = arith.cmpi slt, %add3A_148, %lt3A : i32
      %convert_element_type3A = arith.extui %lt3A_149 : i1 to i32
      %cond3A = arith.constant 0 : i32
      %cond3A_150 = arith.cmpi ne, %convert_element_type3A, %cond3A : i32
      scf.if %cond3A_150 {
        %dma_start3A_208 = arith.constant 0 : i32
        %dma_start3A_209 = tpu.memref_slice %arg6[%add3A_148, %dma_start3A_208] : memref<40x64xi32, #tpu.memory_space<vmem>> -> memref<1x64xi32, #tpu.memory_space<vmem>>
        %dma_start3A_210 = tpu.memref_squeeze %dma_start3A_209 : memref<1x64xi32, #tpu.memory_space<vmem>> -> memref<64xi32, #tpu.memory_space<vmem>>
        %dma_start3A_211 = arith.constant 0 : i32
        %dma_start3A_212 = arith.constant 0 : i32
        %dma_start3A_213 = tpu.memref_slice %arg2[%dma_start3A_211, %dma_start3A_212] : memref<10000x128xf32, #tpu.memory_space<hbm>> -> memref<10000x128xf32, #tpu.memory_space<hbm>>
        tpu.enqueue_indirect_dma source(%dma_start3A_213 : memref<10000x128xf32, #tpu.memory_space<hbm>>) target(%arg11 : memref<64x128xf32, #tpu.memory_space<vmem>>) offsets(%dma_start3A_210 : memref<64xi32, #tpu.memory_space<vmem>>) semaphore(%arg16 : memref<!tpu.dma_semaphore, #tpu.memory_space<semaphore_mem>>)
      } else {
      }
      %dma_wait3A = arith.constant 0 : i32
      %dma_wait3A_151 = tpu.memref_slice %arg6[%add3A_146, %dma_wait3A] : memref<40x64xi32, #tpu.memory_space<vmem>> -> memref<1x64xi32, #tpu.memory_space<vmem>>
      %dma_wait3A_152 = tpu.memref_squeeze %dma_wait3A_151 : memref<1x64xi32, #tpu.memory_space<vmem>> -> memref<64xi32, #tpu.memory_space<vmem>>
      %dma_wait3A_153 = arith.constant 0 : i32
      %dma_wait3A_154 = arith.constant 0 : i32
      %dma_wait3A_155 = tpu.memref_slice %arg2[%dma_wait3A_153, %dma_wait3A_154] : memref<10000x128xf32, #tpu.memory_space<hbm>> -> memref<10000x128xf32, #tpu.memory_space<hbm>>
      tpu.wait_indirect_dma semaphore(%arg13 : memref<!tpu.dma_semaphore, #tpu.memory_space<semaphore_mem>>) src(%dma_wait3A_155 : memref<10000x128xf32, #tpu.memory_space<hbm>>) dst(%arg8 : memref<64x128xf32, #tpu.memory_space<vmem>>)
      "tpu.region"() ({
        %run_scoped3A = tpu.sem_alloc : memref<!tpu.dma_semaphore, #tpu.memory_space<semaphore_mem>>
        %dma_start3A_208 = arith.constant 0 : i32
        %dma_start3A_209 = tpu.memref_slice %arg7[%add3A_146, %dma_start3A_208] : memref<40x64xi32, #tpu.memory_space<vmem>> -> memref<1x64xi32, #tpu.memory_space<vmem>>
        %dma_start3A_210 = tpu.memref_squeeze %dma_start3A_209 : memref<1x64xi32, #tpu.memory_space<vmem>> -> memref<64xi32, #tpu.memory_space<vmem>>
        %dma_start3A_211 = arith.constant 0 : i32
        %dma_start3A_212 = arith.constant 0 : i32
        %dma_start3A_213 = tpu.memref_slice %arg12[%dma_start3A_211, %dma_start3A_212] : memref<10240x128xf32, #tpu.memory_space<vmem_shared>> -> memref<10240x128xf32, #tpu.memory_space<vmem_shared>>
        tpu.enqueue_indirect_dma source(%arg8 : memref<64x128xf32, #tpu.memory_space<vmem>>) target(%dma_start3A_213 : memref<10240x128xf32, #tpu.memory_space<vmem_shared>>) offsets(%dma_start3A_210 : memref<64xi32, #tpu.memory_space<vmem>>) semaphore(%run_scoped3A : memref<!tpu.dma_semaphore, #tpu.memory_space<semaphore_mem>>) {add = true}
        %dma_wait3A_214 = arith.constant 0 : i32
        %dma_wait3A_215 = tpu.memref_slice %arg7[%add3A_146, %dma_wait3A_214] : memref<40x64xi32, #tpu.memory_space<vmem>> -> memref<1x64xi32, #tpu.memory_space<vmem>>
        %dma_wait3A_216 = tpu.memref_squeeze %dma_wait3A_215 : memref<1x64xi32, #tpu.memory_space<vmem>> -> memref<64xi32, #tpu.memory_space<vmem>>
        %dma_wait3A_217 = arith.constant 0 : i32
        %dma_wait3A_218 = arith.constant 0 : i32
        %dma_wait3A_219 = tpu.memref_slice %arg12[%dma_wait3A_217, %dma_wait3A_218] : memref<10240x128xf32, #tpu.memory_space<vmem_shared>> -> memref<10240x128xf32, #tpu.memory_space<vmem_shared>>
        tpu.wait_indirect_dma semaphore(%run_scoped3A : memref<!tpu.dma_semaphore, #tpu.memory_space<semaphore_mem>>) src(%arg8 : memref<64x128xf32, #tpu.memory_space<vmem>>) dst(%dma_wait3A_219 : memref<10240x128xf32, #tpu.memory_space<vmem_shared>>)
        tpu.yield
      }) : () -> ()
      %mul3A_156 = arith.constant 4 : i32
      %mul3A_157 = arith.muli %mul3A_156, %scan3A_141 : i32
      %add3A_158 = arith.constant 1 : i32
      %add3A_159 = arith.addi %mul3A_157, %add3A_158 : i32
      %add3A_160 = arith.constant 3 : i32
      %add3A_161 = arith.addi %add3A_159, %add3A_160 : i32
      %lt3A_162 = arith.constant 40 : i32
      %lt3A_163 = arith.cmpi slt, %add3A_161, %lt3A_162 : i32
      %convert_element_type3A_164 = arith.extui %lt3A_163 : i1 to i32
      %cond3A_165 = arith.constant 0 : i32
      %cond3A_166 = arith.cmpi ne, %convert_element_type3A_164, %cond3A_165 : i32
      scf.if %cond3A_166 {
        %dma_start3A_208 = arith.constant 0 : i32
        %dma_start3A_209 = tpu.memref_slice %arg6[%add3A_161, %dma_start3A_208] : memref<40x64xi32, #tpu.memory_space<vmem>> -> memref<1x64xi32, #tpu.memory_space<vmem>>
        %dma_start3A_210 = tpu.memref_squeeze %dma_start3A_209 : memref<1x64xi32, #tpu.memory_space<vmem>> -> memref<64xi32, #tpu.memory_space<vmem>>
        %dma_start3A_211 = arith.constant 0 : i32
        %dma_start3A_212 = arith.constant 0 : i32
        %dma_start3A_213 = tpu.memref_slice %arg2[%dma_start3A_211, %dma_start3A_212] : memref<10000x128xf32, #tpu.memory_space<hbm>> -> memref<10000x128xf32, #tpu.memory_space<hbm>>
        tpu.enqueue_indirect_dma source(%dma_start3A_213 : memref<10000x128xf32, #tpu.memory_space<hbm>>) target(%arg8 : memref<64x128xf32, #tpu.memory_space<vmem>>) offsets(%dma_start3A_210 : memref<64xi32, #tpu.memory_space<vmem>>) semaphore(%arg13 : memref<!tpu.dma_semaphore, #tpu.memory_space<semaphore_mem>>)
      } else {
      }
      %dma_wait3A_167 = arith.constant 0 : i32
      %dma_wait3A_168 = tpu.memref_slice %arg6[%add3A_159, %dma_wait3A_167] : memref<40x64xi32, #tpu.memory_space<vmem>> -> memref<1x64xi32, #tpu.memory_space<vmem>>
      %dma_wait3A_169 = tpu.memref_squeeze %dma_wait3A_168 : memref<1x64xi32, #tpu.memory_space<vmem>> -> memref<64xi32, #tpu.memory_space<vmem>>
      %dma_wait3A_170 = arith.constant 0 : i32
      %dma_wait3A_171 = arith.constant 0 : i32
      %dma_wait3A_172 = tpu.memref_slice %arg2[%dma_wait3A_170, %dma_wait3A_171] : memref<10000x128xf32, #tpu.memory_space<hbm>> -> memref<10000x128xf32, #tpu.memory_space<hbm>>
      tpu.wait_indirect_dma semaphore(%arg14 : memref<!tpu.dma_semaphore, #tpu.memory_space<semaphore_mem>>) src(%dma_wait3A_172 : memref<10000x128xf32, #tpu.memory_space<hbm>>) dst(%arg9 : memref<64x128xf32, #tpu.memory_space<vmem>>)
      "tpu.region"() ({
        %run_scoped3A = tpu.sem_alloc : memref<!tpu.dma_semaphore, #tpu.memory_space<semaphore_mem>>
        %dma_start3A_208 = arith.constant 0 : i32
        %dma_start3A_209 = tpu.memref_slice %arg7[%add3A_159, %dma_start3A_208] : memref<40x64xi32, #tpu.memory_space<vmem>> -> memref<1x64xi32, #tpu.memory_space<vmem>>
        %dma_start3A_210 = tpu.memref_squeeze %dma_start3A_209 : memref<1x64xi32, #tpu.memory_space<vmem>> -> memref<64xi32, #tpu.memory_space<vmem>>
        %dma_start3A_211 = arith.constant 0 : i32
        %dma_start3A_212 = arith.constant 0 : i32
        %dma_start3A_213 = tpu.memref_slice %arg12[%dma_start3A_211, %dma_start3A_212] : memref<10240x128xf32, #tpu.memory_space<vmem_shared>> -> memref<10240x128xf32, #tpu.memory_space<vmem_shared>>
        tpu.enqueue_indirect_dma source(%arg9 : memref<64x128xf32, #tpu.memory_space<vmem>>) target(%dma_start3A_213 : memref<10240x128xf32, #tpu.memory_space<vmem_shared>>) offsets(%dma_start3A_210 : memref<64xi32, #tpu.memory_space<vmem>>) semaphore(%run_scoped3A : memref<!tpu.dma_semaphore, #tpu.memory_space<semaphore_mem>>) {add = true}
        %dma_wait3A_214 = arith.constant 0 : i32
        %dma_wait3A_215 = tpu.memref_slice %arg7[%add3A_159, %dma_wait3A_214] : memref<40x64xi32, #tpu.memory_space<vmem>> -> memref<1x64xi32, #tpu.memory_space<vmem>>
        %dma_wait3A_216 = tpu.memref_squeeze %dma_wait3A_215 : memref<1x64xi32, #tpu.memory_space<vmem>> -> memref<64xi32, #tpu.memory_space<vmem>>
        %dma_wait3A_217 = arith.constant 0 : i32
        %dma_wait3A_218 = arith.constant 0 : i32
        %dma_wait3A_219 = tpu.memref_slice %arg12[%dma_wait3A_217, %dma_wait3A_218] : memref<10240x128xf32, #tpu.memory_space<vmem_shared>> -> memref<10240x128xf32, #tpu.memory_space<vmem_shared>>
        tpu.wait_indirect_dma semaphore(%run_scoped3A : memref<!tpu.dma_semaphore, #tpu.memory_space<semaphore_mem>>) src(%arg9 : memref<64x128xf32, #tpu.memory_space<vmem>>) dst(%dma_wait3A_219 : memref<10240x128xf32, #tpu.memory_space<vmem_shared>>)
        tpu.yield
      }) : () -> ()
      %mul3A_173 = arith.constant 4 : i32
      %mul3A_174 = arith.muli %mul3A_173, %scan3A_141 : i32
      %add3A_175 = arith.constant 2 : i32
      %add3A_176 = arith.addi %mul3A_174, %add3A_175 : i32
      %add3A_177 = arith.constant 3 : i32
      %add3A_178 = arith.addi %add3A_176, %add3A_177 : i32
      %lt3A_179 = arith.constant 40 : i32
      %lt3A_180 = arith.cmpi slt, %add3A_178, %lt3A_179 : i32
      %convert_element_type3A_181 = arith.extui %lt3A_180 : i1 to i32
      %cond3A_182 = arith.constant 0 : i32
      %cond3A_183 = arith.cmpi ne, %convert_element_type3A_181, %cond3A_182 : i32
      scf.if %cond3A_183 {
        %dma_start3A_208 = arith.constant 0 : i32
        %dma_start3A_209 = tpu.memref_slice %arg6[%add3A_178, %dma_start3A_208] : memref<40x64xi32, #tpu.memory_space<vmem>> -> memref<1x64xi32, #tpu.memory_space<vmem>>
        %dma_start3A_210 = tpu.memref_squeeze %dma_start3A_209 : memref<1x64xi32, #tpu.memory_space<vmem>> -> memref<64xi32, #tpu.memory_space<vmem>>
        %dma_start3A_211 = arith.constant 0 : i32
        %dma_start3A_212 = arith.constant 0 : i32
        %dma_start3A_213 = tpu.memref_slice %arg2[%dma_start3A_211, %dma_start3A_212] : memref<10000x128xf32, #tpu.memory_space<hbm>> -> memref<10000x128xf32, #tpu.memory_space<hbm>>
        tpu.enqueue_indirect_dma source(%dma_start3A_213 : memref<10000x128xf32, #tpu.memory_space<hbm>>) target(%arg9 : memref<64x128xf32, #tpu.memory_space<vmem>>) offsets(%dma_start3A_210 : memref<64xi32, #tpu.memory_space<vmem>>) semaphore(%arg14 : memref<!tpu.dma_semaphore, #tpu.memory_space<semaphore_mem>>)
      } else {
      }
      %dma_wait3A_184 = arith.constant 0 : i32
      %dma_wait3A_185 = tpu.memref_slice %arg6[%add3A_176, %dma_wait3A_184] : memref<40x64xi32, #tpu.memory_space<vmem>> -> memref<1x64xi32, #tpu.memory_space<vmem>>
      %dma_wait3A_186 = tpu.memref_squeeze %dma_wait3A_185 : memref<1x64xi32, #tpu.memory_space<vmem>> -> memref<64xi32, #tpu.memory_space<vmem>>
      %dma_wait3A_187 = arith.constant 0 : i32
      %dma_wait3A_188 = arith.constant 0 : i32
      %dma_wait3A_189 = tpu.memref_slice %arg2[%dma_wait3A_187, %dma_wait3A_188] : memref<10000x128xf32, #tpu.memory_space<hbm>> -> memref<10000x128xf32, #tpu.memory_space<hbm>>
      tpu.wait_indirect_dma semaphore(%arg15 : memref<!tpu.dma_semaphore, #tpu.memory_space<semaphore_mem>>) src(%dma_wait3A_189 : memref<10000x128xf32, #tpu.memory_space<hbm>>) dst(%arg10 : memref<64x128xf32, #tpu.memory_space<vmem>>)
      "tpu.region"() ({
        %run_scoped3A = tpu.sem_alloc : memref<!tpu.dma_semaphore, #tpu.memory_space<semaphore_mem>>
        %dma_start3A_208 = arith.constant 0 : i32
        %dma_start3A_209 = tpu.memref_slice %arg7[%add3A_176, %dma_start3A_208] : memref<40x64xi32, #tpu.memory_space<vmem>> -> memref<1x64xi32, #tpu.memory_space<vmem>>
        %dma_start3A_210 = tpu.memref_squeeze %dma_start3A_209 : memref<1x64xi32, #tpu.memory_space<vmem>> -> memref<64xi32, #tpu.memory_space<vmem>>
        %dma_start3A_211 = arith.constant 0 : i32
        %dma_start3A_212 = arith.constant 0 : i32
        %dma_start3A_213 = tpu.memref_slice %arg12[%dma_start3A_211, %dma_start3A_212] : memref<10240x128xf32, #tpu.memory_space<vmem_shared>> -> memref<10240x128xf32, #tpu.memory_space<vmem_shared>>
        tpu.enqueue_indirect_dma source(%arg10 : memref<64x128xf32, #tpu.memory_space<vmem>>) target(%dma_start3A_213 : memref<10240x128xf32, #tpu.memory_space<vmem_shared>>) offsets(%dma_start3A_210 : memref<64xi32, #tpu.memory_space<vmem>>) semaphore(%run_scoped3A : memref<!tpu.dma_semaphore, #tpu.memory_space<semaphore_mem>>) {add = true}
        %dma_wait3A_214 = arith.constant 0 : i32
        %dma_wait3A_215 = tpu.memref_slice %arg7[%add3A_176, %dma_wait3A_214] : memref<40x64xi32, #tpu.memory_space<vmem>> -> memref<1x64xi32, #tpu.memory_space<vmem>>
        %dma_wait3A_216 = tpu.memref_squeeze %dma_wait3A_215 : memref<1x64xi32, #tpu.memory_space<vmem>> -> memref<64xi32, #tpu.memory_space<vmem>>
        %dma_wait3A_217 = arith.constant 0 : i32
        %dma_wait3A_218 = arith.constant 0 : i32
        %dma_wait3A_219 = tpu.memref_slice %arg12[%dma_wait3A_217, %dma_wait3A_218] : memref<10240x128xf32, #tpu.memory_space<vmem_shared>> -> memref<10240x128xf32, #tpu.memory_space<vmem_shared>>
        tpu.wait_indirect_dma semaphore(%run_scoped3A : memref<!tpu.dma_semaphore, #tpu.memory_space<semaphore_mem>>) src(%arg10 : memref<64x128xf32, #tpu.memory_space<vmem>>) dst(%dma_wait3A_219 : memref<10240x128xf32, #tpu.memory_space<vmem_shared>>)
        tpu.yield
      }) : () -> ()
      %mul3A_190 = arith.constant 4 : i32
      %mul3A_191 = arith.muli %mul3A_190, %scan3A_141 : i32
      %add3A_192 = arith.constant 3 : i32
      %add3A_193 = arith.addi %mul3A_191, %add3A_192 : i32
      %add3A_194 = arith.constant 3 : i32
      %add3A_195 = arith.addi %add3A_193, %add3A_194 : i32
      %lt3A_196 = arith.constant 40 : i32
      %lt3A_197 = arith.cmpi slt, %add3A_195, %lt3A_196 : i32
      %convert_element_type3A_198 = arith.extui %lt3A_197 : i1 to i32
      %cond3A_199 = arith.constant 0 : i32
      %cond3A_200 = arith.cmpi ne, %convert_element_type3A_198, %cond3A_199 : i32
      scf.if %cond3A_200 {
        %dma_start3A_208 = arith.constant 0 : i32
        %dma_start3A_209 = tpu.memref_slice %arg6[%add3A_195, %dma_start3A_208] : memref<40x64xi32, #tpu.memory_space<vmem>> -> memref<1x64xi32, #tpu.memory_space<vmem>>
        %dma_start3A_210 = tpu.memref_squeeze %dma_start3A_209 : memref<1x64xi32, #tpu.memory_space<vmem>> -> memref<64xi32, #tpu.memory_space<vmem>>
        %dma_start3A_211 = arith.constant 0 : i32
        %dma_start3A_212 = arith.constant 0 : i32
        %dma_start3A_213 = tpu.memref_slice %arg2[%dma_start3A_211, %dma_start3A_212] : memref<10000x128xf32, #tpu.memory_space<hbm>> -> memref<10000x128xf32, #tpu.memory_space<hbm>>
        tpu.enqueue_indirect_dma source(%dma_start3A_213 : memref<10000x128xf32, #tpu.memory_space<hbm>>) target(%arg10 : memref<64x128xf32, #tpu.memory_space<vmem>>) offsets(%dma_start3A_210 : memref<64xi32, #tpu.memory_space<vmem>>) semaphore(%arg15 : memref<!tpu.dma_semaphore, #tpu.memory_space<semaphore_mem>>)
      } else {
      }
      %dma_wait3A_201 = arith.constant 0 : i32
      %dma_wait3A_202 = tpu.memref_slice %arg6[%add3A_193, %dma_wait3A_201] : memref<40x64xi32, #tpu.memory_space<vmem>> -> memref<1x64xi32, #tpu.memory_space<vmem>>
      %dma_wait3A_203 = tpu.memref_squeeze %dma_wait3A_202 : memref<1x64xi32, #tpu.memory_space<vmem>> -> memref<64xi32, #tpu.memory_space<vmem>>
      %dma_wait3A_204 = arith.constant 0 : i32
      %dma_wait3A_205 = arith.constant 0 : i32
      %dma_wait3A_206 = tpu.memref_slice %arg2[%dma_wait3A_204, %dma_wait3A_205] : memref<10000x128xf32, #tpu.memory_space<hbm>> -> memref<10000x128xf32, #tpu.memory_space<hbm>>
      tpu.wait_indirect_dma semaphore(%arg16 : memref<!tpu.dma_semaphore, #tpu.memory_space<semaphore_mem>>) src(%dma_wait3A_206 : memref<10000x128xf32, #tpu.memory_space<hbm>>) dst(%arg11 : memref<64x128xf32, #tpu.memory_space<vmem>>)
      "tpu.region"() ({
        %run_scoped3A = tpu.sem_alloc : memref<!tpu.dma_semaphore, #tpu.memory_space<semaphore_mem>>
        %dma_start3A_208 = arith.constant 0 : i32
        %dma_start3A_209 = tpu.memref_slice %arg7[%add3A_193, %dma_start3A_208] : memref<40x64xi32, #tpu.memory_space<vmem>> -> memref<1x64xi32, #tpu.memory_space<vmem>>
        %dma_start3A_210 = tpu.memref_squeeze %dma_start3A_209 : memref<1x64xi32, #tpu.memory_space<vmem>> -> memref<64xi32, #tpu.memory_space<vmem>>
        %dma_start3A_211 = arith.constant 0 : i32
        %dma_start3A_212 = arith.constant 0 : i32
        %dma_start3A_213 = tpu.memref_slice %arg12[%dma_start3A_211, %dma_start3A_212] : memref<10240x128xf32, #tpu.memory_space<vmem_shared>> -> memref<10240x128xf32, #tpu.memory_space<vmem_shared>>
        tpu.enqueue_indirect_dma source(%arg11 : memref<64x128xf32, #tpu.memory_space<vmem>>) target(%dma_start3A_213 : memref<10240x128xf32, #tpu.memory_space<vmem_shared>>) offsets(%dma_start3A_210 : memref<64xi32, #tpu.memory_space<vmem>>) semaphore(%run_scoped3A : memref<!tpu.dma_semaphore, #tpu.memory_space<semaphore_mem>>) {add = true}
        %dma_wait3A_214 = arith.constant 0 : i32
        %dma_wait3A_215 = tpu.memref_slice %arg7[%add3A_193, %dma_wait3A_214] : memref<40x64xi32, #tpu.memory_space<vmem>> -> memref<1x64xi32, #tpu.memory_space<vmem>>
        %dma_wait3A_216 = tpu.memref_squeeze %dma_wait3A_215 : memref<1x64xi32, #tpu.memory_space<vmem>> -> memref<64xi32, #tpu.memory_space<vmem>>
        %dma_wait3A_217 = arith.constant 0 : i32
        %dma_wait3A_218 = arith.constant 0 : i32
        %dma_wait3A_219 = tpu.memref_slice %arg12[%dma_wait3A_217, %dma_wait3A_218] : memref<10240x128xf32, #tpu.memory_space<vmem_shared>> -> memref<10240x128xf32, #tpu.memory_space<vmem_shared>>
        tpu.wait_indirect_dma semaphore(%run_scoped3A : memref<!tpu.dma_semaphore, #tpu.memory_space<semaphore_mem>>) src(%arg11 : memref<64x128xf32, #tpu.memory_space<vmem>>) dst(%dma_wait3A_219 : memref<10240x128xf32, #tpu.memory_space<vmem_shared>>)
        tpu.yield
      }) : () -> ()
      %scan3A_207 = arith.constant 0 : i32
      scf.yield %scan3A_207 : i32
    }
    %scan3A_111 = arith.constant 10 : i32
    "tpu.region"() ({
      %run_scoped3A = tpu.sem_alloc : memref<!tpu.dma_semaphore, #tpu.memory_space<semaphore_mem>>
      %dma_start3A_141 = arith.constant 0 : i32
      %dma_start3A_142 = arith.constant 0 : i32
      %dma_start3A_143 = tpu.memref_slice %arg3[%add3A, %dma_start3A_141, %dma_start3A_142] : memref<32x160x64xi32, #tpu.memory_space<hbm>> -> memref<1x160x64xi32, #tpu.memory_space<hbm>>
      %dma_start3A_144 = tpu.memref_squeeze %dma_start3A_143 : memref<1x160x64xi32, #tpu.memory_space<hbm>> -> memref<160x64xi32, #tpu.memory_space<hbm>>
      %dma_start3A_145 = arith.constant 120 : i32
      %dma_start3A_146 = arith.constant 0 : i32
      %dma_start3A_147 = tpu.memref_slice %dma_start3A_144[%dma_start3A_145, %dma_start3A_146] : memref<160x64xi32, #tpu.memory_space<hbm>> -> memref<40x64xi32, #tpu.memory_space<hbm>>
      %dma_start3A_148 = arith.constant 0 : i32
      %dma_start3A_149 = arith.constant 0 : i32
      %dma_start3A_150 = tpu.memref_slice %arg3[%add3A, %dma_start3A_148, %dma_start3A_149] : memref<32x160x64xi32, #tpu.memory_space<hbm>> -> memref<1x160x64xi32, #tpu.memory_space<hbm>>
      %dma_start3A_151 = tpu.memref_squeeze %dma_start3A_150 : memref<1x160x64xi32, #tpu.memory_space<hbm>> -> memref<160x64xi32, #tpu.memory_space<hbm>>
      %dma_start3A_152 = arith.constant 120 : i32
      %dma_start3A_153 = arith.constant 0 : i32
      %dma_start3A_154 = tpu.memref_slice %dma_start3A_151[%dma_start3A_152, %dma_start3A_153] : memref<160x64xi32, #tpu.memory_space<hbm>> -> memref<40x64xi32, #tpu.memory_space<hbm>>
      tpu.enqueue_dma source(%dma_start3A_154 : memref<40x64xi32, #tpu.memory_space<hbm>>) target(%arg6 : memref<40x64xi32, #tpu.memory_space<vmem>>) target_semaphore(%run_scoped3A : memref<!tpu.dma_semaphore, #tpu.memory_space<semaphore_mem>>)
      %dma_wait3A = arith.constant 0 : i32
      %dma_wait3A_155 = arith.constant 0 : i32
      %dma_wait3A_156 = tpu.memref_slice %arg3[%add3A, %dma_wait3A, %dma_wait3A_155] : memref<32x160x64xi32, #tpu.memory_space<hbm>> -> memref<1x160x64xi32, #tpu.memory_space<hbm>>
      %dma_wait3A_157 = tpu.memref_squeeze %dma_wait3A_156 : memref<1x160x64xi32, #tpu.memory_space<hbm>> -> memref<160x64xi32, #tpu.memory_space<hbm>>
      %dma_wait3A_158 = arith.constant 120 : i32
      %dma_wait3A_159 = arith.constant 0 : i32
      %dma_wait3A_160 = tpu.memref_slice %dma_wait3A_157[%dma_wait3A_158, %dma_wait3A_159] : memref<160x64xi32, #tpu.memory_space<hbm>> -> memref<40x64xi32, #tpu.memory_space<hbm>>
      %dma_wait3A_161 = arith.constant 0 : i32
      %dma_wait3A_162 = arith.constant 0 : i32
      %dma_wait3A_163 = tpu.memref_slice %arg3[%add3A, %dma_wait3A_161, %dma_wait3A_162] : memref<32x160x64xi32, #tpu.memory_space<hbm>> -> memref<1x160x64xi32, #tpu.memory_space<hbm>>
      %dma_wait3A_164 = tpu.memref_squeeze %dma_wait3A_163 : memref<1x160x64xi32, #tpu.memory_space<hbm>> -> memref<160x64xi32, #tpu.memory_space<hbm>>
      %dma_wait3A_165 = arith.constant 120 : i32
      %dma_wait3A_166 = arith.constant 0 : i32
      %dma_wait3A_167 = tpu.memref_slice %dma_wait3A_164[%dma_wait3A_165, %dma_wait3A_166] : memref<160x64xi32, #tpu.memory_space<hbm>> -> memref<40x64xi32, #tpu.memory_space<hbm>>
      tpu.wait_dma2 semaphore(%run_scoped3A : memref<!tpu.dma_semaphore, #tpu.memory_space<semaphore_mem>>) src(%dma_wait3A_167 : memref<40x64xi32, #tpu.memory_space<hbm>>) dst(%arg6 : memref<40x64xi32, #tpu.memory_space<vmem>>)
      tpu.yield
    }) : () -> ()
    "tpu.region"() ({
      %run_scoped3A = tpu.sem_alloc : memref<!tpu.dma_semaphore, #tpu.memory_space<semaphore_mem>>
      %dma_start3A_141 = arith.constant 0 : i32
      %dma_start3A_142 = arith.constant 0 : i32
      %dma_start3A_143 = tpu.memref_slice %arg4[%add3A, %dma_start3A_141, %dma_start3A_142] : memref<32x160x64xi32, #tpu.memory_space<hbm>> -> memref<1x160x64xi32, #tpu.memory_space<hbm>>
      %dma_start3A_144 = tpu.memref_squeeze %dma_start3A_143 : memref<1x160x64xi32, #tpu.memory_space<hbm>> -> memref<160x64xi32, #tpu.memory_space<hbm>>
      %dma_start3A_145 = arith.constant 120 : i32
      %dma_start3A_146 = arith.constant 0 : i32
      %dma_start3A_147 = tpu.memref_slice %dma_start3A_144[%dma_start3A_145, %dma_start3A_146] : memref<160x64xi32, #tpu.memory_space<hbm>> -> memref<40x64xi32, #tpu.memory_space<hbm>>
      %dma_start3A_148 = arith.constant 0 : i32
      %dma_start3A_149 = arith.constant 0 : i32
      %dma_start3A_150 = tpu.memref_slice %arg4[%add3A, %dma_start3A_148, %dma_start3A_149] : memref<32x160x64xi32, #tpu.memory_space<hbm>> -> memref<1x160x64xi32, #tpu.memory_space<hbm>>
      %dma_start3A_151 = tpu.memref_squeeze %dma_start3A_150 : memref<1x160x64xi32, #tpu.memory_space<hbm>> -> memref<160x64xi32, #tpu.memory_space<hbm>>
      %dma_start3A_152 = arith.constant 120 : i32
      %dma_start3A_153 = arith.constant 0 : i32
      %dma_start3A_154 = tpu.memref_slice %dma_start3A_151[%dma_start3A_152, %dma_start3A_153] : memref<160x64xi32, #tpu.memory_space<hbm>> -> memref<40x64xi32, #tpu.memory_space<hbm>>
      tpu.enqueue_dma source(%dma_start3A_154 : memref<40x64xi32, #tpu.memory_space<hbm>>) target(%arg7 : memref<40x64xi32, #tpu.memory_space<vmem>>) target_semaphore(%run_scoped3A : memref<!tpu.dma_semaphore, #tpu.memory_space<semaphore_mem>>)
      %dma_wait3A = arith.constant 0 : i32
      %dma_wait3A_155 = arith.constant 0 : i32
      %dma_wait3A_156 = tpu.memref_slice %arg4[%add3A, %dma_wait3A, %dma_wait3A_155] : memref<32x160x64xi32, #tpu.memory_space<hbm>> -> memref<1x160x64xi32, #tpu.memory_space<hbm>>
      %dma_wait3A_157 = tpu.memref_squeeze %dma_wait3A_156 : memref<1x160x64xi32, #tpu.memory_space<hbm>> -> memref<160x64xi32, #tpu.memory_space<hbm>>
      %dma_wait3A_158 = arith.constant 120 : i32
      %dma_wait3A_159 = arith.constant 0 : i32
      %dma_wait3A_160 = tpu.memref_slice %dma_wait3A_157[%dma_wait3A_158, %dma_wait3A_159] : memref<160x64xi32, #tpu.memory_space<hbm>> -> memref<40x64xi32, #tpu.memory_space<hbm>>
      %dma_wait3A_161 = arith.constant 0 : i32
      %dma_wait3A_162 = arith.constant 0 : i32
      %dma_wait3A_163 = tpu.memref_slice %arg4[%add3A, %dma_wait3A_161, %dma_wait3A_162] : memref<32x160x64xi32, #tpu.memory_space<hbm>> -> memref<1x160x64xi32, #tpu.memory_space<hbm>>
      %dma_wait3A_164 = tpu.memref_squeeze %dma_wait3A_163 : memref<1x160x64xi32, #tpu.memory_space<hbm>> -> memref<160x64xi32, #tpu.memory_space<hbm>>
      %dma_wait3A_165 = arith.constant 120 : i32
      %dma_wait3A_166 = arith.constant 0 : i32
      %dma_wait3A_167 = tpu.memref_slice %dma_wait3A_164[%dma_wait3A_165, %dma_wait3A_166] : memref<160x64xi32, #tpu.memory_space<hbm>> -> memref<40x64xi32, #tpu.memory_space<hbm>>
      tpu.wait_dma2 semaphore(%run_scoped3A : memref<!tpu.dma_semaphore, #tpu.memory_space<semaphore_mem>>) src(%dma_wait3A_167 : memref<40x64xi32, #tpu.memory_space<hbm>>) dst(%arg7 : memref<40x64xi32, #tpu.memory_space<vmem>>)
      tpu.yield
    }) : () -> ()
    %dma_start3A_112 = arith.constant 0 : i32
    %dma_start3A_113 = arith.constant 0 : i32
    %dma_start3A_114 = tpu.memref_slice %arg6[%dma_start3A_112, %dma_start3A_113] : memref<40x64xi32, #tpu.memory_space<vmem>> -> memref<1x64xi32, #tpu.memory_space<vmem>>
    %dma_start3A_115 = tpu.memref_squeeze %dma_start3A_114 : memref<1x64xi32, #tpu.memory_space<vmem>> -> memref<64xi32, #tpu.memory_space<vmem>>
    %dma_start3A_116 = arith.constant 0 : i32
    %dma_start3A_117 = arith.constant 0 : i32
    %dma_start3A_118 = tpu.memref_slice %arg2[%dma_start3A_116, %dma_start3A_117] : memref<10000x128xf32, #tpu.memory_space<hbm>> -> memref<10000x128xf32, #tpu.memory_space<hbm>>
    tpu.enqueue_indirect_dma source(%dma_start3A_118 : memref<10000x128xf32, #tpu.memory_space<hbm>>) target(%arg8 : memref<64x128xf32, #tpu.memory_space<vmem>>) offsets(%dma_start3A_115 : memref<64xi32, #tpu.memory_space<vmem>>) semaphore(%arg13 : memref<!tpu.dma_semaphore, #tpu.memory_space<semaphore_mem>>)
    %dma_start3A_119 = arith.constant 1 : i32
    %dma_start3A_120 = arith.constant 0 : i32
    %dma_start3A_121 = tpu.memref_slice %arg6[%dma_start3A_119, %dma_start3A_120] : memref<40x64xi32, #tpu.memory_space<vmem>> -> memref<1x64xi32, #tpu.memory_space<vmem>>
    %dma_start3A_122 = tpu.memref_squeeze %dma_start3A_121 : memref<1x64xi32, #tpu.memory_space<vmem>> -> memref<64xi32, #tpu.memory_space<vmem>>
    %dma_start3A_123 = arith.constant 0 : i32
    %dma_start3A_124 = arith.constant 0 : i32
    %dma_start3A_125 = tpu.memref_slice %arg2[%dma_start3A_123, %dma_start3A_124] : memref<10000x128xf32, #tpu.memory_space<hbm>> -> memref<10000x128xf32, #tpu.memory_space<hbm>>
    tpu.enqueue_indirect_dma source(%dma_start3A_125 : memref<10000x128xf32, #tpu.memory_space<hbm>>) target(%arg9 : memref<64x128xf32, #tpu.memory_space<vmem>>) offsets(%dma_start3A_122 : memref<64xi32, #tpu.memory_space<vmem>>) semaphore(%arg14 : memref<!tpu.dma_semaphore, #tpu.memory_space<semaphore_mem>>)
    %dma_start3A_126 = arith.constant 2 : i32
    %dma_start3A_127 = arith.constant 0 : i32
    %dma_start3A_128 = tpu.memref_slice %arg6[%dma_start3A_126, %dma_start3A_127] : memref<40x64xi32, #tpu.memory_space<vmem>> -> memref<1x64xi32, #tpu.memory_space<vmem>>
    %dma_start3A_129 = tpu.memref_squeeze %dma_start3A_128 : memref<1x64xi32, #tpu.memory_space<vmem>> -> memref<64xi32, #tpu.memory_space<vmem>>
    %dma_start3A_130 = arith.constant 0 : i32
    %dma_start3A_131 = arith.constant 0 : i32
    %dma_start3A_132 = tpu.memref_slice %arg2[%dma_start3A_130, %dma_start3A_131] : memref<10000x128xf32, #tpu.memory_space<hbm>> -> memref<10000x128xf32, #tpu.memory_space<hbm>>
    tpu.enqueue_indirect_dma source(%dma_start3A_132 : memref<10000x128xf32, #tpu.memory_space<hbm>>) target(%arg10 : memref<64x128xf32, #tpu.memory_space<vmem>>) offsets(%dma_start3A_129 : memref<64xi32, #tpu.memory_space<vmem>>) semaphore(%arg15 : memref<!tpu.dma_semaphore, #tpu.memory_space<semaphore_mem>>)
    %scan3A_133 = arith.constant 0 : i32
    %scan3A_134 = arith.constant 0 : i32
    %scan3A_135 = arith.constant 10 : i32
    %scan3A_136 = arith.addi %scan3A_134, %scan3A_135 : i32
    %scan3A_137 = arith.constant 1 : i32
    %scan3A_138 = scf.for %scan3A_141 = %scan3A_134 to %scan3A_136 step %scan3A_137 iter_args(%scan3A_142 = %scan3A_133) -> (i32)  : i32 {
      %mul3A_143 = arith.constant 4 : i32
      %mul3A_144 = arith.muli %mul3A_143, %scan3A_141 : i32
      %add3A_145 = arith.constant 0 : i32
      %add3A_146 = arith.addi %mul3A_144, %add3A_145 : i32
      %add3A_147 = arith.constant 3 : i32
      %add3A_148 = arith.addi %add3A_146, %add3A_147 : i32
      %lt3A = arith.constant 40 : i32
      %lt3A_149 = arith.cmpi slt, %add3A_148, %lt3A : i32
      %convert_element_type3A = arith.extui %lt3A_149 : i1 to i32
      %cond3A = arith.constant 0 : i32
      %cond3A_150 = arith.cmpi ne, %convert_element_type3A, %cond3A : i32
      scf.if %cond3A_150 {
        %dma_start3A_208 = arith.constant 0 : i32
        %dma_start3A_209 = tpu.memref_slice %arg6[%add3A_148, %dma_start3A_208] : memref<40x64xi32, #tpu.memory_space<vmem>> -> memref<1x64xi32, #tpu.memory_space<vmem>>
        %dma_start3A_210 = tpu.memref_squeeze %dma_start3A_209 : memref<1x64xi32, #tpu.memory_space<vmem>> -> memref<64xi32, #tpu.memory_space<vmem>>
        %dma_start3A_211 = arith.constant 0 : i32
        %dma_start3A_212 = arith.constant 0 : i32
        %dma_start3A_213 = tpu.memref_slice %arg2[%dma_start3A_211, %dma_start3A_212] : memref<10000x128xf32, #tpu.memory_space<hbm>> -> memref<10000x128xf32, #tpu.memory_space<hbm>>
        tpu.enqueue_indirect_dma source(%dma_start3A_213 : memref<10000x128xf32, #tpu.memory_space<hbm>>) target(%arg11 : memref<64x128xf32, #tpu.memory_space<vmem>>) offsets(%dma_start3A_210 : memref<64xi32, #tpu.memory_space<vmem>>) semaphore(%arg16 : memref<!tpu.dma_semaphore, #tpu.memory_space<semaphore_mem>>)
      } else {
      }
      %dma_wait3A = arith.constant 0 : i32
      %dma_wait3A_151 = tpu.memref_slice %arg6[%add3A_146, %dma_wait3A] : memref<40x64xi32, #tpu.memory_space<vmem>> -> memref<1x64xi32, #tpu.memory_space<vmem>>
      %dma_wait3A_152 = tpu.memref_squeeze %dma_wait3A_151 : memref<1x64xi32, #tpu.memory_space<vmem>> -> memref<64xi32, #tpu.memory_space<vmem>>
      %dma_wait3A_153 = arith.constant 0 : i32
      %dma_wait3A_154 = arith.constant 0 : i32
      %dma_wait3A_155 = tpu.memref_slice %arg2[%dma_wait3A_153, %dma_wait3A_154] : memref<10000x128xf32, #tpu.memory_space<hbm>> -> memref<10000x128xf32, #tpu.memory_space<hbm>>
      tpu.wait_indirect_dma semaphore(%arg13 : memref<!tpu.dma_semaphore, #tpu.memory_space<semaphore_mem>>) src(%dma_wait3A_155 : memref<10000x128xf32, #tpu.memory_space<hbm>>) dst(%arg8 : memref<64x128xf32, #tpu.memory_space<vmem>>)
      "tpu.region"() ({
        %run_scoped3A = tpu.sem_alloc : memref<!tpu.dma_semaphore, #tpu.memory_space<semaphore_mem>>
        %dma_start3A_208 = arith.constant 0 : i32
        %dma_start3A_209 = tpu.memref_slice %arg7[%add3A_146, %dma_start3A_208] : memref<40x64xi32, #tpu.memory_space<vmem>> -> memref<1x64xi32, #tpu.memory_space<vmem>>
        %dma_start3A_210 = tpu.memref_squeeze %dma_start3A_209 : memref<1x64xi32, #tpu.memory_space<vmem>> -> memref<64xi32, #tpu.memory_space<vmem>>
        %dma_start3A_211 = arith.constant 0 : i32
        %dma_start3A_212 = arith.constant 0 : i32
        %dma_start3A_213 = tpu.memref_slice %arg12[%dma_start3A_211, %dma_start3A_212] : memref<10240x128xf32, #tpu.memory_space<vmem_shared>> -> memref<10240x128xf32, #tpu.memory_space<vmem_shared>>
        tpu.enqueue_indirect_dma source(%arg8 : memref<64x128xf32, #tpu.memory_space<vmem>>) target(%dma_start3A_213 : memref<10240x128xf32, #tpu.memory_space<vmem_shared>>) offsets(%dma_start3A_210 : memref<64xi32, #tpu.memory_space<vmem>>) semaphore(%run_scoped3A : memref<!tpu.dma_semaphore, #tpu.memory_space<semaphore_mem>>) {add = true}
        %dma_wait3A_214 = arith.constant 0 : i32
        %dma_wait3A_215 = tpu.memref_slice %arg7[%add3A_146, %dma_wait3A_214] : memref<40x64xi32, #tpu.memory_space<vmem>> -> memref<1x64xi32, #tpu.memory_space<vmem>>
        %dma_wait3A_216 = tpu.memref_squeeze %dma_wait3A_215 : memref<1x64xi32, #tpu.memory_space<vmem>> -> memref<64xi32, #tpu.memory_space<vmem>>
        %dma_wait3A_217 = arith.constant 0 : i32
        %dma_wait3A_218 = arith.constant 0 : i32
        %dma_wait3A_219 = tpu.memref_slice %arg12[%dma_wait3A_217, %dma_wait3A_218] : memref<10240x128xf32, #tpu.memory_space<vmem_shared>> -> memref<10240x128xf32, #tpu.memory_space<vmem_shared>>
        tpu.wait_indirect_dma semaphore(%run_scoped3A : memref<!tpu.dma_semaphore, #tpu.memory_space<semaphore_mem>>) src(%arg8 : memref<64x128xf32, #tpu.memory_space<vmem>>) dst(%dma_wait3A_219 : memref<10240x128xf32, #tpu.memory_space<vmem_shared>>)
        tpu.yield
      }) : () -> ()
      %mul3A_156 = arith.constant 4 : i32
      %mul3A_157 = arith.muli %mul3A_156, %scan3A_141 : i32
      %add3A_158 = arith.constant 1 : i32
      %add3A_159 = arith.addi %mul3A_157, %add3A_158 : i32
      %add3A_160 = arith.constant 3 : i32
      %add3A_161 = arith.addi %add3A_159, %add3A_160 : i32
      %lt3A_162 = arith.constant 40 : i32
      %lt3A_163 = arith.cmpi slt, %add3A_161, %lt3A_162 : i32
      %convert_element_type3A_164 = arith.extui %lt3A_163 : i1 to i32
      %cond3A_165 = arith.constant 0 : i32
      %cond3A_166 = arith.cmpi ne, %convert_element_type3A_164, %cond3A_165 : i32
      scf.if %cond3A_166 {
        %dma_start3A_208 = arith.constant 0 : i32
        %dma_start3A_209 = tpu.memref_slice %arg6[%add3A_161, %dma_start3A_208] : memref<40x64xi32, #tpu.memory_space<vmem>> -> memref<1x64xi32, #tpu.memory_space<vmem>>
        %dma_start3A_210 = tpu.memref_squeeze %dma_start3A_209 : memref<1x64xi32, #tpu.memory_space<vmem>> -> memref<64xi32, #tpu.memory_space<vmem>>
        %dma_start3A_211 = arith.constant 0 : i32
        %dma_start3A_212 = arith.constant 0 : i32
        %dma_start3A_213 = tpu.memref_slice %arg2[%dma_start3A_211, %dma_start3A_212] : memref<10000x128xf32, #tpu.memory_space<hbm>> -> memref<10000x128xf32, #tpu.memory_space<hbm>>
        tpu.enqueue_indirect_dma source(%dma_start3A_213 : memref<10000x128xf32, #tpu.memory_space<hbm>>) target(%arg8 : memref<64x128xf32, #tpu.memory_space<vmem>>) offsets(%dma_start3A_210 : memref<64xi32, #tpu.memory_space<vmem>>) semaphore(%arg13 : memref<!tpu.dma_semaphore, #tpu.memory_space<semaphore_mem>>)
      } else {
      }
      %dma_wait3A_167 = arith.constant 0 : i32
      %dma_wait3A_168 = tpu.memref_slice %arg6[%add3A_159, %dma_wait3A_167] : memref<40x64xi32, #tpu.memory_space<vmem>> -> memref<1x64xi32, #tpu.memory_space<vmem>>
      %dma_wait3A_169 = tpu.memref_squeeze %dma_wait3A_168 : memref<1x64xi32, #tpu.memory_space<vmem>> -> memref<64xi32, #tpu.memory_space<vmem>>
      %dma_wait3A_170 = arith.constant 0 : i32
      %dma_wait3A_171 = arith.constant 0 : i32
      %dma_wait3A_172 = tpu.memref_slice %arg2[%dma_wait3A_170, %dma_wait3A_171] : memref<10000x128xf32, #tpu.memory_space<hbm>> -> memref<10000x128xf32, #tpu.memory_space<hbm>>
      tpu.wait_indirect_dma semaphore(%arg14 : memref<!tpu.dma_semaphore, #tpu.memory_space<semaphore_mem>>) src(%dma_wait3A_172 : memref<10000x128xf32, #tpu.memory_space<hbm>>) dst(%arg9 : memref<64x128xf32, #tpu.memory_space<vmem>>)
      "tpu.region"() ({
        %run_scoped3A = tpu.sem_alloc : memref<!tpu.dma_semaphore, #tpu.memory_space<semaphore_mem>>
        %dma_start3A_208 = arith.constant 0 : i32
        %dma_start3A_209 = tpu.memref_slice %arg7[%add3A_159, %dma_start3A_208] : memref<40x64xi32, #tpu.memory_space<vmem>> -> memref<1x64xi32, #tpu.memory_space<vmem>>
        %dma_start3A_210 = tpu.memref_squeeze %dma_start3A_209 : memref<1x64xi32, #tpu.memory_space<vmem>> -> memref<64xi32, #tpu.memory_space<vmem>>
        %dma_start3A_211 = arith.constant 0 : i32
        %dma_start3A_212 = arith.constant 0 : i32
        %dma_start3A_213 = tpu.memref_slice %arg12[%dma_start3A_211, %dma_start3A_212] : memref<10240x128xf32, #tpu.memory_space<vmem_shared>> -> memref<10240x128xf32, #tpu.memory_space<vmem_shared>>
        tpu.enqueue_indirect_dma source(%arg9 : memref<64x128xf32, #tpu.memory_space<vmem>>) target(%dma_start3A_213 : memref<10240x128xf32, #tpu.memory_space<vmem_shared>>) offsets(%dma_start3A_210 : memref<64xi32, #tpu.memory_space<vmem>>) semaphore(%run_scoped3A : memref<!tpu.dma_semaphore, #tpu.memory_space<semaphore_mem>>) {add = true}
        %dma_wait3A_214 = arith.constant 0 : i32
        %dma_wait3A_215 = tpu.memref_slice %arg7[%add3A_159, %dma_wait3A_214] : memref<40x64xi32, #tpu.memory_space<vmem>> -> memref<1x64xi32, #tpu.memory_space<vmem>>
        %dma_wait3A_216 = tpu.memref_squeeze %dma_wait3A_215 : memref<1x64xi32, #tpu.memory_space<vmem>> -> memref<64xi32, #tpu.memory_space<vmem>>
        %dma_wait3A_217 = arith.constant 0 : i32
        %dma_wait3A_218 = arith.constant 0 : i32
        %dma_wait3A_219 = tpu.memref_slice %arg12[%dma_wait3A_217, %dma_wait3A_218] : memref<10240x128xf32, #tpu.memory_space<vmem_shared>> -> memref<10240x128xf32, #tpu.memory_space<vmem_shared>>
        tpu.wait_indirect_dma semaphore(%run_scoped3A : memref<!tpu.dma_semaphore, #tpu.memory_space<semaphore_mem>>) src(%arg9 : memref<64x128xf32, #tpu.memory_space<vmem>>) dst(%dma_wait3A_219 : memref<10240x128xf32, #tpu.memory_space<vmem_shared>>)
        tpu.yield
      }) : () -> ()
      %mul3A_173 = arith.constant 4 : i32
      %mul3A_174 = arith.muli %mul3A_173, %scan3A_141 : i32
      %add3A_175 = arith.constant 2 : i32
      %add3A_176 = arith.addi %mul3A_174, %add3A_175 : i32
      %add3A_177 = arith.constant 3 : i32
      %add3A_178 = arith.addi %add3A_176, %add3A_177 : i32
      %lt3A_179 = arith.constant 40 : i32
      %lt3A_180 = arith.cmpi slt, %add3A_178, %lt3A_179 : i32
      %convert_element_type3A_181 = arith.extui %lt3A_180 : i1 to i32
      %cond3A_182 = arith.constant 0 : i32
      %cond3A_183 = arith.cmpi ne, %convert_element_type3A_181, %cond3A_182 : i32
      scf.if %cond3A_183 {
        %dma_start3A_208 = arith.constant 0 : i32
        %dma_start3A_209 = tpu.memref_slice %arg6[%add3A_178, %dma_start3A_208] : memref<40x64xi32, #tpu.memory_space<vmem>> -> memref<1x64xi32, #tpu.memory_space<vmem>>
        %dma_start3A_210 = tpu.memref_squeeze %dma_start3A_209 : memref<1x64xi32, #tpu.memory_space<vmem>> -> memref<64xi32, #tpu.memory_space<vmem>>
        %dma_start3A_211 = arith.constant 0 : i32
        %dma_start3A_212 = arith.constant 0 : i32
        %dma_start3A_213 = tpu.memref_slice %arg2[%dma_start3A_211, %dma_start3A_212] : memref<10000x128xf32, #tpu.memory_space<hbm>> -> memref<10000x128xf32, #tpu.memory_space<hbm>>
        tpu.enqueue_indirect_dma source(%dma_start3A_213 : memref<10000x128xf32, #tpu.memory_space<hbm>>) target(%arg9 : memref<64x128xf32, #tpu.memory_space<vmem>>) offsets(%dma_start3A_210 : memref<64xi32, #tpu.memory_space<vmem>>) semaphore(%arg14 : memref<!tpu.dma_semaphore, #tpu.memory_space<semaphore_mem>>)
      } else {
      }
      %dma_wait3A_184 = arith.constant 0 : i32
      %dma_wait3A_185 = tpu.memref_slice %arg6[%add3A_176, %dma_wait3A_184] : memref<40x64xi32, #tpu.memory_space<vmem>> -> memref<1x64xi32, #tpu.memory_space<vmem>>
      %dma_wait3A_186 = tpu.memref_squeeze %dma_wait3A_185 : memref<1x64xi32, #tpu.memory_space<vmem>> -> memref<64xi32, #tpu.memory_space<vmem>>
      %dma_wait3A_187 = arith.constant 0 : i32
      %dma_wait3A_188 = arith.constant 0 : i32
      %dma_wait3A_189 = tpu.memref_slice %arg2[%dma_wait3A_187, %dma_wait3A_188] : memref<10000x128xf32, #tpu.memory_space<hbm>> -> memref<10000x128xf32, #tpu.memory_space<hbm>>
      tpu.wait_indirect_dma semaphore(%arg15 : memref<!tpu.dma_semaphore, #tpu.memory_space<semaphore_mem>>) src(%dma_wait3A_189 : memref<10000x128xf32, #tpu.memory_space<hbm>>) dst(%arg10 : memref<64x128xf32, #tpu.memory_space<vmem>>)
      "tpu.region"() ({
        %run_scoped3A = tpu.sem_alloc : memref<!tpu.dma_semaphore, #tpu.memory_space<semaphore_mem>>
        %dma_start3A_208 = arith.constant 0 : i32
        %dma_start3A_209 = tpu.memref_slice %arg7[%add3A_176, %dma_start3A_208] : memref<40x64xi32, #tpu.memory_space<vmem>> -> memref<1x64xi32, #tpu.memory_space<vmem>>
        %dma_start3A_210 = tpu.memref_squeeze %dma_start3A_209 : memref<1x64xi32, #tpu.memory_space<vmem>> -> memref<64xi32, #tpu.memory_space<vmem>>
        %dma_start3A_211 = arith.constant 0 : i32
        %dma_start3A_212 = arith.constant 0 : i32
        %dma_start3A_213 = tpu.memref_slice %arg12[%dma_start3A_211, %dma_start3A_212] : memref<10240x128xf32, #tpu.memory_space<vmem_shared>> -> memref<10240x128xf32, #tpu.memory_space<vmem_shared>>
        tpu.enqueue_indirect_dma source(%arg10 : memref<64x128xf32, #tpu.memory_space<vmem>>) target(%dma_start3A_213 : memref<10240x128xf32, #tpu.memory_space<vmem_shared>>) offsets(%dma_start3A_210 : memref<64xi32, #tpu.memory_space<vmem>>) semaphore(%run_scoped3A : memref<!tpu.dma_semaphore, #tpu.memory_space<semaphore_mem>>) {add = true}
        %dma_wait3A_214 = arith.constant 0 : i32
        %dma_wait3A_215 = tpu.memref_slice %arg7[%add3A_176, %dma_wait3A_214] : memref<40x64xi32, #tpu.memory_space<vmem>> -> memref<1x64xi32, #tpu.memory_space<vmem>>
        %dma_wait3A_216 = tpu.memref_squeeze %dma_wait3A_215 : memref<1x64xi32, #tpu.memory_space<vmem>> -> memref<64xi32, #tpu.memory_space<vmem>>
        %dma_wait3A_217 = arith.constant 0 : i32
        %dma_wait3A_218 = arith.constant 0 : i32
        %dma_wait3A_219 = tpu.memref_slice %arg12[%dma_wait3A_217, %dma_wait3A_218] : memref<10240x128xf32, #tpu.memory_space<vmem_shared>> -> memref<10240x128xf32, #tpu.memory_space<vmem_shared>>
        tpu.wait_indirect_dma semaphore(%run_scoped3A : memref<!tpu.dma_semaphore, #tpu.memory_space<semaphore_mem>>) src(%arg10 : memref<64x128xf32, #tpu.memory_space<vmem>>) dst(%dma_wait3A_219 : memref<10240x128xf32, #tpu.memory_space<vmem_shared>>)
        tpu.yield
      }) : () -> ()
      %mul3A_190 = arith.constant 4 : i32
      %mul3A_191 = arith.muli %mul3A_190, %scan3A_141 : i32
      %add3A_192 = arith.constant 3 : i32
      %add3A_193 = arith.addi %mul3A_191, %add3A_192 : i32
      %add3A_194 = arith.constant 3 : i32
      %add3A_195 = arith.addi %add3A_193, %add3A_194 : i32
      %lt3A_196 = arith.constant 40 : i32
      %lt3A_197 = arith.cmpi slt, %add3A_195, %lt3A_196 : i32
      %convert_element_type3A_198 = arith.extui %lt3A_197 : i1 to i32
      %cond3A_199 = arith.constant 0 : i32
      %cond3A_200 = arith.cmpi ne, %convert_element_type3A_198, %cond3A_199 : i32
      scf.if %cond3A_200 {
        %dma_start3A_208 = arith.constant 0 : i32
        %dma_start3A_209 = tpu.memref_slice %arg6[%add3A_195, %dma_start3A_208] : memref<40x64xi32, #tpu.memory_space<vmem>> -> memref<1x64xi32, #tpu.memory_space<vmem>>
        %dma_start3A_210 = tpu.memref_squeeze %dma_start3A_209 : memref<1x64xi32, #tpu.memory_space<vmem>> -> memref<64xi32, #tpu.memory_space<vmem>>
        %dma_start3A_211 = arith.constant 0 : i32
        %dma_start3A_212 = arith.constant 0 : i32
        %dma_start3A_213 = tpu.memref_slice %arg2[%dma_start3A_211, %dma_start3A_212] : memref<10000x128xf32, #tpu.memory_space<hbm>> -> memref<10000x128xf32, #tpu.memory_space<hbm>>
        tpu.enqueue_indirect_dma source(%dma_start3A_213 : memref<10000x128xf32, #tpu.memory_space<hbm>>) target(%arg10 : memref<64x128xf32, #tpu.memory_space<vmem>>) offsets(%dma_start3A_210 : memref<64xi32, #tpu.memory_space<vmem>>) semaphore(%arg15 : memref<!tpu.dma_semaphore, #tpu.memory_space<semaphore_mem>>)
      } else {
      }
      %dma_wait3A_201 = arith.constant 0 : i32
      %dma_wait3A_202 = tpu.memref_slice %arg6[%add3A_193, %dma_wait3A_201] : memref<40x64xi32, #tpu.memory_space<vmem>> -> memref<1x64xi32, #tpu.memory_space<vmem>>
      %dma_wait3A_203 = tpu.memref_squeeze %dma_wait3A_202 : memref<1x64xi32, #tpu.memory_space<vmem>> -> memref<64xi32, #tpu.memory_space<vmem>>
      %dma_wait3A_204 = arith.constant 0 : i32
      %dma_wait3A_205 = arith.constant 0 : i32
      %dma_wait3A_206 = tpu.memref_slice %arg2[%dma_wait3A_204, %dma_wait3A_205] : memref<10000x128xf32, #tpu.memory_space<hbm>> -> memref<10000x128xf32, #tpu.memory_space<hbm>>
      tpu.wait_indirect_dma semaphore(%arg16 : memref<!tpu.dma_semaphore, #tpu.memory_space<semaphore_mem>>) src(%dma_wait3A_206 : memref<10000x128xf32, #tpu.memory_space<hbm>>) dst(%arg11 : memref<64x128xf32, #tpu.memory_space<vmem>>)
      "tpu.region"() ({
        %run_scoped3A = tpu.sem_alloc : memref<!tpu.dma_semaphore, #tpu.memory_space<semaphore_mem>>
        %dma_start3A_208 = arith.constant 0 : i32
        %dma_start3A_209 = tpu.memref_slice %arg7[%add3A_193, %dma_start3A_208] : memref<40x64xi32, #tpu.memory_space<vmem>> -> memref<1x64xi32, #tpu.memory_space<vmem>>
        %dma_start3A_210 = tpu.memref_squeeze %dma_start3A_209 : memref<1x64xi32, #tpu.memory_space<vmem>> -> memref<64xi32, #tpu.memory_space<vmem>>
        %dma_start3A_211 = arith.constant 0 : i32
        %dma_start3A_212 = arith.constant 0 : i32
        %dma_start3A_213 = tpu.memref_slice %arg12[%dma_start3A_211, %dma_start3A_212] : memref<10240x128xf32, #tpu.memory_space<vmem_shared>> -> memref<10240x128xf32, #tpu.memory_space<vmem_shared>>
        tpu.enqueue_indirect_dma source(%arg11 : memref<64x128xf32, #tpu.memory_space<vmem>>) target(%dma_start3A_213 : memref<10240x128xf32, #tpu.memory_space<vmem_shared>>) offsets(%dma_start3A_210 : memref<64xi32, #tpu.memory_space<vmem>>) semaphore(%run_scoped3A : memref<!tpu.dma_semaphore, #tpu.memory_space<semaphore_mem>>) {add = true}
        %dma_wait3A_214 = arith.constant 0 : i32
        %dma_wait3A_215 = tpu.memref_slice %arg7[%add3A_193, %dma_wait3A_214] : memref<40x64xi32, #tpu.memory_space<vmem>> -> memref<1x64xi32, #tpu.memory_space<vmem>>
        %dma_wait3A_216 = tpu.memref_squeeze %dma_wait3A_215 : memref<1x64xi32, #tpu.memory_space<vmem>> -> memref<64xi32, #tpu.memory_space<vmem>>
        %dma_wait3A_217 = arith.constant 0 : i32
        %dma_wait3A_218 = arith.constant 0 : i32
        %dma_wait3A_219 = tpu.memref_slice %arg12[%dma_wait3A_217, %dma_wait3A_218] : memref<10240x128xf32, #tpu.memory_space<vmem_shared>> -> memref<10240x128xf32, #tpu.memory_space<vmem_shared>>
        tpu.wait_indirect_dma semaphore(%run_scoped3A : memref<!tpu.dma_semaphore, #tpu.memory_space<semaphore_mem>>) src(%arg11 : memref<64x128xf32, #tpu.memory_space<vmem>>) dst(%dma_wait3A_219 : memref<10240x128xf32, #tpu.memory_space<vmem_shared>>)
        tpu.yield
      }) : () -> ()
      %scan3A_207 = arith.constant 0 : i32
      scf.yield %scan3A_207 : i32
    }
    %scan3A_139 = arith.constant 10 : i32
    %barrier3A_140 = arith.constant 0 : index
    tpu.barrier barrier_id(%barrier3A_140)
    "tpu.region"() ({
      %run_scoped3A = tpu.sem_alloc : memref<!tpu.dma_semaphore, #tpu.memory_space<semaphore_mem>>
      %dma_start3A_141 = arith.constant 0 : i32
      %dma_start3A_142 = arith.constant 0 : i32
      %dma_start3A_143 = tpu.memref_slice %arg5[%arg0, %dma_start3A_141, %dma_start3A_142] : memref<2x10240x128xf32, #tpu.memory_space<hbm>> -> memref<1x10240x128xf32, #tpu.memory_space<hbm>>
      %dma_start3A_144 = tpu.memref_squeeze %dma_start3A_143 : memref<1x10240x128xf32, #tpu.memory_space<hbm>> -> memref<10240x128xf32, #tpu.memory_space<hbm>>
      %dma_start3A_145 = arith.constant 0 : i32
      %dma_start3A_146 = tpu.memref_slice %dma_start3A_144[%mul3A_2, %dma_start3A_145] : memref<10240x128xf32, #tpu.memory_space<hbm>> -> memref<640x128xf32, #tpu.memory_space<hbm>>
      %dma_start3A_147 = arith.constant 0 : i32
      %dma_start3A_148 = tpu.memref_slice %arg12[%mul3A_2, %dma_start3A_147] : memref<10240x128xf32, #tpu.memory_space<vmem_shared>> -> memref<640x128xf32, #tpu.memory_space<vmem_shared>>
      tpu.enqueue_dma source(%dma_start3A_148 : memref<640x128xf32, #tpu.memory_space<vmem_shared>>) target(%dma_start3A_146 : memref<640x128xf32, #tpu.memory_space<hbm>>) target_semaphore(%run_scoped3A : memref<!tpu.dma_semaphore, #tpu.memory_space<semaphore_mem>>)
      %dma_wait3A = arith.constant 0 : i32
      %dma_wait3A_149 = arith.constant 0 : i32
      %dma_wait3A_150 = tpu.memref_slice %arg5[%arg0, %dma_wait3A, %dma_wait3A_149] : memref<2x10240x128xf32, #tpu.memory_space<hbm>> -> memref<1x10240x128xf32, #tpu.memory_space<hbm>>
      %dma_wait3A_151 = tpu.memref_squeeze %dma_wait3A_150 : memref<1x10240x128xf32, #tpu.memory_space<hbm>> -> memref<10240x128xf32, #tpu.memory_space<hbm>>
      %dma_wait3A_152 = arith.constant 0 : i32
      %dma_wait3A_153 = tpu.memref_slice %dma_wait3A_151[%mul3A_2, %dma_wait3A_152] : memref<10240x128xf32, #tpu.memory_space<hbm>> -> memref<640x128xf32, #tpu.memory_space<hbm>>
      %dma_wait3A_154 = arith.constant 0 : i32
      %dma_wait3A_155 = tpu.memref_slice %arg12[%mul3A_2, %dma_wait3A_154] : memref<10240x128xf32, #tpu.memory_space<vmem_shared>> -> memref<640x128xf32, #tpu.memory_space<vmem_shared>>
      tpu.wait_dma2 semaphore(%run_scoped3A : memref<!tpu.dma_semaphore, #tpu.memory_space<semaphore_mem>>) src(%dma_wait3A_155 : memref<640x128xf32, #tpu.memory_space<vmem_shared>>) dst(%dma_wait3A_153 : memref<640x128xf32, #tpu.memory_space<hbm>>)
      tpu.yield
    }) : () -> ()
    return
  }
}

module attributes {stable_mosaic.version = 14 : i64} {
  func.func @_proj_body(%arg0: i32, %arg1: memref<1000x128xf32, #tpu.memory_space<vmem>>, %arg2: memref<128x128xf32, #tpu.memory_space<vmem>>, %arg3: memref<1x128xf32, #tpu.memory_space<vmem>>, %arg4: memref<1000x1xf32, #tpu.memory_space<vmem>>, %arg5: memref<1000x128xf32, #tpu.memory_space<vmem>>) attributes {dimension_semantics = [#tpu.dimension_semantics<arbitrary>], iteration_bounds = array<i64: 10>, scalar_prefetch = 0 : i64, scratch_operands = 0 : i64, tpu.core_type = #tpu.core_type<tc>, window_params = [{transform_indices = @transform_0, window_bounds = array<i64: 1000, 128>}, {pipeline_mode = #tpu.pipeline_mode<synchronous>, transform_indices = @transform_1, window_bounds = array<i64: 128, 128>}, {pipeline_mode = #tpu.pipeline_mode<synchronous>, transform_indices = @transform_2, window_bounds = array<i64: 1, 128>}, {transform_indices = @transform_3, window_bounds = array<i64: 1000, 1>}, {transform_indices = @transform_4, window_bounds = array<i64: 1000, 128>}]} {
    %get3A = arith.constant 0 : index
    %get3A_0 = arith.constant 0 : index
    %get3A_1 = vector.load %arg1[%get3A, %get3A_0] : memref<1000x128xf32, #tpu.memory_space<vmem>>, vector<1000x128xf32>
    %get3A_2 = arith.constant 0 : index
    %get3A_3 = arith.constant 0 : index
    %get3A_4 = vector.load %arg2[%get3A_2, %get3A_3] : memref<128x128xf32, #tpu.memory_space<vmem>>, vector<128x128xf32>
    %dot_general3A = arith.constant dense<0.000000e+00> : vector<1000x128xf32>
    %dot_general3A_5 = tpu.matmul %get3A_1, %get3A_4, %dot_general3A {dimension_numbers = #tpu.dot_dimension_numbers<[1], [0], [0], [1], [0, 0, 1, 1], [], []>, transpose_lhs_hint = false} : vector<1000x128xf32>, vector<128x128xf32>, vector<1000x128xf32> -> vector<1000x128xf32>
    %get3A_6 = arith.constant 0 : index
    %get3A_7 = arith.constant 0 : index
    %get3A_8 = vector.load %arg3[%get3A_6, %get3A_7] : memref<1x128xf32, #tpu.memory_space<vmem>>, vector<1x128xf32>
    %add3A = vector.broadcast %get3A_8 : vector<1x128xf32> to vector<1000x128xf32>
    %add3A_9 = arith.addf %dot_general3A_5, %add3A : vector<1000x128xf32>
    %get3A_10 = arith.constant 0 : index
    %get3A_11 = arith.constant 0 : index
    %get3A_12 = vector.load %arg4[%get3A_10, %get3A_11] : memref<1000x1xf32, #tpu.memory_space<vmem>>, vector<1000x1xf32>
    %max3A = arith.constant 1.000000e+00 : f32
    %max3A_13 = vector.broadcast %max3A : f32 to vector<1000x1xf32>
    %max3A_14 = arith.maximumf %get3A_12, %max3A_13 : vector<1000x1xf32>
    %rsqrt3A = math.rsqrt %max3A_14 : vector<1000x1xf32>
    %mul3A = vector.broadcast %rsqrt3A : vector<1000x1xf32> to vector<1000x128xf32>
    %mul3A_15 = arith.mulf %add3A_9, %mul3A : vector<1000x128xf32>
    %swap3A = arith.constant 0 : index
    %swap3A_16 = arith.constant 0 : index
    %swap3A_17 = vector.load %arg5[%swap3A, %swap3A_16] : memref<1000x128xf32, #tpu.memory_space<vmem>>, vector<1000x128xf32>
    tpu.vector_store %arg5[%swap3A, %swap3A_16], %mul3A_15 {strides = array<i32>} : memref<1000x128xf32, #tpu.memory_space<vmem>>, vector<1000x128xf32>,
    return
  }
  func.func @transform_0(%arg0: i32) -> (i32, i32) {
    %c0_i32 = arith.constant 0 : i32
    %c0_i32_0 = arith.constant 0 : i32
    return %arg0, %c0_i32 : i32, i32
  }
  func.func @transform_1(%arg0: i32) -> (i32, i32) {
    %c0_i32 = arith.constant 0 : i32
    %c0_i32_0 = arith.constant 0 : i32
    %c0_i32_1 = arith.constant 0 : i32
    return %c0_i32, %c0_i32_0 : i32, i32
  }
  func.func @transform_2(%arg0: i32) -> (i32, i32) {
    %c0_i32 = arith.constant 0 : i32
    %c0_i32_0 = arith.constant 0 : i32
    %c0_i32_1 = arith.constant 0 : i32
    return %c0_i32, %c0_i32_0 : i32, i32
  }
  func.func @transform_3(%arg0: i32) -> (i32, i32) {
    %c0_i32 = arith.constant 0 : i32
    %c0_i32_0 = arith.constant 0 : i32
    return %arg0, %c0_i32 : i32, i32
  }
  func.func @transform_4(%arg0: i32) -> (i32, i32) {
    %c0_i32 = arith.constant 0 : i32
    %c0_i32_0 = arith.constant 0 : i32
    return %arg0, %c0_i32 : i32, i32
  }
}

module attributes {stable_mosaic.version = 14 : i64} {
  func.func @_mid_body(%arg0: i32, %arg1: memref<2x1000x128xf32, #tpu.memory_space<vmem>>, %arg2: memref<1000x1xf32, #tpu.memory_space<vmem>>, %arg3: memref<128x128xf32, #tpu.memory_space<vmem>>, %arg4: memref<1x128xf32, #tpu.memory_space<vmem>>, %arg5: memref<1000x128xf32, #tpu.memory_space<vmem>>) attributes {dimension_semantics = [#tpu.dimension_semantics<arbitrary>], iteration_bounds = array<i64: 10>, scalar_prefetch = 0 : i64, scratch_operands = 0 : i64, tpu.core_type = #tpu.core_type<tc>, window_params = [{transform_indices = @transform_0, window_bounds = array<i64: 2, 1000, 128>}, {transform_indices = @transform_1, window_bounds = array<i64: 1000, 1>}, {pipeline_mode = #tpu.pipeline_mode<synchronous>, transform_indices = @transform_2, window_bounds = array<i64: 128, 128>}, {pipeline_mode = #tpu.pipeline_mode<synchronous>, transform_indices = @transform_3, window_bounds = array<i64: 1, 128>}, {transform_indices = @transform_4, window_bounds = array<i64: 1000, 128>}]} {
    %get3A = arith.constant 0 : index
    %get3A_0 = arith.constant 0 : index
    %get3A_1 = vector.load %arg2[%get3A, %get3A_0] : memref<1000x1xf32, #tpu.memory_space<vmem>>, vector<1000x1xf32>
    %max3A = arith.constant 1.000000e+00 : f32
    %max3A_2 = vector.broadcast %max3A : f32 to vector<1000x1xf32>
    %max3A_3 = arith.maximumf %get3A_1, %max3A_2 : vector<1000x1xf32>
    %rsqrt3A = math.rsqrt %max3A_3 : vector<1000x1xf32>
    %get3A_4 = arith.constant 0 : index
    %get3A_5 = arith.constant 0 : index
    %get3A_6 = arith.constant 0 : index
    %get3A_7 = vector.load %arg1[%get3A_4, %get3A_5, %get3A_6] : memref<2x1000x128xf32, #tpu.memory_space<vmem>>, vector<1x1000x128xf32>
    %get3A_8 = vector.shape_cast %get3A_7 : vector<1x1000x128xf32> to vector<1000x128xf32>
    %get3A_9 = arith.constant 1 : index
    %get3A_10 = arith.constant 0 : index
    %get3A_11 = arith.constant 0 : index
    %get3A_12 = vector.load %arg1[%get3A_9, %get3A_10, %get3A_11] : memref<2x1000x128xf32, #tpu.memory_space<vmem>>, vector<1x1000x128xf32>
    %get3A_13 = vector.shape_cast %get3A_12 : vector<1x1000x128xf32> to vector<1000x128xf32>
    %add3A = arith.addf %get3A_8, %get3A_13 : vector<1000x128xf32>
    %mul3A = vector.broadcast %rsqrt3A : vector<1000x1xf32> to vector<1000x128xf32>
    %mul3A_14 = arith.mulf %add3A, %mul3A : vector<1000x128xf32>
    %get3A_15 = arith.constant 0 : index
    %get3A_16 = arith.constant 0 : index
    %get3A_17 = vector.load %arg3[%get3A_15, %get3A_16] : memref<128x128xf32, #tpu.memory_space<vmem>>, vector<128x128xf32>
    %dot_general3A = arith.constant dense<0.000000e+00> : vector<1000x128xf32>
    %dot_general3A_18 = tpu.matmul %mul3A_14, %get3A_17, %dot_general3A {dimension_numbers = #tpu.dot_dimension_numbers<[1], [0], [0], [1], [0, 0, 1, 1], [], []>, transpose_lhs_hint = false} : vector<1000x128xf32>, vector<128x128xf32>, vector<1000x128xf32> -> vector<1000x128xf32>
    %get3A_19 = arith.constant 0 : index
    %get3A_20 = arith.constant 0 : index
    %get3A_21 = vector.load %arg4[%get3A_19, %get3A_20] : memref<1x128xf32, #tpu.memory_space<vmem>>, vector<1x128xf32>
    %add3A_22 = vector.broadcast %get3A_21 : vector<1x128xf32> to vector<1000x128xf32>
    %add3A_23 = arith.addf %dot_general3A_18, %add3A_22 : vector<1000x128xf32>
    %max3A_24 = arith.constant 0.000000e+00 : f32
    %max3A_25 = vector.broadcast %max3A_24 : f32 to vector<1000x128xf32>
    %max3A_26 = arith.maximumf %add3A_23, %max3A_25 : vector<1000x128xf32>
    %mul3A_27 = vector.broadcast %rsqrt3A : vector<1000x1xf32> to vector<1000x128xf32>
    %mul3A_28 = arith.mulf %max3A_26, %mul3A_27 : vector<1000x128xf32>
    %swap3A = arith.constant 0 : index
    %swap3A_29 = arith.constant 0 : index
    %swap3A_30 = vector.load %arg5[%swap3A, %swap3A_29] : memref<1000x128xf32, #tpu.memory_space<vmem>>, vector<1000x128xf32>
    tpu.vector_store %arg5[%swap3A, %swap3A_29], %mul3A_28 {strides = array<i32>} : memref<1000x128xf32, #tpu.memory_space<vmem>>, vector<1000x128xf32>,
    return
  }
  func.func @transform_0(%arg0: i32) -> (i32, i32, i32) {
    %c0_i32 = arith.constant 0 : i32
    %c0_i32_0 = arith.constant 0 : i32
    %c0_i32_1 = arith.constant 0 : i32
    return %c0_i32, %arg0, %c0_i32_0 : i32, i32, i32
  }
  func.func @transform_1(%arg0: i32) -> (i32, i32) {
    %c0_i32 = arith.constant 0 : i32
    %c0_i32_0 = arith.constant 0 : i32
    return %arg0, %c0_i32 : i32, i32
  }
  func.func @transform_2(%arg0: i32) -> (i32, i32) {
    %c0_i32 = arith.constant 0 : i32
    %c0_i32_0 = arith.constant 0 : i32
    %c0_i32_1 = arith.constant 0 : i32
    return %c0_i32, %c0_i32_0 : i32, i32
  }
  func.func @transform_3(%arg0: i32) -> (i32, i32) {
    %c0_i32 = arith.constant 0 : i32
    %c0_i32_0 = arith.constant 0 : i32
    %c0_i32_1 = arith.constant 0 : i32
    return %c0_i32, %c0_i32_0 : i32, i32
  }
  func.func @transform_4(%arg0: i32) -> (i32, i32) {
    %c0_i32 = arith.constant 0 : i32
    %c0_i32_0 = arith.constant 0 : i32
    return %arg0, %c0_i32 : i32, i32
  }
}

module attributes {stable_mosaic.version = 14 : i64} {
  func.func @_final_body(%arg0: i32, %arg1: memref<2x1000x128xf32, #tpu.memory_space<vmem>>, %arg2: memref<1000x1xf32, #tpu.memory_space<vmem>>, %arg3: memref<128x128xf32, #tpu.memory_space<vmem>>, %arg4: memref<1x128xf32, #tpu.memory_space<vmem>>, %arg5: memref<128x40xf32, #tpu.memory_space<vmem>>, %arg6: memref<1x40xf32, #tpu.memory_space<vmem>>, %arg7: memref<1000x40xf32, #tpu.memory_space<vmem>>) attributes {dimension_semantics = [#tpu.dimension_semantics<arbitrary>], iteration_bounds = array<i64: 10>, scalar_prefetch = 0 : i64, scratch_operands = 0 : i64, tpu.core_type = #tpu.core_type<tc>, window_params = [{transform_indices = @transform_0, window_bounds = array<i64: 2, 1000, 128>}, {transform_indices = @transform_1, window_bounds = array<i64: 1000, 1>}, {pipeline_mode = #tpu.pipeline_mode<synchronous>, transform_indices = @transform_2, window_bounds = array<i64: 128, 128>}, {pipeline_mode = #tpu.pipeline_mode<synchronous>, transform_indices = @transform_3, window_bounds = array<i64: 1, 128>}, {pipeline_mode = #tpu.pipeline_mode<synchronous>, transform_indices = @transform_4, window_bounds = array<i64: 128, 40>}, {pipeline_mode = #tpu.pipeline_mode<synchronous>, transform_indices = @transform_5, window_bounds = array<i64: 1, 40>}, {transform_indices = @transform_6, window_bounds = array<i64: 1000, 40>}]} {
    %get3A = arith.constant 0 : index
    %get3A_0 = arith.constant 0 : index
    %get3A_1 = vector.load %arg2[%get3A, %get3A_0] : memref<1000x1xf32, #tpu.memory_space<vmem>>, vector<1000x1xf32>
    %max3A = arith.constant 1.000000e+00 : f32
    %max3A_2 = vector.broadcast %max3A : f32 to vector<1000x1xf32>
    %max3A_3 = arith.maximumf %get3A_1, %max3A_2 : vector<1000x1xf32>
    %rsqrt3A = math.rsqrt %max3A_3 : vector<1000x1xf32>
    %get3A_4 = arith.constant 0 : index
    %get3A_5 = arith.constant 0 : index
    %get3A_6 = arith.constant 0 : index
    %get3A_7 = vector.load %arg1[%get3A_4, %get3A_5, %get3A_6] : memref<2x1000x128xf32, #tpu.memory_space<vmem>>, vector<1x1000x128xf32>
    %get3A_8 = vector.shape_cast %get3A_7 : vector<1x1000x128xf32> to vector<1000x128xf32>
    %get3A_9 = arith.constant 1 : index
    %get3A_10 = arith.constant 0 : index
    %get3A_11 = arith.constant 0 : index
    %get3A_12 = vector.load %arg1[%get3A_9, %get3A_10, %get3A_11] : memref<2x1000x128xf32, #tpu.memory_space<vmem>>, vector<1x1000x128xf32>
    %get3A_13 = vector.shape_cast %get3A_12 : vector<1x1000x128xf32> to vector<1000x128xf32>
    %add3A = arith.addf %get3A_8, %get3A_13 : vector<1000x128xf32>
    %mul3A = vector.broadcast %rsqrt3A : vector<1000x1xf32> to vector<1000x128xf32>
    %mul3A_14 = arith.mulf %add3A, %mul3A : vector<1000x128xf32>
    %get3A_15 = arith.constant 0 : index
    %get3A_16 = arith.constant 0 : index
    %get3A_17 = vector.load %arg3[%get3A_15, %get3A_16] : memref<128x128xf32, #tpu.memory_space<vmem>>, vector<128x128xf32>
    %dot_general3A = arith.constant dense<0.000000e+00> : vector<1000x128xf32>
    %dot_general3A_18 = tpu.matmul %mul3A_14, %get3A_17, %dot_general3A {dimension_numbers = #tpu.dot_dimension_numbers<[1], [0], [0], [1], [0, 0, 1, 1], [], []>, transpose_lhs_hint = false} : vector<1000x128xf32>, vector<128x128xf32>, vector<1000x128xf32> -> vector<1000x128xf32>
    %get3A_19 = arith.constant 0 : index
    %get3A_20 = arith.constant 0 : index
    %get3A_21 = vector.load %arg4[%get3A_19, %get3A_20] : memref<1x128xf32, #tpu.memory_space<vmem>>, vector<1x128xf32>
    %add3A_22 = vector.broadcast %get3A_21 : vector<1x128xf32> to vector<1000x128xf32>
    %add3A_23 = arith.addf %dot_general3A_18, %add3A_22 : vector<1000x128xf32>
    %max3A_24 = arith.constant 0.000000e+00 : f32
    %max3A_25 = vector.broadcast %max3A_24 : f32 to vector<1000x128xf32>
    %max3A_26 = arith.maximumf %add3A_23, %max3A_25 : vector<1000x128xf32>
    %get3A_27 = arith.constant 0 : index
    %get3A_28 = arith.constant 0 : index
    %get3A_29 = vector.load %arg5[%get3A_27, %get3A_28] : memref<128x40xf32, #tpu.memory_space<vmem>>, vector<128x40xf32>
    %dot_general3A_30 = arith.constant dense<0.000000e+00> : vector<1000x40xf32>
    %dot_general3A_31 = tpu.matmul %max3A_26, %get3A_29, %dot_general3A_30 {dimension_numbers = #tpu.dot_dimension_numbers<[1], [0], [0], [1], [0, 0, 1, 1], [], []>, transpose_lhs_hint = false} : vector<1000x128xf32>, vector<128x40xf32>, vector<1000x40xf32> -> vector<1000x40xf32>
    %get3A_32 = arith.constant 0 : index
    %get3A_33 = arith.constant 0 : index
    %get3A_34 = vector.load %arg6[%get3A_32, %get3A_33] : memref<1x40xf32, #tpu.memory_space<vmem>>, vector<1x40xf32>
    %add3A_35 = vector.broadcast %get3A_34 : vector<1x40xf32> to vector<1000x40xf32>
    %add3A_36 = arith.addf %dot_general3A_31, %add3A_35 : vector<1000x40xf32>
    %swap3A = arith.constant 0 : index
    %swap3A_37 = arith.constant 0 : index
    %swap3A_38 = vector.load %arg7[%swap3A, %swap3A_37] : memref<1000x40xf32, #tpu.memory_space<vmem>>, vector<1000x40xf32>
    tpu.vector_store %arg7[%swap3A, %swap3A_37], %add3A_36 {strides = array<i32>} : memref<1000x40xf32, #tpu.memory_space<vmem>>, vector<1000x40xf32>,
    return
  }
  func.func @transform_0(%arg0: i32) -> (i32, i32, i32) {
    %c0_i32 = arith.constant 0 : i32
    %c0_i32_0 = arith.constant 0 : i32
    %c0_i32_1 = arith.constant 0 : i32
    return %c0_i32, %arg0, %c0_i32_0 : i32, i32, i32
  }
  func.func @transform_1(%arg0: i32) -> (i32, i32) {
    %c0_i32 = arith.constant 0 : i32
    %c0_i32_0 = arith.constant 0 : i32
    return %arg0, %c0_i32 : i32, i32
  }
  func.func @transform_2(%arg0: i32) -> (i32, i32) {
    %c0_i32 = arith.constant 0 : i32
    %c0_i32_0 = arith.constant 0 : i32
    %c0_i32_1 = arith.constant 0 : i32
    return %c0_i32, %c0_i32_0 : i32, i32
  }
  func.func @transform_3(%arg0: i32) -> (i32, i32) {
    %c0_i32 = arith.constant 0 : i32
    %c0_i32_0 = arith.constant 0 : i32
    %c0_i32_1 = arith.constant 0 : i32
    return %c0_i32, %c0_i32_0 : i32, i32
  }
  func.func @transform_4(%arg0: i32) -> (i32, i32) {
    %c0_i32 = arith.constant 0 : i32
    %c0_i32_0 = arith.constant 0 : i32
    %c0_i32_1 = arith.constant 0 : i32
    return %c0_i32, %c0_i32_0 : i32, i32
  }
  func.func @transform_5(%arg0: i32) -> (i32, i32) {
    %c0_i32 = arith.constant 0 : i32
    %c0_i32_0 = arith.constant 0 : i32
    %c0_i32_1 = arith.constant 0 : i32
    return %c0_i32, %c0_i32_0 : i32, i32
  }
  func.func @transform_6(%arg0: i32) -> (i32, i32) {
    %c0_i32 = arith.constant 0 : i32
    %c0_i32_0 = arith.constant 0 : i32
    return %arg0, %c0_i32 : i32, i32
  }
}

</mosaic_0001>

<sc_bundles>
// kernel: kernel.11.cloned.1.call-start
scs
__scs_entry_jumppad:
0x0: {  	(pc) =	sbr.rel $0x88, $3  }
0x1: {  	(tag) =	ssettag $0x0;
	lr =	simm.s32 $0x1  }
0x2: {  	[smem:$0x3F97] =	sst lr;
	_ =	strace $0xD0000000  }
0x3: {  	_ = 	snop  }
0x4: {  	_ = 	snop  }
0x5: {  	_ = 	snop  }
0x6: {  	_ = 	snop  }
0x7: {  	_ = 	snop  }
__scs_overlays_trampoline_lowered:
0x8: {  	[smem:$0x3FA6] =	sst s0  }
0x9: {  	[smem:$0x3FA7] =	sst s1  }
0xa: {  	[smem:$0x3FA8] =	sst s2  }
0xb: {  	[smem:$0x3FA9] =	sst s3  }
0xc: {  	[smem:$0x3FAA] =	sst s4  }
0xd: {  	[smem:$0x3FAB] =	sst s5  }
0xe: {  	[smem:$0x3FAC] =	sst s6  }
0xf: {  	[smem:$0x3FAD] =	sst s7  }
0x10: {  	[smem:$0x3FAE] =	sst s8  }
0x11: {  	[smem:$0x3FAF] =	sst s9;
	s0 =	simm.s32 @!p0 $0x0  }
0x12: {  	s1 =	sld [smem:$0x3F95];
	s0 =	simm.s32 @p0 $0x1  }
0x13: {  	[smem:$0x3FB0] =	sst s0;
	s0 =	simm.s32 @!p1 $0x0  }
0x14: {  	s2 =	sld [smem:$0x3F94];
	s0 =	simm.s32 @p1 $0x1  }
0x15: {  	[smem:$0x3FB1] =	sst s0;
	s0 =	simm.s32 @!p2 $0x0  }
0x16: {  	s3 =	sld [smem:$0x3FDB];
	s0 =	simm.s32 @p2 $0x1  }
0x17: {  	s4 =	simm.s32 $0x1BF5;
	[smem:$0x3FB3] =	sst s0  }
0x18: {  	s0 =	sld [smem:$0x3F96];
	_ =	swait.ge [sflag:s4], $0x0  }
0x19: {  	s7 =	sld [smem:$0x3F97]  }
0x1a: {  	s8 =	sadd.s32 $0xFFFFE003, lr  }
0x1b: {  	s9 =	sadd.s32 $0xFFFFFEF7, lr;
	s5 =	simm.s32 $0xFFFFFFFF;
	p2 =	slt.u32 s8, $0xFFFFF086  }
0x1c: {  	p1 =	slt.u32 s9, $0xF7A;
	s5 =	simm.s32 @!p2 $0x0  }
0x1d: {  	s5 =	simm.s32 @p1 $0x1;
	p0 =	seq.s32 s7, s2  }
0x1e: {  	s7 =	smul.u32 @!p0 $0xF7A, s2;
	p2 =	seq.s32 @!p0 s5, $0x0  }
0x1f: {  	s9 =	smul.u32 $0xF7A, s1;
	s8 =	simm.s32 @!p0 $0x1BF5;
	p2 =	por !p2, p0  }
0x20: {  	[sflag:s8] =	ssyncset.s32 @!p0 $0xFFFFF086;
	s6 =	sadd.s32 @!p0 s3, s7;
	s7 =	simm.s32 @!p0 $0x108  }
0x21: {  	s3 =	sadd.s32 s3, s9;
	s6 =	sadd.s32 @!p0 $0x88, s6;
	s7 =	simm.s32 @p2 $0x1082  }
0x22: {  	[simem:s7], [sflag:s8] =	dma.local @!p0 [hbm:s6], $0xF7A  }
0x23: {  	s9 =	sor.u32 $0xD0000000, s2;
	s6 =	simm.s32 $0x108;
	_ =	swait.ge @!p0 [sflag:s8], $0x0  }
0x24: {  	s3 =	sadd.s32 $0x88, s3;
	s6 =	simm.s32 @!p1 $0x1082;
	[sflag:s4] =	ssyncset.s32 $0xFFFFF086  }
0x25: {  	[simem:s6], [sflag:s4] =	dma.local [hbm:s3], $0xF7A  }
0x26: {  	[smem:$0x3F97] =	sst s1;
	(tag) =	ssettag s2;
	_ =	strace s9  }
0x27: {  	s1 =	sld [smem:$0x3FA7]  }
0x28: {  	s2 =	sld [smem:$0x3FA8]  }
0x29: {  	s4 =	sld [smem:$0x3FAA]  }
0x2a: {  	p0 =	seq.s32 s5, $0x0;
	s5 =	sld [smem:$0x3FAB]  }
0x2b: {  	s6 =	sld [smem:$0x3FAC]  }
0x2c: {  	s7 =	sld [smem:$0x3FAD]  }
0x2d: {  	s3 =	simm.s32 $0x108;
	s8 =	sld [smem:$0x3FAE]  }
0x2e: {  	s3 =	simm.s32 @!p0 $0x1082;
	s9 =	sld [smem:$0x3FAF]  }
0x2f: {  	lr =	sadd.s32 s0, s3;
	s0 =	sld [smem:$0x3FA6]  }
0x30: {  	s3 =	sld [smem:$0x3FA9]  }
0x31: {  	[smem:$0x3FB2] =	sst s10  }
0x32: {  	s10 =	sld [smem:$0x3FB0];
	_ =	sdelay $0x3  }
0x33: {  	p0 =	seq.s32 s10, $0x1;
	s10 =	sld [smem:$0x3FB2];
	_ =	sdelay $0x3  }
0x34: {  	[smem:$0x3FB2] =	sst s10  }
0x35: {  	s10 =	sld [smem:$0x3FB1];
	_ =	sdelay $0x3  }
0x36: {  	p1 =	seq.s32 s10, $0x1;
	s10 =	sld [smem:$0x3FB2];
	_ =	sdelay $0x3  }
0x37: {  	[smem:$0x3FB2] =	sst s10  }
0x38: {  	s10 =	sld [smem:$0x3FB3]  }
0x39: {  	_ = 	snop;
	(pc) =	sbr.ind lr, $3  }
0x3a: {  	_ = 	snop  }
0x3b: {  	_ = 	snop  }
0x3c: {  	p2 =	seq.s32 s10, $0x1;
	s10 =	sld [smem:$0x3FB2]  }
0x3d: {  	_ =	shalt  }
0x3e: {  	_ =	shalt  }
0x3f: {  	_ =	shalt  }
0x40: {  	_ =	shalt  }
0x41: {  	_ =	shalt  }
0x42: {  	_ =	shalt  }
0x43: {  	_ =	shalt  }
0x44: {  	_ =	shalt  }
0x45: {  	_ =	shalt  }
0x46: {  	_ =	shalt  }
0x47: {  	_ =	shalt  }
0x48: {  	_ =	shalt  }
0x49: {  	_ =	shalt  }
0x4a: {  	_ =	shalt  }
0x4b: {  	_ =	shalt  }
0x4c: {  	_ =	shalt  }
0x4d: {  	_ =	shalt  }
0x4e: {  	_ =	shalt  }
0x4f: {  	_ =	shalt  }
0x50: {  	_ =	shalt  }
0x51: {  	_ =	shalt  }
0x52: {  	_ =	shalt  }
0x53: {  	_ =	shalt  }
0x54: {  	_ =	shalt  }
0x55: {  	_ =	shalt  }
0x56: {  	_ =	shalt  }
0x57: {  	_ =	shalt  }
0x58: {  	_ =	shalt  }
0x59: {  	_ =	shalt  }
0x5a: {  	_ =	shalt  }
0x5b: {  	_ =	shalt  }
0x5c: {  	_ =	shalt  }
0x5d: {  	_ =	shalt  }
0x5e: {  	_ =	shalt  }
0x5f: {  	_ =	shalt  }
0x60: {  	_ =	shalt  }
0x61: {  	_ =	shalt  }
0x62: {  	_ =	shalt  }
0x63: {  	_ =	shalt  }
0x64: {  	_ =	shalt  }
0x65: {  	_ =	shalt  }
0x66: {  	_ =	shalt  }
0x67: {  	_ =	shalt  }
0x68: {  	_ =	shalt  }
0x69: {  	_ =	shalt  }
0x6a: {  	_ =	shalt  }
0x6b: {  	_ =	shalt  }
0x6c: {  	_ =	shalt  }
0x6d: {  	_ =	shalt  }
0x6e: {  	_ =	shalt  }
0x6f: {  	_ =	shalt  }
0x70: {  	_ =	shalt  }
0x71: {  	_ =	shalt  }
0x72: {  	_ =	shalt  }
0x73: {  	_ =	shalt  }
0x74: {  	_ =	shalt  }
0x75: {  	_ =	shalt  }
0x76: {  	_ =	shalt  }
0x77: {  	_ =	shalt  }
0x78: {  	_ =	shalt  }
0x79: {  	_ =	shalt  }
0x7a: {  	_ =	shalt  }
0x7b: {  	_ =	shalt  }
0x7c: {  	_ =	shalt  }
0x7d: {  	_ =	shalt  }
0x7e: {  	_ =	shalt  }
0x7f: {  	_ =	shalt  }
0x80: {  	_ =	shalt  }
0x81: {  	_ =	shalt  }
0x82: {  	_ =	shalt  }
0x83: {  	_ =	shalt  }
0x84: {  	_ =	shalt  }
0x85: {  	_ =	shalt  }
0x86: {  	_ =	shalt  }
0x87: {  	_ =	shalt  }
.Lfunc_end0:
.L_simem_size_0:
called_computation.1_lowered:
.L_overlay_start_0:
0x88: {  	s2 =	sld [smem:$0x3FD9]  }
0x89: {  	s3 =	sld [smem:$0x3FFE];
	_ =	sdelay $0x1  }
0x8a: {  	s1 =	srdreg.scid  }
0x8b: {  	s0 =	sand.u32 $0x1, s1  }
0x8c: {  	s16 =	sshll.u32 s0, $0xA;
	s2 =	sadd.s32 s3, s2  }
0x8d: {  	s2 =	sadd.s32 s2, s16  }
0x8e: {  	[smem:$0x3FBE] =	sst s2  }
0x8f: {  	_ = 	snop  }
0x90: {  	(tm) =	ssettm $0x1  }
0x91: {  	s17 =	sld [smem:$0x3FFB];
	_ =	sdelay $0x3  }
0x92: {  	_ =	strace s17  }
0x93: {  	s2 =	sld [smem:$0x3FFC];
	_ =	sdelay $0x3  }
0x94: {  	_ =	strace s2  }
0x95: {  	s2 =	sld [smem:$0x3FFD];
	_ =	sdelay $0x3  }
0x96: {  	_ =	strace s2  }
0x97: {  	_ =	strace $0x8FFFFFFF  }
0x98: {  	s18 =	sld [smem:$0x3FDB];
	_ =	sdelay $0x1  }
0x99: {  	s19 =	simm.s32 $_scs_section_size  }
0x9a: {  	s4 =	simm.s32 $_size__tile_overlayer_lowered;
	s5 =	simm.s32 $_tile_overlayer_lowered  }
0x9b: {  	s22 =	simm.s32 $0x1BFF;
	s21 =	sshll.u32 s5, $0x1;
	s2 =	sadd.s32 s19, s18  }
0x9c: {  	s6 =	simm.s32 $0x0;
	s20 =	sshll.u32 s4, $0x1;
	s4 =	sadd.s32 s21, s2  }
0x9d: {  	[timem:s6], [sflag:s22] =	dma.local [hbm:s4], s20  }
0x9e: {  	_ =	swait.ge [sflag:s22], s20  }
0x9f: {  	s3 =	ssub.s32 $0x0, s20;
	[sflag:s22] =	ssyncset.done $0x0  }
0xa0: {  	[sflag:s22] =	ssyncadd.s32 s3;
	_ =	sdelay $0x1  }
0xa1: {  	s23 =	simm.s32 $0x1B8B  }
0xa2: {  	_ =	swait.ge [sflag:s23], $0x1  }
0xa3: {  	[sflag:s23] =	ssyncset.done $0x0  }
0xa4: {  	s25 =	simm.s32 $0x1B8E;
	s24 =	sld [smem:$0x3FFE];
	[sflag:s23] =	ssyncadd.s32 $0xFFFFFFFF  }
0xa5: {  	s26 =	simm.s32 $execute0_lowered;
	[smem:$0x3FD2] =	sst s25  }
0xa6: {  	s4 =	sshll.u32 s26, $0x1;
	_ =	strace $0x80000049;
	[dreg:$0x1] =	wrdreg $0xFFFFFFFF  }
0xa7: {  	s28 =	simm.s32 $_size_execute0_lowered;
	s2 =	sadd.s32 s2, s4;
	[dreg:$0x0] =	wrdreg $0x0  }
0xa8: {  	s4 =	sshll.u32 s28, $0x1;
	[dreg:$0x2] =	wrdreg s2  }
0xa9: {  	[dreg:$0x3] =	wrdreg s4  }
0xaa: {  	[dreg:$0x4] =	wrdreg $0xC0  }
0xab: {  	_ =	task [dreg:s6], $0x5FFFF  }
0xac: {  	[dreg:$0x1] =	wrdreg $0xFFFFFFFF  }
0xad: {  	[dreg:$0x0] =	wrdreg $0x60  }
0xae: {  	[dreg:$0x2] =	wrdreg s24  }
0xaf: {  	[dreg:$0x3] =	wrdreg $0xA8000  }
0xb0: {  	[dreg:$0x4] =	wrdreg $0x9  }
0xb1: {  	_ =	task.clear_ibuf [dreg:s6], $0x5FFFF;
	_ =	strace $0x90000049  }
0xb2: {  	s29 =	simm.s32 $0x9;
	_ =	strace $0x8000004B  }
0xb3: {  	_ =	swait.ge [sflag:s29], $0x1  }
0xb4: {  	[sflag:s29] =	ssyncadd.s32 $0xFFFFFFFF  }
0xb5: {  	_ =	strace $0x9000004B  }
0xb6: {  	_ =	sfence  }
0xb7: {  	s30 =	sld [smem:$0x0];
	_ =	sdelay $0x2  }
0xb8: {  	s31 =	sshll.u32 s1, $0xD;
	s1 =	sshrl.u32 s1, $0x2  }
0xb9: {  	s3 =	sand.u32 $0x4000, s31;
	s1 =	sadd.s32 s1, s30  }
0xba: {  	s0 =	sor.u32 s3, s0;
	s1 =	sshll.u32 s1, $0x11  }
0xbb: {  	s0 =	sor.u32 s1, s0  }
0xbc: {  	s0 =	sadd.s32 $0x8F2B, s0  }
0xbd: {  	[sflag:s0] =	ssyncadd.remote.s32 $0x1  }
0xbe: {  	_ =	sfence.sel $0xFFFF  }
0xbf: {  	[dreg:$0x0] =	wrdreg $0xFFFFFFFF;
	(pc) =	sbr.abs _section_cstart, $3  }
0xc0: {  	[dreg:$0x1] =	wrdreg $0xFFFFFFFF  }
0xc1: {  	_ =	task.clear_ibuf [dreg:s6], $0x2FFFF;
	_ =	strace $0x9FFFFFFF  }
0xc2: {  	(tm) =	ssettm $0x7FFFFFFF  }
0xc3: {  	_ =	shalt  }
tec
execute0_lowered:
.L_overlay_start_1:
0x0: {  	(tag) =	ssettag $0x1  }
0x1: {  	s0 =	rddreg [dreg:$0x0]  }
0x2: {  	s1 =	srdreg.scid;
	s9 =	stileid.u32  }
0x3: {  	s2 =	rddreg [dreg:$0x1];
	s3 =	simm.s32 $0x0;
	s28 =	simm.s32 $0x8800  }
0x4: {  	s29 =	simm.s32 $0x1;
	s30 =	simm.s32 $0x2;
	s31 =	simm.s32 $0x3  }
0x5: {  	s1 =	sand.u32 $0x1, s1;
	s4 =	sshll.u32 s9, $0x1;
	s6 =	smul.u32 $0x50000, s9  }
0x6: {  	[smem:$0x7FF] =	sst s3;
	s26 =	smul.u32 $0x2800, s9;
	s4 =	sor.u32 s1, s4  }
0x7: {  	s9 =	simm.s32 $0x2780;
	_ =	strace $0x8000004A;
	s5 =	smul.u32 $0xA00, s4  }
0x8: {  	s7 =	smul.u32 $0x28000, s1;
	s1 =	ssub.s32 $0x2, s1;
	s6 =	sshrl.u32 s6, $0x2  }
0x9: {  	s17 =	sshrl.u32 s1, $0x1;
	s8 =	sadd.s32 s5, s0;
	s5 =	sadd.s32 s6, s2  }
0xa: {  	s4 =	sadd.s32 $0x2B400, s0;
	s1 =	ssub.s32 s1, s17;
	s6 =	sadd.s32 $0x2000, s5  }
0xb: {  	s0 =	sadd.s32 s7, s0;
	s18 =	sadd.s32 $0x4000, s5;
	[dreg:$0x3] =	wrdreg s6  }
0xc: {  	s17 =	smax.u32 s1, $0x1;
	s19 =	sadd.s32 $0x6000, s5;
	[dreg:$0x4] =	wrdreg s18  }
0xd: {  	s1 =	simm.s32 $0x4;
	s20 =	sadd.s32 $0x8000, s5;
	[dreg:$0x5] =	wrdreg s19  }
0xe: {  	s7 =	simm.s32 $0x2680;
	s21 =	sadd.s32 $0xA000, s5;
	[dreg:$0x6] =	wrdreg s20  }
0xf: {  	s22 =	sadd.s32 $0xC000, s5;
	s23 =	sadd.s32 $0xE000, s5;
	[dreg:$0x7] =	wrdreg s21  }
0x10: {  	s24 =	sadd.s32 $0x10000, s5;
	s25 =	sadd.s32 $0x12000, s5;
	[dreg:$0x8] =	wrdreg s22  }
0x11: {  	s15 =	sadd.s32 $0x17400, s8;
	s16 =	sadd.s32 $0x3400, s8;
	[dreg:$0x9] =	wrdreg s23  }
0x12: {  	s0 =	sadd.s32 $0x52600, s0;
	s8 =	simm.s32 $0x2700;
	[dreg:$0xa] =	wrdreg s24  }
0x13: {  	[dreg:$0xb] =	wrdreg s25;
	s18 =	simm.s32 $0x2800;
	s19 =	simm.s32 $0x5  }
0x14: {  	s20 =	simm.s32 $0x1400;
	s21 =	simm.s32 $0x40;
	s22 =	simm.s32 $0x80  }
0x15: {  	s23 =	simm.s32 $0x4800;
	s24 =	sadd.s32 s26, s0;
	s25 =	simm.s32 $0x100  }
0x16: {  	v0 =	vimm.f32 $0.0e+00;
	s26 =	simm.s32 $0x6800;
	s0 =	simm.s32 $0x1380;
	s6 =	simm.s32 $0x2600  }
.LBB2_1:
0x17: {  	s10 =	simm.s32 $0x0;
	s11 =	simm.s32 $0x200  }
.LBB2_2:
0x18: {  	p0 =	sne.s32 s11, $0x7E00;
	[tilespmem:s10+$0x2870] =	vst v0  }
0x19: {  	[tilespmem:s10+$0x2800] =	vst v0  }
0x1a: {  	[tilespmem:s10+$0x2810] =	vst v0  }
.Ltmp0:
0x1b: {  	[tilespmem:s10+$0x2820] =	vst v0;
	(pc) =	sbr.rel @p0 .LBB2_2-.Ltmp0, $4  }
0x1c: {  	[tilespmem:s10+$0x2830] =	vst v0  }
0x1d: {  	[tilespmem:s10+$0x2840] =	vst v0  }
0x1e: {  	[tilespmem:s10+$0x2850] =	vst v0  }
0x1f: {  	[tilespmem:s10+$0x2860] =	vst v0;
	s10 =	sshra.s32 s11, $0x2;
	s11 =	sadd.s32 $0x200, s11  }
0x20: {  	[tilespmem:s10+$0x2870] =	vst v0  }
0x21: {  	[tilespmem:s10+$0x2800] =	vst v0  }
0x22: {  	[tilespmem:s10+$0x2810] =	vst v0  }
0x23: {  	[tilespmem:s10+$0x2820] =	vst v0  }
0x24: {  	[tilespmem:s10+$0x2830] =	vst v0  }
0x25: {  	[tilespmem:s10+$0x2840] =	vst v0  }
0x26: {  	[tilespmem:s10+$0x2850] =	vst v0  }
0x27: {  	[tilespmem:s10+$0x2860] =	vst v0  }
0x28: {  	[spmem:s5] =	stream.linear.scatter [tilespmem:s18], [sflag:$0x5], $0x2000, $0x38;
	[tilespmem:$0x1E800] =	vst v63  }
0x29: {  	_ =	swait.ge [sflag:s19], $0x2000  }
0x2a: {  	[sflag:s19] =	ssyncset.done $0x0  }
0x2b: {  	s13 =	rddreg [dreg:$0x3];
	[sflag:s19] =	ssyncadd.s32 $0xFFFFE000  }
0x2c: {  	[spmem:s13] =	stream.linear.scatter [tilespmem:s18], [sflag:$0x5], $0x2000, $0x38;
	[tilespmem:$0x1E800] =	vst v63  }
0x2d: {  	_ =	swait.ge [sflag:s19], $0x2000  }
0x2e: {  	[sflag:s19] =	ssyncset.done $0x0  }
0x2f: {  	s14 =	rddreg [dreg:$0x4];
	[sflag:s19] =	ssyncadd.s32 $0xFFFFE000  }
0x30: {  	[spmem:s14] =	stream.linear.scatter [tilespmem:s18], [sflag:$0x5], $0x2000, $0x38;
	[tilespmem:$0x1E800] =	vst v63  }
0x31: {  	_ =	swait.ge [sflag:s19], $0x2000  }
0x32: {  	[sflag:s19] =	ssyncset.done $0x0  }
0x33: {  	s11 =	rddreg [dreg:$0x5];
	[sflag:s19] =	ssyncadd.s32 $0xFFFFE000  }
0x34: {  	[spmem:s11] =	stream.linear.scatter [tilespmem:s18], [sflag:$0x5], $0x2000, $0x38;
	[tilespmem:$0x1E800] =	vst v63  }
0x35: {  	_ =	swait.ge [sflag:s19], $0x2000  }
0x36: {  	[sflag:s19] =	ssyncset.done $0x0  }
0x37: {  	s12 =	rddreg [dreg:$0x6];
	[sflag:s19] =	ssyncadd.s32 $0xFFFFE000  }
0x38: {  	[spmem:s12] =	stream.linear.scatter [tilespmem:s18], [sflag:$0x5], $0x2000, $0x38;
	[tilespmem:$0x1E800] =	vst v63  }
0x39: {  	_ =	swait.ge [sflag:s19], $0x2000  }
0x3a: {  	[sflag:s19] =	ssyncset.done $0x0  }
0x3b: {  	s13 =	rddreg [dreg:$0x7];
	[sflag:s19] =	ssyncadd.s32 $0xFFFFE000  }
0x3c: {  	[spmem:s13] =	stream.linear.scatter [tilespmem:s18], [sflag:$0x5], $0x2000, $0x38;
	[tilespmem:$0x1E800] =	vst v63  }
0x3d: {  	_ =	swait.ge [sflag:s19], $0x2000  }
0x3e: {  	[sflag:s19] =	ssyncset.done $0x0  }
0x3f: {  	s14 =	rddreg [dreg:$0x8];
	[sflag:s19] =	ssyncadd.s32 $0xFFFFE000  }
0x40: {  	[spmem:s14] =	stream.linear.scatter [tilespmem:s18], [sflag:$0x5], $0x2000, $0x38;
	[tilespmem:$0x1E800] =	vst v63  }
0x41: {  	_ =	swait.ge [sflag:s19], $0x2000  }
0x42: {  	[sflag:s19] =	ssyncset.done $0x0  }
0x43: {  	s11 =	rddreg [dreg:$0x9];
	[sflag:s19] =	ssyncadd.s32 $0xFFFFE000  }
0x44: {  	[spmem:s11] =	stream.linear.scatter [tilespmem:s18], [sflag:$0x5], $0x2000, $0x38;
	[tilespmem:$0x1E800] =	vst v63  }
0x45: {  	_ =	swait.ge [sflag:s19], $0x2000  }
0x46: {  	[sflag:s19] =	ssyncset.done $0x0  }
0x47: {  	s12 =	rddreg [dreg:$0xa];
	[sflag:s19] =	ssyncadd.s32 $0xFFFFE000  }
0x48: {  	[spmem:s12] =	stream.linear.scatter [tilespmem:s18], [sflag:$0x5], $0x2000, $0x38;
	[tilespmem:$0x1E800] =	vst v63  }
0x49: {  	_ =	swait.ge [sflag:s19], $0x2000  }
0x4a: {  	[sflag:s19] =	ssyncset.done $0x0  }
0x4b: {  	s13 =	rddreg [dreg:$0xb];
	[sflag:s19] =	ssyncadd.s32 $0xFFFFE000  }
0x4c: {  	[spmem:s13] =	stream.linear.scatter [tilespmem:s18], [sflag:$0x5], $0x2000, $0x38;
	[tilespmem:$0x1E800] =	vst v63  }
0x4d: {  	_ =	swait.ge [sflag:s19], $0x2000  }
0x4e: {  	[sflag:s19] =	ssyncset.done $0x0  }
0x4f: {  	[sflag:s19] =	ssyncadd.s32 $0xFFFFE000  }
0x50: {  	s14 =	simm.s32 $0x0;
	[bflag:$0x0] =	sbarrier.arrive $0xFFFF  }
0x51: {  	[tilespmem:s14], [sflag:$0x5] =	stream.linear.gather [hbm4b:s15+s14], $0x1400, $0x38;
	[tilespmem:$0x1E800] =	vst v63  }
0x52: {  	_ =	swait.ge [sflag:s19], $0x1400  }
0x53: {  	[sflag:s19] =	ssyncset.done $0x0  }
0x54: {  	[sflag:s19] =	ssyncadd.s32 $0xFFFFEC00  }
0x55: {  	[tilespmem:s20], [sflag:$0x5] =	stream.linear.gather [hbm4b:s16+s14], $0x1400, $0x38;
	[tilespmem:$0x1E800] =	vst v63  }
0x56: {  	_ =	swait.ge [sflag:s19], $0x1400  }
0x57: {  	[sflag:s19] =	ssyncset.done $0x0  }
0x58: {  	[sflag:s19] =	ssyncadd.s32 $0xFFFFEC00  }
0x59: {  	[tilespmem:s18], [sflag:$0x1] =	stream.indirect.gather [hbm4b:s4+s21], $0x80, s14, s21, $0xb8;
	[tilespmem:$0x1E800] =	vst v63  }
0x5a: {  	_ = 	snop  }
0x5b: {  	[tilespmem:s23], [sflag:$0x2] =	stream.indirect.gather [hbm4b:s4+s21], $0x80, s22, s21, $0xb8;
	[tilespmem:$0x1E800] =	vst v63  }
0x5c: {  	_ = 	snop  }
0x5d: {  	[tilespmem:s26], [sflag:$0x3] =	stream.indirect.gather [hbm4b:s4+s21], $0x80, s25, s21, $0xb8;
	[tilespmem:$0x1E800] =	vst v63  }
0x5e: {  	s11 =	simm.s32 $0x180  }
0x5f: {  	[tilespmem:s28], [sflag:$0x4] =	stream.indirect.gather [hbm4b:s4+s21], $0x80, s11, s21, $0xb8;
	[tilespmem:$0x1E800] =	vst v63  }
0x60: {  	_ =	swait.ge [sflag:s29], $0x2000  }
0x61: {  	[sflag:s29] =	ssyncset.done $0x0  }
0x62: {  	s12 =	simm.s32 $0x1400;
	[sflag:s29] =	ssyncadd.s32 $0xFFFFE000  }
0x63: {  	[spmem:s2] =	stream.indirect.scatter.add.f32 [tilespmem:s18], [sflag:$0x5], $0x80, s12, s21, $0xb8;
	[tilespmem:$0x1E800] =	vst v63  }
0x64: {  	_ =	swait.ge [sflag:s19], $0x2000  }
0x65: {  	[sflag:s19] =	ssyncset.done $0x0  }
0x66: {  	s13 =	simm.s32 $0x200;
	[sflag:s19] =	ssyncadd.s32 $0xFFFFE000  }
0x67: {  	[tilespmem:s18], [sflag:$0x1] =	stream.indirect.gather [hbm4b:s4+s21], $0x80, s13, s21, $0xb8;
	[tilespmem:$0x1E800] =	vst v63  }
0x68: {  	_ =	swait.ge [sflag:s30], $0x2000  }
0x69: {  	[sflag:s30] =	ssyncset.done $0x0  }
0x6a: {  	s14 =	simm.s32 $0x1480;
	[sflag:s30] =	ssyncadd.s32 $0xFFFFE000  }
0x6b: {  	[spmem:s2] =	stream.indirect.scatter.add.f32 [tilespmem:s23], [sflag:$0x5], $0x80, s14, s21, $0xb8;
	[tilespmem:$0x1E800] =	vst v63  }
0x6c: {  	_ =	swait.ge [sflag:s19], $0x2000  }
0x6d: {  	[sflag:s19] =	ssyncset.done $0x0  }
0x6e: {  	s11 =	simm.s32 $0x280;
	[sflag:s19] =	ssyncadd.s32 $0xFFFFE000  }
0x6f: {  	[tilespmem:s23], [sflag:$0x2] =	stream.indirect.gather [hbm4b:s4+s21], $0x80, s11, s21, $0xb8;
	[tilespmem:$0x1E800] =	vst v63  }
0x70: {  	_ =	swait.ge [sflag:s31], $0x2000  }
0x71: {  	[sflag:s31] =	ssyncset.done $0x0  }
0x72: {  	s12 =	simm.s32 $0x1500;
	[sflag:s31] =	ssyncadd.s32 $0xFFFFE000  }
0x73: {  	[spmem:s2] =	stream.indirect.scatter.add.f32 [tilespmem:s26], [sflag:$0x5], $0x80, s12, s21, $0xb8;
	[tilespmem:$0x1E800] =	vst v63  }
0x74: {  	_ =	swait.ge [sflag:s19], $0x2000  }
0x75: {  	[sflag:s19] =	ssyncset.done $0x0  }
0x76: {  	s13 =	simm.s32 $0x300;
	[sflag:s19] =	ssyncadd.s32 $0xFFFFE000  }
0x77: {  	[tilespmem:s26], [sflag:$0x3] =	stream.indirect.gather [hbm4b:s4+s21], $0x80, s13, s21, $0xb8;
	[tilespmem:$0x1E800] =	vst v63  }
0x78: {  	_ =	swait.ge [sflag:s1], $0x2000  }
0x79: {  	[sflag:s1] =	ssyncset.done $0x0  }
0x7a: {  	s14 =	simm.s32 $0x1580;
	[sflag:s1] =	ssyncadd.s32 $0xFFFFE000  }
0x7b: {  	[spmem:s2] =	stream.indirect.scatter.add.f32 [tilespmem:s28], [sflag:$0x5], $0x80, s14, s21, $0xb8;
	[tilespmem:$0x1E800] =	vst v63  }
0x7c: {  	_ =	swait.ge [sflag:s19], $0x2000  }
0x7d: {  	s10 =	simm.s32 $0x200;
	s11 =	simm.s32 $0x1000;
	[sflag:s19] =	ssyncset.done $0x0  }
.LBB2_4:
0x7e: {  	s14 =	sadd.s32 $0x180, s10  }
0x7f: {  	[sflag:s19] =	ssyncadd.s32 $0xFFFFE000;
	s12 =	smov.u32 s11;
	s13 =	sadd.s32 $0x800, s11  }
0x80: {  	[tilespmem:s28], [sflag:$0x4] =	stream.indirect.gather [hbm4b:s4+s21], $0x80, s14, s21, $0xb8;
	[tilespmem:$0x1E800] =	vst v63  }
0x81: {  	p0 =	sne.s32 s11, $0x4000;
	_ =	swait.ge [sflag:s29], $0x2000  }
0x82: {  	[sflag:s29] =	ssyncset.done $0x0  }
0x83: {  	s11 =	sadd.s32 $0x1400, s10;
	[sflag:s29] =	ssyncadd.s32 $0xFFFFE000  }
0x84: {  	[spmem:s2] =	stream.indirect.scatter.add.f32 [tilespmem:s18], [sflag:$0x5], $0x80, s11, s21, $0xb8;
	[tilespmem:$0x1E800] =	vst v63  }
0x85: {  	_ =	swait.ge [sflag:s19], $0x2000  }
0x86: {  	[sflag:s19] =	ssyncset.done $0x0  }
0x87: {  	s11 =	sadd.s32 $0x200, s10;
	[sflag:s19] =	ssyncadd.s32 $0xFFFFE000  }
0x88: {  	[tilespmem:s18], [sflag:$0x1] =	stream.indirect.gather [hbm4b:s4+s21], $0x80, s11, s21, $0xb8;
	[tilespmem:$0x1E800] =	vst v63  }
0x89: {  	_ =	swait.ge [sflag:s30], $0x2000  }
0x8a: {  	[sflag:s30] =	ssyncset.done $0x0  }
0x8b: {  	s11 =	sadd.s32 $0x1480, s10;
	[sflag:s30] =	ssyncadd.s32 $0xFFFFE000  }
0x8c: {  	[spmem:s2] =	stream.indirect.scatter.add.f32 [tilespmem:s23], [sflag:$0x5], $0x80, s11, s21, $0xb8;
	[tilespmem:$0x1E800] =	vst v63  }
0x8d: {  	_ =	swait.ge [sflag:s19], $0x2000  }
0x8e: {  	[sflag:s19] =	ssyncset.done $0x0  }
0x8f: {  	s11 =	sadd.s32 $0x280, s10;
	[sflag:s19] =	ssyncadd.s32 $0xFFFFE000  }
0x90: {  	[tilespmem:s23], [sflag:$0x2] =	stream.indirect.gather [hbm4b:s4+s21], $0x80, s11, s21, $0xb8;
	[tilespmem:$0x1E800] =	vst v63  }
0x91: {  	_ =	swait.ge [sflag:s31], $0x2000  }
0x92: {  	[sflag:s31] =	ssyncset.done $0x0  }
0x93: {  	s11 =	sadd.s32 $0x1500, s10;
	[sflag:s31] =	ssyncadd.s32 $0xFFFFE000  }
0x94: {  	[spmem:s2] =	stream.indirect.scatter.add.f32 [tilespmem:s26], [sflag:$0x5], $0x80, s11, s21, $0xb8;
	[tilespmem:$0x1E800] =	vst v63  }
0x95: {  	_ =	swait.ge [sflag:s19], $0x2000  }
0x96: {  	[sflag:s19] =	ssyncset.done $0x0  }
0x97: {  	s11 =	sadd.s32 $0x300, s10;
	[sflag:s19] =	ssyncadd.s32 $0xFFFFE000  }
0x98: {  	[tilespmem:s26], [sflag:$0x3] =	stream.indirect.gather [hbm4b:s4+s21], $0x80, s11, s21, $0xb8;
	[tilespmem:$0x1E800] =	vst v63  }
0x99: {  	_ =	swait.ge [sflag:s1], $0x2000  }
.Ltmp1:
0x9a: {  	[sflag:s1] =	ssyncset.done $0x0;
	(pc) =	sbr.rel @p0 .LBB2_4-.Ltmp1, $4  }
0x9b: {  	s10 =	sadd.s32 $0x1580, s10;
	[sflag:s1] =	ssyncadd.s32 $0xFFFFE000  }
0x9c: {  	[spmem:s2] =	stream.indirect.scatter.add.f32 [tilespmem:s28], [sflag:$0x5], $0x80, s10, s21, $0xb8;
	[tilespmem:$0x1E800] =	vst v63  }
0x9d: {  	_ =	swait.ge [sflag:s19], $0x2000  }
0x9e: {  	s11 =	smov.u32 s13;
	s10 =	sshra.s32 s12, $0x2;
	[sflag:s19] =	ssyncset.done $0x0  }
0x9f: {  	s11 =	sadd.s32 $0x180, s10;
	[sflag:s19] =	ssyncadd.s32 $0xFFFFE000  }
0xa0: {  	[tilespmem:s28], [sflag:$0x4] =	stream.indirect.gather [hbm4b:s4+s21], $0x80, s11, s21, $0xb8;
	[tilespmem:$0x1E800] =	vst v63  }
0xa1: {  	_ =	swait.ge [sflag:s29], $0x2000  }
0xa2: {  	[sflag:s29] =	ssyncset.done $0x0  }
0xa3: {  	s12 =	sadd.s32 $0x1400, s10;
	[sflag:s29] =	ssyncadd.s32 $0xFFFFE000  }
0xa4: {  	[spmem:s2] =	stream.indirect.scatter.add.f32 [tilespmem:s18], [sflag:$0x5], $0x80, s12, s21, $0xb8;
	[tilespmem:$0x1E800] =	vst v63  }
0xa5: {  	_ =	swait.ge [sflag:s19], $0x2000  }
0xa6: {  	[sflag:s19] =	ssyncset.done $0x0  }
0xa7: {  	s13 =	sadd.s32 $0x200, s10;
	[sflag:s19] =	ssyncadd.s32 $0xFFFFE000  }
0xa8: {  	[tilespmem:s18], [sflag:$0x1] =	stream.indirect.gather [hbm4b:s4+s21], $0x80, s13, s21, $0xb8;
	[tilespmem:$0x1E800] =	vst v63  }
0xa9: {  	_ =	swait.ge [sflag:s30], $0x2000  }
0xaa: {  	[sflag:s30] =	ssyncset.done $0x0  }
0xab: {  	s14 =	sadd.s32 $0x1480, s10;
	[sflag:s30] =	ssyncadd.s32 $0xFFFFE000  }
0xac: {  	[spmem:s2] =	stream.indirect.scatter.add.f32 [tilespmem:s23], [sflag:$0x5], $0x80, s14, s21, $0xb8;
	[tilespmem:$0x1E800] =	vst v63  }
0xad: {  	_ =	swait.ge [sflag:s19], $0x2000  }
0xae: {  	[sflag:s19] =	ssyncset.done $0x0  }
0xaf: {  	s12 =	sadd.s32 $0x280, s10;
	[sflag:s19] =	ssyncadd.s32 $0xFFFFE000  }
0xb0: {  	[tilespmem:s23], [sflag:$0x2] =	stream.indirect.gather [hbm4b:s4+s21], $0x80, s12, s21, $0xb8;
	[tilespmem:$0x1E800] =	vst v63  }
0xb1: {  	_ =	swait.ge [sflag:s31], $0x2000  }
0xb2: {  	[sflag:s31] =	ssyncset.done $0x0  }
0xb3: {  	s13 =	sadd.s32 $0x1500, s10;
	[sflag:s31] =	ssyncadd.s32 $0xFFFFE000  }
0xb4: {  	[spmem:s2] =	stream.indirect.scatter.add.f32 [tilespmem:s26], [sflag:$0x5], $0x80, s13, s21, $0xb8;
	[tilespmem:$0x1E800] =	vst v63  }
0xb5: {  	_ =	swait.ge [sflag:s19], $0x2000  }
0xb6: {  	[sflag:s19] =	ssyncset.done $0x0  }
0xb7: {  	s14 =	sadd.s32 $0x300, s10;
	[sflag:s19] =	ssyncadd.s32 $0xFFFFE000  }
0xb8: {  	[tilespmem:s26], [sflag:$0x3] =	stream.indirect.gather [hbm4b:s4+s21], $0x80, s14, s21, $0xb8;
	[tilespmem:$0x1E800] =	vst v63  }
0xb9: {  	_ =	swait.ge [sflag:s1], $0x2000  }
0xba: {  	[sflag:s1] =	ssyncset.done $0x0  }
0xbb: {  	s11 =	sadd.s32 $0x1580, s10;
	[sflag:s1] =	ssyncadd.s32 $0xFFFFE000  }
0xbc: {  	[spmem:s2] =	stream.indirect.scatter.add.f32 [tilespmem:s28], [sflag:$0x5], $0x80, s11, s21, $0xb8;
	[tilespmem:$0x1E800] =	vst v63  }
0xbd: {  	_ =	swait.ge [sflag:s19], $0x2000  }
0xbe: {  	[sflag:s19] =	ssyncset.done $0x0  }
0xbf: {  	[sflag:s19] =	ssyncadd.s32 $0xFFFFE000  }
0xc0: {  	[tilespmem:s28], [sflag:$0x4] =	stream.indirect.gather [hbm4b:s4+s21], $0x80, s0, s21, $0xb8;
	[tilespmem:$0x1E800] =	vst v63  }
0xc1: {  	_ =	swait.ge [sflag:s29], $0x2000  }
0xc2: {  	[sflag:s29] =	ssyncset.done $0x0  }
0xc3: {  	[sflag:s29] =	ssyncadd.s32 $0xFFFFE000  }
0xc4: {  	[spmem:s2] =	stream.indirect.scatter.add.f32 [tilespmem:s18], [sflag:$0x5], $0x80, s6, s21, $0xb8;
	[tilespmem:$0x1E800] =	vst v63  }
0xc5: {  	_ =	swait.ge [sflag:s19], $0x2000  }
0xc6: {  	[sflag:s19] =	ssyncset.done $0x0  }
0xc7: {  	[sflag:s19] =	ssyncadd.s32 $0xFFFFE000  }
0xc8: {  	_ =	swait.ge [sflag:s30], $0x2000  }
0xc9: {  	[sflag:s30] =	ssyncset.done $0x0  }
0xca: {  	[sflag:s30] =	ssyncadd.s32 $0xFFFFE000  }
0xcb: {  	[spmem:s2] =	stream.indirect.scatter.add.f32 [tilespmem:s23], [sflag:$0x5], $0x80, s7, s21, $0xb8;
	[tilespmem:$0x1E800] =	vst v63  }
0xcc: {  	_ =	swait.ge [sflag:s19], $0x2000  }
0xcd: {  	[sflag:s19] =	ssyncset.done $0x0  }
0xce: {  	[sflag:s19] =	ssyncadd.s32 $0xFFFFE000  }
0xcf: {  	_ =	swait.ge [sflag:s31], $0x2000  }
0xd0: {  	[sflag:s31] =	ssyncset.done $0x0  }
0xd1: {  	[sflag:s31] =	ssyncadd.s32 $0xFFFFE000  }
0xd2: {  	[spmem:s2] =	stream.indirect.scatter.add.f32 [tilespmem:s26], [sflag:$0x5], $0x80, s8, s21, $0xb8;
	[tilespmem:$0x1E800] =	vst v63  }
0xd3: {  	_ =	swait.ge [sflag:s19], $0x2000  }
0xd4: {  	[sflag:s19] =	ssyncset.done $0x0  }
0xd5: {  	[sflag:s19] =	ssyncadd.s32 $0xFFFFE000  }
0xd6: {  	_ =	swait.ge [sflag:s1], $0x2000  }
0xd7: {  	[sflag:s1] =	ssyncset.done $0x0  }
0xd8: {  	[sflag:s1] =	ssyncadd.s32 $0xFFFFE000  }
0xd9: {  	[spmem:s2] =	stream.indirect.scatter.add.f32 [tilespmem:s28], [sflag:$0x5], $0x80, s9, s21, $0xb8;
	[tilespmem:$0x1E800] =	vst v63  }
0xda: {  	_ =	swait.ge [sflag:s19], $0x2000  }
0xdb: {  	[sflag:s19] =	ssyncset.done $0x0  }
0xdc: {  	s12 =	sadd.s32 $0x280, s15;
	s13 =	simm.s32 $0x0;
	[sflag:s19] =	ssyncadd.s32 $0xFFFFE000  }
0xdd: {  	[tilespmem:s13], [sflag:$0x5] =	stream.linear.gather [hbm4b:s12+s13], $0x1400, $0x38;
	[tilespmem:$0x1E800] =	vst v63  }
0xde: {  	_ =	swait.ge [sflag:s19], $0x1400  }
0xdf: {  	[sflag:s19] =	ssyncset.done $0x0  }
0xe0: {  	s14 =	sadd.s32 $0x280, s16;
	[sflag:s19] =	ssyncadd.s32 $0xFFFFEC00  }
0xe1: {  	[tilespmem:s20], [sflag:$0x5] =	stream.linear.gather [hbm4b:s14+s13], $0x1400, $0x38;
	[tilespmem:$0x1E800] =	vst v63  }
0xe2: {  	_ =	swait.ge [sflag:s19], $0x1400  }
0xe3: {  	[sflag:s19] =	ssyncset.done $0x0  }
0xe4: {  	[sflag:s19] =	ssyncadd.s32 $0xFFFFEC00  }
0xe5: {  	[tilespmem:s18], [sflag:$0x1] =	stream.indirect.gather [hbm4b:s4+s21], $0x80, s13, s21, $0xb8;
	[tilespmem:$0x1E800] =	vst v63  }
0xe6: {  	_ = 	snop  }
0xe7: {  	[tilespmem:s23], [sflag:$0x2] =	stream.indirect.gather [hbm4b:s4+s21], $0x80, s22, s21, $0xb8;
	[tilespmem:$0x1E800] =	vst v63  }
0xe8: {  	_ = 	snop  }
0xe9: {  	[tilespmem:s26], [sflag:$0x3] =	stream.indirect.gather [hbm4b:s4+s21], $0x80, s25, s21, $0xb8;
	[tilespmem:$0x1E800] =	vst v63  }
0xea: {  	s11 =	simm.s32 $0x180  }
0xeb: {  	[tilespmem:s28], [sflag:$0x4] =	stream.indirect.gather [hbm4b:s4+s21], $0x80, s11, s21, $0xb8;
	[tilespmem:$0x1E800] =	vst v63  }
0xec: {  	_ =	swait.ge [sflag:s29], $0x2000  }
0xed: {  	[sflag:s29] =	ssyncset.done $0x0  }
0xee: {  	s12 =	simm.s32 $0x1400;
	[sflag:s29] =	ssyncadd.s32 $0xFFFFE000  }
0xef: {  	[spmem:s2] =	stream.indirect.scatter.add.f32 [tilespmem:s18], [sflag:$0x5], $0x80, s12, s21, $0xb8;
	[tilespmem:$0x1E800] =	vst v63  }
0xf0: {  	_ =	swait.ge [sflag:s19], $0x2000  }
0xf1: {  	[sflag:s19] =	ssyncset.done $0x0  }
0xf2: {  	s13 =	simm.s32 $0x200;
	[sflag:s19] =	ssyncadd.s32 $0xFFFFE000  }
0xf3: {  	[tilespmem:s18], [sflag:$0x1] =	stream.indirect.gather [hbm4b:s4+s21], $0x80, s13, s21, $0xb8;
	[tilespmem:$0x1E800] =	vst v63  }
0xf4: {  	_ =	swait.ge [sflag:s30], $0x2000  }
0xf5: {  	[sflag:s30] =	ssyncset.done $0x0  }
0xf6: {  	s14 =	simm.s32 $0x1480;
	[sflag:s30] =	ssyncadd.s32 $0xFFFFE000  }
0xf7: {  	[spmem:s2] =	stream.indirect.scatter.add.f32 [tilespmem:s23], [sflag:$0x5], $0x80, s14, s21, $0xb8;
	[tilespmem:$0x1E800] =	vst v63  }
0xf8: {  	_ =	swait.ge [sflag:s19], $0x2000  }
0xf9: {  	[sflag:s19] =	ssyncset.done $0x0  }
0xfa: {  	s11 =	simm.s32 $0x280;
	[sflag:s19] =	ssyncadd.s32 $0xFFFFE000  }
0xfb: {  	[tilespmem:s23], [sflag:$0x2] =	stream.indirect.gather [hbm4b:s4+s21], $0x80, s11, s21, $0xb8;
	[tilespmem:$0x1E800] =	vst v63  }
0xfc: {  	_ =	swait.ge [sflag:s31], $0x2000  }
0xfd: {  	[sflag:s31] =	ssyncset.done $0x0  }
0xfe: {  	s12 =	simm.s32 $0x1500;
	[sflag:s31] =	ssyncadd.s32 $0xFFFFE000  }
0xff: {  	[spmem:s2] =	stream.indirect.scatter.add.f32 [tilespmem:s26], [sflag:$0x5], $0x80, s12, s21, $0xb8;
	[tilespmem:$0x1E800] =	vst v63  }
0x100: {  	_ =	swait.ge [sflag:s19], $0x2000  }
0x101: {  	[sflag:s19] =	ssyncset.done $0x0  }
0x102: {  	s13 =	simm.s32 $0x300;
	[sflag:s19] =	ssyncadd.s32 $0xFFFFE000  }
0x103: {  	[tilespmem:s26], [sflag:$0x3] =	stream.indirect.gather [hbm4b:s4+s21], $0x80, s13, s21, $0xb8;
	[tilespmem:$0x1E800] =	vst v63  }
0x104: {  	_ =	swait.ge [sflag:s1], $0x2000  }
0x105: {  	[sflag:s1] =	ssyncset.done $0x0  }
0x106: {  	s14 =	simm.s32 $0x1580;
	[sflag:s1] =	ssyncadd.s32 $0xFFFFE000  }
0x107: {  	[spmem:s2] =	stream.indirect.scatter.add.f32 [tilespmem:s28], [sflag:$0x5], $0x80, s14, s21, $0xb8;
	[tilespmem:$0x1E800] =	vst v63  }
0x108: {  	_ =	swait.ge [sflag:s19], $0x2000  }
0x109: {  	s10 =	simm.s32 $0x200;
	s13 =	simm.s32 $0x1000;
	[sflag:s19] =	ssyncset.done $0x0  }
.LBB2_6:
0x10a: {  	s14 =	sadd.s32 $0x180, s10  }
0x10b: {  	[sflag:s19] =	ssyncadd.s32 $0xFFFFE000;
	s12 =	smov.u32 s13;
	s11 =	sadd.s32 $0x800, s13  }
0x10c: {  	[tilespmem:s28], [sflag:$0x4] =	stream.indirect.gather [hbm4b:s4+s21], $0x80, s14, s21, $0xb8;
	[tilespmem:$0x1E800] =	vst v63  }
0x10d: {  	p0 =	sne.s32 s13, $0x4000;
	_ =	swait.ge [sflag:s29], $0x2000  }
0x10e: {  	[sflag:s29] =	ssyncset.done $0x0  }
0x10f: {  	s13 =	sadd.s32 $0x1400, s10;
	[sflag:s29] =	ssyncadd.s32 $0xFFFFE000  }
0x110: {  	[spmem:s2] =	stream.indirect.scatter.add.f32 [tilespmem:s18], [sflag:$0x5], $0x80, s13, s21, $0xb8;
	[tilespmem:$0x1E800] =	vst v63  }
0x111: {  	_ =	swait.ge [sflag:s19], $0x2000  }
0x112: {  	[sflag:s19] =	ssyncset.done $0x0  }
0x113: {  	s13 =	sadd.s32 $0x200, s10;
	[sflag:s19] =	ssyncadd.s32 $0xFFFFE000  }
0x114: {  	[tilespmem:s18], [sflag:$0x1] =	stream.indirect.gather [hbm4b:s4+s21], $0x80, s13, s21, $0xb8;
	[tilespmem:$0x1E800] =	vst v63  }
0x115: {  	_ =	swait.ge [sflag:s30], $0x2000  }
0x116: {  	[sflag:s30] =	ssyncset.done $0x0  }
0x117: {  	s13 =	sadd.s32 $0x1480, s10;
	[sflag:s30] =	ssyncadd.s32 $0xFFFFE000  }
0x118: {  	[spmem:s2] =	stream.indirect.scatter.add.f32 [tilespmem:s23], [sflag:$0x5], $0x80, s13, s21, $0xb8;
	[tilespmem:$0x1E800] =	vst v63  }
0x119: {  	_ =	swait.ge [sflag:s19], $0x2000  }
0x11a: {  	[sflag:s19] =	ssyncset.done $0x0  }
0x11b: {  	s13 =	sadd.s32 $0x280, s10;
	[sflag:s19] =	ssyncadd.s32 $0xFFFFE000  }
0x11c: {  	[tilespmem:s23], [sflag:$0x2] =	stream.indirect.gather [hbm4b:s4+s21], $0x80, s13, s21, $0xb8;
	[tilespmem:$0x1E800] =	vst v63  }
0x11d: {  	_ =	swait.ge [sflag:s31], $0x2000  }
0x11e: {  	[sflag:s31] =	ssyncset.done $0x0  }
0x11f: {  	s13 =	sadd.s32 $0x1500, s10;
	[sflag:s31] =	ssyncadd.s32 $0xFFFFE000  }
0x120: {  	[spmem:s2] =	stream.indirect.scatter.add.f32 [tilespmem:s26], [sflag:$0x5], $0x80, s13, s21, $0xb8;
	[tilespmem:$0x1E800] =	vst v63  }
0x121: {  	_ =	swait.ge [sflag:s19], $0x2000  }
0x122: {  	[sflag:s19] =	ssyncset.done $0x0  }
0x123: {  	s13 =	sadd.s32 $0x300, s10;
	[sflag:s19] =	ssyncadd.s32 $0xFFFFE000  }
0x124: {  	[tilespmem:s26], [sflag:$0x3] =	stream.indirect.gather [hbm4b:s4+s21], $0x80, s13, s21, $0xb8;
	[tilespmem:$0x1E800] =	vst v63  }
0x125: {  	_ =	swait.ge [sflag:s1], $0x2000  }
.Ltmp2:
0x126: {  	[sflag:s1] =	ssyncset.done $0x0;
	(pc) =	sbr.rel @p0 .LBB2_6-.Ltmp2, $4  }
0x127: {  	s10 =	sadd.s32 $0x1580, s10;
	[sflag:s1] =	ssyncadd.s32 $0xFFFFE000  }
0x128: {  	[spmem:s2] =	stream.indirect.scatter.add.f32 [tilespmem:s28], [sflag:$0x5], $0x80, s10, s21, $0xb8;
	[tilespmem:$0x1E800] =	vst v63  }
0x129: {  	_ =	swait.ge [sflag:s19], $0x2000  }
0x12a: {  	s13 =	smov.u32 s11;
	s10 =	sshra.s32 s12, $0x2;
	[sflag:s19] =	ssyncset.done $0x0  }
0x12b: {  	s11 =	sadd.s32 $0x180, s10;
	[sflag:s19] =	ssyncadd.s32 $0xFFFFE000  }
0x12c: {  	[tilespmem:s28], [sflag:$0x4] =	stream.indirect.gather [hbm4b:s4+s21], $0x80, s11, s21, $0xb8;
	[tilespmem:$0x1E800] =	vst v63  }
0x12d: {  	_ =	swait.ge [sflag:s29], $0x2000  }
0x12e: {  	[sflag:s29] =	ssyncset.done $0x0  }
0x12f: {  	s12 =	sadd.s32 $0x1400, s10;
	[sflag:s29] =	ssyncadd.s32 $0xFFFFE000  }
0x130: {  	[spmem:s2] =	stream.indirect.scatter.add.f32 [tilespmem:s18], [sflag:$0x5], $0x80, s12, s21, $0xb8;
	[tilespmem:$0x1E800] =	vst v63  }
0x131: {  	_ =	swait.ge [sflag:s19], $0x2000  }
0x132: {  	[sflag:s19] =	ssyncset.done $0x0  }
0x133: {  	s13 =	sadd.s32 $0x200, s10;
	[sflag:s19] =	ssyncadd.s32 $0xFFFFE000  }
0x134: {  	[tilespmem:s18], [sflag:$0x1] =	stream.indirect.gather [hbm4b:s4+s21], $0x80, s13, s21, $0xb8;
	[tilespmem:$0x1E800] =	vst v63  }
0x135: {  	_ =	swait.ge [sflag:s30], $0x2000  }
0x136: {  	[sflag:s30] =	ssyncset.done $0x0  }
0x137: {  	s14 =	sadd.s32 $0x1480, s10;
	[sflag:s30] =	ssyncadd.s32 $0xFFFFE000  }
0x138: {  	[spmem:s2] =	stream.indirect.scatter.add.f32 [tilespmem:s23], [sflag:$0x5], $0x80, s14, s21, $0xb8;
	[tilespmem:$0x1E800] =	vst v63  }
0x139: {  	_ =	swait.ge [sflag:s19], $0x2000  }
0x13a: {  	[sflag:s19] =	ssyncset.done $0x0  }
0x13b: {  	s12 =	sadd.s32 $0x280, s10;
	[sflag:s19] =	ssyncadd.s32 $0xFFFFE000  }
0x13c: {  	[tilespmem:s23], [sflag:$0x2] =	stream.indirect.gather [hbm4b:s4+s21], $0x80, s12, s21, $0xb8;
	[tilespmem:$0x1E800] =	vst v63  }
0x13d: {  	_ =	swait.ge [sflag:s31], $0x2000  }
0x13e: {  	[sflag:s31] =	ssyncset.done $0x0  }
0x13f: {  	s13 =	sadd.s32 $0x1500, s10;
	[sflag:s31] =	ssyncadd.s32 $0xFFFFE000  }
0x140: {  	[spmem:s2] =	stream.indirect.scatter.add.f32 [tilespmem:s26], [sflag:$0x5], $0x80, s13, s21, $0xb8;
	[tilespmem:$0x1E800] =	vst v63  }
0x141: {  	_ =	swait.ge [sflag:s19], $0x2000  }
0x142: {  	[sflag:s19] =	ssyncset.done $0x0  }
0x143: {  	s14 =	sadd.s32 $0x300, s10;
	[sflag:s19] =	ssyncadd.s32 $0xFFFFE000  }
0x144: {  	[tilespmem:s26], [sflag:$0x3] =	stream.indirect.gather [hbm4b:s4+s21], $0x80, s14, s21, $0xb8;
	[tilespmem:$0x1E800] =	vst v63  }
0x145: {  	_ =	swait.ge [sflag:s1], $0x2000  }
0x146: {  	[sflag:s1] =	ssyncset.done $0x0  }
0x147: {  	s11 =	sadd.s32 $0x1580, s10;
	[sflag:s1] =	ssyncadd.s32 $0xFFFFE000  }
0x148: {  	[spmem:s2] =	stream.indirect.scatter.add.f32 [tilespmem:s28], [sflag:$0x5], $0x80, s11, s21, $0xb8;
	[tilespmem:$0x1E800] =	vst v63  }
0x149: {  	_ =	swait.ge [sflag:s19], $0x2000  }
0x14a: {  	[sflag:s19] =	ssyncset.done $0x0  }
0x14b: {  	[sflag:s19] =	ssyncadd.s32 $0xFFFFE000  }
0x14c: {  	[tilespmem:s28], [sflag:$0x4] =	stream.indirect.gather [hbm4b:s4+s21], $0x80, s0, s21, $0xb8;
	[tilespmem:$0x1E800] =	vst v63  }
0x14d: {  	_ =	swait.ge [sflag:s29], $0x2000  }
0x14e: {  	[sflag:s29] =	ssyncset.done $0x0  }
0x14f: {  	[sflag:s29] =	ssyncadd.s32 $0xFFFFE000  }
0x150: {  	[spmem:s2] =	stream.indirect.scatter.add.f32 [tilespmem:s18], [sflag:$0x5], $0x80, s6, s21, $0xb8;
	[tilespmem:$0x1E800] =	vst v63  }
0x151: {  	_ =	swait.ge [sflag:s19], $0x2000  }
0x152: {  	[sflag:s19] =	ssyncset.done $0x0  }
0x153: {  	[sflag:s19] =	ssyncadd.s32 $0xFFFFE000  }
0x154: {  	_ =	swait.ge [sflag:s30], $0x2000  }
0x155: {  	[sflag:s30] =	ssyncset.done $0x0  }
0x156: {  	[sflag:s30] =	ssyncadd.s32 $0xFFFFE000  }
0x157: {  	[spmem:s2] =	stream.indirect.scatter.add.f32 [tilespmem:s23], [sflag:$0x5], $0x80, s7, s21, $0xb8;
	[tilespmem:$0x1E800] =	vst v63  }
0x158: {  	_ =	swait.ge [sflag:s19], $0x2000  }
0x159: {  	[sflag:s19] =	ssyncset.done $0x0  }
0x15a: {  	[sflag:s19] =	ssyncadd.s32 $0xFFFFE000  }
0x15b: {  	_ =	swait.ge [sflag:s31], $0x2000  }
0x15c: {  	[sflag:s31] =	ssyncset.done $0x0  }
0x15d: {  	[sflag:s31] =	ssyncadd.s32 $0xFFFFE000  }
0x15e: {  	[spmem:s2] =	stream.indirect.scatter.add.f32 [tilespmem:s26], [sflag:$0x5], $0x80, s8, s21, $0xb8;
	[tilespmem:$0x1E800] =	vst v63  }
0x15f: {  	_ =	swait.ge [sflag:s19], $0x2000  }
0x160: {  	[sflag:s19] =	ssyncset.done $0x0  }
0x161: {  	[sflag:s19] =	ssyncadd.s32 $0xFFFFE000  }
0x162: {  	_ =	swait.ge [sflag:s1], $0x2000  }
0x163: {  	[sflag:s1] =	ssyncset.done $0x0  }
0x164: {  	[sflag:s1] =	ssyncadd.s32 $0xFFFFE000  }
0x165: {  	[spmem:s2] =	stream.indirect.scatter.add.f32 [tilespmem:s28], [sflag:$0x5], $0x80, s9, s21, $0xb8;
	[tilespmem:$0x1E800] =	vst v63  }
0x166: {  	_ =	swait.ge [sflag:s19], $0x2000  }
0x167: {  	[sflag:s19] =	ssyncset.done $0x0  }
0x168: {  	s12 =	sadd.s32 $0x500, s15;
	s13 =	simm.s32 $0x0;
	[sflag:s19] =	ssyncadd.s32 $0xFFFFE000  }
0x169: {  	[tilespmem:s13], [sflag:$0x5] =	stream.linear.gather [hbm4b:s12+s13], $0x1400, $0x38;
	[tilespmem:$0x1E800] =	vst v63  }
0x16a: {  	_ =	swait.ge [sflag:s19], $0x1400  }
0x16b: {  	[sflag:s19] =	ssyncset.done $0x0  }
0x16c: {  	s14 =	sadd.s32 $0x500, s16;
	[sflag:s19] =	ssyncadd.s32 $0xFFFFEC00  }
0x16d: {  	[tilespmem:s20], [sflag:$0x5] =	stream.linear.gather [hbm4b:s14+s13], $0x1400, $0x38;
	[tilespmem:$0x1E800] =	vst v63  }
0x16e: {  	_ =	swait.ge [sflag:s19], $0x1400  }
0x16f: {  	[sflag:s19] =	ssyncset.done $0x0  }
0x170: {  	[sflag:s19] =	ssyncadd.s32 $0xFFFFEC00  }
0x171: {  	[tilespmem:s18], [sflag:$0x1] =	stream.indirect.gather [hbm4b:s4+s21], $0x80, s13, s21, $0xb8;
	[tilespmem:$0x1E800] =	vst v63  }
0x172: {  	_ = 	snop  }
0x173: {  	[tilespmem:s23], [sflag:$0x2] =	stream.indirect.gather [hbm4b:s4+s21], $0x80, s22, s21, $0xb8;
	[tilespmem:$0x1E800] =	vst v63  }
0x174: {  	_ = 	snop  }
0x175: {  	[tilespmem:s26], [sflag:$0x3] =	stream.indirect.gather [hbm4b:s4+s21], $0x80, s25, s21, $0xb8;
	[tilespmem:$0x1E800] =	vst v63  }
0x176: {  	s11 =	simm.s32 $0x180  }
0x177: {  	[tilespmem:s28], [sflag:$0x4] =	stream.indirect.gather [hbm4b:s4+s21], $0x80, s11, s21, $0xb8;
	[tilespmem:$0x1E800] =	vst v63  }
0x178: {  	_ =	swait.ge [sflag:s29], $0x2000  }
0x179: {  	[sflag:s29] =	ssyncset.done $0x0  }
0x17a: {  	s12 =	simm.s32 $0x1400;
	[sflag:s29] =	ssyncadd.s32 $0xFFFFE000  }
0x17b: {  	[spmem:s2] =	stream.indirect.scatter.add.f32 [tilespmem:s18], [sflag:$0x5], $0x80, s12, s21, $0xb8;
	[tilespmem:$0x1E800] =	vst v63  }
0x17c: {  	_ =	swait.ge [sflag:s19], $0x2000  }
0x17d: {  	[sflag:s19] =	ssyncset.done $0x0  }
0x17e: {  	s13 =	simm.s32 $0x200;
	[sflag:s19] =	ssyncadd.s32 $0xFFFFE000  }
0x17f: {  	[tilespmem:s18], [sflag:$0x1] =	stream.indirect.gather [hbm4b:s4+s21], $0x80, s13, s21, $0xb8;
	[tilespmem:$0x1E800] =	vst v63  }
0x180: {  	_ =	swait.ge [sflag:s30], $0x2000  }
0x181: {  	[sflag:s30] =	ssyncset.done $0x0  }
0x182: {  	s14 =	simm.s32 $0x1480;
	[sflag:s30] =	ssyncadd.s32 $0xFFFFE000  }
0x183: {  	[spmem:s2] =	stream.indirect.scatter.add.f32 [tilespmem:s23], [sflag:$0x5], $0x80, s14, s21, $0xb8;
	[tilespmem:$0x1E800] =	vst v63  }
0x184: {  	_ =	swait.ge [sflag:s19], $0x2000  }
0x185: {  	[sflag:s19] =	ssyncset.done $0x0  }
0x186: {  	s11 =	simm.s32 $0x280;
	[sflag:s19] =	ssyncadd.s32 $0xFFFFE000  }
0x187: {  	[tilespmem:s23], [sflag:$0x2] =	stream.indirect.gather [hbm4b:s4+s21], $0x80, s11, s21, $0xb8;
	[tilespmem:$0x1E800] =	vst v63  }
0x188: {  	_ =	swait.ge [sflag:s31], $0x2000  }
0x189: {  	[sflag:s31] =	ssyncset.done $0x0  }
0x18a: {  	s12 =	simm.s32 $0x1500;
	[sflag:s31] =	ssyncadd.s32 $0xFFFFE000  }
0x18b: {  	[spmem:s2] =	stream.indirect.scatter.add.f32 [tilespmem:s26], [sflag:$0x5], $0x80, s12, s21, $0xb8;
	[tilespmem:$0x1E800] =	vst v63  }
0x18c: {  	_ =	swait.ge [sflag:s19], $0x2000  }
0x18d: {  	[sflag:s19] =	ssyncset.done $0x0  }
0x18e: {  	s13 =	simm.s32 $0x300;
	[sflag:s19] =	ssyncadd.s32 $0xFFFFE000  }
0x18f: {  	[tilespmem:s26], [sflag:$0x3] =	stream.indirect.gather [hbm4b:s4+s21], $0x80, s13, s21, $0xb8;
	[tilespmem:$0x1E800] =	vst v63  }
0x190: {  	_ =	swait.ge [sflag:s1], $0x2000  }
0x191: {  	[sflag:s1] =	ssyncset.done $0x0  }
0x192: {  	s14 =	simm.s32 $0x1580;
	[sflag:s1] =	ssyncadd.s32 $0xFFFFE000  }
0x193: {  	[spmem:s2] =	stream.indirect.scatter.add.f32 [tilespmem:s28], [sflag:$0x5], $0x80, s14, s21, $0xb8;
	[tilespmem:$0x1E800] =	vst v63  }
0x194: {  	_ =	swait.ge [sflag:s19], $0x2000  }
0x195: {  	s10 =	simm.s32 $0x200;
	s13 =	simm.s32 $0x1000;
	[sflag:s19] =	ssyncset.done $0x0  }
.LBB2_8:
0x196: {  	s14 =	sadd.s32 $0x180, s10  }
0x197: {  	[sflag:s19] =	ssyncadd.s32 $0xFFFFE000;
	s12 =	smov.u32 s13;
	s11 =	sadd.s32 $0x800, s13  }
0x198: {  	[tilespmem:s28], [sflag:$0x4] =	stream.indirect.gather [hbm4b:s4+s21], $0x80, s14, s21, $0xb8;
	[tilespmem:$0x1E800] =	vst v63  }
0x199: {  	p0 =	sne.s32 s13, $0x4000;
	_ =	swait.ge [sflag:s29], $0x2000  }
0x19a: {  	[sflag:s29] =	ssyncset.done $0x0  }
0x19b: {  	s13 =	sadd.s32 $0x1400, s10;
	[sflag:s29] =	ssyncadd.s32 $0xFFFFE000  }
0x19c: {  	[spmem:s2] =	stream.indirect.scatter.add.f32 [tilespmem:s18], [sflag:$0x5], $0x80, s13, s21, $0xb8;
	[tilespmem:$0x1E800] =	vst v63  }
0x19d: {  	_ =	swait.ge [sflag:s19], $0x2000  }
0x19e: {  	[sflag:s19] =	ssyncset.done $0x0  }
0x19f: {  	s13 =	sadd.s32 $0x200, s10;
	[sflag:s19] =	ssyncadd.s32 $0xFFFFE000  }
0x1a0: {  	[tilespmem:s18], [sflag:$0x1] =	stream.indirect.gather [hbm4b:s4+s21], $0x80, s13, s21, $0xb8;
	[tilespmem:$0x1E800] =	vst v63  }
0x1a1: {  	_ =	swait.ge [sflag:s30], $0x2000  }
0x1a2: {  	[sflag:s30] =	ssyncset.done $0x0  }
0x1a3: {  	s13 =	sadd.s32 $0x1480, s10;
	[sflag:s30] =	ssyncadd.s32 $0xFFFFE000  }
0x1a4: {  	[spmem:s2] =	stream.indirect.scatter.add.f32 [tilespmem:s23], [sflag:$0x5], $0x80, s13, s21, $0xb8;
	[tilespmem:$0x1E800] =	vst v63  }
0x1a5: {  	_ =	swait.ge [sflag:s19], $0x2000  }
0x1a6: {  	[sflag:s19] =	ssyncset.done $0x0  }
0x1a7: {  	s13 =	sadd.s32 $0x280, s10;
	[sflag:s19] =	ssyncadd.s32 $0xFFFFE000  }
0x1a8: {  	[tilespmem:s23], [sflag:$0x2] =	stream.indirect.gather [hbm4b:s4+s21], $0x80, s13, s21, $0xb8;
	[tilespmem:$0x1E800] =	vst v63  }
0x1a9: {  	_ =	swait.ge [sflag:s31], $0x2000  }
0x1aa: {  	[sflag:s31] =	ssyncset.done $0x0  }
0x1ab: {  	s13 =	sadd.s32 $0x1500, s10;
	[sflag:s31] =	ssyncadd.s32 $0xFFFFE000  }
0x1ac: {  	[spmem:s2] =	stream.indirect.scatter.add.f32 [tilespmem:s26], [sflag:$0x5], $0x80, s13, s21, $0xb8;
	[tilespmem:$0x1E800] =	vst v63  }
0x1ad: {  	_ =	swait.ge [sflag:s19], $0x2000  }
0x1ae: {  	[sflag:s19] =	ssyncset.done $0x0  }
0x1af: {  	s13 =	sadd.s32 $0x300, s10;
	[sflag:s19] =	ssyncadd.s32 $0xFFFFE000  }
0x1b0: {  	[tilespmem:s26], [sflag:$0x3] =	stream.indirect.gather [hbm4b:s4+s21], $0x80, s13, s21, $0xb8;
	[tilespmem:$0x1E800] =	vst v63  }
0x1b1: {  	_ =	swait.ge [sflag:s1], $0x2000  }
.Ltmp3:
0x1b2: {  	[sflag:s1] =	ssyncset.done $0x0;
	(pc) =	sbr.rel @p0 .LBB2_8-.Ltmp3, $4  }
0x1b3: {  	s10 =	sadd.s32 $0x1580, s10;
	[sflag:s1] =	ssyncadd.s32 $0xFFFFE000  }
0x1b4: {  	[spmem:s2] =	stream.indirect.scatter.add.f32 [tilespmem:s28], [sflag:$0x5], $0x80, s10, s21, $0xb8;
	[tilespmem:$0x1E800] =	vst v63  }
0x1b5: {  	_ =	swait.ge [sflag:s19], $0x2000  }
0x1b6: {  	s13 =	smov.u32 s11;
	s10 =	sshra.s32 s12, $0x2;
	[sflag:s19] =	ssyncset.done $0x0  }
0x1b7: {  	s11 =	sadd.s32 $0x180, s10;
	[sflag:s19] =	ssyncadd.s32 $0xFFFFE000  }
0x1b8: {  	[tilespmem:s28], [sflag:$0x4] =	stream.indirect.gather [hbm4b:s4+s21], $0x80, s11, s21, $0xb8;
	[tilespmem:$0x1E800] =	vst v63  }
0x1b9: {  	_ =	swait.ge [sflag:s29], $0x2000  }
0x1ba: {  	[sflag:s29] =	ssyncset.done $0x0  }
0x1bb: {  	s12 =	sadd.s32 $0x1400, s10;
	[sflag:s29] =	ssyncadd.s32 $0xFFFFE000  }
0x1bc: {  	[spmem:s2] =	stream.indirect.scatter.add.f32 [tilespmem:s18], [sflag:$0x5], $0x80, s12, s21, $0xb8;
	[tilespmem:$0x1E800] =	vst v63  }
0x1bd: {  	_ =	swait.ge [sflag:s19], $0x2000  }
0x1be: {  	[sflag:s19] =	ssyncset.done $0x0  }
0x1bf: {  	s13 =	sadd.s32 $0x200, s10;
	[sflag:s19] =	ssyncadd.s32 $0xFFFFE000  }
0x1c0: {  	[tilespmem:s18], [sflag:$0x1] =	stream.indirect.gather [hbm4b:s4+s21], $0x80, s13, s21, $0xb8;
	[tilespmem:$0x1E800] =	vst v63  }
0x1c1: {  	_ =	swait.ge [sflag:s30], $0x2000  }
0x1c2: {  	[sflag:s30] =	ssyncset.done $0x0  }
0x1c3: {  	s14 =	sadd.s32 $0x1480, s10;
	[sflag:s30] =	ssyncadd.s32 $0xFFFFE000  }
0x1c4: {  	[spmem:s2] =	stream.indirect.scatter.add.f32 [tilespmem:s23], [sflag:$0x5], $0x80, s14, s21, $0xb8;
	[tilespmem:$0x1E800] =	vst v63  }
0x1c5: {  	_ =	swait.ge [sflag:s19], $0x2000  }
0x1c6: {  	[sflag:s19] =	ssyncset.done $0x0  }
0x1c7: {  	s12 =	sadd.s32 $0x280, s10;
	[sflag:s19] =	ssyncadd.s32 $0xFFFFE000  }
0x1c8: {  	[tilespmem:s23], [sflag:$0x2] =	stream.indirect.gather [hbm4b:s4+s21], $0x80, s12, s21, $0xb8;
	[tilespmem:$0x1E800] =	vst v63  }
0x1c9: {  	_ =	swait.ge [sflag:s31], $0x2000  }
0x1ca: {  	[sflag:s31] =	ssyncset.done $0x0  }
0x1cb: {  	s13 =	sadd.s32 $0x1500, s10;
	[sflag:s31] =	ssyncadd.s32 $0xFFFFE000  }
0x1cc: {  	[spmem:s2] =	stream.indirect.scatter.add.f32 [tilespmem:s26], [sflag:$0x5], $0x80, s13, s21, $0xb8;
	[tilespmem:$0x1E800] =	vst v63  }
0x1cd: {  	_ =	swait.ge [sflag:s19], $0x2000  }
0x1ce: {  	[sflag:s19] =	ssyncset.done $0x0  }
0x1cf: {  	s14 =	sadd.s32 $0x300, s10;
	[sflag:s19] =	ssyncadd.s32 $0xFFFFE000  }
0x1d0: {  	[tilespmem:s26], [sflag:$0x3] =	stream.indirect.gather [hbm4b:s4+s21], $0x80, s14, s21, $0xb8;
	[tilespmem:$0x1E800] =	vst v63  }
0x1d1: {  	_ =	swait.ge [sflag:s1], $0x2000  }
0x1d2: {  	[sflag:s1] =	ssyncset.done $0x0  }
0x1d3: {  	s11 =	sadd.s32 $0x1580, s10;
	[sflag:s1] =	ssyncadd.s32 $0xFFFFE000  }
0x1d4: {  	[spmem:s2] =	stream.indirect.scatter.add.f32 [tilespmem:s28], [sflag:$0x5], $0x80, s11, s21, $0xb8;
	[tilespmem:$0x1E800] =	vst v63  }
0x1d5: {  	_ =	swait.ge [sflag:s19], $0x2000  }
0x1d6: {  	[sflag:s19] =	ssyncset.done $0x0  }
0x1d7: {  	[sflag:s19] =	ssyncadd.s32 $0xFFFFE000  }
0x1d8: {  	[tilespmem:s28], [sflag:$0x4] =	stream.indirect.gather [hbm4b:s4+s21], $0x80, s0, s21, $0xb8;
	[tilespmem:$0x1E800] =	vst v63  }
0x1d9: {  	_ =	swait.ge [sflag:s29], $0x2000  }
0x1da: {  	[sflag:s29] =	ssyncset.done $0x0  }
0x1db: {  	[sflag:s29] =	ssyncadd.s32 $0xFFFFE000  }
0x1dc: {  	[spmem:s2] =	stream.indirect.scatter.add.f32 [tilespmem:s18], [sflag:$0x5], $0x80, s6, s21, $0xb8;
	[tilespmem:$0x1E800] =	vst v63  }
0x1dd: {  	_ =	swait.ge [sflag:s19], $0x2000  }
0x1de: {  	[sflag:s19] =	ssyncset.done $0x0  }
0x1df: {  	[sflag:s19] =	ssyncadd.s32 $0xFFFFE000  }
0x1e0: {  	_ =	swait.ge [sflag:s30], $0x2000  }
0x1e1: {  	[sflag:s30] =	ssyncset.done $0x0  }
0x1e2: {  	[sflag:s30] =	ssyncadd.s32 $0xFFFFE000  }
0x1e3: {  	[spmem:s2] =	stream.indirect.scatter.add.f32 [tilespmem:s23], [sflag:$0x5], $0x80, s7, s21, $0xb8;
	[tilespmem:$0x1E800] =	vst v63  }
0x1e4: {  	_ =	swait.ge [sflag:s19], $0x2000  }
0x1e5: {  	[sflag:s19] =	ssyncset.done $0x0  }
0x1e6: {  	[sflag:s19] =	ssyncadd.s32 $0xFFFFE000  }
0x1e7: {  	_ =	swait.ge [sflag:s31], $0x2000  }
0x1e8: {  	[sflag:s31] =	ssyncset.done $0x0  }
0x1e9: {  	[sflag:s31] =	ssyncadd.s32 $0xFFFFE000  }
0x1ea: {  	[spmem:s2] =	stream.indirect.scatter.add.f32 [tilespmem:s26], [sflag:$0x5], $0x80, s8, s21, $0xb8;
	[tilespmem:$0x1E800] =	vst v63  }
0x1eb: {  	_ =	swait.ge [sflag:s19], $0x2000  }
0x1ec: {  	[sflag:s19] =	ssyncset.done $0x0  }
0x1ed: {  	[sflag:s19] =	ssyncadd.s32 $0xFFFFE000  }
0x1ee: {  	_ =	swait.ge [sflag:s1], $0x2000  }
0x1ef: {  	[sflag:s1] =	ssyncset.done $0x0  }
0x1f0: {  	[sflag:s1] =	ssyncadd.s32 $0xFFFFE000  }
0x1f1: {  	[spmem:s2] =	stream.indirect.scatter.add.f32 [tilespmem:s28], [sflag:$0x5], $0x80, s9, s21, $0xb8;
	[tilespmem:$0x1E800] =	vst v63  }
0x1f2: {  	_ =	swait.ge [sflag:s19], $0x2000  }
0x1f3: {  	[sflag:s19] =	ssyncset.done $0x0  }
0x1f4: {  	s12 =	sadd.s32 $0x780, s15;
	s13 =	simm.s32 $0x0;
	[sflag:s19] =	ssyncadd.s32 $0xFFFFE000  }
0x1f5: {  	[tilespmem:s13], [sflag:$0x5] =	stream.linear.gather [hbm4b:s12+s13], $0x1400, $0x38;
	[tilespmem:$0x1E800] =	vst v63  }
0x1f6: {  	_ =	swait.ge [sflag:s19], $0x1400  }
0x1f7: {  	[sflag:s19] =	ssyncset.done $0x0  }
0x1f8: {  	s14 =	sadd.s32 $0x780, s16;
	[sflag:s19] =	ssyncadd.s32 $0xFFFFEC00  }
0x1f9: {  	[tilespmem:s20], [sflag:$0x5] =	stream.linear.gather [hbm4b:s14+s13], $0x1400, $0x38;
	[tilespmem:$0x1E800] =	vst v63  }
0x1fa: {  	_ =	swait.ge [sflag:s19], $0x1400  }
0x1fb: {  	[sflag:s19] =	ssyncset.done $0x0  }
0x1fc: {  	[sflag:s19] =	ssyncadd.s32 $0xFFFFEC00  }
0x1fd: {  	[tilespmem:s18], [sflag:$0x1] =	stream.indirect.gather [hbm4b:s4+s21], $0x80, s13, s21, $0xb8;
	[tilespmem:$0x1E800] =	vst v63  }
0x1fe: {  	_ = 	snop  }
0x1ff: {  	[tilespmem:s23], [sflag:$0x2] =	stream.indirect.gather [hbm4b:s4+s21], $0x80, s22, s21, $0xb8;
	[tilespmem:$0x1E800] =	vst v63  }
0x200: {  	_ = 	snop  }
0x201: {  	[tilespmem:s26], [sflag:$0x3] =	stream.indirect.gather [hbm4b:s4+s21], $0x80, s25, s21, $0xb8;
	[tilespmem:$0x1E800] =	vst v63  }
0x202: {  	s11 =	simm.s32 $0x180  }
0x203: {  	[tilespmem:s28], [sflag:$0x4] =	stream.indirect.gather [hbm4b:s4+s21], $0x80, s11, s21, $0xb8;
	[tilespmem:$0x1E800] =	vst v63  }
0x204: {  	_ =	swait.ge [sflag:s29], $0x2000  }
0x205: {  	[sflag:s29] =	ssyncset.done $0x0  }
0x206: {  	s12 =	simm.s32 $0x1400;
	[sflag:s29] =	ssyncadd.s32 $0xFFFFE000  }
0x207: {  	[spmem:s2] =	stream.indirect.scatter.add.f32 [tilespmem:s18], [sflag:$0x5], $0x80, s12, s21, $0xb8;
	[tilespmem:$0x1E800] =	vst v63  }
0x208: {  	_ =	swait.ge [sflag:s19], $0x2000  }
0x209: {  	[sflag:s19] =	ssyncset.done $0x0  }
0x20a: {  	s13 =	simm.s32 $0x200;
	[sflag:s19] =	ssyncadd.s32 $0xFFFFE000  }
0x20b: {  	[tilespmem:s18], [sflag:$0x1] =	stream.indirect.gather [hbm4b:s4+s21], $0x80, s13, s21, $0xb8;
	[tilespmem:$0x1E800] =	vst v63  }
0x20c: {  	_ =	swait.ge [sflag:s30], $0x2000  }
0x20d: {  	[sflag:s30] =	ssyncset.done $0x0  }
0x20e: {  	s14 =	simm.s32 $0x1480;
	[sflag:s30] =	ssyncadd.s32 $0xFFFFE000  }
0x20f: {  	[spmem:s2] =	stream.indirect.scatter.add.f32 [tilespmem:s23], [sflag:$0x5], $0x80, s14, s21, $0xb8;
	[tilespmem:$0x1E800] =	vst v63  }
0x210: {  	_ =	swait.ge [sflag:s19], $0x2000  }
0x211: {  	[sflag:s19] =	ssyncset.done $0x0  }
0x212: {  	s11 =	simm.s32 $0x280;
	[sflag:s19] =	ssyncadd.s32 $0xFFFFE000  }
0x213: {  	[tilespmem:s23], [sflag:$0x2] =	stream.indirect.gather [hbm4b:s4+s21], $0x80, s11, s21, $0xb8;
	[tilespmem:$0x1E800] =	vst v63  }
0x214: {  	_ =	swait.ge [sflag:s31], $0x2000  }
0x215: {  	[sflag:s31] =	ssyncset.done $0x0  }
0x216: {  	s12 =	simm.s32 $0x1500;
	[sflag:s31] =	ssyncadd.s32 $0xFFFFE000  }
0x217: {  	[spmem:s2] =	stream.indirect.scatter.add.f32 [tilespmem:s26], [sflag:$0x5], $0x80, s12, s21, $0xb8;
	[tilespmem:$0x1E800] =	vst v63  }
0x218: {  	_ =	swait.ge [sflag:s19], $0x2000  }
0x219: {  	[sflag:s19] =	ssyncset.done $0x0  }
0x21a: {  	s13 =	simm.s32 $0x300;
	[sflag:s19] =	ssyncadd.s32 $0xFFFFE000  }
0x21b: {  	[tilespmem:s26], [sflag:$0x3] =	stream.indirect.gather [hbm4b:s4+s21], $0x80, s13, s21, $0xb8;
	[tilespmem:$0x1E800] =	vst v63  }
0x21c: {  	_ =	swait.ge [sflag:s1], $0x2000  }
0x21d: {  	[sflag:s1] =	ssyncset.done $0x0  }
0x21e: {  	s14 =	simm.s32 $0x1580;
	[sflag:s1] =	ssyncadd.s32 $0xFFFFE000  }
0x21f: {  	[spmem:s2] =	stream.indirect.scatter.add.f32 [tilespmem:s28], [sflag:$0x5], $0x80, s14, s21, $0xb8;
	[tilespmem:$0x1E800] =	vst v63  }
0x220: {  	_ =	swait.ge [sflag:s19], $0x2000  }
0x221: {  	s10 =	simm.s32 $0x200;
	s13 =	simm.s32 $0x1000;
	[sflag:s19] =	ssyncset.done $0x0  }
.LBB2_10:
0x222: {  	s14 =	sadd.s32 $0x180, s10  }
0x223: {  	[sflag:s19] =	ssyncadd.s32 $0xFFFFE000;
	s12 =	smov.u32 s13;
	s11 =	sadd.s32 $0x800, s13  }
0x224: {  	[tilespmem:s28], [sflag:$0x4] =	stream.indirect.gather [hbm4b:s4+s21], $0x80, s14, s21, $0xb8;
	[tilespmem:$0x1E800] =	vst v63  }
0x225: {  	p0 =	sne.s32 s13, $0x4000;
	_ =	swait.ge [sflag:s29], $0x2000  }
0x226: {  	[sflag:s29] =	ssyncset.done $0x0  }
0x227: {  	s13 =	sadd.s32 $0x1400, s10;
	[sflag:s29] =	ssyncadd.s32 $0xFFFFE000  }
0x228: {  	[spmem:s2] =	stream.indirect.scatter.add.f32 [tilespmem:s18], [sflag:$0x5], $0x80, s13, s21, $0xb8;
	[tilespmem:$0x1E800] =	vst v63  }
0x229: {  	_ =	swait.ge [sflag:s19], $0x2000  }
0x22a: {  	[sflag:s19] =	ssyncset.done $0x0  }
0x22b: {  	s13 =	sadd.s32 $0x200, s10;
	[sflag:s19] =	ssyncadd.s32 $0xFFFFE000  }
0x22c: {  	[tilespmem:s18], [sflag:$0x1] =	stream.indirect.gather [hbm4b:s4+s21], $0x80, s13, s21, $0xb8;
	[tilespmem:$0x1E800] =	vst v63  }
0x22d: {  	_ =	swait.ge [sflag:s30], $0x2000  }
0x22e: {  	[sflag:s30] =	ssyncset.done $0x0  }
0x22f: {  	s13 =	sadd.s32 $0x1480, s10;
	[sflag:s30] =	ssyncadd.s32 $0xFFFFE000  }
0x230: {  	[spmem:s2] =	stream.indirect.scatter.add.f32 [tilespmem:s23], [sflag:$0x5], $0x80, s13, s21, $0xb8;
	[tilespmem:$0x1E800] =	vst v63  }
0x231: {  	_ =	swait.ge [sflag:s19], $0x2000  }
0x232: {  	[sflag:s19] =	ssyncset.done $0x0  }
0x233: {  	s13 =	sadd.s32 $0x280, s10;
	[sflag:s19] =	ssyncadd.s32 $0xFFFFE000  }
0x234: {  	[tilespmem:s23], [sflag:$0x2] =	stream.indirect.gather [hbm4b:s4+s21], $0x80, s13, s21, $0xb8;
	[tilespmem:$0x1E800] =	vst v63  }
0x235: {  	_ =	swait.ge [sflag:s31], $0x2000  }
0x236: {  	[sflag:s31] =	ssyncset.done $0x0  }
0x237: {  	s13 =	sadd.s32 $0x1500, s10;
	[sflag:s31] =	ssyncadd.s32 $0xFFFFE000  }
0x238: {  	[spmem:s2] =	stream.indirect.scatter.add.f32 [tilespmem:s26], [sflag:$0x5], $0x80, s13, s21, $0xb8;
	[tilespmem:$0x1E800] =	vst v63  }
0x239: {  	_ =	swait.ge [sflag:s19], $0x2000  }
0x23a: {  	[sflag:s19] =	ssyncset.done $0x0  }
0x23b: {  	s13 =	sadd.s32 $0x300, s10;
	[sflag:s19] =	ssyncadd.s32 $0xFFFFE000  }
0x23c: {  	[tilespmem:s26], [sflag:$0x3] =	stream.indirect.gather [hbm4b:s4+s21], $0x80, s13, s21, $0xb8;
	[tilespmem:$0x1E800] =	vst v63  }
0x23d: {  	_ =	swait.ge [sflag:s1], $0x2000  }
.Ltmp4:
0x23e: {  	[sflag:s1] =	ssyncset.done $0x0;
	(pc) =	sbr.rel @p0 .LBB2_10-.Ltmp4, $4  }
0x23f: {  	s10 =	sadd.s32 $0x1580, s10;
	[sflag:s1] =	ssyncadd.s32 $0xFFFFE000  }
0x240: {  	[spmem:s2] =	stream.indirect.scatter.add.f32 [tilespmem:s28], [sflag:$0x5], $0x80, s10, s21, $0xb8;
	[tilespmem:$0x1E800] =	vst v63  }
0x241: {  	_ =	swait.ge [sflag:s19], $0x2000  }
0x242: {  	s13 =	smov.u32 s11;
	s10 =	sshra.s32 s12, $0x2;
	[sflag:s19] =	ssyncset.done $0x0  }
0x243: {  	s11 =	sadd.s32 $0x180, s10;
	[sflag:s19] =	ssyncadd.s32 $0xFFFFE000  }
0x244: {  	[tilespmem:s28], [sflag:$0x4] =	stream.indirect.gather [hbm4b:s4+s21], $0x80, s11, s21, $0xb8;
	[tilespmem:$0x1E800] =	vst v63  }
0x245: {  	_ =	swait.ge [sflag:s29], $0x2000  }
0x246: {  	[sflag:s29] =	ssyncset.done $0x0  }
0x247: {  	s12 =	sadd.s32 $0x1400, s10;
	[sflag:s29] =	ssyncadd.s32 $0xFFFFE000  }
0x248: {  	[spmem:s2] =	stream.indirect.scatter.add.f32 [tilespmem:s18], [sflag:$0x5], $0x80, s12, s21, $0xb8;
	[tilespmem:$0x1E800] =	vst v63  }
0x249: {  	_ =	swait.ge [sflag:s19], $0x2000  }
0x24a: {  	[sflag:s19] =	ssyncset.done $0x0  }
0x24b: {  	s13 =	sadd.s32 $0x200, s10;
	[sflag:s19] =	ssyncadd.s32 $0xFFFFE000  }
0x24c: {  	[tilespmem:s18], [sflag:$0x1] =	stream.indirect.gather [hbm4b:s4+s21], $0x80, s13, s21, $0xb8;
	[tilespmem:$0x1E800] =	vst v63  }
0x24d: {  	_ =	swait.ge [sflag:s30], $0x2000  }
0x24e: {  	[sflag:s30] =	ssyncset.done $0x0  }
0x24f: {  	s14 =	sadd.s32 $0x1480, s10;
	[sflag:s30] =	ssyncadd.s32 $0xFFFFE000  }
0x250: {  	[spmem:s2] =	stream.indirect.scatter.add.f32 [tilespmem:s23], [sflag:$0x5], $0x80, s14, s21, $0xb8;
	[tilespmem:$0x1E800] =	vst v63  }
0x251: {  	_ =	swait.ge [sflag:s19], $0x2000  }
0x252: {  	[sflag:s19] =	ssyncset.done $0x0  }
0x253: {  	s12 =	sadd.s32 $0x280, s10;
	[sflag:s19] =	ssyncadd.s32 $0xFFFFE000  }
0x254: {  	[tilespmem:s23], [sflag:$0x2] =	stream.indirect.gather [hbm4b:s4+s21], $0x80, s12, s21, $0xb8;
	[tilespmem:$0x1E800] =	vst v63  }
0x255: {  	_ =	swait.ge [sflag:s31], $0x2000  }
0x256: {  	[sflag:s31] =	ssyncset.done $0x0  }
0x257: {  	s13 =	sadd.s32 $0x1500, s10;
	[sflag:s31] =	ssyncadd.s32 $0xFFFFE000  }
0x258: {  	[spmem:s2] =	stream.indirect.scatter.add.f32 [tilespmem:s26], [sflag:$0x5], $0x80, s13, s21, $0xb8;
	[tilespmem:$0x1E800] =	vst v63  }
0x259: {  	_ =	swait.ge [sflag:s19], $0x2000  }
0x25a: {  	[sflag:s19] =	ssyncset.done $0x0  }
0x25b: {  	s14 =	sadd.s32 $0x300, s10;
	[sflag:s19] =	ssyncadd.s32 $0xFFFFE000  }
0x25c: {  	[tilespmem:s26], [sflag:$0x3] =	stream.indirect.gather [hbm4b:s4+s21], $0x80, s14, s21, $0xb8;
	[tilespmem:$0x1E800] =	vst v63  }
0x25d: {  	_ =	swait.ge [sflag:s1], $0x2000  }
0x25e: {  	[sflag:s1] =	ssyncset.done $0x0  }
0x25f: {  	s12 =	sadd.s32 $0x1580, s10;
	[sflag:s1] =	ssyncadd.s32 $0xFFFFE000  }
0x260: {  	[spmem:s2] =	stream.indirect.scatter.add.f32 [tilespmem:s28], [sflag:$0x5], $0x80, s12, s21, $0xb8;
	[tilespmem:$0x1E800] =	vst v63  }
0x261: {  	_ =	swait.ge [sflag:s19], $0x2000  }
0x262: {  	[sflag:s19] =	ssyncset.done $0x0  }
0x263: {  	[sflag:s19] =	ssyncadd.s32 $0xFFFFE000  }
0x264: {  	[tilespmem:s28], [sflag:$0x4] =	stream.indirect.gather [hbm4b:s4+s21], $0x80, s0, s21, $0xb8;
	[tilespmem:$0x1E800] =	vst v63  }
0x265: {  	_ =	swait.ge [sflag:s29], $0x2000  }
0x266: {  	[sflag:s29] =	ssyncset.done $0x0  }
0x267: {  	[sflag:s29] =	ssyncadd.s32 $0xFFFFE000  }
0x268: {  	[spmem:s2] =	stream.indirect.scatter.add.f32 [tilespmem:s18], [sflag:$0x5], $0x80, s6, s21, $0xb8;
	[tilespmem:$0x1E800] =	vst v63  }
0x269: {  	_ =	swait.ge [sflag:s19], $0x2000  }
0x26a: {  	[sflag:s19] =	ssyncset.done $0x0  }
0x26b: {  	[sflag:s19] =	ssyncadd.s32 $0xFFFFE000  }
0x26c: {  	_ =	swait.ge [sflag:s30], $0x2000  }
0x26d: {  	[sflag:s30] =	ssyncset.done $0x0  }
0x26e: {  	[sflag:s30] =	ssyncadd.s32 $0xFFFFE000  }
0x26f: {  	[spmem:s2] =	stream.indirect.scatter.add.f32 [tilespmem:s23], [sflag:$0x5], $0x80, s7, s21, $0xb8;
	[tilespmem:$0x1E800] =	vst v63  }
0x270: {  	_ =	swait.ge [sflag:s19], $0x2000  }
0x271: {  	[sflag:s19] =	ssyncset.done $0x0  }
0x272: {  	[sflag:s19] =	ssyncadd.s32 $0xFFFFE000  }
0x273: {  	_ =	swait.ge [sflag:s31], $0x2000  }
0x274: {  	[sflag:s31] =	ssyncset.done $0x0  }
0x275: {  	[sflag:s31] =	ssyncadd.s32 $0xFFFFE000  }
0x276: {  	[spmem:s2] =	stream.indirect.scatter.add.f32 [tilespmem:s26], [sflag:$0x5], $0x80, s8, s21, $0xb8;
	[tilespmem:$0x1E800] =	vst v63  }
0x277: {  	_ =	swait.ge [sflag:s19], $0x2000  }
0x278: {  	[sflag:s19] =	ssyncset.done $0x0  }
0x279: {  	[sflag:s19] =	ssyncadd.s32 $0xFFFFE000  }
0x27a: {  	_ =	swait.ge [sflag:s1], $0x2000  }
0x27b: {  	[sflag:s1] =	ssyncset.done $0x0  }
0x27c: {  	[sflag:s1] =	ssyncadd.s32 $0xFFFFE000  }
0x27d: {  	[spmem:s2] =	stream.indirect.scatter.add.f32 [tilespmem:s28], [sflag:$0x5], $0x80, s9, s21, $0xb8;
	[tilespmem:$0x1E800] =	vst v63  }
0x27e: {  	s13 =	stileid.u32;
	_ =	swait.ge [sflag:s19], $0x2000  }
0x27f: {  	s3 =	sadd.s32 $0x1, s3;
	s10 =	sshll.u32 s13, $0x6;
	[sflag:s19] =	ssyncset.done $0x0  }
0x280: {  	p0 =	sne.s32 s3, s17;
	s10 =	sor.u32 $0x1C05, s10;
	[sflag:s19] =	ssyncadd.s32 $0xFFFFE000  }
.Ltmp5:
0x281: {  	s14 =	sshrl.u32 s5, $0x3;
	[bflag:$0x0] =	sbarrier.arrive $0xFFFF;
	(pc) =	sbr.rel @p0 .LBB2_1-.Ltmp5, $4  }
0x282: {  	[hbm:s24], [sflag:s10] =	dma.local [spmem:s14], $0x2800  }
0x283: {  	_ =	swait.ge [sflag:s19], $0x2800  }
0x284: {  	[sflag:s19] =	ssyncset.done $0x0  }
0x285: {  	[sflag:s19] =	ssyncadd.s32 $0xFFFFD800  }
0x286: {  	_ =	sfence.sel $0x180000  }
0x287: {  	[bflag:$0x0] =	sbarrier.arrive $0xFFFF  }
0x288: {  	_ =	strace $0x9000004A  }
0x289: {  	s0 =	stileid.u32;
	[bflag:$0x2] =	sbarrier.arrive $0xFFFF  }
0x28a: {  	p0 =	sne.s32 s0, $0x0;
	s0 =	rddreg [dreg:$0x2]  }
0x28b: {  	s0 =	sadd.s32 @!p0 $0x100000, s0  }
0x28c: {  	[sflag:s0] =	ssyncadd.tile.s32 @!p0 $0x1;
	_ =	shalt  }
.Lfunc_end2:
_tile_overlayer_lowered:
.L_overlay_start_2:
0x28d: {  	(tag) =	ssettag $0x2  }
0x28e: {  	s0 =	rddreg [dreg:$0x0];
	s2 =	stileid.u32  }
0x28f: {  	s1 =	rddreg [dreg:$0x1];
	p0 =	sne.s32 s2, $0x0  }
0x290: {  	s3 =	rddreg [dreg:$0x2];
	[bflag:$0x3] =	sbarrier.arrive $0xFFFF;
	s2 =	simm.s32 @!p0 $0x1C05  }
0x291: {  	[timem:s3], [sflag:s2] =	dma.local @!p0 [hbm:s0], s1  }
0x292: {  	s0 =	simm.s32 @!p0 $0x5  }
0x293: {  	_ =	swait.ge @!p0 [sflag:s0], s1  }
0x294: {  	s1 =	ssub.s32 @!p0 $0x0, s1;
	[sflag:s0] =	ssyncset.done @!p0 $0x0  }
0x295: {  	[sflag:s0] =	ssyncadd.s32 @!p0 s1  }
0x296: {  	[bflag:$0x3] =	sbarrier.arrive $0xFFFF  }
0x297: {  	_ =	shalt  }

// kernel: kernel.14.cloned.1.call-start
scs
__scs_entry_jumppad:
0x0: {  	(pc) =	sbr.rel $0x88, $3  }
0x1: {  	(tag) =	ssettag $0x0;
	lr =	simm.s32 $0x1  }
0x2: {  	[smem:$0x3F97] =	sst lr;
	_ =	strace $0xD0000000  }
0x3: {  	_ = 	snop  }
0x4: {  	_ = 	snop  }
0x5: {  	_ = 	snop  }
0x6: {  	_ = 	snop  }
0x7: {  	_ = 	snop  }
__scs_overlays_trampoline_lowered:
0x8: {  	[smem:$0x3FA6] =	sst s0  }
0x9: {  	[smem:$0x3FA7] =	sst s1  }
0xa: {  	[smem:$0x3FA8] =	sst s2  }
0xb: {  	[smem:$0x3FA9] =	sst s3  }
0xc: {  	[smem:$0x3FAA] =	sst s4  }
0xd: {  	[smem:$0x3FAB] =	sst s5  }
0xe: {  	[smem:$0x3FAC] =	sst s6  }
0xf: {  	[smem:$0x3FAD] =	sst s7  }
0x10: {  	[smem:$0x3FAE] =	sst s8  }
0x11: {  	[smem:$0x3FAF] =	sst s9;
	s0 =	simm.s32 @!p0 $0x0  }
0x12: {  	s1 =	sld [smem:$0x3F95];
	s0 =	simm.s32 @p0 $0x1  }
0x13: {  	[smem:$0x3FB0] =	sst s0;
	s0 =	simm.s32 @!p1 $0x0  }
0x14: {  	s2 =	sld [smem:$0x3F94];
	s0 =	simm.s32 @p1 $0x1  }
0x15: {  	[smem:$0x3FB1] =	sst s0;
	s0 =	simm.s32 @!p2 $0x0  }
0x16: {  	s3 =	sld [smem:$0x3FDB];
	s0 =	simm.s32 @p2 $0x1  }
0x17: {  	s4 =	simm.s32 $0x1BF5;
	[smem:$0x3FB3] =	sst s0  }
0x18: {  	s0 =	sld [smem:$0x3F96];
	_ =	swait.ge [sflag:s4], $0x0  }
0x19: {  	s7 =	sld [smem:$0x3F97]  }
0x1a: {  	s8 =	sadd.s32 $0xFFFFE003, lr  }
0x1b: {  	s9 =	sadd.s32 $0xFFFFFEF7, lr;
	s5 =	simm.s32 $0xFFFFFFFF;
	p2 =	slt.u32 s8, $0xFFFFF086  }
0x1c: {  	p1 =	slt.u32 s9, $0xF7A;
	s5 =	simm.s32 @!p2 $0x0  }
0x1d: {  	s5 =	simm.s32 @p1 $0x1;
	p0 =	seq.s32 s7, s2  }
0x1e: {  	s7 =	smul.u32 @!p0 $0xF7A, s2;
	p2 =	seq.s32 @!p0 s5, $0x0  }
0x1f: {  	s9 =	smul.u32 $0xF7A, s1;
	s8 =	simm.s32 @!p0 $0x1BF5;
	p2 =	por !p2, p0  }
0x20: {  	[sflag:s8] =	ssyncset.s32 @!p0 $0xFFFFF086;
	s6 =	sadd.s32 @!p0 s3, s7;
	s7 =	simm.s32 @!p0 $0x108  }
0x21: {  	s3 =	sadd.s32 s3, s9;
	s6 =	sadd.s32 @!p0 $0x88, s6;
	s7 =	simm.s32 @p2 $0x1082  }
0x22: {  	[simem:s7], [sflag:s8] =	dma.local @!p0 [hbm:s6], $0xF7A  }
0x23: {  	s9 =	sor.u32 $0xD0000000, s2;
	s6 =	simm.s32 $0x108;
	_ =	swait.ge @!p0 [sflag:s8], $0x0  }
0x24: {  	s3 =	sadd.s32 $0x88, s3;
	s6 =	simm.s32 @!p1 $0x1082;
	[sflag:s4] =	ssyncset.s32 $0xFFFFF086  }
0x25: {  	[simem:s6], [sflag:s4] =	dma.local [hbm:s3], $0xF7A  }
0x26: {  	[smem:$0x3F97] =	sst s1;
	(tag) =	ssettag s2;
	_ =	strace s9  }
0x27: {  	s1 =	sld [smem:$0x3FA7]  }
0x28: {  	s2 =	sld [smem:$0x3FA8]  }
0x29: {  	s4 =	sld [smem:$0x3FAA]  }
0x2a: {  	p0 =	seq.s32 s5, $0x0;
	s5 =	sld [smem:$0x3FAB]  }
0x2b: {  	s6 =	sld [smem:$0x3FAC]  }
0x2c: {  	s7 =	sld [smem:$0x3FAD]  }
0x2d: {  	s3 =	simm.s32 $0x108;
	s8 =	sld [smem:$0x3FAE]  }
0x2e: {  	s3 =	simm.s32 @!p0 $0x1082;
	s9 =	sld [smem:$0x3FAF]  }
0x2f: {  	lr =	sadd.s32 s0, s3;
	s0 =	sld [smem:$0x3FA6]  }
0x30: {  	s3 =	sld [smem:$0x3FA9]  }
0x31: {  	[smem:$0x3FB2] =	sst s10  }
0x32: {  	s10 =	sld [smem:$0x3FB0];
	_ =	sdelay $0x3  }
0x33: {  	p0 =	seq.s32 s10, $0x1;
	s10 =	sld [smem:$0x3FB2];
	_ =	sdelay $0x3  }
0x34: {  	[smem:$0x3FB2] =	sst s10  }
0x35: {  	s10 =	sld [smem:$0x3FB1];
	_ =	sdelay $0x3  }
0x36: {  	p1 =	seq.s32 s10, $0x1;
	s10 =	sld [smem:$0x3FB2];
	_ =	sdelay $0x3  }
0x37: {  	[smem:$0x3FB2] =	sst s10  }
0x38: {  	s10 =	sld [smem:$0x3FB3]  }
0x39: {  	_ = 	snop;
	(pc) =	sbr.ind lr, $3  }
0x3a: {  	_ = 	snop  }
0x3b: {  	_ = 	snop  }
0x3c: {  	p2 =	seq.s32 s10, $0x1;
	s10 =	sld [smem:$0x3FB2]  }
0x3d: {  	_ =	shalt  }
0x3e: {  	_ =	shalt  }
0x3f: {  	_ =	shalt  }
0x40: {  	_ =	shalt  }
0x41: {  	_ =	shalt  }
0x42: {  	_ =	shalt  }
0x43: {  	_ =	shalt  }
0x44: {  	_ =	shalt  }
0x45: {  	_ =	shalt  }
0x46: {  	_ =	shalt  }
0x47: {  	_ =	shalt  }
0x48: {  	_ =	shalt  }
0x49: {  	_ =	shalt  }
0x4a: {  	_ =	shalt  }
0x4b: {  	_ =	shalt  }
0x4c: {  	_ =	shalt  }
0x4d: {  	_ =	shalt  }
0x4e: {  	_ =	shalt  }
0x4f: {  	_ =	shalt  }
0x50: {  	_ =	shalt  }
0x51: {  	_ =	shalt  }
0x52: {  	_ =	shalt  }
0x53: {  	_ =	shalt  }
0x54: {  	_ =	shalt  }
0x55: {  	_ =	shalt  }
0x56: {  	_ =	shalt  }
0x57: {  	_ =	shalt  }
0x58: {  	_ =	shalt  }
0x59: {  	_ =	shalt  }
0x5a: {  	_ =	shalt  }
0x5b: {  	_ =	shalt  }
0x5c: {  	_ =	shalt  }
0x5d: {  	_ =	shalt  }
0x5e: {  	_ =	shalt  }
0x5f: {  	_ =	shalt  }
0x60: {  	_ =	shalt  }
0x61: {  	_ =	shalt  }
0x62: {  	_ =	shalt  }
0x63: {  	_ =	shalt  }
0x64: {  	_ =	shalt  }
0x65: {  	_ =	shalt  }
0x66: {  	_ =	shalt  }
0x67: {  	_ =	shalt  }
0x68: {  	_ =	shalt  }
0x69: {  	_ =	shalt  }
0x6a: {  	_ =	shalt  }
0x6b: {  	_ =	shalt  }
0x6c: {  	_ =	shalt  }
0x6d: {  	_ =	shalt  }
0x6e: {  	_ =	shalt  }
0x6f: {  	_ =	shalt  }
0x70: {  	_ =	shalt  }
0x71: {  	_ =	shalt  }
0x72: {  	_ =	shalt  }
0x73: {  	_ =	shalt  }
0x74: {  	_ =	shalt  }
0x75: {  	_ =	shalt  }
0x76: {  	_ =	shalt  }
0x77: {  	_ =	shalt  }
0x78: {  	_ =	shalt  }
0x79: {  	_ =	shalt  }
0x7a: {  	_ =	shalt  }
0x7b: {  	_ =	shalt  }
0x7c: {  	_ =	shalt  }
0x7d: {  	_ =	shalt  }
0x7e: {  	_ =	shalt  }
0x7f: {  	_ =	shalt  }
0x80: {  	_ =	shalt  }
0x81: {  	_ =	shalt  }
0x82: {  	_ =	shalt  }
0x83: {  	_ =	shalt  }
0x84: {  	_ =	shalt  }
0x85: {  	_ =	shalt  }
0x86: {  	_ =	shalt  }
0x87: {  	_ =	shalt  }
.Lfunc_end0:
.L_simem_size_0:
called_computation.2_lowered:
.L_overlay_start_0:
0x88: {  	s2 =	sld [smem:$0x3FD9]  }
0x89: {  	s3 =	sld [smem:$0x3FFE];
	_ =	sdelay $0x1  }
0x8a: {  	s1 =	srdreg.scid  }
0x8b: {  	s0 =	sand.u32 $0x1, s1  }
0x8c: {  	s16 =	sshll.u32 s0, $0xA;
	s2 =	sadd.s32 s3, s2  }
0x8d: {  	s2 =	sadd.s32 s2, s16  }
0x8e: {  	[smem:$0x3FBE] =	sst s2  }
0x8f: {  	_ = 	snop  }
0x90: {  	(tm) =	ssettm $0x1  }
0x91: {  	s17 =	sld [smem:$0x3FFB];
	_ =	sdelay $0x3  }
0x92: {  	_ =	strace s17  }
0x93: {  	s2 =	sld [smem:$0x3FFC];
	_ =	sdelay $0x3  }
0x94: {  	_ =	strace s2  }
0x95: {  	s2 =	sld [smem:$0x3FFD];
	_ =	sdelay $0x3  }
0x96: {  	_ =	strace s2  }
0x97: {  	_ =	strace $0x8FFFFFFF  }
0x98: {  	s18 =	sld [smem:$0x3FDB];
	_ =	sdelay $0x1  }
0x99: {  	s19 =	simm.s32 $_scs_section_size  }
0x9a: {  	s4 =	simm.s32 $_size__tile_overlayer_lowered;
	s5 =	simm.s32 $_tile_overlayer_lowered  }
0x9b: {  	s22 =	simm.s32 $0x1BFF;
	s21 =	sshll.u32 s5, $0x1;
	s2 =	sadd.s32 s19, s18  }
0x9c: {  	s6 =	simm.s32 $0x0;
	s20 =	sshll.u32 s4, $0x1;
	s4 =	sadd.s32 s21, s2  }
0x9d: {  	[timem:s6], [sflag:s22] =	dma.local [hbm:s4], s20  }
0x9e: {  	_ =	swait.ge [sflag:s22], s20  }
0x9f: {  	s3 =	ssub.s32 $0x0, s20;
	[sflag:s22] =	ssyncset.done $0x0  }
0xa0: {  	[sflag:s22] =	ssyncadd.s32 s3;
	_ =	sdelay $0x1  }
0xa1: {  	s23 =	simm.s32 $0x1B8B  }
0xa2: {  	_ =	swait.ge [sflag:s23], $0x1  }
0xa3: {  	[sflag:s23] =	ssyncset.done $0x0  }
0xa4: {  	s25 =	simm.s32 $0x1B8E;
	s24 =	sld [smem:$0x3FFE];
	[sflag:s23] =	ssyncadd.s32 $0xFFFFFFFF  }
0xa5: {  	s26 =	simm.s32 $execute0_lowered;
	[smem:$0x3FD2] =	sst s25  }
0xa6: {  	s4 =	sshll.u32 s26, $0x1;
	_ =	strace $0x8000004C;
	[dreg:$0x1] =	wrdreg $0xFFFFFFFF  }
0xa7: {  	s28 =	simm.s32 $_size_execute0_lowered;
	s2 =	sadd.s32 s2, s4;
	[dreg:$0x0] =	wrdreg $0x0  }
0xa8: {  	s4 =	sshll.u32 s28, $0x1;
	[dreg:$0x2] =	wrdreg s2  }
0xa9: {  	[dreg:$0x3] =	wrdreg s4  }
0xaa: {  	[dreg:$0x4] =	wrdreg $0xC0  }
0xab: {  	_ =	task [dreg:s6], $0x5FFFF  }
0xac: {  	[dreg:$0x1] =	wrdreg $0xFFFFFFFF  }
0xad: {  	[dreg:$0x0] =	wrdreg $0x60  }
0xae: {  	[dreg:$0x2] =	wrdreg s24  }
0xaf: {  	[dreg:$0x3] =	wrdreg $0xA8000  }
0xb0: {  	[dreg:$0x4] =	wrdreg $0x9  }
0xb1: {  	_ =	task.clear_ibuf [dreg:s6], $0x5FFFF;
	_ =	strace $0x9000004C  }
0xb2: {  	s29 =	simm.s32 $0x9;
	_ =	strace $0x8000004E  }
0xb3: {  	_ =	swait.ge [sflag:s29], $0x1  }
0xb4: {  	[sflag:s29] =	ssyncadd.s32 $0xFFFFFFFF  }
0xb5: {  	_ =	strace $0x9000004E  }
0xb6: {  	_ =	sfence  }
0xb7: {  	s30 =	sld [smem:$0x0];
	_ =	sdelay $0x2  }
0xb8: {  	s31 =	sshll.u32 s1, $0xD;
	s1 =	sshrl.u32 s1, $0x2  }
0xb9: {  	s3 =	sand.u32 $0x4000, s31;
	s1 =	sadd.s32 s1, s30  }
0xba: {  	s0 =	sor.u32 s3, s0;
	s1 =	sshll.u32 s1, $0x11  }
0xbb: {  	s0 =	sor.u32 s1, s0  }
0xbc: {  	s0 =	sadd.s32 $0x8F2B, s0  }
0xbd: {  	[sflag:s0] =	ssyncadd.remote.s32 $0x1  }
0xbe: {  	_ =	sfence.sel $0xFFFF  }
0xbf: {  	[dreg:$0x0] =	wrdreg $0xFFFFFFFF;
	(pc) =	sbr.abs _section_cstart, $3  }
0xc0: {  	[dreg:$0x1] =	wrdreg $0xFFFFFFFF  }
0xc1: {  	_ =	task.clear_ibuf [dreg:s6], $0x2FFFF;
	_ =	strace $0x9FFFFFFF  }
0xc2: {  	(tm) =	ssettm $0x7FFFFFFF  }
0xc3: {  	_ =	shalt  }
tec
execute0_lowered:
.L_overlay_start_1:
0x0: {  	(tag) =	ssettag $0x1  }
0x1: {  	s0 =	rddreg [dreg:$0x0]  }
0x2: {  	s1 =	srdreg.scid;
	s9 =	stileid.u32  }
0x3: {  	s2 =	rddreg [dreg:$0x1];
	s3 =	simm.s32 $0x0;
	s28 =	simm.s32 $0x8800  }
0x4: {  	s29 =	simm.s32 $0x1;
	s30 =	simm.s32 $0x2;
	s31 =	simm.s32 $0x3  }
0x5: {  	s1 =	sand.u32 $0x1, s1;
	s4 =	sshll.u32 s9, $0x1;
	s6 =	smul.u32 $0x50000, s9  }
0x6: {  	[smem:$0x7FF] =	sst s3;
	s26 =	smul.u32 $0x2800, s9;
	s4 =	sor.u32 s1, s4  }
0x7: {  	s9 =	simm.s32 $0x2780;
	_ =	strace $0x8000004D;
	s5 =	smul.u32 $0xA00, s4  }
0x8: {  	s7 =	smul.u32 $0x28000, s1;
	s1 =	ssub.s32 $0x2, s1;
	s6 =	sshrl.u32 s6, $0x2  }
0x9: {  	s17 =	sshrl.u32 s1, $0x1;
	s8 =	sadd.s32 s5, s0;
	s5 =	sadd.s32 s6, s2  }
0xa: {  	s4 =	sadd.s32 $0x2B400, s0;
	s1 =	ssub.s32 s1, s17;
	s6 =	sadd.s32 $0x2000, s5  }
0xb: {  	s0 =	sadd.s32 s7, s0;
	s18 =	sadd.s32 $0x4000, s5;
	[dreg:$0x3] =	wrdreg s6  }
0xc: {  	s17 =	smax.u32 s1, $0x1;
	s19 =	sadd.s32 $0x6000, s5;
	[dreg:$0x4] =	wrdreg s18  }
0xd: {  	s1 =	simm.s32 $0x4;
	s20 =	sadd.s32 $0x8000, s5;
	[dreg:$0x5] =	wrdreg s19  }
0xe: {  	s7 =	simm.s32 $0x2680;
	s21 =	sadd.s32 $0xA000, s5;
	[dreg:$0x6] =	wrdreg s20  }
0xf: {  	s22 =	sadd.s32 $0xC000, s5;
	s23 =	sadd.s32 $0xE000, s5;
	[dreg:$0x7] =	wrdreg s21  }
0x10: {  	s24 =	sadd.s32 $0x10000, s5;
	s25 =	sadd.s32 $0x12000, s5;
	[dreg:$0x8] =	wrdreg s22  }
0x11: {  	s15 =	sadd.s32 $0x17400, s8;
	s16 =	sadd.s32 $0x3400, s8;
	[dreg:$0x9] =	wrdreg s23  }
0x12: {  	s0 =	sadd.s32 $0x52600, s0;
	s8 =	simm.s32 $0x2700;
	[dreg:$0xa] =	wrdreg s24  }
0x13: {  	[dreg:$0xb] =	wrdreg s25;
	s18 =	simm.s32 $0x2800;
	s19 =	simm.s32 $0x5  }
0x14: {  	s20 =	simm.s32 $0x1400;
	s21 =	simm.s32 $0x40;
	s22 =	simm.s32 $0x80  }
0x15: {  	s23 =	simm.s32 $0x4800;
	s24 =	sadd.s32 s26, s0;
	s25 =	simm.s32 $0x100  }
0x16: {  	v0 =	vimm.f32 $0.0e+00;
	s26 =	simm.s32 $0x6800;
	s0 =	simm.s32 $0x1380;
	s6 =	simm.s32 $0x2600  }
.LBB2_1:
0x17: {  	s10 =	simm.s32 $0x0;
	s11 =	simm.s32 $0x200  }
.LBB2_2:
0x18: {  	p0 =	sne.s32 s11, $0x7E00;
	[tilespmem:s10+$0x2870] =	vst v0  }
0x19: {  	[tilespmem:s10+$0x2800] =	vst v0  }
0x1a: {  	[tilespmem:s10+$0x2810] =	vst v0  }
.Ltmp0:
0x1b: {  	[tilespmem:s10+$0x2820] =	vst v0;
	(pc) =	sbr.rel @p0 .LBB2_2-.Ltmp0, $4  }
0x1c: {  	[tilespmem:s10+$0x2830] =	vst v0  }
0x1d: {  	[tilespmem:s10+$0x2840] =	vst v0  }
0x1e: {  	[tilespmem:s10+$0x2850] =	vst v0  }
0x1f: {  	[tilespmem:s10+$0x2860] =	vst v0;
	s10 =	sshra.s32 s11, $0x2;
	s11 =	sadd.s32 $0x200, s11  }
0x20: {  	[tilespmem:s10+$0x2870] =	vst v0  }
0x21: {  	[tilespmem:s10+$0x2800] =	vst v0  }
0x22: {  	[tilespmem:s10+$0x2810] =	vst v0  }
0x23: {  	[tilespmem:s10+$0x2820] =	vst v0  }
0x24: {  	[tilespmem:s10+$0x2830] =	vst v0  }
0x25: {  	[tilespmem:s10+$0x2840] =	vst v0  }
0x26: {  	[tilespmem:s10+$0x2850] =	vst v0  }
0x27: {  	[tilespmem:s10+$0x2860] =	vst v0  }
0x28: {  	[spmem:s5] =	stream.linear.scatter [tilespmem:s18], [sflag:$0x5], $0x2000, $0x38;
	[tilespmem:$0x1E800] =	vst v63  }
0x29: {  	_ =	swait.ge [sflag:s19], $0x2000  }
0x2a: {  	[sflag:s19] =	ssyncset.done $0x0  }
0x2b: {  	s13 =	rddreg [dreg:$0x3];
	[sflag:s19] =	ssyncadd.s32 $0xFFFFE000  }
0x2c: {  	[spmem:s13] =	stream.linear.scatter [tilespmem:s18], [sflag:$0x5], $0x2000, $0x38;
	[tilespmem:$0x1E800] =	vst v63  }
0x2d: {  	_ =	swait.ge [sflag:s19], $0x2000  }
0x2e: {  	[sflag:s19] =	ssyncset.done $0x0  }
0x2f: {  	s14 =	rddreg [dreg:$0x4];
	[sflag:s19] =	ssyncadd.s32 $0xFFFFE000  }
0x30: {  	[spmem:s14] =	stream.linear.scatter [tilespmem:s18], [sflag:$0x5], $0x2000, $0x38;
	[tilespmem:$0x1E800] =	vst v63  }
0x31: {  	_ =	swait.ge [sflag:s19], $0x2000  }
0x32: {  	[sflag:s19] =	ssyncset.done $0x0  }
0x33: {  	s11 =	rddreg [dreg:$0x5];
	[sflag:s19] =	ssyncadd.s32 $0xFFFFE000  }
0x34: {  	[spmem:s11] =	stream.linear.scatter [tilespmem:s18], [sflag:$0x5], $0x2000, $0x38;
	[tilespmem:$0x1E800] =	vst v63  }
0x35: {  	_ =	swait.ge [sflag:s19], $0x2000  }
0x36: {  	[sflag:s19] =	ssyncset.done $0x0  }
0x37: {  	s12 =	rddreg [dreg:$0x6];
	[sflag:s19] =	ssyncadd.s32 $0xFFFFE000  }
0x38: {  	[spmem:s12] =	stream.linear.scatter [tilespmem:s18], [sflag:$0x5], $0x2000, $0x38;
	[tilespmem:$0x1E800] =	vst v63  }
0x39: {  	_ =	swait.ge [sflag:s19], $0x2000  }
0x3a: {  	[sflag:s19] =	ssyncset.done $0x0  }
0x3b: {  	s13 =	rddreg [dreg:$0x7];
	[sflag:s19] =	ssyncadd.s32 $0xFFFFE000  }
0x3c: {  	[spmem:s13] =	stream.linear.scatter [tilespmem:s18], [sflag:$0x5], $0x2000, $0x38;
	[tilespmem:$0x1E800] =	vst v63  }
0x3d: {  	_ =	swait.ge [sflag:s19], $0x2000  }
0x3e: {  	[sflag:s19] =	ssyncset.done $0x0  }
0x3f: {  	s14 =	rddreg [dreg:$0x8];
	[sflag:s19] =	ssyncadd.s32 $0xFFFFE000  }
0x40: {  	[spmem:s14] =	stream.linear.scatter [tilespmem:s18], [sflag:$0x5], $0x2000, $0x38;
	[tilespmem:$0x1E800] =	vst v63  }
0x41: {  	_ =	swait.ge [sflag:s19], $0x2000  }
0x42: {  	[sflag:s19] =	ssyncset.done $0x0  }
0x43: {  	s11 =	rddreg [dreg:$0x9];
	[sflag:s19] =	ssyncadd.s32 $0xFFFFE000  }
0x44: {  	[spmem:s11] =	stream.linear.scatter [tilespmem:s18], [sflag:$0x5], $0x2000, $0x38;
	[tilespmem:$0x1E800] =	vst v63  }
0x45: {  	_ =	swait.ge [sflag:s19], $0x2000  }
0x46: {  	[sflag:s19] =	ssyncset.done $0x0  }
0x47: {  	s12 =	rddreg [dreg:$0xa];
	[sflag:s19] =	ssyncadd.s32 $0xFFFFE000  }
0x48: {  	[spmem:s12] =	stream.linear.scatter [tilespmem:s18], [sflag:$0x5], $0x2000, $0x38;
	[tilespmem:$0x1E800] =	vst v63  }
0x49: {  	_ =	swait.ge [sflag:s19], $0x2000  }
0x4a: {  	[sflag:s19] =	ssyncset.done $0x0  }
0x4b: {  	s13 =	rddreg [dreg:$0xb];
	[sflag:s19] =	ssyncadd.s32 $0xFFFFE000  }
0x4c: {  	[spmem:s13] =	stream.linear.scatter [tilespmem:s18], [sflag:$0x5], $0x2000, $0x38;
	[tilespmem:$0x1E800] =	vst v63  }
0x4d: {  	_ =	swait.ge [sflag:s19], $0x2000  }
0x4e: {  	[sflag:s19] =	ssyncset.done $0x0  }
0x4f: {  	[sflag:s19] =	ssyncadd.s32 $0xFFFFE000  }
0x50: {  	s14 =	simm.s32 $0x0;
	[bflag:$0x0] =	sbarrier.arrive $0xFFFF  }
0x51: {  	[tilespmem:s14], [sflag:$0x5] =	stream.linear.gather [hbm4b:s15+s14], $0x1400, $0x38;
	[tilespmem:$0x1E800] =	vst v63  }
0x52: {  	_ =	swait.ge [sflag:s19], $0x1400  }
0x53: {  	[sflag:s19] =	ssyncset.done $0x0  }
0x54: {  	[sflag:s19] =	ssyncadd.s32 $0xFFFFEC00  }
0x55: {  	[tilespmem:s20], [sflag:$0x5] =	stream.linear.gather [hbm4b:s16+s14], $0x1400, $0x38;
	[tilespmem:$0x1E800] =	vst v63  }
0x56: {  	_ =	swait.ge [sflag:s19], $0x1400  }
0x57: {  	[sflag:s19] =	ssyncset.done $0x0  }
0x58: {  	[sflag:s19] =	ssyncadd.s32 $0xFFFFEC00  }
0x59: {  	[tilespmem:s18], [sflag:$0x1] =	stream.indirect.gather [hbm4b:s4+s21], $0x80, s14, s21, $0xb8;
	[tilespmem:$0x1E800] =	vst v63  }
0x5a: {  	_ = 	snop  }
0x5b: {  	[tilespmem:s23], [sflag:$0x2] =	stream.indirect.gather [hbm4b:s4+s21], $0x80, s22, s21, $0xb8;
	[tilespmem:$0x1E800] =	vst v63  }
0x5c: {  	_ = 	snop  }
0x5d: {  	[tilespmem:s26], [sflag:$0x3] =	stream.indirect.gather [hbm4b:s4+s21], $0x80, s25, s21, $0xb8;
	[tilespmem:$0x1E800] =	vst v63  }
0x5e: {  	s11 =	simm.s32 $0x180  }
0x5f: {  	[tilespmem:s28], [sflag:$0x4] =	stream.indirect.gather [hbm4b:s4+s21], $0x80, s11, s21, $0xb8;
	[tilespmem:$0x1E800] =	vst v63  }
0x60: {  	_ =	swait.ge [sflag:s29], $0x2000  }
0x61: {  	[sflag:s29] =	ssyncset.done $0x0  }
0x62: {  	s12 =	simm.s32 $0x1400;
	[sflag:s29] =	ssyncadd.s32 $0xFFFFE000  }
0x63: {  	[spmem:s2] =	stream.indirect.scatter.add.f32 [tilespmem:s18], [sflag:$0x5], $0x80, s12, s21, $0xb8;
	[tilespmem:$0x1E800] =	vst v63  }
0x64: {  	_ =	swait.ge [sflag:s19], $0x2000  }
0x65: {  	[sflag:s19] =	ssyncset.done $0x0  }
0x66: {  	s13 =	simm.s32 $0x200;
	[sflag:s19] =	ssyncadd.s32 $0xFFFFE000  }
0x67: {  	[tilespmem:s18], [sflag:$0x1] =	stream.indirect.gather [hbm4b:s4+s21], $0x80, s13, s21, $0xb8;
	[tilespmem:$0x1E800] =	vst v63  }
0x68: {  	_ =	swait.ge [sflag:s30], $0x2000  }
0x69: {  	[sflag:s30] =	ssyncset.done $0x0  }
0x6a: {  	s14 =	simm.s32 $0x1480;
	[sflag:s30] =	ssyncadd.s32 $0xFFFFE000  }
0x6b: {  	[spmem:s2] =	stream.indirect.scatter.add.f32 [tilespmem:s23], [sflag:$0x5], $0x80, s14, s21, $0xb8;
	[tilespmem:$0x1E800] =	vst v63  }
0x6c: {  	_ =	swait.ge [sflag:s19], $0x2000  }
0x6d: {  	[sflag:s19] =	ssyncset.done $0x0  }
0x6e: {  	s11 =	simm.s32 $0x280;
	[sflag:s19] =	ssyncadd.s32 $0xFFFFE000  }
0x6f: {  	[tilespmem:s23], [sflag:$0x2] =	stream.indirect.gather [hbm4b:s4+s21], $0x80, s11, s21, $0xb8;
	[tilespmem:$0x1E800] =	vst v63  }
0x70: {  	_ =	swait.ge [sflag:s31], $0x2000  }
0x71: {  	[sflag:s31] =	ssyncset.done $0x0  }
0x72: {  	s12 =	simm.s32 $0x1500;
	[sflag:s31] =	ssyncadd.s32 $0xFFFFE000  }
0x73: {  	[spmem:s2] =	stream.indirect.scatter.add.f32 [tilespmem:s26], [sflag:$0x5], $0x80, s12, s21, $0xb8;
	[tilespmem:$0x1E800] =	vst v63  }
0x74: {  	_ =	swait.ge [sflag:s19], $0x2000  }
0x75: {  	[sflag:s19] =	ssyncset.done $0x0  }
0x76: {  	s13 =	simm.s32 $0x300;
	[sflag:s19] =	ssyncadd.s32 $0xFFFFE000  }
0x77: {  	[tilespmem:s26], [sflag:$0x3] =	stream.indirect.gather [hbm4b:s4+s21], $0x80, s13, s21, $0xb8;
	[tilespmem:$0x1E800] =	vst v63  }
0x78: {  	_ =	swait.ge [sflag:s1], $0x2000  }
0x79: {  	[sflag:s1] =	ssyncset.done $0x0  }
0x7a: {  	s14 =	simm.s32 $0x1580;
	[sflag:s1] =	ssyncadd.s32 $0xFFFFE000  }
0x7b: {  	[spmem:s2] =	stream.indirect.scatter.add.f32 [tilespmem:s28], [sflag:$0x5], $0x80, s14, s21, $0xb8;
	[tilespmem:$0x1E800] =	vst v63  }
0x7c: {  	_ =	swait.ge [sflag:s19], $0x2000  }
0x7d: {  	s10 =	simm.s32 $0x200;
	s11 =	simm.s32 $0x1000;
	[sflag:s19] =	ssyncset.done $0x0  }
.LBB2_4:
0x7e: {  	s14 =	sadd.s32 $0x180, s10  }
0x7f: {  	[sflag:s19] =	ssyncadd.s32 $0xFFFFE000;
	s12 =	smov.u32 s11;
	s13 =	sadd.s32 $0x800, s11  }
0x80: {  	[tilespmem:s28], [sflag:$0x4] =	stream.indirect.gather [hbm4b:s4+s21], $0x80, s14, s21, $0xb8;
	[tilespmem:$0x1E800] =	vst v63  }
0x81: {  	p0 =	sne.s32 s11, $0x4000;
	_ =	swait.ge [sflag:s29], $0x2000  }
0x82: {  	[sflag:s29] =	ssyncset.done $0x0  }
0x83: {  	s11 =	sadd.s32 $0x1400, s10;
	[sflag:s29] =	ssyncadd.s32 $0xFFFFE000  }
0x84: {  	[spmem:s2] =	stream.indirect.scatter.add.f32 [tilespmem:s18], [sflag:$0x5], $0x80, s11, s21, $0xb8;
	[tilespmem:$0x1E800] =	vst v63  }
0x85: {  	_ =	swait.ge [sflag:s19], $0x2000  }
0x86: {  	[sflag:s19] =	ssyncset.done $0x0  }
0x87: {  	s11 =	sadd.s32 $0x200, s10;
	[sflag:s19] =	ssyncadd.s32 $0xFFFFE000  }
0x88: {  	[tilespmem:s18], [sflag:$0x1] =	stream.indirect.gather [hbm4b:s4+s21], $0x80, s11, s21, $0xb8;
	[tilespmem:$0x1E800] =	vst v63  }
0x89: {  	_ =	swait.ge [sflag:s30], $0x2000  }
0x8a: {  	[sflag:s30] =	ssyncset.done $0x0  }
0x8b: {  	s11 =	sadd.s32 $0x1480, s10;
	[sflag:s30] =	ssyncadd.s32 $0xFFFFE000  }
0x8c: {  	[spmem:s2] =	stream.indirect.scatter.add.f32 [tilespmem:s23], [sflag:$0x5], $0x80, s11, s21, $0xb8;
	[tilespmem:$0x1E800] =	vst v63  }
0x8d: {  	_ =	swait.ge [sflag:s19], $0x2000  }
0x8e: {  	[sflag:s19] =	ssyncset.done $0x0  }
0x8f: {  	s11 =	sadd.s32 $0x280, s10;
	[sflag:s19] =	ssyncadd.s32 $0xFFFFE000  }
0x90: {  	[tilespmem:s23], [sflag:$0x2] =	stream.indirect.gather [hbm4b:s4+s21], $0x80, s11, s21, $0xb8;
	[tilespmem:$0x1E800] =	vst v63  }
0x91: {  	_ =	swait.ge [sflag:s31], $0x2000  }
0x92: {  	[sflag:s31] =	ssyncset.done $0x0  }
0x93: {  	s11 =	sadd.s32 $0x1500, s10;
	[sflag:s31] =	ssyncadd.s32 $0xFFFFE000  }
0x94: {  	[spmem:s2] =	stream.indirect.scatter.add.f32 [tilespmem:s26], [sflag:$0x5], $0x80, s11, s21, $0xb8;
	[tilespmem:$0x1E800] =	vst v63  }
0x95: {  	_ =	swait.ge [sflag:s19], $0x2000  }
0x96: {  	[sflag:s19] =	ssyncset.done $0x0  }
0x97: {  	s11 =	sadd.s32 $0x300, s10;
	[sflag:s19] =	ssyncadd.s32 $0xFFFFE000  }
0x98: {  	[tilespmem:s26], [sflag:$0x3] =	stream.indirect.gather [hbm4b:s4+s21], $0x80, s11, s21, $0xb8;
	[tilespmem:$0x1E800] =	vst v63  }
0x99: {  	_ =	swait.ge [sflag:s1], $0x2000  }
.Ltmp1:
0x9a: {  	[sflag:s1] =	ssyncset.done $0x0;
	(pc) =	sbr.rel @p0 .LBB2_4-.Ltmp1, $4  }
0x9b: {  	s10 =	sadd.s32 $0x1580, s10;
	[sflag:s1] =	ssyncadd.s32 $0xFFFFE000  }
0x9c: {  	[spmem:s2] =	stream.indirect.scatter.add.f32 [tilespmem:s28], [sflag:$0x5], $0x80, s10, s21, $0xb8;
	[tilespmem:$0x1E800] =	vst v63  }
0x9d: {  	_ =	swait.ge [sflag:s19], $0x2000  }
0x9e: {  	s11 =	smov.u32 s13;
	s10 =	sshra.s32 s12, $0x2;
	[sflag:s19] =	ssyncset.done $0x0  }
0x9f: {  	s11 =	sadd.s32 $0x180, s10;
	[sflag:s19] =	ssyncadd.s32 $0xFFFFE000  }
0xa0: {  	[tilespmem:s28], [sflag:$0x4] =	stream.indirect.gather [hbm4b:s4+s21], $0x80, s11, s21, $0xb8;
	[tilespmem:$0x1E800] =	vst v63  }
0xa1: {  	_ =	swait.ge [sflag:s29], $0x2000  }
0xa2: {  	[sflag:s29] =	ssyncset.done $0x0  }
0xa3: {  	s12 =	sadd.s32 $0x1400, s10;
	[sflag:s29] =	ssyncadd.s32 $0xFFFFE000  }
0xa4: {  	[spmem:s2] =	stream.indirect.scatter.add.f32 [tilespmem:s18], [sflag:$0x5], $0x80, s12, s21, $0xb8;
	[tilespmem:$0x1E800] =	vst v63  }
0xa5: {  	_ =	swait.ge [sflag:s19], $0x2000  }
0xa6: {  	[sflag:s19] =	ssyncset.done $0x0  }
0xa7: {  	s13 =	sadd.s32 $0x200, s10;
	[sflag:s19] =	ssyncadd.s32 $0xFFFFE000  }
0xa8: {  	[tilespmem:s18], [sflag:$0x1] =	stream.indirect.gather [hbm4b:s4+s21], $0x80, s13, s21, $0xb8;
	[tilespmem:$0x1E800] =	vst v63  }
0xa9: {  	_ =	swait.ge [sflag:s30], $0x2000  }
0xaa: {  	[sflag:s30] =	ssyncset.done $0x0  }
0xab: {  	s14 =	sadd.s32 $0x1480, s10;
	[sflag:s30] =	ssyncadd.s32 $0xFFFFE000  }
0xac: {  	[spmem:s2] =	stream.indirect.scatter.add.f32 [tilespmem:s23], [sflag:$0x5], $0x80, s14, s21, $0xb8;
	[tilespmem:$0x1E800] =	vst v63  }
0xad: {  	_ =	swait.ge [sflag:s19], $0x2000  }
0xae: {  	[sflag:s19] =	ssyncset.done $0x0  }
0xaf: {  	s12 =	sadd.s32 $0x280, s10;
	[sflag:s19] =	ssyncadd.s32 $0xFFFFE000  }
0xb0: {  	[tilespmem:s23], [sflag:$0x2] =	stream.indirect.gather [hbm4b:s4+s21], $0x80, s12, s21, $0xb8;
	[tilespmem:$0x1E800] =	vst v63  }
0xb1: {  	_ =	swait.ge [sflag:s31], $0x2000  }
0xb2: {  	[sflag:s31] =	ssyncset.done $0x0  }
0xb3: {  	s13 =	sadd.s32 $0x1500, s10;
	[sflag:s31] =	ssyncadd.s32 $0xFFFFE000  }
0xb4: {  	[spmem:s2] =	stream.indirect.scatter.add.f32 [tilespmem:s26], [sflag:$0x5], $0x80, s13, s21, $0xb8;
	[tilespmem:$0x1E800] =	vst v63  }
0xb5: {  	_ =	swait.ge [sflag:s19], $0x2000  }
0xb6: {  	[sflag:s19] =	ssyncset.done $0x0  }
0xb7: {  	s14 =	sadd.s32 $0x300, s10;
	[sflag:s19] =	ssyncadd.s32 $0xFFFFE000  }
0xb8: {  	[tilespmem:s26], [sflag:$0x3] =	stream.indirect.gather [hbm4b:s4+s21], $0x80, s14, s21, $0xb8;
	[tilespmem:$0x1E800] =	vst v63  }
0xb9: {  	_ =	swait.ge [sflag:s1], $0x2000  }
0xba: {  	[sflag:s1] =	ssyncset.done $0x0  }
0xbb: {  	s11 =	sadd.s32 $0x1580, s10;
	[sflag:s1] =	ssyncadd.s32 $0xFFFFE000  }
0xbc: {  	[spmem:s2] =	stream.indirect.scatter.add.f32 [tilespmem:s28], [sflag:$0x5], $0x80, s11, s21, $0xb8;
	[tilespmem:$0x1E800] =	vst v63  }
0xbd: {  	_ =	swait.ge [sflag:s19], $0x2000  }
0xbe: {  	[sflag:s19] =	ssyncset.done $0x0  }
0xbf: {  	[sflag:s19] =	ssyncadd.s32 $0xFFFFE000  }
0xc0: {  	[tilespmem:s28], [sflag:$0x4] =	stream.indirect.gather [hbm4b:s4+s21], $0x80, s0, s21, $0xb8;
	[tilespmem:$0x1E800] =	vst v63  }
0xc1: {  	_ =	swait.ge [sflag:s29], $0x2000  }
0xc2: {  	[sflag:s29] =	ssyncset.done $0x0  }
0xc3: {  	[sflag:s29] =	ssyncadd.s32 $0xFFFFE000  }
0xc4: {  	[spmem:s2] =	stream.indirect.scatter.add.f32 [tilespmem:s18], [sflag:$0x5], $0x80, s6, s21, $0xb8;
	[tilespmem:$0x1E800] =	vst v63  }
0xc5: {  	_ =	swait.ge [sflag:s19], $0x2000  }
0xc6: {  	[sflag:s19] =	ssyncset.done $0x0  }
0xc7: {  	[sflag:s19] =	ssyncadd.s32 $0xFFFFE000  }
0xc8: {  	_ =	swait.ge [sflag:s30], $0x2000  }
0xc9: {  	[sflag:s30] =	ssyncset.done $0x0  }
0xca: {  	[sflag:s30] =	ssyncadd.s32 $0xFFFFE000  }
0xcb: {  	[spmem:s2] =	stream.indirect.scatter.add.f32 [tilespmem:s23], [sflag:$0x5], $0x80, s7, s21, $0xb8;
	[tilespmem:$0x1E800] =	vst v63  }
0xcc: {  	_ =	swait.ge [sflag:s19], $0x2000  }
0xcd: {  	[sflag:s19] =	ssyncset.done $0x0  }
0xce: {  	[sflag:s19] =	ssyncadd.s32 $0xFFFFE000  }
0xcf: {  	_ =	swait.ge [sflag:s31], $0x2000  }
0xd0: {  	[sflag:s31] =	ssyncset.done $0x0  }
0xd1: {  	[sflag:s31] =	ssyncadd.s32 $0xFFFFE000  }
0xd2: {  	[spmem:s2] =	stream.indirect.scatter.add.f32 [tilespmem:s26], [sflag:$0x5], $0x80, s8, s21, $0xb8;
	[tilespmem:$0x1E800] =	vst v63  }
0xd3: {  	_ =	swait.ge [sflag:s19], $0x2000  }
0xd4: {  	[sflag:s19] =	ssyncset.done $0x0  }
0xd5: {  	[sflag:s19] =	ssyncadd.s32 $0xFFFFE000  }
0xd6: {  	_ =	swait.ge [sflag:s1], $0x2000  }
0xd7: {  	[sflag:s1] =	ssyncset.done $0x0  }
0xd8: {  	[sflag:s1] =	ssyncadd.s32 $0xFFFFE000  }
0xd9: {  	[spmem:s2] =	stream.indirect.scatter.add.f32 [tilespmem:s28], [sflag:$0x5], $0x80, s9, s21, $0xb8;
	[tilespmem:$0x1E800] =	vst v63  }
0xda: {  	_ =	swait.ge [sflag:s19], $0x2000  }
0xdb: {  	[sflag:s19] =	ssyncset.done $0x0  }
0xdc: {  	s12 =	sadd.s32 $0x280, s15;
	s13 =	simm.s32 $0x0;
	[sflag:s19] =	ssyncadd.s32 $0xFFFFE000  }
0xdd: {  	[tilespmem:s13], [sflag:$0x5] =	stream.linear.gather [hbm4b:s12+s13], $0x1400, $0x38;
	[tilespmem:$0x1E800] =	vst v63  }
0xde: {  	_ =	swait.ge [sflag:s19], $0x1400  }
0xdf: {  	[sflag:s19] =	ssyncset.done $0x0  }
0xe0: {  	s14 =	sadd.s32 $0x280, s16;
	[sflag:s19] =	ssyncadd.s32 $0xFFFFEC00  }
0xe1: {  	[tilespmem:s20], [sflag:$0x5] =	stream.linear.gather [hbm4b:s14+s13], $0x1400, $0x38;
	[tilespmem:$0x1E800] =	vst v63  }
0xe2: {  	_ =	swait.ge [sflag:s19], $0x1400  }
0xe3: {  	[sflag:s19] =	ssyncset.done $0x0  }
0xe4: {  	[sflag:s19] =	ssyncadd.s32 $0xFFFFEC00  }
0xe5: {  	[tilespmem:s18], [sflag:$0x1] =	stream.indirect.gather [hbm4b:s4+s21], $0x80, s13, s21, $0xb8;
	[tilespmem:$0x1E800] =	vst v63  }
0xe6: {  	_ = 	snop  }
0xe7: {  	[tilespmem:s23], [sflag:$0x2] =	stream.indirect.gather [hbm4b:s4+s21], $0x80, s22, s21, $0xb8;
	[tilespmem:$0x1E800] =	vst v63  }
0xe8: {  	_ = 	snop  }
0xe9: {  	[tilespmem:s26], [sflag:$0x3] =	stream.indirect.gather [hbm4b:s4+s21], $0x80, s25, s21, $0xb8;
	[tilespmem:$0x1E800] =	vst v63  }
0xea: {  	s11 =	simm.s32 $0x180  }
0xeb: {  	[tilespmem:s28], [sflag:$0x4] =	stream.indirect.gather [hbm4b:s4+s21], $0x80, s11, s21, $0xb8;
	[tilespmem:$0x1E800] =	vst v63  }
0xec: {  	_ =	swait.ge [sflag:s29], $0x2000  }
0xed: {  	[sflag:s29] =	ssyncset.done $0x0  }
0xee: {  	s12 =	simm.s32 $0x1400;
	[sflag:s29] =	ssyncadd.s32 $0xFFFFE000  }
0xef: {  	[spmem:s2] =	stream.indirect.scatter.add.f32 [tilespmem:s18], [sflag:$0x5], $0x80, s12, s21, $0xb8;
	[tilespmem:$0x1E800] =	vst v63  }
0xf0: {  	_ =	swait.ge [sflag:s19], $0x2000  }
0xf1: {  	[sflag:s19] =	ssyncset.done $0x0  }
0xf2: {  	s13 =	simm.s32 $0x200;
	[sflag:s19] =	ssyncadd.s32 $0xFFFFE000  }
0xf3: {  	[tilespmem:s18], [sflag:$0x1] =	stream.indirect.gather [hbm4b:s4+s21], $0x80, s13, s21, $0xb8;
	[tilespmem:$0x1E800] =	vst v63  }
0xf4: {  	_ =	swait.ge [sflag:s30], $0x2000  }
0xf5: {  	[sflag:s30] =	ssyncset.done $0x0  }
0xf6: {  	s14 =	simm.s32 $0x1480;
	[sflag:s30] =	ssyncadd.s32 $0xFFFFE000  }
0xf7: {  	[spmem:s2] =	stream.indirect.scatter.add.f32 [tilespmem:s23], [sflag:$0x5], $0x80, s14, s21, $0xb8;
	[tilespmem:$0x1E800] =	vst v63  }
0xf8: {  	_ =	swait.ge [sflag:s19], $0x2000  }
0xf9: {  	[sflag:s19] =	ssyncset.done $0x0  }
0xfa: {  	s11 =	simm.s32 $0x280;
	[sflag:s19] =	ssyncadd.s32 $0xFFFFE000  }
0xfb: {  	[tilespmem:s23], [sflag:$0x2] =	stream.indirect.gather [hbm4b:s4+s21], $0x80, s11, s21, $0xb8;
	[tilespmem:$0x1E800] =	vst v63  }
0xfc: {  	_ =	swait.ge [sflag:s31], $0x2000  }
0xfd: {  	[sflag:s31] =	ssyncset.done $0x0  }
0xfe: {  	s12 =	simm.s32 $0x1500;
	[sflag:s31] =	ssyncadd.s32 $0xFFFFE000  }
0xff: {  	[spmem:s2] =	stream.indirect.scatter.add.f32 [tilespmem:s26], [sflag:$0x5], $0x80, s12, s21, $0xb8;
	[tilespmem:$0x1E800] =	vst v63  }
0x100: {  	_ =	swait.ge [sflag:s19], $0x2000  }
0x101: {  	[sflag:s19] =	ssyncset.done $0x0  }
0x102: {  	s13 =	simm.s32 $0x300;
	[sflag:s19] =	ssyncadd.s32 $0xFFFFE000  }
0x103: {  	[tilespmem:s26], [sflag:$0x3] =	stream.indirect.gather [hbm4b:s4+s21], $0x80, s13, s21, $0xb8;
	[tilespmem:$0x1E800] =	vst v63  }
0x104: {  	_ =	swait.ge [sflag:s1], $0x2000  }
0x105: {  	[sflag:s1] =	ssyncset.done $0x0  }
0x106: {  	s14 =	simm.s32 $0x1580;
	[sflag:s1] =	ssyncadd.s32 $0xFFFFE000  }
0x107: {  	[spmem:s2] =	stream.indirect.scatter.add.f32 [tilespmem:s28], [sflag:$0x5], $0x80, s14, s21, $0xb8;
	[tilespmem:$0x1E800] =	vst v63  }
0x108: {  	_ =	swait.ge [sflag:s19], $0x2000  }
0x109: {  	s10 =	simm.s32 $0x200;
	s13 =	simm.s32 $0x1000;
	[sflag:s19] =	ssyncset.done $0x0  }
.LBB2_6:
0x10a: {  	s14 =	sadd.s32 $0x180, s10  }
0x10b: {  	[sflag:s19] =	ssyncadd.s32 $0xFFFFE000;
	s12 =	smov.u32 s13;
	s11 =	sadd.s32 $0x800, s13  }
0x10c: {  	[tilespmem:s28], [sflag:$0x4] =	stream.indirect.gather [hbm4b:s4+s21], $0x80, s14, s21, $0xb8;
	[tilespmem:$0x1E800] =	vst v63  }
0x10d: {  	p0 =	sne.s32 s13, $0x4000;
	_ =	swait.ge [sflag:s29], $0x2000  }
0x10e: {  	[sflag:s29] =	ssyncset.done $0x0  }
0x10f: {  	s13 =	sadd.s32 $0x1400, s10;
	[sflag:s29] =	ssyncadd.s32 $0xFFFFE000  }
0x110: {  	[spmem:s2] =	stream.indirect.scatter.add.f32 [tilespmem:s18], [sflag:$0x5], $0x80, s13, s21, $0xb8;
	[tilespmem:$0x1E800] =	vst v63  }
0x111: {  	_ =	swait.ge [sflag:s19], $0x2000  }
0x112: {  	[sflag:s19] =	ssyncset.done $0x0  }
0x113: {  	s13 =	sadd.s32 $0x200, s10;
	[sflag:s19] =	ssyncadd.s32 $0xFFFFE000  }
0x114: {  	[tilespmem:s18], [sflag:$0x1] =	stream.indirect.gather [hbm4b:s4+s21], $0x80, s13, s21, $0xb8;
	[tilespmem:$0x1E800] =	vst v63  }
0x115: {  	_ =	swait.ge [sflag:s30], $0x2000  }
0x116: {  	[sflag:s30] =	ssyncset.done $0x0  }
0x117: {  	s13 =	sadd.s32 $0x1480, s10;
	[sflag:s30] =	ssyncadd.s32 $0xFFFFE000  }
0x118: {  	[spmem:s2] =	stream.indirect.scatter.add.f32 [tilespmem:s23], [sflag:$0x5], $0x80, s13, s21, $0xb8;
	[tilespmem:$0x1E800] =	vst v63  }
0x119: {  	_ =	swait.ge [sflag:s19], $0x2000  }
0x11a: {  	[sflag:s19] =	ssyncset.done $0x0  }
0x11b: {  	s13 =	sadd.s32 $0x280, s10;
	[sflag:s19] =	ssyncadd.s32 $0xFFFFE000  }
0x11c: {  	[tilespmem:s23], [sflag:$0x2] =	stream.indirect.gather [hbm4b:s4+s21], $0x80, s13, s21, $0xb8;
	[tilespmem:$0x1E800] =	vst v63  }
0x11d: {  	_ =	swait.ge [sflag:s31], $0x2000  }
0x11e: {  	[sflag:s31] =	ssyncset.done $0x0  }
0x11f: {  	s13 =	sadd.s32 $0x1500, s10;
	[sflag:s31] =	ssyncadd.s32 $0xFFFFE000  }
0x120: {  	[spmem:s2] =	stream.indirect.scatter.add.f32 [tilespmem:s26], [sflag:$0x5], $0x80, s13, s21, $0xb8;
	[tilespmem:$0x1E800] =	vst v63  }
0x121: {  	_ =	swait.ge [sflag:s19], $0x2000  }
0x122: {  	[sflag:s19] =	ssyncset.done $0x0  }
0x123: {  	s13 =	sadd.s32 $0x300, s10;
	[sflag:s19] =	ssyncadd.s32 $0xFFFFE000  }
0x124: {  	[tilespmem:s26], [sflag:$0x3] =	stream.indirect.gather [hbm4b:s4+s21], $0x80, s13, s21, $0xb8;
	[tilespmem:$0x1E800] =	vst v63  }
0x125: {  	_ =	swait.ge [sflag:s1], $0x2000  }
.Ltmp2:
0x126: {  	[sflag:s1] =	ssyncset.done $0x0;
	(pc) =	sbr.rel @p0 .LBB2_6-.Ltmp2, $4  }
0x127: {  	s10 =	sadd.s32 $0x1580, s10;
	[sflag:s1] =	ssyncadd.s32 $0xFFFFE000  }
0x128: {  	[spmem:s2] =	stream.indirect.scatter.add.f32 [tilespmem:s28], [sflag:$0x5], $0x80, s10, s21, $0xb8;
	[tilespmem:$0x1E800] =	vst v63  }
0x129: {  	_ =	swait.ge [sflag:s19], $0x2000  }
0x12a: {  	s13 =	smov.u32 s11;
	s10 =	sshra.s32 s12, $0x2;
	[sflag:s19] =	ssyncset.done $0x0  }
0x12b: {  	s11 =	sadd.s32 $0x180, s10;
	[sflag:s19] =	ssyncadd.s32 $0xFFFFE000  }
0x12c: {  	[tilespmem:s28], [sflag:$0x4] =	stream.indirect.gather [hbm4b:s4+s21], $0x80, s11, s21, $0xb8;
	[tilespmem:$0x1E800] =	vst v63  }
0x12d: {  	_ =	swait.ge [sflag:s29], $0x2000  }
0x12e: {  	[sflag:s29] =	ssyncset.done $0x0  }
0x12f: {  	s12 =	sadd.s32 $0x1400, s10;
	[sflag:s29] =	ssyncadd.s32 $0xFFFFE000  }
0x130: {  	[spmem:s2] =	stream.indirect.scatter.add.f32 [tilespmem:s18], [sflag:$0x5], $0x80, s12, s21, $0xb8;
	[tilespmem:$0x1E800] =	vst v63  }
0x131: {  	_ =	swait.ge [sflag:s19], $0x2000  }
0x132: {  	[sflag:s19] =	ssyncset.done $0x0  }
0x133: {  	s13 =	sadd.s32 $0x200, s10;
	[sflag:s19] =	ssyncadd.s32 $0xFFFFE000  }
0x134: {  	[tilespmem:s18], [sflag:$0x1] =	stream.indirect.gather [hbm4b:s4+s21], $0x80, s13, s21, $0xb8;
	[tilespmem:$0x1E800] =	vst v63  }
0x135: {  	_ =	swait.ge [sflag:s30], $0x2000  }
0x136: {  	[sflag:s30] =	ssyncset.done $0x0  }
0x137: {  	s14 =	sadd.s32 $0x1480, s10;
	[sflag:s30] =	ssyncadd.s32 $0xFFFFE000  }
0x138: {  	[spmem:s2] =	stream.indirect.scatter.add.f32 [tilespmem:s23], [sflag:$0x5], $0x80, s14, s21, $0xb8;
	[tilespmem:$0x1E800] =	vst v63  }
0x139: {  	_ =	swait.ge [sflag:s19], $0x2000  }
0x13a: {  	[sflag:s19] =	ssyncset.done $0x0  }
0x13b: {  	s12 =	sadd.s32 $0x280, s10;
	[sflag:s19] =	ssyncadd.s32 $0xFFFFE000  }
0x13c: {  	[tilespmem:s23], [sflag:$0x2] =	stream.indirect.gather [hbm4b:s4+s21], $0x80, s12, s21, $0xb8;
	[tilespmem:$0x1E800] =	vst v63  }
0x13d: {  	_ =	swait.ge [sflag:s31], $0x2000  }
0x13e: {  	[sflag:s31] =	ssyncset.done $0x0  }
0x13f: {  	s13 =	sadd.s32 $0x1500, s10;
	[sflag:s31] =	ssyncadd.s32 $0xFFFFE000  }
0x140: {  	[spmem:s2] =	stream.indirect.scatter.add.f32 [tilespmem:s26], [sflag:$0x5], $0x80, s13, s21, $0xb8;
	[tilespmem:$0x1E800] =	vst v63  }
0x141: {  	_ =	swait.ge [sflag:s19], $0x2000  }
0x142: {  	[sflag:s19] =	ssyncset.done $0x0  }
0x143: {  	s14 =	sadd.s32 $0x300, s10;
	[sflag:s19] =	ssyncadd.s32 $0xFFFFE000  }
0x144: {  	[tilespmem:s26], [sflag:$0x3] =	stream.indirect.gather [hbm4b:s4+s21], $0x80, s14, s21, $0xb8;
	[tilespmem:$0x1E800] =	vst v63  }
0x145: {  	_ =	swait.ge [sflag:s1], $0x2000  }
0x146: {  	[sflag:s1] =	ssyncset.done $0x0  }
0x147: {  	s11 =	sadd.s32 $0x1580, s10;
	[sflag:s1] =	ssyncadd.s32 $0xFFFFE000  }
0x148: {  	[spmem:s2] =	stream.indirect.scatter.add.f32 [tilespmem:s28], [sflag:$0x5], $0x80, s11, s21, $0xb8;
	[tilespmem:$0x1E800] =	vst v63  }
0x149: {  	_ =	swait.ge [sflag:s19], $0x2000  }
0x14a: {  	[sflag:s19] =	ssyncset.done $0x0  }
0x14b: {  	[sflag:s19] =	ssyncadd.s32 $0xFFFFE000  }
0x14c: {  	[tilespmem:s28], [sflag:$0x4] =	stream.indirect.gather [hbm4b:s4+s21], $0x80, s0, s21, $0xb8;
	[tilespmem:$0x1E800] =	vst v63  }
0x14d: {  	_ =	swait.ge [sflag:s29], $0x2000  }
0x14e: {  	[sflag:s29] =	ssyncset.done $0x0  }
0x14f: {  	[sflag:s29] =	ssyncadd.s32 $0xFFFFE000  }
0x150: {  	[spmem:s2] =	stream.indirect.scatter.add.f32 [tilespmem:s18], [sflag:$0x5], $0x80, s6, s21, $0xb8;
	[tilespmem:$0x1E800] =	vst v63  }
0x151: {  	_ =	swait.ge [sflag:s19], $0x2000  }
0x152: {  	[sflag:s19] =	ssyncset.done $0x0  }
0x153: {  	[sflag:s19] =	ssyncadd.s32 $0xFFFFE000  }
0x154: {  	_ =	swait.ge [sflag:s30], $0x2000  }
0x155: {  	[sflag:s30] =	ssyncset.done $0x0  }
0x156: {  	[sflag:s30] =	ssyncadd.s32 $0xFFFFE000  }
0x157: {  	[spmem:s2] =	stream.indirect.scatter.add.f32 [tilespmem:s23], [sflag:$0x5], $0x80, s7, s21, $0xb8;
	[tilespmem:$0x1E800] =	vst v63  }
0x158: {  	_ =	swait.ge [sflag:s19], $0x2000  }
0x159: {  	[sflag:s19] =	ssyncset.done $0x0  }
0x15a: {  	[sflag:s19] =	ssyncadd.s32 $0xFFFFE000  }
0x15b: {  	_ =	swait.ge [sflag:s31], $0x2000  }
0x15c: {  	[sflag:s31] =	ssyncset.done $0x0  }
0x15d: {  	[sflag:s31] =	ssyncadd.s32 $0xFFFFE000  }
0x15e: {  	[spmem:s2] =	stream.indirect.scatter.add.f32 [tilespmem:s26], [sflag:$0x5], $0x80, s8, s21, $0xb8;
	[tilespmem:$0x1E800] =	vst v63  }
0x15f: {  	_ =	swait.ge [sflag:s19], $0x2000  }
0x160: {  	[sflag:s19] =	ssyncset.done $0x0  }
0x161: {  	[sflag:s19] =	ssyncadd.s32 $0xFFFFE000  }
0x162: {  	_ =	swait.ge [sflag:s1], $0x2000  }
0x163: {  	[sflag:s1] =	ssyncset.done $0x0  }
0x164: {  	[sflag:s1] =	ssyncadd.s32 $0xFFFFE000  }
0x165: {  	[spmem:s2] =	stream.indirect.scatter.add.f32 [tilespmem:s28], [sflag:$0x5], $0x80, s9, s21, $0xb8;
	[tilespmem:$0x1E800] =	vst v63  }
0x166: {  	_ =	swait.ge [sflag:s19], $0x2000  }
0x167: {  	[sflag:s19] =	ssyncset.done $0x0  }
0x168: {  	s12 =	sadd.s32 $0x500, s15;
	s13 =	simm.s32 $0x0;
	[sflag:s19] =	ssyncadd.s32 $0xFFFFE000  }
0x169: {  	[tilespmem:s13], [sflag:$0x5] =	stream.linear.gather [hbm4b:s12+s13], $0x1400, $0x38;
	[tilespmem:$0x1E800] =	vst v63  }
0x16a: {  	_ =	swait.ge [sflag:s19], $0x1400  }
0x16b: {  	[sflag:s19] =	ssyncset.done $0x0  }
0x16c: {  	s14 =	sadd.s32 $0x500, s16;
	[sflag:s19] =	ssyncadd.s32 $0xFFFFEC00  }
0x16d: {  	[tilespmem:s20], [sflag:$0x5] =	stream.linear.gather [hbm4b:s14+s13], $0x1400, $0x38;
	[tilespmem:$0x1E800] =	vst v63  }
0x16e: {  	_ =	swait.ge [sflag:s19], $0x1400  }
0x16f: {  	[sflag:s19] =	ssyncset.done $0x0  }
0x170: {  	[sflag:s19] =	ssyncadd.s32 $0xFFFFEC00  }
0x171: {  	[tilespmem:s18], [sflag:$0x1] =	stream.indirect.gather [hbm4b:s4+s21], $0x80, s13, s21, $0xb8;
	[tilespmem:$0x1E800] =	vst v63  }
0x172: {  	_ = 	snop  }
0x173: {  	[tilespmem:s23], [sflag:$0x2] =	stream.indirect.gather [hbm4b:s4+s21], $0x80, s22, s21, $0xb8;
	[tilespmem:$0x1E800] =	vst v63  }
0x174: {  	_ = 	snop  }
0x175: {  	[tilespmem:s26], [sflag:$0x3] =	stream.indirect.gather [hbm4b:s4+s21], $0x80, s25, s21, $0xb8;
	[tilespmem:$0x1E800] =	vst v63  }
0x176: {  	s11 =	simm.s32 $0x180  }
0x177: {  	[tilespmem:s28], [sflag:$0x4] =	stream.indirect.gather [hbm4b:s4+s21], $0x80, s11, s21, $0xb8;
	[tilespmem:$0x1E800] =	vst v63  }
0x178: {  	_ =	swait.ge [sflag:s29], $0x2000  }
0x179: {  	[sflag:s29] =	ssyncset.done $0x0  }
0x17a: {  	s12 =	simm.s32 $0x1400;
	[sflag:s29] =	ssyncadd.s32 $0xFFFFE000  }
0x17b: {  	[spmem:s2] =	stream.indirect.scatter.add.f32 [tilespmem:s18], [sflag:$0x5], $0x80, s12, s21, $0xb8;
	[tilespmem:$0x1E800] =	vst v63  }
0x17c: {  	_ =	swait.ge [sflag:s19], $0x2000  }
0x17d: {  	[sflag:s19] =	ssyncset.done $0x0  }
0x17e: {  	s13 =	simm.s32 $0x200;
	[sflag:s19] =	ssyncadd.s32 $0xFFFFE000  }
0x17f: {  	[tilespmem:s18], [sflag:$0x1] =	stream.indirect.gather [hbm4b:s4+s21], $0x80, s13, s21, $0xb8;
	[tilespmem:$0x1E800] =	vst v63  }
0x180: {  	_ =	swait.ge [sflag:s30], $0x2000  }
0x181: {  	[sflag:s30] =	ssyncset.done $0x0  }
0x182: {  	s14 =	simm.s32 $0x1480;
	[sflag:s30] =	ssyncadd.s32 $0xFFFFE000  }
0x183: {  	[spmem:s2] =	stream.indirect.scatter.add.f32 [tilespmem:s23], [sflag:$0x5], $0x80, s14, s21, $0xb8;
	[tilespmem:$0x1E800] =	vst v63  }
0x184: {  	_ =	swait.ge [sflag:s19], $0x2000  }
0x185: {  	[sflag:s19] =	ssyncset.done $0x0  }
0x186: {  	s11 =	simm.s32 $0x280;
	[sflag:s19] =	ssyncadd.s32 $0xFFFFE000  }
0x187: {  	[tilespmem:s23], [sflag:$0x2] =	stream.indirect.gather [hbm4b:s4+s21], $0x80, s11, s21, $0xb8;
	[tilespmem:$0x1E800] =	vst v63  }
0x188: {  	_ =	swait.ge [sflag:s31], $0x2000  }
0x189: {  	[sflag:s31] =	ssyncset.done $0x0  }
0x18a: {  	s12 =	simm.s32 $0x1500;
	[sflag:s31] =	ssyncadd.s32 $0xFFFFE000  }
0x18b: {  	[spmem:s2] =	stream.indirect.scatter.add.f32 [tilespmem:s26], [sflag:$0x5], $0x80, s12, s21, $0xb8;
	[tilespmem:$0x1E800] =	vst v63  }
0x18c: {  	_ =	swait.ge [sflag:s19], $0x2000  }
0x18d: {  	[sflag:s19] =	ssyncset.done $0x0  }
0x18e: {  	s13 =	simm.s32 $0x300;
	[sflag:s19] =	ssyncadd.s32 $0xFFFFE000  }
0x18f: {  	[tilespmem:s26], [sflag:$0x3] =	stream.indirect.gather [hbm4b:s4+s21], $0x80, s13, s21, $0xb8;
	[tilespmem:$0x1E800] =	vst v63  }
0x190: {  	_ =	swait.ge [sflag:s1], $0x2000  }
0x191: {  	[sflag:s1] =	ssyncset.done $0x0  }
0x192: {  	s14 =	simm.s32 $0x1580;
	[sflag:s1] =	ssyncadd.s32 $0xFFFFE000  }
0x193: {  	[spmem:s2] =	stream.indirect.scatter.add.f32 [tilespmem:s28], [sflag:$0x5], $0x80, s14, s21, $0xb8;
	[tilespmem:$0x1E800] =	vst v63  }
0x194: {  	_ =	swait.ge [sflag:s19], $0x2000  }
0x195: {  	s10 =	simm.s32 $0x200;
	s13 =	simm.s32 $0x1000;
	[sflag:s19] =	ssyncset.done $0x0  }
.LBB2_8:
0x196: {  	s14 =	sadd.s32 $0x180, s10  }
0x197: {  	[sflag:s19] =	ssyncadd.s32 $0xFFFFE000;
	s12 =	smov.u32 s13;
	s11 =	sadd.s32 $0x800, s13  }
0x198: {  	[tilespmem:s28], [sflag:$0x4] =	stream.indirect.gather [hbm4b:s4+s21], $0x80, s14, s21, $0xb8;
	[tilespmem:$0x1E800] =	vst v63  }
0x199: {  	p0 =	sne.s32 s13, $0x4000;
	_ =	swait.ge [sflag:s29], $0x2000  }
0x19a: {  	[sflag:s29] =	ssyncset.done $0x0  }
0x19b: {  	s13 =	sadd.s32 $0x1400, s10;
	[sflag:s29] =	ssyncadd.s32 $0xFFFFE000  }
0x19c: {  	[spmem:s2] =	stream.indirect.scatter.add.f32 [tilespmem:s18], [sflag:$0x5], $0x80, s13, s21, $0xb8;
	[tilespmem:$0x1E800] =	vst v63  }
0x19d: {  	_ =	swait.ge [sflag:s19], $0x2000  }
0x19e: {  	[sflag:s19] =	ssyncset.done $0x0  }
0x19f: {  	s13 =	sadd.s32 $0x200, s10;
	[sflag:s19] =	ssyncadd.s32 $0xFFFFE000  }
0x1a0: {  	[tilespmem:s18], [sflag:$0x1] =	stream.indirect.gather [hbm4b:s4+s21], $0x80, s13, s21, $0xb8;
	[tilespmem:$0x1E800] =	vst v63  }
0x1a1: {  	_ =	swait.ge [sflag:s30], $0x2000  }
0x1a2: {  	[sflag:s30] =	ssyncset.done $0x0  }
0x1a3: {  	s13 =	sadd.s32 $0x1480, s10;
	[sflag:s30] =	ssyncadd.s32 $0xFFFFE000  }
0x1a4: {  	[spmem:s2] =	stream.indirect.scatter.add.f32 [tilespmem:s23], [sflag:$0x5], $0x80, s13, s21, $0xb8;
	[tilespmem:$0x1E800] =	vst v63  }
0x1a5: {  	_ =	swait.ge [sflag:s19], $0x2000  }
0x1a6: {  	[sflag:s19] =	ssyncset.done $0x0  }
0x1a7: {  	s13 =	sadd.s32 $0x280, s10;
	[sflag:s19] =	ssyncadd.s32 $0xFFFFE000  }
0x1a8: {  	[tilespmem:s23], [sflag:$0x2] =	stream.indirect.gather [hbm4b:s4+s21], $0x80, s13, s21, $0xb8;
	[tilespmem:$0x1E800] =	vst v63  }
0x1a9: {  	_ =	swait.ge [sflag:s31], $0x2000  }
0x1aa: {  	[sflag:s31] =	ssyncset.done $0x0  }
0x1ab: {  	s13 =	sadd.s32 $0x1500, s10;
	[sflag:s31] =	ssyncadd.s32 $0xFFFFE000  }
0x1ac: {  	[spmem:s2] =	stream.indirect.scatter.add.f32 [tilespmem:s26], [sflag:$0x5], $0x80, s13, s21, $0xb8;
	[tilespmem:$0x1E800] =	vst v63  }
0x1ad: {  	_ =	swait.ge [sflag:s19], $0x2000  }
0x1ae: {  	[sflag:s19] =	ssyncset.done $0x0  }
0x1af: {  	s13 =	sadd.s32 $0x300, s10;
	[sflag:s19] =	ssyncadd.s32 $0xFFFFE000  }
0x1b0: {  	[tilespmem:s26], [sflag:$0x3] =	stream.indirect.gather [hbm4b:s4+s21], $0x80, s13, s21, $0xb8;
	[tilespmem:$0x1E800] =	vst v63  }
0x1b1: {  	_ =	swait.ge [sflag:s1], $0x2000  }
.Ltmp3:
0x1b2: {  	[sflag:s1] =	ssyncset.done $0x0;
	(pc) =	sbr.rel @p0 .LBB2_8-.Ltmp3, $4  }
0x1b3: {  	s10 =	sadd.s32 $0x1580, s10;
	[sflag:s1] =	ssyncadd.s32 $0xFFFFE000  }
0x1b4: {  	[spmem:s2] =	stream.indirect.scatter.add.f32 [tilespmem:s28], [sflag:$0x5], $0x80, s10, s21, $0xb8;
	[tilespmem:$0x1E800] =	vst v63  }
0x1b5: {  	_ =	swait.ge [sflag:s19], $0x2000  }
0x1b6: {  	s13 =	smov.u32 s11;
	s10 =	sshra.s32 s12, $0x2;
	[sflag:s19] =	ssyncset.done $0x0  }
0x1b7: {  	s11 =	sadd.s32 $0x180, s10;
	[sflag:s19] =	ssyncadd.s32 $0xFFFFE000  }
0x1b8: {  	[tilespmem:s28], [sflag:$0x4] =	stream.indirect.gather [hbm4b:s4+s21], $0x80, s11, s21, $0xb8;
	[tilespmem:$0x1E800] =	vst v63  }
0x1b9: {  	_ =	swait.ge [sflag:s29], $0x2000  }
0x1ba: {  	[sflag:s29] =	ssyncset.done $0x0  }
0x1bb: {  	s12 =	sadd.s32 $0x1400, s10;
	[sflag:s29] =	ssyncadd.s32 $0xFFFFE000  }
0x1bc: {  	[spmem:s2] =	stream.indirect.scatter.add.f32 [tilespmem:s18], [sflag:$0x5], $0x80, s12, s21, $0xb8;
	[tilespmem:$0x1E800] =	vst v63  }
0x1bd: {  	_ =	swait.ge [sflag:s19], $0x2000  }
0x1be: {  	[sflag:s19] =	ssyncset.done $0x0  }
0x1bf: {  	s13 =	sadd.s32 $0x200, s10;
	[sflag:s19] =	ssyncadd.s32 $0xFFFFE000  }
0x1c0: {  	[tilespmem:s18], [sflag:$0x1] =	stream.indirect.gather [hbm4b:s4+s21], $0x80, s13, s21, $0xb8;
	[tilespmem:$0x1E800] =	vst v63  }
0x1c1: {  	_ =	swait.ge [sflag:s30], $0x2000  }
0x1c2: {  	[sflag:s30] =	ssyncset.done $0x0  }
0x1c3: {  	s14 =	sadd.s32 $0x1480, s10;
	[sflag:s30] =	ssyncadd.s32 $0xFFFFE000  }
0x1c4: {  	[spmem:s2] =	stream.indirect.scatter.add.f32 [tilespmem:s23], [sflag:$0x5], $0x80, s14, s21, $0xb8;
	[tilespmem:$0x1E800] =	vst v63  }
0x1c5: {  	_ =	swait.ge [sflag:s19], $0x2000  }
0x1c6: {  	[sflag:s19] =	ssyncset.done $0x0  }
0x1c7: {  	s12 =	sadd.s32 $0x280, s10;
	[sflag:s19] =	ssyncadd.s32 $0xFFFFE000  }
0x1c8: {  	[tilespmem:s23], [sflag:$0x2] =	stream.indirect.gather [hbm4b:s4+s21], $0x80, s12, s21, $0xb8;
	[tilespmem:$0x1E800] =	vst v63  }
0x1c9: {  	_ =	swait.ge [sflag:s31], $0x2000  }
0x1ca: {  	[sflag:s31] =	ssyncset.done $0x0  }
0x1cb: {  	s13 =	sadd.s32 $0x1500, s10;
	[sflag:s31] =	ssyncadd.s32 $0xFFFFE000  }
0x1cc: {  	[spmem:s2] =	stream.indirect.scatter.add.f32 [tilespmem:s26], [sflag:$0x5], $0x80, s13, s21, $0xb8;
	[tilespmem:$0x1E800] =	vst v63  }
0x1cd: {  	_ =	swait.ge [sflag:s19], $0x2000  }
0x1ce: {  	[sflag:s19] =	ssyncset.done $0x0  }
0x1cf: {  	s14 =	sadd.s32 $0x300, s10;
	[sflag:s19] =	ssyncadd.s32 $0xFFFFE000  }
0x1d0: {  	[tilespmem:s26], [sflag:$0x3] =	stream.indirect.gather [hbm4b:s4+s21], $0x80, s14, s21, $0xb8;
	[tilespmem:$0x1E800] =	vst v63  }
0x1d1: {  	_ =	swait.ge [sflag:s1], $0x2000  }
0x1d2: {  	[sflag:s1] =	ssyncset.done $0x0  }
0x1d3: {  	s11 =	sadd.s32 $0x1580, s10;
	[sflag:s1] =	ssyncadd.s32 $0xFFFFE000  }
0x1d4: {  	[spmem:s2] =	stream.indirect.scatter.add.f32 [tilespmem:s28], [sflag:$0x5], $0x80, s11, s21, $0xb8;
	[tilespmem:$0x1E800] =	vst v63  }
0x1d5: {  	_ =	swait.ge [sflag:s19], $0x2000  }
0x1d6: {  	[sflag:s19] =	ssyncset.done $0x0  }
0x1d7: {  	[sflag:s19] =	ssyncadd.s32 $0xFFFFE000  }
0x1d8: {  	[tilespmem:s28], [sflag:$0x4] =	stream.indirect.gather [hbm4b:s4+s21], $0x80, s0, s21, $0xb8;
	[tilespmem:$0x1E800] =	vst v63  }
0x1d9: {  	_ =	swait.ge [sflag:s29], $0x2000  }
0x1da: {  	[sflag:s29] =	ssyncset.done $0x0  }
0x1db: {  	[sflag:s29] =	ssyncadd.s32 $0xFFFFE000  }
0x1dc: {  	[spmem:s2] =	stream.indirect.scatter.add.f32 [tilespmem:s18], [sflag:$0x5], $0x80, s6, s21, $0xb8;
	[tilespmem:$0x1E800] =	vst v63  }
0x1dd: {  	_ =	swait.ge [sflag:s19], $0x2000  }
0x1de: {  	[sflag:s19] =	ssyncset.done $0x0  }
0x1df: {  	[sflag:s19] =	ssyncadd.s32 $0xFFFFE000  }
0x1e0: {  	_ =	swait.ge [sflag:s30], $0x2000  }
0x1e1: {  	[sflag:s30] =	ssyncset.done $0x0  }
0x1e2: {  	[sflag:s30] =	ssyncadd.s32 $0xFFFFE000  }
0x1e3: {  	[spmem:s2] =	stream.indirect.scatter.add.f32 [tilespmem:s23], [sflag:$0x5], $0x80, s7, s21, $0xb8;
	[tilespmem:$0x1E800] =	vst v63  }
0x1e4: {  	_ =	swait.ge [sflag:s19], $0x2000  }
0x1e5: {  	[sflag:s19] =	ssyncset.done $0x0  }
0x1e6: {  	[sflag:s19] =	ssyncadd.s32 $0xFFFFE000  }
0x1e7: {  	_ =	swait.ge [sflag:s31], $0x2000  }
0x1e8: {  	[sflag:s31] =	ssyncset.done $0x0  }
0x1e9: {  	[sflag:s31] =	ssyncadd.s32 $0xFFFFE000  }
0x1ea: {  	[spmem:s2] =	stream.indirect.scatter.add.f32 [tilespmem:s26], [sflag:$0x5], $0x80, s8, s21, $0xb8;
	[tilespmem:$0x1E800] =	vst v63  }
0x1eb: {  	_ =	swait.ge [sflag:s19], $0x2000  }
0x1ec: {  	[sflag:s19] =	ssyncset.done $0x0  }
0x1ed: {  	[sflag:s19] =	ssyncadd.s32 $0xFFFFE000  }
0x1ee: {  	_ =	swait.ge [sflag:s1], $0x2000  }
0x1ef: {  	[sflag:s1] =	ssyncset.done $0x0  }
0x1f0: {  	[sflag:s1] =	ssyncadd.s32 $0xFFFFE000  }
0x1f1: {  	[spmem:s2] =	stream.indirect.scatter.add.f32 [tilespmem:s28], [sflag:$0x5], $0x80, s9, s21, $0xb8;
	[tilespmem:$0x1E800] =	vst v63  }
0x1f2: {  	_ =	swait.ge [sflag:s19], $0x2000  }
0x1f3: {  	[sflag:s19] =	ssyncset.done $0x0  }
0x1f4: {  	s12 =	sadd.s32 $0x780, s15;
	s13 =	simm.s32 $0x0;
	[sflag:s19] =	ssyncadd.s32 $0xFFFFE000  }
0x1f5: {  	[tilespmem:s13], [sflag:$0x5] =	stream.linear.gather [hbm4b:s12+s13], $0x1400, $0x38;
	[tilespmem:$0x1E800] =	vst v63  }
0x1f6: {  	_ =	swait.ge [sflag:s19], $0x1400  }
0x1f7: {  	[sflag:s19] =	ssyncset.done $0x0  }
0x1f8: {  	s14 =	sadd.s32 $0x780, s16;
	[sflag:s19] =	ssyncadd.s32 $0xFFFFEC00  }
0x1f9: {  	[tilespmem:s20], [sflag:$0x5] =	stream.linear.gather [hbm4b:s14+s13], $0x1400, $0x38;
	[tilespmem:$0x1E800] =	vst v63  }
0x1fa: {  	_ =	swait.ge [sflag:s19], $0x1400  }
0x1fb: {  	[sflag:s19] =	ssyncset.done $0x0  }
0x1fc: {  	[sflag:s19] =	ssyncadd.s32 $0xFFFFEC00  }
0x1fd: {  	[tilespmem:s18], [sflag:$0x1] =	stream.indirect.gather [hbm4b:s4+s21], $0x80, s13, s21, $0xb8;
	[tilespmem:$0x1E800] =	vst v63  }
0x1fe: {  	_ = 	snop  }
0x1ff: {  	[tilespmem:s23], [sflag:$0x2] =	stream.indirect.gather [hbm4b:s4+s21], $0x80, s22, s21, $0xb8;
	[tilespmem:$0x1E800] =	vst v63  }
0x200: {  	_ = 	snop  }
0x201: {  	[tilespmem:s26], [sflag:$0x3] =	stream.indirect.gather [hbm4b:s4+s21], $0x80, s25, s21, $0xb8;
	[tilespmem:$0x1E800] =	vst v63  }
0x202: {  	s11 =	simm.s32 $0x180  }
0x203: {  	[tilespmem:s28], [sflag:$0x4] =	stream.indirect.gather [hbm4b:s4+s21], $0x80, s11, s21, $0xb8;
	[tilespmem:$0x1E800] =	vst v63  }
0x204: {  	_ =	swait.ge [sflag:s29], $0x2000  }
0x205: {  	[sflag:s29] =	ssyncset.done $0x0  }
0x206: {  	s12 =	simm.s32 $0x1400;
	[sflag:s29] =	ssyncadd.s32 $0xFFFFE000  }
0x207: {  	[spmem:s2] =	stream.indirect.scatter.add.f32 [tilespmem:s18], [sflag:$0x5], $0x80, s12, s21, $0xb8;
	[tilespmem:$0x1E800] =	vst v63  }
0x208: {  	_ =	swait.ge [sflag:s19], $0x2000  }
0x209: {  	[sflag:s19] =	ssyncset.done $0x0  }
0x20a: {  	s13 =	simm.s32 $0x200;
	[sflag:s19] =	ssyncadd.s32 $0xFFFFE000  }
0x20b: {  	[tilespmem:s18], [sflag:$0x1] =	stream.indirect.gather [hbm4b:s4+s21], $0x80, s13, s21, $0xb8;
	[tilespmem:$0x1E800] =	vst v63  }
0x20c: {  	_ =	swait.ge [sflag:s30], $0x2000  }
0x20d: {  	[sflag:s30] =	ssyncset.done $0x0  }
0x20e: {  	s14 =	simm.s32 $0x1480;
	[sflag:s30] =	ssyncadd.s32 $0xFFFFE000  }
0x20f: {  	[spmem:s2] =	stream.indirect.scatter.add.f32 [tilespmem:s23], [sflag:$0x5], $0x80, s14, s21, $0xb8;
	[tilespmem:$0x1E800] =	vst v63  }
0x210: {  	_ =	swait.ge [sflag:s19], $0x2000  }
0x211: {  	[sflag:s19] =	ssyncset.done $0x0  }
0x212: {  	s11 =	simm.s32 $0x280;
	[sflag:s19] =	ssyncadd.s32 $0xFFFFE000  }
0x213: {  	[tilespmem:s23], [sflag:$0x2] =	stream.indirect.gather [hbm4b:s4+s21], $0x80, s11, s21, $0xb8;
	[tilespmem:$0x1E800] =	vst v63  }
0x214: {  	_ =	swait.ge [sflag:s31], $0x2000  }
0x215: {  	[sflag:s31] =	ssyncset.done $0x0  }
0x216: {  	s12 =	simm.s32 $0x1500;
	[sflag:s31] =	ssyncadd.s32 $0xFFFFE000  }
0x217: {  	[spmem:s2] =	stream.indirect.scatter.add.f32 [tilespmem:s26], [sflag:$0x5], $0x80, s12, s21, $0xb8;
	[tilespmem:$0x1E800] =	vst v63  }
0x218: {  	_ =	swait.ge [sflag:s19], $0x2000  }
0x219: {  	[sflag:s19] =	ssyncset.done $0x0  }
0x21a: {  	s13 =	simm.s32 $0x300;
	[sflag:s19] =	ssyncadd.s32 $0xFFFFE000  }
0x21b: {  	[tilespmem:s26], [sflag:$0x3] =	stream.indirect.gather [hbm4b:s4+s21], $0x80, s13, s21, $0xb8;
	[tilespmem:$0x1E800] =	vst v63  }
0x21c: {  	_ =	swait.ge [sflag:s1], $0x2000  }
0x21d: {  	[sflag:s1] =	ssyncset.done $0x0  }
0x21e: {  	s14 =	simm.s32 $0x1580;
	[sflag:s1] =	ssyncadd.s32 $0xFFFFE000  }
0x21f: {  	[spmem:s2] =	stream.indirect.scatter.add.f32 [tilespmem:s28], [sflag:$0x5], $0x80, s14, s21, $0xb8;
	[tilespmem:$0x1E800] =	vst v63  }
0x220: {  	_ =	swait.ge [sflag:s19], $0x2000  }
0x221: {  	s10 =	simm.s32 $0x200;
	s13 =	simm.s32 $0x1000;
	[sflag:s19] =	ssyncset.done $0x0  }
.LBB2_10:
0x222: {  	s14 =	sadd.s32 $0x180, s10  }
0x223: {  	[sflag:s19] =	ssyncadd.s32 $0xFFFFE000;
	s12 =	smov.u32 s13;
	s11 =	sadd.s32 $0x800, s13  }
0x224: {  	[tilespmem:s28], [sflag:$0x4] =	stream.indirect.gather [hbm4b:s4+s21], $0x80, s14, s21, $0xb8;
	[tilespmem:$0x1E800] =	vst v63  }
0x225: {  	p0 =	sne.s32 s13, $0x4000;
	_ =	swait.ge [sflag:s29], $0x2000  }
0x226: {  	[sflag:s29] =	ssyncset.done $0x0  }
0x227: {  	s13 =	sadd.s32 $0x1400, s10;
	[sflag:s29] =	ssyncadd.s32 $0xFFFFE000  }
0x228: {  	[spmem:s2] =	stream.indirect.scatter.add.f32 [tilespmem:s18], [sflag:$0x5], $0x80, s13, s21, $0xb8;
	[tilespmem:$0x1E800] =	vst v63  }
0x229: {  	_ =	swait.ge [sflag:s19], $0x2000  }
0x22a: {  	[sflag:s19] =	ssyncset.done $0x0  }
0x22b: {  	s13 =	sadd.s32 $0x200, s10;
	[sflag:s19] =	ssyncadd.s32 $0xFFFFE000  }
0x22c: {  	[tilespmem:s18], [sflag:$0x1] =	stream.indirect.gather [hbm4b:s4+s21], $0x80, s13, s21, $0xb8;
	[tilespmem:$0x1E800] =	vst v63  }
0x22d: {  	_ =	swait.ge [sflag:s30], $0x2000  }
0x22e: {  	[sflag:s30] =	ssyncset.done $0x0  }
0x22f: {  	s13 =	sadd.s32 $0x1480, s10;
	[sflag:s30] =	ssyncadd.s32 $0xFFFFE000  }
0x230: {  	[spmem:s2] =	stream.indirect.scatter.add.f32 [tilespmem:s23], [sflag:$0x5], $0x80, s13, s21, $0xb8;
	[tilespmem:$0x1E800] =	vst v63  }
0x231: {  	_ =	swait.ge [sflag:s19], $0x2000  }
0x232: {  	[sflag:s19] =	ssyncset.done $0x0  }
0x233: {  	s13 =	sadd.s32 $0x280, s10;
	[sflag:s19] =	ssyncadd.s32 $0xFFFFE000  }
0x234: {  	[tilespmem:s23], [sflag:$0x2] =	stream.indirect.gather [hbm4b:s4+s21], $0x80, s13, s21, $0xb8;
	[tilespmem:$0x1E800] =	vst v63  }
0x235: {  	_ =	swait.ge [sflag:s31], $0x2000  }
0x236: {  	[sflag:s31] =	ssyncset.done $0x0  }
0x237: {  	s13 =	sadd.s32 $0x1500, s10;
	[sflag:s31] =	ssyncadd.s32 $0xFFFFE000  }
0x238: {  	[spmem:s2] =	stream.indirect.scatter.add.f32 [tilespmem:s26], [sflag:$0x5], $0x80, s13, s21, $0xb8;
	[tilespmem:$0x1E800] =	vst v63  }
0x239: {  	_ =	swait.ge [sflag:s19], $0x2000  }
0x23a: {  	[sflag:s19] =	ssyncset.done $0x0  }
0x23b: {  	s13 =	sadd.s32 $0x300, s10;
	[sflag:s19] =	ssyncadd.s32 $0xFFFFE000  }
0x23c: {  	[tilespmem:s26], [sflag:$0x3] =	stream.indirect.gather [hbm4b:s4+s21], $0x80, s13, s21, $0xb8;
	[tilespmem:$0x1E800] =	vst v63  }
0x23d: {  	_ =	swait.ge [sflag:s1], $0x2000  }
.Ltmp4:
0x23e: {  	[sflag:s1] =	ssyncset.done $0x0;
	(pc) =	sbr.rel @p0 .LBB2_10-.Ltmp4, $4  }
0x23f: {  	s10 =	sadd.s32 $0x1580, s10;
	[sflag:s1] =	ssyncadd.s32 $0xFFFFE000  }
0x240: {  	[spmem:s2] =	stream.indirect.scatter.add.f32 [tilespmem:s28], [sflag:$0x5], $0x80, s10, s21, $0xb8;
	[tilespmem:$0x1E800] =	vst v63  }
0x241: {  	_ =	swait.ge [sflag:s19], $0x2000  }
0x242: {  	s13 =	smov.u32 s11;
	s10 =	sshra.s32 s12, $0x2;
	[sflag:s19] =	ssyncset.done $0x0  }
0x243: {  	s11 =	sadd.s32 $0x180, s10;
	[sflag:s19] =	ssyncadd.s32 $0xFFFFE000  }
0x244: {  	[tilespmem:s28], [sflag:$0x4] =	stream.indirect.gather [hbm4b:s4+s21], $0x80, s11, s21, $0xb8;
	[tilespmem:$0x1E800] =	vst v63  }
0x245: {  	_ =	swait.ge [sflag:s29], $0x2000  }
0x246: {  	[sflag:s29] =	ssyncset.done $0x0  }
0x247: {  	s12 =	sadd.s32 $0x1400, s10;
	[sflag:s29] =	ssyncadd.s32 $0xFFFFE000  }
0x248: {  	[spmem:s2] =	stream.indirect.scatter.add.f32 [tilespmem:s18], [sflag:$0x5], $0x80, s12, s21, $0xb8;
	[tilespmem:$0x1E800] =	vst v63  }
0x249: {  	_ =	swait.ge [sflag:s19], $0x2000  }
0x24a: {  	[sflag:s19] =	ssyncset.done $0x0  }
0x24b: {  	s13 =	sadd.s32 $0x200, s10;
	[sflag:s19] =	ssyncadd.s32 $0xFFFFE000  }
0x24c: {  	[tilespmem:s18], [sflag:$0x1] =	stream.indirect.gather [hbm4b:s4+s21], $0x80, s13, s21, $0xb8;
	[tilespmem:$0x1E800] =	vst v63  }
0x24d: {  	_ =	swait.ge [sflag:s30], $0x2000  }
0x24e: {  	[sflag:s30] =	ssyncset.done $0x0  }
0x24f: {  	s14 =	sadd.s32 $0x1480, s10;
	[sflag:s30] =	ssyncadd.s32 $0xFFFFE000  }
0x250: {  	[spmem:s2] =	stream.indirect.scatter.add.f32 [tilespmem:s23], [sflag:$0x5], $0x80, s14, s21, $0xb8;
	[tilespmem:$0x1E800] =	vst v63  }
0x251: {  	_ =	swait.ge [sflag:s19], $0x2000  }
0x252: {  	[sflag:s19] =	ssyncset.done $0x0  }
0x253: {  	s12 =	sadd.s32 $0x280, s10;
	[sflag:s19] =	ssyncadd.s32 $0xFFFFE000  }
0x254: {  	[tilespmem:s23], [sflag:$0x2] =	stream.indirect.gather [hbm4b:s4+s21], $0x80, s12, s21, $0xb8;
	[tilespmem:$0x1E800] =	vst v63  }
0x255: {  	_ =	swait.ge [sflag:s31], $0x2000  }
0x256: {  	[sflag:s31] =	ssyncset.done $0x0  }
0x257: {  	s13 =	sadd.s32 $0x1500, s10;
	[sflag:s31] =	ssyncadd.s32 $0xFFFFE000  }
0x258: {  	[spmem:s2] =	stream.indirect.scatter.add.f32 [tilespmem:s26], [sflag:$0x5], $0x80, s13, s21, $0xb8;
	[tilespmem:$0x1E800] =	vst v63  }
0x259: {  	_ =	swait.ge [sflag:s19], $0x2000  }
0x25a: {  	[sflag:s19] =	ssyncset.done $0x0  }
0x25b: {  	s14 =	sadd.s32 $0x300, s10;
	[sflag:s19] =	ssyncadd.s32 $0xFFFFE000  }
0x25c: {  	[tilespmem:s26], [sflag:$0x3] =	stream.indirect.gather [hbm4b:s4+s21], $0x80, s14, s21, $0xb8;
	[tilespmem:$0x1E800] =	vst v63  }
0x25d: {  	_ =	swait.ge [sflag:s1], $0x2000  }
0x25e: {  	[sflag:s1] =	ssyncset.done $0x0  }
0x25f: {  	s12 =	sadd.s32 $0x1580, s10;
	[sflag:s1] =	ssyncadd.s32 $0xFFFFE000  }
0x260: {  	[spmem:s2] =	stream.indirect.scatter.add.f32 [tilespmem:s28], [sflag:$0x5], $0x80, s12, s21, $0xb8;
	[tilespmem:$0x1E800] =	vst v63  }
0x261: {  	_ =	swait.ge [sflag:s19], $0x2000  }
0x262: {  	[sflag:s19] =	ssyncset.done $0x0  }
0x263: {  	[sflag:s19] =	ssyncadd.s32 $0xFFFFE000  }
0x264: {  	[tilespmem:s28], [sflag:$0x4] =	stream.indirect.gather [hbm4b:s4+s21], $0x80, s0, s21, $0xb8;
	[tilespmem:$0x1E800] =	vst v63  }
0x265: {  	_ =	swait.ge [sflag:s29], $0x2000  }
0x266: {  	[sflag:s29] =	ssyncset.done $0x0  }
0x267: {  	[sflag:s29] =	ssyncadd.s32 $0xFFFFE000  }
0x268: {  	[spmem:s2] =	stream.indirect.scatter.add.f32 [tilespmem:s18], [sflag:$0x5], $0x80, s6, s21, $0xb8;
	[tilespmem:$0x1E800] =	vst v63  }
0x269: {  	_ =	swait.ge [sflag:s19], $0x2000  }
0x26a: {  	[sflag:s19] =	ssyncset.done $0x0  }
0x26b: {  	[sflag:s19] =	ssyncadd.s32 $0xFFFFE000  }
0x26c: {  	_ =	swait.ge [sflag:s30], $0x2000  }
0x26d: {  	[sflag:s30] =	ssyncset.done $0x0  }
0x26e: {  	[sflag:s30] =	ssyncadd.s32 $0xFFFFE000  }
0x26f: {  	[spmem:s2] =	stream.indirect.scatter.add.f32 [tilespmem:s23], [sflag:$0x5], $0x80, s7, s21, $0xb8;
	[tilespmem:$0x1E800] =	vst v63  }
0x270: {  	_ =	swait.ge [sflag:s19], $0x2000  }
0x271: {  	[sflag:s19] =	ssyncset.done $0x0  }
0x272: {  	[sflag:s19] =	ssyncadd.s32 $0xFFFFE000  }
0x273: {  	_ =	swait.ge [sflag:s31], $0x2000  }
0x274: {  	[sflag:s31] =	ssyncset.done $0x0  }
0x275: {  	[sflag:s31] =	ssyncadd.s32 $0xFFFFE000  }
0x276: {  	[spmem:s2] =	stream.indirect.scatter.add.f32 [tilespmem:s26], [sflag:$0x5], $0x80, s8, s21, $0xb8;
	[tilespmem:$0x1E800] =	vst v63  }
0x277: {  	_ =	swait.ge [sflag:s19], $0x2000  }
0x278: {  	[sflag:s19] =	ssyncset.done $0x0  }
0x279: {  	[sflag:s19] =	ssyncadd.s32 $0xFFFFE000  }
0x27a: {  	_ =	swait.ge [sflag:s1], $0x2000  }
0x27b: {  	[sflag:s1] =	ssyncset.done $0x0  }
0x27c: {  	[sflag:s1] =	ssyncadd.s32 $0xFFFFE000  }
0x27d: {  	[spmem:s2] =	stream.indirect.scatter.add.f32 [tilespmem:s28], [sflag:$0x5], $0x80, s9, s21, $0xb8;
	[tilespmem:$0x1E800] =	vst v63  }
0x27e: {  	s13 =	stileid.u32;
	_ =	swait.ge [sflag:s19], $0x2000  }
0x27f: {  	s3 =	sadd.s32 $0x1, s3;
	s10 =	sshll.u32 s13, $0x6;
	[sflag:s19] =	ssyncset.done $0x0  }
0x280: {  	p0 =	sne.s32 s3, s17;
	s10 =	sor.u32 $0x1C05, s10;
	[sflag:s19] =	ssyncadd.s32 $0xFFFFE000  }
.Ltmp5:
0x281: {  	s14 =	sshrl.u32 s5, $0x3;
	[bflag:$0x0] =	sbarrier.arrive $0xFFFF;
	(pc) =	sbr.rel @p0 .LBB2_1-.Ltmp5, $4  }
0x282: {  	[hbm:s24], [sflag:s10] =	dma.local [spmem:s14], $0x2800  }
0x283: {  	_ =	swait.ge [sflag:s19], $0x2800  }
0x284: {  	[sflag:s19] =	ssyncset.done $0x0  }
0x285: {  	[sflag:s19] =	ssyncadd.s32 $0xFFFFD800  }
0x286: {  	_ =	sfence.sel $0x180000  }
0x287: {  	[bflag:$0x0] =	sbarrier.arrive $0xFFFF  }
0x288: {  	_ =	strace $0x9000004D  }
0x289: {  	s0 =	stileid.u32;
	[bflag:$0x2] =	sbarrier.arrive $0xFFFF  }
0x28a: {  	p0 =	sne.s32 s0, $0x0;
	s0 =	rddreg [dreg:$0x2]  }
0x28b: {  	s0 =	sadd.s32 @!p0 $0x100000, s0  }
0x28c: {  	[sflag:s0] =	ssyncadd.tile.s32 @!p0 $0x1;
	_ =	shalt  }
.Lfunc_end2:
_tile_overlayer_lowered:
.L_overlay_start_2:
0x28d: {  	(tag) =	ssettag $0x2  }
0x28e: {  	s0 =	rddreg [dreg:$0x0];
	s2 =	stileid.u32  }
0x28f: {  	s1 =	rddreg [dreg:$0x1];
	p0 =	sne.s32 s2, $0x0  }
0x290: {  	s3 =	rddreg [dreg:$0x2];
	[bflag:$0x3] =	sbarrier.arrive $0xFFFF;
	s2 =	simm.s32 @!p0 $0x1C05  }
0x291: {  	[timem:s3], [sflag:s2] =	dma.local @!p0 [hbm:s0], s1  }
0x292: {  	s0 =	simm.s32 @!p0 $0x5  }
0x293: {  	_ =	swait.ge @!p0 [sflag:s0], s1  }
0x294: {  	s1 =	ssub.s32 @!p0 $0x0, s1;
	[sflag:s0] =	ssyncset.done @!p0 $0x0  }
0x295: {  	[sflag:s0] =	ssyncadd.s32 @!p0 s1  }
0x296: {  	[bflag:$0x3] =	sbarrier.arrive $0xFFFF  }
0x297: {  	_ =	shalt  }

// kernel: kernel.8.cloned.1.call-start
scs
__scs_entry_jumppad:
0x0: {  	(pc) =	sbr.rel $0x88, $3  }
0x1: {  	(tag) =	ssettag $0x0;
	lr =	simm.s32 $0x1  }
0x2: {  	[smem:$0x3F97] =	sst lr;
	_ =	strace $0xD0000000  }
0x3: {  	_ = 	snop  }
0x4: {  	_ = 	snop  }
0x5: {  	_ = 	snop  }
0x6: {  	_ = 	snop  }
0x7: {  	_ = 	snop  }
__scs_overlays_trampoline_lowered:
0x8: {  	[smem:$0x3FA6] =	sst s0  }
0x9: {  	[smem:$0x3FA7] =	sst s1  }
0xa: {  	[smem:$0x3FA8] =	sst s2  }
0xb: {  	[smem:$0x3FA9] =	sst s3  }
0xc: {  	[smem:$0x3FAA] =	sst s4  }
0xd: {  	[smem:$0x3FAB] =	sst s5  }
0xe: {  	[smem:$0x3FAC] =	sst s6  }
0xf: {  	[smem:$0x3FAD] =	sst s7  }
0x10: {  	[smem:$0x3FAE] =	sst s8  }
0x11: {  	[smem:$0x3FAF] =	sst s9;
	s0 =	simm.s32 @!p0 $0x0  }
0x12: {  	s1 =	sld [smem:$0x3F95];
	s0 =	simm.s32 @p0 $0x1  }
0x13: {  	[smem:$0x3FB0] =	sst s0;
	s0 =	simm.s32 @!p1 $0x0  }
0x14: {  	s2 =	sld [smem:$0x3F94];
	s0 =	simm.s32 @p1 $0x1  }
0x15: {  	[smem:$0x3FB1] =	sst s0;
	s0 =	simm.s32 @!p2 $0x0  }
0x16: {  	s3 =	sld [smem:$0x3FDB];
	s0 =	simm.s32 @p2 $0x1  }
0x17: {  	s4 =	simm.s32 $0x1BF5;
	[smem:$0x3FB3] =	sst s0  }
0x18: {  	s0 =	sld [smem:$0x3F96];
	_ =	swait.ge [sflag:s4], $0x0  }
0x19: {  	s7 =	sld [smem:$0x3F97]  }
0x1a: {  	s8 =	sadd.s32 $0xFFFFE003, lr  }
0x1b: {  	s9 =	sadd.s32 $0xFFFFFEF7, lr;
	s5 =	simm.s32 $0xFFFFFFFF;
	p2 =	slt.u32 s8, $0xFFFFF086  }
0x1c: {  	p1 =	slt.u32 s9, $0xF7A;
	s5 =	simm.s32 @!p2 $0x0  }
0x1d: {  	s5 =	simm.s32 @p1 $0x1;
	p0 =	seq.s32 s7, s2  }
0x1e: {  	s7 =	smul.u32 @!p0 $0xF7A, s2;
	p2 =	seq.s32 @!p0 s5, $0x0  }
0x1f: {  	s9 =	smul.u32 $0xF7A, s1;
	s8 =	simm.s32 @!p0 $0x1BF5;
	p2 =	por !p2, p0  }
0x20: {  	[sflag:s8] =	ssyncset.s32 @!p0 $0xFFFFF086;
	s6 =	sadd.s32 @!p0 s3, s7;
	s7 =	simm.s32 @!p0 $0x108  }
0x21: {  	s3 =	sadd.s32 s3, s9;
	s6 =	sadd.s32 @!p0 $0x88, s6;
	s7 =	simm.s32 @p2 $0x1082  }
0x22: {  	[simem:s7], [sflag:s8] =	dma.local @!p0 [hbm:s6], $0xF7A  }
0x23: {  	s9 =	sor.u32 $0xD0000000, s2;
	s6 =	simm.s32 $0x108;
	_ =	swait.ge @!p0 [sflag:s8], $0x0  }
0x24: {  	s3 =	sadd.s32 $0x88, s3;
	s6 =	simm.s32 @!p1 $0x1082;
	[sflag:s4] =	ssyncset.s32 $0xFFFFF086  }
0x25: {  	[simem:s6], [sflag:s4] =	dma.local [hbm:s3], $0xF7A  }
0x26: {  	[smem:$0x3F97] =	sst s1;
	(tag) =	ssettag s2;
	_ =	strace s9  }
0x27: {  	s1 =	sld [smem:$0x3FA7]  }
0x28: {  	s2 =	sld [smem:$0x3FA8]  }
0x29: {  	s4 =	sld [smem:$0x3FAA]  }
0x2a: {  	p0 =	seq.s32 s5, $0x0;
	s5 =	sld [smem:$0x3FAB]  }
0x2b: {  	s6 =	sld [smem:$0x3FAC]  }
0x2c: {  	s7 =	sld [smem:$0x3FAD]  }
0x2d: {  	s3 =	simm.s32 $0x108;
	s8 =	sld [smem:$0x3FAE]  }
0x2e: {  	s3 =	simm.s32 @!p0 $0x1082;
	s9 =	sld [smem:$0x3FAF]  }
0x2f: {  	lr =	sadd.s32 s0, s3;
	s0 =	sld [smem:$0x3FA6]  }
0x30: {  	s3 =	sld [smem:$0x3FA9]  }
0x31: {  	[smem:$0x3FB2] =	sst s10  }
0x32: {  	s10 =	sld [smem:$0x3FB0];
	_ =	sdelay $0x3  }
0x33: {  	p0 =	seq.s32 s10, $0x1;
	s10 =	sld [smem:$0x3FB2];
	_ =	sdelay $0x3  }
0x34: {  	[smem:$0x3FB2] =	sst s10  }
0x35: {  	s10 =	sld [smem:$0x3FB1];
	_ =	sdelay $0x3  }
0x36: {  	p1 =	seq.s32 s10, $0x1;
	s10 =	sld [smem:$0x3FB2];
	_ =	sdelay $0x3  }
0x37: {  	[smem:$0x3FB2] =	sst s10  }
0x38: {  	s10 =	sld [smem:$0x3FB3]  }
0x39: {  	_ = 	snop;
	(pc) =	sbr.ind lr, $3  }
0x3a: {  	_ = 	snop  }
0x3b: {  	_ = 	snop  }
0x3c: {  	p2 =	seq.s32 s10, $0x1;
	s10 =	sld [smem:$0x3FB2]  }
0x3d: {  	_ =	shalt  }
0x3e: {  	_ =	shalt  }
0x3f: {  	_ =	shalt  }
0x40: {  	_ =	shalt  }
0x41: {  	_ =	shalt  }
0x42: {  	_ =	shalt  }
0x43: {  	_ =	shalt  }
0x44: {  	_ =	shalt  }
0x45: {  	_ =	shalt  }
0x46: {  	_ =	shalt  }
0x47: {  	_ =	shalt  }
0x48: {  	_ =	shalt  }
0x49: {  	_ =	shalt  }
0x4a: {  	_ =	shalt  }
0x4b: {  	_ =	shalt  }
0x4c: {  	_ =	shalt  }
0x4d: {  	_ =	shalt  }
0x4e: {  	_ =	shalt  }
0x4f: {  	_ =	shalt  }
0x50: {  	_ =	shalt  }
0x51: {  	_ =	shalt  }
0x52: {  	_ =	shalt  }
0x53: {  	_ =	shalt  }
0x54: {  	_ =	shalt  }
0x55: {  	_ =	shalt  }
0x56: {  	_ =	shalt  }
0x57: {  	_ =	shalt  }
0x58: {  	_ =	shalt  }
0x59: {  	_ =	shalt  }
0x5a: {  	_ =	shalt  }
0x5b: {  	_ =	shalt  }
0x5c: {  	_ =	shalt  }
0x5d: {  	_ =	shalt  }
0x5e: {  	_ =	shalt  }
0x5f: {  	_ =	shalt  }
0x60: {  	_ =	shalt  }
0x61: {  	_ =	shalt  }
0x62: {  	_ =	shalt  }
0x63: {  	_ =	shalt  }
0x64: {  	_ =	shalt  }
0x65: {  	_ =	shalt  }
0x66: {  	_ =	shalt  }
0x67: {  	_ =	shalt  }
0x68: {  	_ =	shalt  }
0x69: {  	_ =	shalt  }
0x6a: {  	_ =	shalt  }
0x6b: {  	_ =	shalt  }
0x6c: {  	_ =	shalt  }
0x6d: {  	_ =	shalt  }
0x6e: {  	_ =	shalt  }
0x6f: {  	_ =	shalt  }
0x70: {  	_ =	shalt  }
0x71: {  	_ =	shalt  }
0x72: {  	_ =	shalt  }
0x73: {  	_ =	shalt  }
0x74: {  	_ =	shalt  }
0x75: {  	_ =	shalt  }
0x76: {  	_ =	shalt  }
0x77: {  	_ =	shalt  }
0x78: {  	_ =	shalt  }
0x79: {  	_ =	shalt  }
0x7a: {  	_ =	shalt  }
0x7b: {  	_ =	shalt  }
0x7c: {  	_ =	shalt  }
0x7d: {  	_ =	shalt  }
0x7e: {  	_ =	shalt  }
0x7f: {  	_ =	shalt  }
0x80: {  	_ =	shalt  }
0x81: {  	_ =	shalt  }
0x82: {  	_ =	shalt  }
0x83: {  	_ =	shalt  }
0x84: {  	_ =	shalt  }
0x85: {  	_ =	shalt  }
0x86: {  	_ =	shalt  }
0x87: {  	_ =	shalt  }
.Lfunc_end0:
.L_simem_size_0:
called_computation_lowered:
.L_overlay_start_0:
0x88: {  	s2 =	sld [smem:$0x3FD9]  }
0x89: {  	s3 =	sld [smem:$0x3FFE];
	_ =	sdelay $0x1  }
0x8a: {  	s1 =	srdreg.scid  }
0x8b: {  	s0 =	sand.u32 $0x1, s1  }
0x8c: {  	s17 =	sshll.u32 s0, $0xA;
	s2 =	sadd.s32 s3, s2  }
0x8d: {  	s2 =	sadd.s32 s2, s17  }
0x8e: {  	[smem:$0x3FBE] =	sst s2  }
0x8f: {  	_ = 	snop  }
0x90: {  	s2 =	sld [smem:$0x3FD0];
	(tm) =	ssettm $0x1  }
0x91: {  	s18 =	sld [smem:$0x3FFB];
	_ =	sdelay $0x3  }
0x92: {  	_ =	strace s18  }
0x93: {  	s3 =	sld [smem:$0x3FFC];
	_ =	sdelay $0x3  }
0x94: {  	_ =	strace s3  }
0x95: {  	s3 =	sld [smem:$0x3FFD];
	_ =	sdelay $0x3  }
0x96: {  	_ =	strace s3  }
0x97: {  	_ =	strace $0x8FFFFFFF  }
0x98: {  	s19 =	sld [smem:$0x3FDB];
	_ =	sdelay $0x1  }
0x99: {  	s4 =	simm.s32 $_scs_section_size  }
0x9a: {  	s5 =	simm.s32 $_size__tile_overlayer_lowered;
	s6 =	simm.s32 $_tile_overlayer_lowered  }
0x9b: {  	s22 =	simm.s32 $0x1BFF;
	s21 =	sshll.u32 s6, $0x1;
	s3 =	sadd.s32 s4, s19  }
0x9c: {  	s7 =	simm.s32 $0x0;
	s20 =	sshll.u32 s5, $0x1;
	s5 =	sadd.s32 s21, s3  }
0x9d: {  	[timem:s7], [sflag:s22] =	dma.local [hbm:s5], s20  }
0x9e: {  	_ =	swait.ge [sflag:s22], s20  }
0x9f: {  	s4 =	ssub.s32 $0x0, s20;
	[sflag:s22] =	ssyncset.done $0x0  }
0xa0: {  	[sflag:s22] =	ssyncadd.s32 s4;
	_ =	sdelay $0x1  }
0xa1: {  	s23 =	simm.s32 $0x1B8B  }
0xa2: {  	_ =	swait.ge [sflag:s23], $0x1  }
0xa3: {  	[sflag:s23] =	ssyncset.done $0x0  }
0xa4: {  	s25 =	simm.s32 $0x1B8E;
	s24 =	sld [smem:$0x3FFE];
	[sflag:s23] =	ssyncadd.s32 $0xFFFFFFFF  }
0xa5: {  	s26 =	simm.s32 $execute0_lowered;
	[smem:$0x3FD2] =	sst s25  }
0xa6: {  	s5 =	sshll.u32 s26, $0x1;
	_ =	strace $0x80000046;
	[dreg:$0x1] =	wrdreg $0xFFFFFFFF  }
0xa7: {  	s28 =	simm.s32 $_size_execute0_lowered;
	s3 =	sadd.s32 s3, s5;
	[dreg:$0x0] =	wrdreg $0x0  }
0xa8: {  	s5 =	sshll.u32 s28, $0x1;
	[dreg:$0x2] =	wrdreg s3  }
0xa9: {  	[dreg:$0x3] =	wrdreg s5  }
0xaa: {  	[dreg:$0x4] =	wrdreg $0xC0  }
0xab: {  	_ =	task [dreg:s7], $0x5FFFF  }
0xac: {  	[dreg:$0x1] =	wrdreg $0xFFFFFFFF  }
0xad: {  	[dreg:$0x0] =	wrdreg $0x60  }
0xae: {  	[dreg:$0x2] =	wrdreg s2  }
0xaf: {  	[dreg:$0x3] =	wrdreg s24  }
0xb0: {  	[dreg:$0x4] =	wrdreg $0x28800  }
0xb1: {  	[dreg:$0x5] =	wrdreg $0x9  }
0xb2: {  	_ =	task.clear_ibuf [dreg:s7], $0x6FFFF;
	_ =	strace $0x90000046  }
0xb3: {  	s29 =	simm.s32 $0x9;
	_ =	strace $0x80000048  }
0xb4: {  	_ =	swait.ge [sflag:s29], $0x1  }
0xb5: {  	[sflag:s29] =	ssyncadd.s32 $0xFFFFFFFF  }
0xb6: {  	_ =	strace $0x90000048  }
0xb7: {  	_ =	sfence  }
0xb8: {  	s30 =	sld [smem:$0x0];
	_ =	sdelay $0x2  }
0xb9: {  	s31 =	sshll.u32 s1, $0xD;
	s1 =	sshrl.u32 s1, $0x2  }
0xba: {  	s3 =	sand.u32 $0x4000, s31;
	s1 =	sadd.s32 s1, s30  }
0xbb: {  	s0 =	sor.u32 s3, s0;
	s1 =	sshll.u32 s1, $0x11  }
0xbc: {  	s0 =	sor.u32 s1, s0  }
0xbd: {  	s0 =	sadd.s32 $0x8F2B, s0  }
0xbe: {  	[sflag:s0] =	ssyncadd.remote.s32 $0x1  }
0xbf: {  	_ =	sfence.sel $0xFFFF  }
0xc0: {  	[dreg:$0x0] =	wrdreg $0xFFFFFFFF;
	(pc) =	sbr.abs _section_cstart, $3  }
0xc1: {  	[dreg:$0x1] =	wrdreg $0xFFFFFFFF  }
0xc2: {  	_ =	task.clear_ibuf [dreg:s7], $0x2FFFF;
	_ =	strace $0x9FFFFFFF  }
0xc3: {  	(tm) =	ssettm $0x7FFFFFFF  }
tec
execute0_lowered:
.L_overlay_start_1:
0x0: {  	(tag) =	ssettag $0x1  }
0x1: {  	s9 =	rddreg [dreg:$0x0]  }
0x2: {  	s4 =	rddreg [dreg:$0x1]  }
0x3: {  	s1 =	rddreg [dreg:$0x2]  }
0x4: {  	s0 =	rddreg [dreg:$0x3];
	s3 =	simm.s32 $0x0;
	s2 =	srdreg.scid  }
0x5: {  	s13 =	simm.s32 $0x80;
	s17 =	simm.s32 $0x20;
	s18 =	simm.s32 $0x10  }
0x6: {  	s19 =	simm.s32 $0x0;
	[smem:$0x7FF] =	sst s3;
	s5 =	sand.u32 $0x1, s2  }
0x7: {  	s2 =	stileid.u32;
	_ =	strace $0x80000047;
	s6 =	sshll.u32 s5, $0x4  }
0x8: {  	s7 =	smul.u32 $0xA00, s2;
	s30 =	ssub.s32 $0x2, s5;
	s31 =	sshll.u32 s2, $0x1  }
0x9: {  	s15 =	smul.u32 $0xA0, s2;
	s16 =	sshll.u32 s2, $0x6;
	s10 =	sadd.s32 s6, s4  }
0xa: {  	s8 =	sshrl.u32 s30, $0x1;
	s5 =	sor.u32 s5, s31;
	s7 =	sshrl.u32 s7, $0x2  }
0xb: {  	s11 =	ssub.s32 s30, s8;
	s12 =	smul.u32 $0x500, s5;
	s14 =	sadd.s32 $0x2A00, s10  }
0xc: {  	s4 =	sadd.s32 s7, s1;
	s10 =	smax.u32 s11, $0x1;
	s11 =	simm.s32 $0x2800  }
0xd: {  	s14 =	sadd.s32 s15, s14;
	s15 =	sor.u32 $0x1C01, s16;
	s5 =	sadd.s32 $0x80, s4  }
0xe: {  	s6 =	sadd.s32 $0x100, s4;
	s7 =	sadd.s32 $0x180, s4;
	s8 =	sadd.s32 $0x200, s4  }
0xf: {  	v0 =	vimm.f32 $0.0e+00;
	v1 =	vimm.f32 $1.000000000e+00;
	s9 =	sadd.s32 s9, s12;
	s12 =	simm.s32 $0x1;
	s16 =	sshrl.u32 s4, $0x3  }
.LBB2_1:
0x10: {  	[tilespmem:$0x2800] =	vst v0  }
0x11: {  	[tilespmem:$0x2810] =	vst v0  }
0x12: {  	[tilespmem:$0x2820] =	vst v0  }
0x13: {  	[tilespmem:$0x2830] =	vst v0  }
0x14: {  	[tilespmem:$0x2840] =	vst v0  }
0x15: {  	[tilespmem:$0x2850] =	vst v0  }
0x16: {  	[tilespmem:$0x2860] =	vst v0  }
0x17: {  	[tilespmem:$0x2870] =	vst v0  }
0x18: {  	[spmem:s4] =	stream.linear.scatter [tilespmem:s11], [sflag:$0x1], $0x80, $0x38;
	[tilespmem:$0x2B00] =	vst v63  }
0x19: {  	_ =	swait.ge [sflag:s12], $0x80  }
0x1a: {  	[sflag:s12] =	ssyncset.done $0x0  }
0x1b: {  	[sflag:s12] =	ssyncadd.s32 $0xFFFFFF80  }
0x1c: {  	[spmem:s5] =	stream.linear.scatter [tilespmem:s11], [sflag:$0x1], $0x80, $0x38;
	[tilespmem:$0x2B00] =	vst v63  }
0x1d: {  	_ =	swait.ge [sflag:s12], $0x80  }
0x1e: {  	[sflag:s12] =	ssyncset.done $0x0  }
0x1f: {  	[sflag:s12] =	ssyncadd.s32 $0xFFFFFF80  }
0x20: {  	[spmem:s6] =	stream.linear.scatter [tilespmem:s11], [sflag:$0x1], $0x80, $0x38;
	[tilespmem:$0x2B00] =	vst v63  }
0x21: {  	_ =	swait.ge [sflag:s12], $0x80  }
0x22: {  	[sflag:s12] =	ssyncset.done $0x0  }
0x23: {  	[sflag:s12] =	ssyncadd.s32 $0xFFFFFF80  }
0x24: {  	[spmem:s7] =	stream.linear.scatter [tilespmem:s11], [sflag:$0x1], $0x80, $0x38;
	[tilespmem:$0x2B00] =	vst v63  }
0x25: {  	_ =	swait.ge [sflag:s12], $0x80  }
0x26: {  	[sflag:s12] =	ssyncset.done $0x0  }
0x27: {  	[sflag:s12] =	ssyncadd.s32 $0xFFFFFF80  }
0x28: {  	[spmem:s8] =	stream.linear.scatter [tilespmem:s11], [sflag:$0x1], $0x80, $0x38;
	[tilespmem:$0x2B00] =	vst v63  }
0x29: {  	_ =	swait.ge [sflag:s12], $0x80  }
0x2a: {  	[sflag:s12] =	ssyncset.done $0x0  }
0x2b: {  	[sflag:s12] =	ssyncadd.s32 $0xFFFFFF80  }
0x2c: {  	[tilespmem:$0x2800] =	vst v1  }
0x2d: {  	[tilespmem:$0x2810] =	vst v1  }
0x2e: {  	[tilespmem:$0x2820] =	vst v1  }
0x2f: {  	[tilespmem:$0x2830] =	vst v1  }
0x30: {  	[tilespmem:$0x2840] =	vst v1  }
0x31: {  	[tilespmem:$0x2850] =	vst v1  }
0x32: {  	[tilespmem:$0x2860] =	vst v1  }
0x33: {  	[tilespmem:$0x2870] =	vst v1  }
0x34: {  	[bflag:$0x0] =	sbarrier.arrive $0xFFFF  }
0x35: {  	[tilespmem:s3], [sflag:$0x1] =	stream.linear.gather [hbm4b:s9+s3], $0x2800, $0x38;
	[tilespmem:$0x2B00] =	vst v63  }
0x36: {  	_ =	swait.ge [sflag:s12], $0x2800  }
0x37: {  	[sflag:s12] =	ssyncset.done $0x0  }
0x38: {  	s20 =	simm.s32 $0x0;
	[sflag:s12] =	ssyncadd.s32 $0xFFFFD800  }
0x39: {  	[spmem:s1] =	stream.indirect.scatter.add.f32 [tilespmem:s11], [sflag:$0x1], $0x1, s20, s13, $0xb8;
	[tilespmem:$0x2B00] =	vst v63  }
0x3a: {  	_ =	swait.ge [sflag:s12], $0x80  }
0x3b: {  	s20 =	simm.s32 $0x200;
	[sflag:s12] =	ssyncset.done $0x0  }
.LBB2_2:
0x3c: {  	s21 =	sshra.s32 s20, $0x2;
	[sflag:s12] =	ssyncadd.s32 $0xFFFFFF80;
	p0 =	sne.s32 s20, $0x9E00  }
0x3d: {  	[spmem:s1] =	stream.indirect.scatter.add.f32 [tilespmem:s11], [sflag:$0x1], $0x1, s21, s13, $0xb8;
	[tilespmem:$0x2B00] =	vst v63  }
.Ltmp0:
0x3e: {  	_ = 	snop;
	(pc) =	sbr.rel @p0 .LBB2_2-.Ltmp0, $4  }
0x3f: {  	_ = 	snop  }
0x40: {  	s20 =	sadd.s32 $0x200, s20  }
0x41: {  	_ =	swait.ge [sflag:s12], $0x80  }
0x42: {  	[sflag:s12] =	ssyncset.done $0x0  }
0x43: {  	s19 =	sadd.s32 $0x1, s19  }
0x44: {  	[sflag:s12] =	ssyncadd.s32 $0xFFFFFF80;
	p0 =	sne.s32 s19, s10  }
.Ltmp1:
0x45: {  	[bflag:$0x0] =	sbarrier.arrive $0xFFFF;
	(pc) =	sbr.rel @p0 .LBB2_1-.Ltmp1, $4  }
0x46: {  	[hbm:s14@s17], [sflag:s15] =	dma.strided [spmem:s16@s18], $0x50, s12, $0x10   }
0x47: {  	_ =	swait.ge [sflag:s12], $0x50  }
0x48: {  	[sflag:s12] =	ssyncset.done $0x0  }
0x49: {  	[sflag:s12] =	ssyncadd.s32 $0xFFFFFFB0  }
0x4a: {  	_ =	sfence.sel $0x180000  }
0x4b: {  	[bflag:$0x0] =	sbarrier.arrive $0xFFFF  }
0x4c: {  	p0 =	sne.s32 s2, $0x0;
	_ =	strace $0x90000047  }
0x4d: {  	s0 =	sadd.s32 @!p0 $0x100000, s0;
	[bflag:$0x2] =	sbarrier.arrive $0xFFFF  }
0x4e: {  	[sflag:s0] =	ssyncadd.tile.s32 @!p0 $0x1;
	_ =	shalt  }
.Lfunc_end2:
_tile_overlayer_lowered:
.L_overlay_start_2:
0x4f: {  	(tag) =	ssettag $0x2  }
0x50: {  	s0 =	rddreg [dreg:$0x0];
	s2 =	stileid.u32  }
0x51: {  	s1 =	rddreg [dreg:$0x1];
	p0 =	sne.s32 s2, $0x0  }
0x52: {  	s3 =	rddreg [dreg:$0x2];
	[bflag:$0x3] =	sbarrier.arrive $0xFFFF;
	s2 =	simm.s32 @!p0 $0x1C01  }
0x53: {  	[timem:s3], [sflag:s2] =	dma.local @!p0 [hbm:s0], s1  }
0x54: {  	s0 =	simm.s32 @!p0 $0x1  }
0x55: {  	_ =	swait.ge @!p0 [sflag:s0], s1  }
0x56: {  	s1 =	ssub.s32 @!p0 $0x0, s1;
	[sflag:s0] =	ssyncset.done @!p0 $0x0  }
0x57: {  	[sflag:s0] =	ssyncadd.s32 @!p0 s1  }
0x58: {  	[bflag:$0x3] =	sbarrier.arrive $0xFFFF  }
0x59: {  	_ =	shalt  }

</sc_bundles>
